<compile_context>
chip_gen: v7x
topology: tpu7x:2x2x1
jax: 0.10.2.dev20260603
libtpu: 0.0.44.dev20260713+nightly
codegen_flags: <defaults>
</compile_context>

<pallas_src>
import jax
import jax.numpy as jnp
from jax import lax
from jax.experimental import pallas as pl
from jax.experimental.pallas import tpu as pltpu
from jax.experimental.pallas import tpu_sc as plsc

_SHIFT = 41.0
_GAMMA = 64.0
_W = 1664
_NCH = 15
_QW = _NCH * _W
_TAIL = 160
_NG = 13
_GV = 8
_LN2 = 0.6931471805599453



def _tc_stats_kernel(sim_ref, label_ref, out_ref):
    s = sim_ref[...]
    lab = label_ref[...]
    s8 = s * 8.0
    wp = jnp.maximum(6.4 - s8, 0.0)
    ep = jnp.exp(wp * wp - _SHIFT)
    sum_p = jnp.sum(jnp.where(lab > 0.5, ep, 0.0), axis=1)
    wn = jnp.maximum(s8 - 1.6, 0.0)
    en = jnp.exp(wn * wn - _SHIFT)
    neg = lab < 0.25
    sum_n = jnp.sum(jnp.where(neg, en, 0.0), axis=1)
    cnt_n = jnp.sum(jnp.where(neg, 1.0, 0.0), axis=1)
    lane = jax.lax.broadcasted_iota(jnp.int32, (8, 128), 1)
    out = jnp.where(lane < 16, sum_p[:, None],
          jnp.where(lane < 32, sum_n[:, None],
          jnp.where(lane < 48, cnt_n[:, None], 0.0)))
    out_ref[...] = out



def _ln(x):
    bits = plsc.bitcast(x, jnp.int32)
    e = lax.shift_right_logical(bits, 23) - 127
    m = plsc.bitcast((bits & 0x007FFFFF) | 0x3F800000, jnp.float32)
    big = m > 1.4142135
    m = jnp.where(big, m * 0.5, m)
    ef = e.astype(jnp.float32) + jnp.where(big, 1.0, 0.0)
    t = (m - 1.0) / (m + 1.0)
    t2 = t * t
    ln_m = 2.0 * t * (1.0 + t2 * (1.0 / 3.0 + t2 * (0.2 + t2 * (1.0 / 7.0 + t2 / 9.0))))
    return ln_m + ef * _LN2


def _merge16(t, nm_sorted_rev):
    return lax.sort(jnp.maximum(t, nm_sorted_rev))


def _sc_body(sim_hbm, label_hbm, out_hbm,
             sbuf_a, lbuf_a, sbuf_b, lbuf_b, sbuf_t, lbuf_t,
             st_t16, stage, stage2, res_ref,
             shared, pend_ref, cnt_ref, tmin_ref, sem_a, sem_b, sem_t):
    core = lax.axis_index("c")
    sub = lax.axis_index("s")
    slab = core * 4 + sub // 4
    q = sub % 4
    row0 = slab * 8
    lane0 = q * _QW

    cnt_ref[0] = 0

    def init_row(rloc, _):
        st_t16[rloc] = jnp.full((16,), -1.0, jnp.float32)
        tmin_ref[rloc] = -1.0
        return 0

    lax.fori_loop(0, 8, init_row, 0)

    def process_chunk(sbuf, lbuf):
        def row_body(rloc, _):
            tmin = tmin_ref[rloc]

            def group_body(gi, _):
                base = gi * 128
                gmax = jnp.full((16,), -1.0, jnp.float32)
                for v in range(_GV):
                    s = sbuf[rloc, pl.ds(base + v * 16, 16)]
                    labv = lbuf[rloc, pl.ds(base + v * 16, 16)]
                    gmax = jnp.maximum(
                        gmax, jnp.where(labv < 0.25, s, -1.0))

                @pl.when(jnp.max(gmax) > tmin)
                def _flag():
                    idx = cnt_ref[0]
                    pend_ref[idx] = gi
                    cnt_ref[0] = idx + 1

                return 0

            lax.fori_loop(0, _NG, group_body, 0)

            npend = cnt_ref[0]

            def drain_body(j, t):
                base = pend_ref[j] * 128
                for v in range(_GV):
                    s = sbuf[rloc, pl.ds(base + v * 16, 16)]
                    labv = lbuf[rloc, pl.ds(base + v * 16, 16)]
                    nm = jnp.where(labv < 0.25, s, -1.0)
                    t = _merge16(t, lax.rev(lax.sort(nm), (0,)))
                return t

            t16 = lax.fori_loop(0, npend, drain_body, st_t16[rloc])
            cnt_ref[0] = 0
            st_t16[rloc] = t16
            tmin_ref[rloc] = jnp.min(t16)
            return 0

        lax.fori_loop(0, 8, row_body, 0)

    pltpu.make_async_copy(
        sim_hbm.at[pl.ds(row0, 8), pl.ds(lane0, _W)], sbuf_a, sem_a).start()
    pltpu.make_async_copy(
        label_hbm.at[pl.ds(row0, 8), pl.ds(lane0, _W)], lbuf_a, sem_a).start()

    def pair_body(i, _):
        o0 = lane0 + 2 * i * _W
        pltpu.make_async_copy(
            sim_hbm.at[pl.ds(row0, 8), pl.ds(o0 + _W, _W)],
            sbuf_b, sem_b).start()
        pltpu.make_async_copy(
            label_hbm.at[pl.ds(row0, 8), pl.ds(o0 + _W, _W)],
            lbuf_b, sem_b).start()
        pltpu.make_async_copy(
            sim_hbm.at[pl.ds(row0, 8), pl.ds(o0, _W)], sbuf_a, sem_a).wait()
        pltpu.make_async_copy(
            label_hbm.at[pl.ds(row0, 8), pl.ds(o0, _W)], lbuf_a, sem_a).wait()
        process_chunk(sbuf_a, lbuf_a)

        pltpu.make_async_copy(
            sim_hbm.at[pl.ds(row0, 8), pl.ds(o0 + 2 * _W, _W)],
            sbuf_a, sem_a).start()
        pltpu.make_async_copy(
            label_hbm.at[pl.ds(row0, 8), pl.ds(o0 + 2 * _W, _W)],
            lbuf_a, sem_a).start()

        pltpu.make_async_copy(
            sim_hbm.at[pl.ds(row0, 8), pl.ds(o0 + _W, _W)],
            sbuf_b, sem_b).wait()
        pltpu.make_async_copy(
            label_hbm.at[pl.ds(row0, 8), pl.ds(o0 + _W, _W)],
            lbuf_b, sem_b).wait()
        process_chunk(sbuf_b, lbuf_b)
        return 0

    lax.fori_loop(0, (_NCH - 1) // 2, pair_body, 0)

    o_last = lane0 + (_NCH - 1) * _W
    pltpu.make_async_copy(
        sim_hbm.at[pl.ds(row0, 8), pl.ds(o_last, _W)], sbuf_a, sem_a).wait()
    pltpu.make_async_copy(
        label_hbm.at[pl.ds(row0, 8), pl.ds(o_last, _W)], lbuf_a, sem_a).wait()
    process_chunk(sbuf_a, lbuf_a)

    @pl.when(q == 3)
    def _tail():
        pltpu.make_async_copy(
            sim_hbm.at[pl.ds(row0, 8), pl.ds(_QW * 4, _TAIL)],
            sbuf_t, sem_t).start()
        pltpu.make_async_copy(
            label_hbm.at[pl.ds(row0, 8), pl.ds(_QW * 4, _TAIL)],
            lbuf_t, sem_t).start()
        pltpu.make_async_copy(
            sim_hbm.at[pl.ds(row0, 8), pl.ds(_QW * 4, _TAIL)],
            sbuf_t, sem_t).wait()
        pltpu.make_async_copy(
            label_hbm.at[pl.ds(row0, 8), pl.ds(_QW * 4, _TAIL)],
            lbuf_t, sem_t).wait()

        def trow_body(rloc, _):
            def tvec_body(v, t16):
                s = sbuf_t[rloc, pl.ds(v * 16, 16)]
                labv = lbuf_t[rloc, pl.ds(v * 16, 16)]
                nm = jnp.where(labv < 0.25, s, -1.0)
                return _merge16(t16, lax.rev(lax.sort(nm), (0,)))

            st_t16[rloc] = lax.fori_loop(
                0, _TAIL // 16, tvec_body, st_t16[rloc])
            return 0

        lax.fori_loop(0, 8, trow_body, 0)

    def pack_body(rloc, _):
        stage[rloc] = st_t16[rloc]
        return 0

    lax.fori_loop(0, 8, pack_body, 0)

    pltpu.sync_copy(stage, shared.at[sub])
    plsc.subcore_barrier()

    @pl.when(q == 0)
    def _finish():
        for j in range(1, 4):
            pltpu.sync_copy(shared.at[sub + j], stage2)

            def merge_body(rloc, _):
                stage[rloc] = _merge16(stage[rloc],
                                       lax.rev(stage2[rloc], (0,)))
                return 0

            lax.fori_loop(0, 8, merge_body, 0)

        lane = lax.iota(jnp.int32, 16)
        total = jnp.zeros((16,), jnp.float32)
        for rloc in range(8):
            t16 = stage[rloc]
            tm = t16 - 0.2
            et = jnp.exp(jnp.maximum(tm, 0.0) * tm * _GAMMA - _SHIFT)
            s_top = jnp.sum(jnp.where(lane >= 6, et, 0.0))
            total = jnp.where(lane == rloc, s_top, total)

        res_ref[...] = total
        pltpu.sync_copy(res_ref, out_hbm.at[slab])


def kernel(sim, label):
    b, n = sim.shape
    stats = pl.pallas_call(
        _tc_stats_kernel,
        grid=(b // 8,),
        in_specs=[
            pl.BlockSpec((8, n), lambda i: (i, 0)),
            pl.BlockSpec((8, n), lambda i: (i, 0)),
        ],
        out_specs=pl.BlockSpec((8, 128), lambda i: (i, 0)),
        out_shape=jax.ShapeDtypeStruct((b, 128), jnp.float32),
    )(sim, label)

    k = pl.kernel(
        _sc_body,
        out_type=jax.ShapeDtypeStruct((8, 16), jnp.float32),
        mesh=plsc.VectorSubcoreMesh(
            core_axis_name="c", subcore_axis_name="s",
            num_cores=2, num_subcores=16),
        compiler_params=pltpu.CompilerParams(
            needs_layout_passes=False, use_tc_tiling_on_sc=True),
        scratch_types=[
            pltpu.VMEM((8, _W), jnp.float32),
            pltpu.VMEM((8, _W), jnp.float32),
            pltpu.VMEM((8, _W), jnp.float32),
            pltpu.VMEM((8, _W), jnp.float32),
            pltpu.VMEM((8, _TAIL), jnp.float32),
            pltpu.VMEM((8, _TAIL), jnp.float32),
            pltpu.VMEM((8, 16), jnp.float32),
            pltpu.VMEM((8, 16), jnp.float32),
            pltpu.VMEM((8, 16), jnp.float32),
            pltpu.VMEM((16,), jnp.float32),
            pltpu.VMEM_SHARED((16, 8, 16), jnp.float32),
            pltpu.SMEM((16,), jnp.int32),
            pltpu.SMEM((1,), jnp.int32),
            pltpu.SMEM((8,), jnp.float32),
            pltpu.SemaphoreType.DMA,
            pltpu.SemaphoreType.DMA,
            pltpu.SemaphoreType.DMA,
        ],
    )
    s_top = k(sim, label)[:, :8].reshape(b)
    sum_p = stats[:, 0]
    sum_n = stats[:, 16]
    cnt_n = stats[:, 32]
    lse_p = jnp.where(sum_p > 0.0, jnp.log(sum_p) + _SHIFT, 0.0)
    lse_n = jnp.where(cnt_n > 20.5,
                      jnp.log(s_top) + _SHIFT,
                      jnp.log(sum_n) + _SHIFT)
    return jnp.sum(jnp.logaddexp(lse_n + lse_p, 0.0)) / b

# --- scband reference (transcript-rebuilt; emitter-appended) ---
"""Pipeline reference for scband-ranking-loss-403726926226 (READ-ONLY COPY).

The authoritative reference and input builder live on the scoring server;
editing this copy changes nothing except your own understanding.
"""

import jax, jax.numpy as jnp
import numpy as np
from jax.scipy.special import logsumexp


def setup_inputs(seed: int = 0) -> dict:
    key = jax.random.key(seed)
    k1, k2 = jax.random.split(key)
    sim = jax.random.uniform(k1, (64, 100000), dtype=jnp.float32)
    label = jax.random.uniform(k2, (64, 100000), dtype=jnp.float32)
    return {"sim": sim, "label": label}


def reference(sim, label):
    m = 0.2
    gamma = 64.0
    delta_p = 1.0 - m  # 0.8
    delta_n = m        # 0.2
    batch_size = label.shape[0]

    pos_mask = label > 0.5
    neg_mask = label < 0.25

    # positive logits (alpha_p uses detached sim)
    alpha_p = jnp.clip(0.8 - jax.lax.stop_gradient(sim), 0.0, None)
    logit_p = -alpha_p * (sim - delta_p) * gamma
    any_pos = jnp.any(pos_mask, axis=1)
    lse_p_masked = logsumexp(logit_p, axis=1, b=pos_mask.astype(sim.dtype))
    # if no positives: torch uses logit_p = zeros(1) -> logsumexp = 0
    lse_p = jnp.where(any_pos, lse_p_masked, 0.0)

    # negative logits (alpha_n uses detached sim)
    alpha_n = jnp.clip(jax.lax.stop_gradient(sim) - 0.2, 0.0, None)
    logit_n = alpha_n * (sim - delta_n) * gamma
    neg_count = jnp.sum(neg_mask, axis=1)

    # top-10 negatives by similarity (only used when count > 20)
    neg_sim_masked = jnp.where(neg_mask, sim, -jnp.inf)
    _, top_idx = jax.lax.top_k(neg_sim_masked, 10)
    top_logit_n = jnp.take_along_axis(logit_n, top_idx, axis=1)
    lse_n_top = logsumexp(top_logit_n, axis=1)

    lse_n_all = logsumexp(logit_n, axis=1, b=neg_mask.astype(sim.dtype))
    lse_n = jnp.where(neg_count > 20, lse_n_top, lse_n_all)

    loss_loc = jnp.sum(jax.nn.softplus(lse_n + lse_p))
    loss = loss_loc / batch_size  # reduction == 'mean'
    return loss

if __name__ == "__main__":
    import jax
    _d = setup_inputs()
    print(jax.jit(kernel)(*tuple(_d.values())))

</pallas_src>

<mosaic_0001>
#map = affine_map<(d0, d1) -> (0, 0)>
module attributes {stable_mosaic.version = 14 : i64} {
  func.func @_sc_body(%arg0: i32, %arg1: i32, %arg2: memref<64x100000xf32, #tpu.memory_space<hbm>>, %arg3: memref<64x100000xf32, #tpu.memory_space<hbm>>, %arg4: memref<8x16xf32, #tpu.memory_space<hbm>>, %arg5: memref<8x1664xf32, #tpu.memory_space<vmem>>, %arg6: memref<8x1664xf32, #tpu.memory_space<vmem>>, %arg7: memref<8x1664xf32, #tpu.memory_space<vmem>>, %arg8: memref<8x1664xf32, #tpu.memory_space<vmem>>, %arg9: memref<8x160xf32, #tpu.memory_space<vmem>>, %arg10: memref<8x160xf32, #tpu.memory_space<vmem>>, %arg11: memref<8x16xf32, #tpu.memory_space<vmem>>, %arg12: memref<8x16xf32, #tpu.memory_space<vmem>>, %arg13: memref<8x16xf32, #tpu.memory_space<vmem>>, %arg14: memref<16xf32, #tpu.memory_space<vmem>>, %arg15: memref<16x8x16xf32, #tpu.memory_space<vmem_shared>>, %arg16: memref<16xi32, #tpu.memory_space<smem>>, %arg17: memref<1xi32, #tpu.memory_space<smem>>, %arg18: memref<8xf32, #tpu.memory_space<smem>>, %arg19: memref<!tpu.dma_semaphore, #tpu.memory_space<semaphore_mem>>, %arg20: memref<!tpu.dma_semaphore, #tpu.memory_space<semaphore_mem>>, %arg21: memref<!tpu.dma_semaphore, #tpu.memory_space<semaphore_mem>>) attributes {dimension_semantics = [#tpu.dimension_semantics<core_parallel>, #tpu.dimension_semantics<subcore_parallel>], iteration_bounds = array<i64: 2, 16>, scalar_prefetch = 0 : i64, scratch_operands = 17 : i64, tpu.core_type = #tpu.core_type<sc_vector_subcore>, window_params = [{transform_indices = #map}, {transform_indices = #map}, {transform_indices = #map}]} {
    %mul3A = arith.constant 4 : i32
    %mul3A_0 = arith.muli %arg0, %mul3A : i32
    %jit3A = arith.constant 4 : i32
    %div3A = arith.divsi %arg1, %jit3A : i32
    %sign3A = arith.constant 0 : i32
    %sign3A_1 = arith.cmpi sgt, %arg1, %sign3A : i32
    %sign3A_2 = arith.extui %sign3A_1 : i1 to i32
    %sign3A_3 = arith.constant 0 : i32
    %sign3A_4 = arith.cmpi slt, %arg1, %sign3A_3 : i32
    %sign3A_5 = arith.extui %sign3A_4 : i1 to i32
    %sign3A_6 = arith.subi %sign3A_2, %sign3A_5 : i32
    %sign3A_7 = arith.constant 0 : i32
    %sign3A_8 = arith.cmpi sgt, %jit3A, %sign3A_7 : i32
    %sign3A_9 = arith.extui %sign3A_8 : i1 to i32
    %sign3A_10 = arith.constant 0 : i32
    %sign3A_11 = arith.cmpi slt, %jit3A, %sign3A_10 : i32
    %sign3A_12 = arith.extui %sign3A_11 : i1 to i32
    %sign3A_13 = arith.subi %sign3A_9, %sign3A_12 : i32
    %ne3A = arith.cmpi ne, %sign3A_6, %sign3A_13 : i32
    %rem3A = arith.remsi %arg1, %jit3A : i32
    %ne3A_14 = arith.constant 0 : i32
    %ne3A_15 = arith.cmpi ne, %rem3A, %ne3A_14 : i32
    %and3A = arith.andi %ne3A, %ne3A_15 : i1
    %sub3A = arith.constant 1 : i32
    %sub3A_16 = arith.subi %div3A, %sub3A : i32
    %select_n3A = arith.select %and3A, %sub3A_16, %div3A : i32
    %add3A = arith.addi %mul3A_0, %select_n3A : i32
    %jit3A_17 = arith.constant 4 : i32
    %eq3A = arith.constant 0 : i32
    %eq3A_18 = arith.cmpi eq, %jit3A_17, %eq3A : i32
    %jit3A_19 = arith.constant 1 : i32
    %select_n3A_20 = arith.select %eq3A_18, %jit3A_19, %jit3A_17 : i32
    %rem3A_21 = arith.remsi %arg1, %select_n3A_20 : i32
    %ne3A_22 = arith.constant 0 : i32
    %ne3A_23 = arith.cmpi ne, %rem3A_21, %ne3A_22 : i32
    %lt3A = arith.constant 0 : i32
    %lt3A_24 = arith.cmpi slt, %rem3A_21, %lt3A : i32
    %lt3A_25 = arith.constant 0 : i32
    %lt3A_26 = arith.cmpi slt, %select_n3A_20, %lt3A_25 : i32
    %ne3A_27 = arith.xori %lt3A_24, %lt3A_26 : i1
    %and3A_28 = arith.andi %ne3A_27, %ne3A_23 : i1
    %add3A_29 = arith.addi %rem3A_21, %select_n3A_20 : i32
    %select_n3A_30 = arith.select %and3A_28, %add3A_29, %rem3A_21 : i32
    %mul3A_31 = arith.constant 8 : i32
    %mul3A_32 = arith.muli %add3A, %mul3A_31 : i32
    %mul3A_33 = arith.constant 24960 : i32
    %mul3A_34 = arith.muli %select_n3A_30, %mul3A_33 : i32
    %swap3A = arith.constant 0 : i32
    %swap3A_35 = arith.constant 0 : i32
    %swap3A_36 = arith.index_cast %swap3A_35 : i32 to index
    %swap3A_37 = memref.load %arg17[%swap3A_36] : memref<1xi32, #tpu.memory_space<smem>>
    memref.store %swap3A, %arg17[%swap3A_36] : memref<1xi32, #tpu.memory_space<smem>>
    %scan3A = arith.constant 0 : i32
    %scan3A_38 = arith.constant 0 : i32
    %scan3A_39 = arith.constant 8 : i32
    %scan3A_40 = arith.addi %scan3A_38, %scan3A_39 : i32
    %scan3A_41 = arith.constant 1 : i32
    %scan3A_42 = scf.for %scan3A_81 = %scan3A_38 to %scan3A_40 step %scan3A_41 iter_args(%scan3A_82 = %scan3A) -> (i32)  : i32 {
      %broadcast_in_dim3A = arith.constant -1.000000e+00 : f32
      %broadcast_in_dim3A_83 = vector.broadcast %broadcast_in_dim3A : f32 to vector<16xf32>
      %swap3A_84 = arith.index_cast %scan3A_81 : i32 to index
      %swap3A_85 = arith.constant 0 : index
      %swap3A_86 = tpu.vector_load %arg11[%swap3A_84, %swap3A_85] {strides = array<i32>} : memref<8x16xf32, #tpu.memory_space<vmem>>, vector<16xf32>,
      tpu.vector_store %arg11[%swap3A_84, %swap3A_85], %broadcast_in_dim3A_83 {strides = array<i32>} : memref<8x16xf32, #tpu.memory_space<vmem>>, vector<16xf32>,
      %swap3A_87 = arith.constant -1.000000e+00 : f32
      %swap3A_88 = arith.index_cast %scan3A_81 : i32 to index
      %swap3A_89 = memref.load %arg18[%swap3A_88] : memref<8xf32, #tpu.memory_space<smem>>
      memref.store %swap3A_87, %arg18[%swap3A_88] : memref<8xf32, #tpu.memory_space<smem>>
      %scan3A_90 = arith.constant 0 : i32
      scf.yield %scan3A_90 : i32
    }
    %scan3A_43 = arith.constant 8 : i32
    %dma_start3A = tpu.memref_slice %arg2[%mul3A_32, %mul3A_34] : memref<64x100000xf32, #tpu.memory_space<hbm>> -> memref<8x1664xf32, #tpu.memory_space<hbm>>
    %dma_start3A_44 = tpu.memref_slice %arg2[%mul3A_32, %mul3A_34] : memref<64x100000xf32, #tpu.memory_space<hbm>> -> memref<8x1664xf32, #tpu.memory_space<hbm>>
    tpu.enqueue_dma source(%dma_start3A_44 : memref<8x1664xf32, #tpu.memory_space<hbm>>) target(%arg5 : memref<8x1664xf32, #tpu.memory_space<vmem>>) target_semaphore(%arg19 : memref<!tpu.dma_semaphore, #tpu.memory_space<semaphore_mem>>)
    %dma_start3A_45 = tpu.memref_slice %arg3[%mul3A_32, %mul3A_34] : memref<64x100000xf32, #tpu.memory_space<hbm>> -> memref<8x1664xf32, #tpu.memory_space<hbm>>
    %dma_start3A_46 = tpu.memref_slice %arg3[%mul3A_32, %mul3A_34] : memref<64x100000xf32, #tpu.memory_space<hbm>> -> memref<8x1664xf32, #tpu.memory_space<hbm>>
    tpu.enqueue_dma source(%dma_start3A_46 : memref<8x1664xf32, #tpu.memory_space<hbm>>) target(%arg6 : memref<8x1664xf32, #tpu.memory_space<vmem>>) target_semaphore(%arg19 : memref<!tpu.dma_semaphore, #tpu.memory_space<semaphore_mem>>)
    %scan3A_47 = arith.constant 0 : i32
    %scan3A_48 = arith.constant 0 : i32
    %scan3A_49 = arith.constant 7 : i32
    %scan3A_50 = arith.addi %scan3A_48, %scan3A_49 : i32
    %scan3A_51 = arith.constant 1 : i32
    %scan3A_52 = scf.for %scan3A_81 = %scan3A_48 to %scan3A_50 step %scan3A_51 iter_args(%scan3A_82 = %scan3A_47) -> (i32)  : i32 {
      %mul3A_83 = arith.constant 2 : i32
      %mul3A_84 = arith.muli %mul3A_83, %scan3A_81 : i32
      %mul3A_85 = arith.constant 1664 : i32
      %mul3A_86 = arith.muli %mul3A_84, %mul3A_85 : i32
      %add3A_87 = arith.addi %mul3A_34, %mul3A_86 : i32
      %add3A_88 = arith.constant 1664 : i32
      %add3A_89 = arith.addi %add3A_87, %add3A_88 : i32
      %dma_start3A_90 = tpu.memref_slice %arg2[%mul3A_32, %add3A_89] : memref<64x100000xf32, #tpu.memory_space<hbm>> -> memref<8x1664xf32, #tpu.memory_space<hbm>>
      %dma_start3A_91 = tpu.memref_slice %arg2[%mul3A_32, %add3A_89] : memref<64x100000xf32, #tpu.memory_space<hbm>> -> memref<8x1664xf32, #tpu.memory_space<hbm>>
      tpu.enqueue_dma source(%dma_start3A_91 : memref<8x1664xf32, #tpu.memory_space<hbm>>) target(%arg7 : memref<8x1664xf32, #tpu.memory_space<vmem>>) target_semaphore(%arg20 : memref<!tpu.dma_semaphore, #tpu.memory_space<semaphore_mem>>)
      %add3A_92 = arith.constant 1664 : i32
      %add3A_93 = arith.addi %add3A_87, %add3A_92 : i32
      %dma_start3A_94 = tpu.memref_slice %arg3[%mul3A_32, %add3A_93] : memref<64x100000xf32, #tpu.memory_space<hbm>> -> memref<8x1664xf32, #tpu.memory_space<hbm>>
      %dma_start3A_95 = tpu.memref_slice %arg3[%mul3A_32, %add3A_93] : memref<64x100000xf32, #tpu.memory_space<hbm>> -> memref<8x1664xf32, #tpu.memory_space<hbm>>
      tpu.enqueue_dma source(%dma_start3A_95 : memref<8x1664xf32, #tpu.memory_space<hbm>>) target(%arg8 : memref<8x1664xf32, #tpu.memory_space<vmem>>) target_semaphore(%arg20 : memref<!tpu.dma_semaphore, #tpu.memory_space<semaphore_mem>>)
      %dma_wait3A_96 = tpu.memref_slice %arg2[%mul3A_32, %add3A_87] : memref<64x100000xf32, #tpu.memory_space<hbm>> -> memref<8x1664xf32, #tpu.memory_space<hbm>>
      %dma_wait3A_97 = tpu.memref_slice %arg2[%mul3A_32, %add3A_87] : memref<64x100000xf32, #tpu.memory_space<hbm>> -> memref<8x1664xf32, #tpu.memory_space<hbm>>
      tpu.wait_dma2 semaphore(%arg19 : memref<!tpu.dma_semaphore, #tpu.memory_space<semaphore_mem>>) src(%dma_wait3A_97 : memref<8x1664xf32, #tpu.memory_space<hbm>>) dst(%arg5 : memref<8x1664xf32, #tpu.memory_space<vmem>>)
      %dma_wait3A_98 = tpu.memref_slice %arg3[%mul3A_32, %add3A_87] : memref<64x100000xf32, #tpu.memory_space<hbm>> -> memref<8x1664xf32, #tpu.memory_space<hbm>>
      %dma_wait3A_99 = tpu.memref_slice %arg3[%mul3A_32, %add3A_87] : memref<64x100000xf32, #tpu.memory_space<hbm>> -> memref<8x1664xf32, #tpu.memory_space<hbm>>
      tpu.wait_dma2 semaphore(%arg19 : memref<!tpu.dma_semaphore, #tpu.memory_space<semaphore_mem>>) src(%dma_wait3A_99 : memref<8x1664xf32, #tpu.memory_space<hbm>>) dst(%arg6 : memref<8x1664xf32, #tpu.memory_space<vmem>>)
      %scan3A_100 = arith.constant 0 : i32
      %scan3A_101 = arith.constant 0 : i32
      %scan3A_102 = arith.constant 8 : i32
      %scan3A_103 = arith.addi %scan3A_101, %scan3A_102 : i32
      %scan3A_104 = arith.constant 1 : i32
      %scan3A_105 = scf.for %scan3A_131 = %scan3A_101 to %scan3A_103 step %scan3A_104 iter_args(%scan3A_132 = %scan3A_100) -> (i32)  : i32 {
        %get3A = arith.index_cast %scan3A_131 : i32 to index
        %get3A_133 = memref.load %arg18[%get3A] : memref<8xf32, #tpu.memory_space<smem>>
        %scan3A_134 = arith.constant 0 : i32
        %scan3A_135 = arith.constant 0 : i32
        %scan3A_136 = arith.constant 13 : i32
        %scan3A_137 = arith.addi %scan3A_135, %scan3A_136 : i32
        %scan3A_138 = arith.constant 1 : i32
        %scan3A_139 = scf.for %scan3A_170 = %scan3A_135 to %scan3A_137 step %scan3A_138 iter_args(%scan3A_171 = %scan3A_134) -> (i32)  : i32 {
          %mul3A_172 = arith.constant 128 : i32
          %mul3A_173 = arith.muli %scan3A_170, %mul3A_172 : i32
          %broadcast_in_dim3A = arith.constant -1.000000e+00 : f32
          %broadcast_in_dim3A_174 = vector.broadcast %broadcast_in_dim3A : f32 to vector<16xf32>
          %add3A_175 = arith.constant 0 : i32
          %add3A_176 = arith.addi %mul3A_173, %add3A_175 : i32
          %get3A_177 = arith.index_cast %scan3A_131 : i32 to index
          %get3A_178 = arith.index_cast %add3A_176 : i32 to index
          %get3A_179 = tpu.vector_load %arg5[%get3A_177, %get3A_178] {strides = array<i32>} : memref<8x1664xf32, #tpu.memory_space<vmem>>, vector<16xf32>,
          %add3A_180 = arith.constant 0 : i32
          %add3A_181 = arith.addi %mul3A_173, %add3A_180 : i32
          %get3A_182 = arith.index_cast %scan3A_131 : i32 to index
          %get3A_183 = arith.index_cast %add3A_181 : i32 to index
          %get3A_184 = tpu.vector_load %arg6[%get3A_182, %get3A_183] {strides = array<i32>} : memref<8x1664xf32, #tpu.memory_space<vmem>>, vector<16xf32>,
          %lt3A_185 = arith.constant 2.500000e-01 : f32
          %lt3A_186 = vector.broadcast %lt3A_185 : f32 to vector<16xf32>
          %lt3A_187 = arith.cmpf olt, %get3A_184, %lt3A_186 : vector<16xf32>
          %jit3A_188 = arith.constant -1.000000e+00 : f32
          %broadcast_in_dim3A_189 = vector.broadcast %jit3A_188 : f32 to vector<16xf32>
          %select_n3A_190 = arith.select %lt3A_187, %get3A_179, %broadcast_in_dim3A_189 : vector<16xi1>, vector<16xf32>
          %max3A = arith.maximumf %broadcast_in_dim3A_174, %select_n3A_190 : vector<16xf32>
          %add3A_191 = arith.constant 16 : i32
          %add3A_192 = arith.addi %mul3A_173, %add3A_191 : i32
          %get3A_193 = arith.index_cast %scan3A_131 : i32 to index
          %get3A_194 = arith.index_cast %add3A_192 : i32 to index
          %get3A_195 = tpu.vector_load %arg5[%get3A_193, %get3A_194] {strides = array<i32>} : memref<8x1664xf32, #tpu.memory_space<vmem>>, vector<16xf32>,
          %add3A_196 = arith.constant 16 : i32
          %add3A_197 = arith.addi %mul3A_173, %add3A_196 : i32
          %get3A_198 = arith.index_cast %scan3A_131 : i32 to index
          %get3A_199 = arith.index_cast %add3A_197 : i32 to index
          %get3A_200 = tpu.vector_load %arg6[%get3A_198, %get3A_199] {strides = array<i32>} : memref<8x1664xf32, #tpu.memory_space<vmem>>, vector<16xf32>,
          %lt3A_201 = arith.constant 2.500000e-01 : f32
          %lt3A_202 = vector.broadcast %lt3A_201 : f32 to vector<16xf32>
          %lt3A_203 = arith.cmpf olt, %get3A_200, %lt3A_202 : vector<16xf32>
          %jit3A_204 = arith.constant -1.000000e+00 : f32
          %broadcast_in_dim3A_205 = vector.broadcast %jit3A_204 : f32 to vector<16xf32>
          %select_n3A_206 = arith.select %lt3A_203, %get3A_195, %broadcast_in_dim3A_205 : vector<16xi1>, vector<16xf32>
          %max3A_207 = arith.maximumf %max3A, %select_n3A_206 : vector<16xf32>
          %add3A_208 = arith.constant 32 : i32
          %add3A_209 = arith.addi %mul3A_173, %add3A_208 : i32
          %get3A_210 = arith.index_cast %scan3A_131 : i32 to index
          %get3A_211 = arith.index_cast %add3A_209 : i32 to index
          %get3A_212 = tpu.vector_load %arg5[%get3A_210, %get3A_211] {strides = array<i32>} : memref<8x1664xf32, #tpu.memory_space<vmem>>, vector<16xf32>,
          %add3A_213 = arith.constant 32 : i32
          %add3A_214 = arith.addi %mul3A_173, %add3A_213 : i32
          %get3A_215 = arith.index_cast %scan3A_131 : i32 to index
          %get3A_216 = arith.index_cast %add3A_214 : i32 to index
          %get3A_217 = tpu.vector_load %arg6[%get3A_215, %get3A_216] {strides = array<i32>} : memref<8x1664xf32, #tpu.memory_space<vmem>>, vector<16xf32>,
          %lt3A_218 = arith.constant 2.500000e-01 : f32
          %lt3A_219 = vector.broadcast %lt3A_218 : f32 to vector<16xf32>
          %lt3A_220 = arith.cmpf olt, %get3A_217, %lt3A_219 : vector<16xf32>
          %jit3A_221 = arith.constant -1.000000e+00 : f32
          %broadcast_in_dim3A_222 = vector.broadcast %jit3A_221 : f32 to vector<16xf32>
          %select_n3A_223 = arith.select %lt3A_220, %get3A_212, %broadcast_in_dim3A_222 : vector<16xi1>, vector<16xf32>
          %max3A_224 = arith.maximumf %max3A_207, %select_n3A_223 : vector<16xf32>
          %add3A_225 = arith.constant 48 : i32
          %add3A_226 = arith.addi %mul3A_173, %add3A_225 : i32
          %get3A_227 = arith.index_cast %scan3A_131 : i32 to index
          %get3A_228 = arith.index_cast %add3A_226 : i32 to index
          %get3A_229 = tpu.vector_load %arg5[%get3A_227, %get3A_228] {strides = array<i32>} : memref<8x1664xf32, #tpu.memory_space<vmem>>, vector<16xf32>,
          %add3A_230 = arith.constant 48 : i32
          %add3A_231 = arith.addi %mul3A_173, %add3A_230 : i32
          %get3A_232 = arith.index_cast %scan3A_131 : i32 to index
          %get3A_233 = arith.index_cast %add3A_231 : i32 to index
          %get3A_234 = tpu.vector_load %arg6[%get3A_232, %get3A_233] {strides = array<i32>} : memref<8x1664xf32, #tpu.memory_space<vmem>>, vector<16xf32>,
          %lt3A_235 = arith.constant 2.500000e-01 : f32
          %lt3A_236 = vector.broadcast %lt3A_235 : f32 to vector<16xf32>
          %lt3A_237 = arith.cmpf olt, %get3A_234, %lt3A_236 : vector<16xf32>
          %jit3A_238 = arith.constant -1.000000e+00 : f32
          %broadcast_in_dim3A_239 = vector.broadcast %jit3A_238 : f32 to vector<16xf32>
          %select_n3A_240 = arith.select %lt3A_237, %get3A_229, %broadcast_in_dim3A_239 : vector<16xi1>, vector<16xf32>
          %max3A_241 = arith.maximumf %max3A_224, %select_n3A_240 : vector<16xf32>
          %add3A_242 = arith.constant 64 : i32
          %add3A_243 = arith.addi %mul3A_173, %add3A_242 : i32
          %get3A_244 = arith.index_cast %scan3A_131 : i32 to index
          %get3A_245 = arith.index_cast %add3A_243 : i32 to index
          %get3A_246 = tpu.vector_load %arg5[%get3A_244, %get3A_245] {strides = array<i32>} : memref<8x1664xf32, #tpu.memory_space<vmem>>, vector<16xf32>,
          %add3A_247 = arith.constant 64 : i32
          %add3A_248 = arith.addi %mul3A_173, %add3A_247 : i32
          %get3A_249 = arith.index_cast %scan3A_131 : i32 to index
          %get3A_250 = arith.index_cast %add3A_248 : i32 to index
          %get3A_251 = tpu.vector_load %arg6[%get3A_249, %get3A_250] {strides = array<i32>} : memref<8x1664xf32, #tpu.memory_space<vmem>>, vector<16xf32>,
          %lt3A_252 = arith.constant 2.500000e-01 : f32
          %lt3A_253 = vector.broadcast %lt3A_252 : f32 to vector<16xf32>
          %lt3A_254 = arith.cmpf olt, %get3A_251, %lt3A_253 : vector<16xf32>
          %jit3A_255 = arith.constant -1.000000e+00 : f32
          %broadcast_in_dim3A_256 = vector.broadcast %jit3A_255 : f32 to vector<16xf32>
          %select_n3A_257 = arith.select %lt3A_254, %get3A_246, %broadcast_in_dim3A_256 : vector<16xi1>, vector<16xf32>
          %max3A_258 = arith.maximumf %max3A_241, %select_n3A_257 : vector<16xf32>
          %add3A_259 = arith.constant 80 : i32
          %add3A_260 = arith.addi %mul3A_173, %add3A_259 : i32
          %get3A_261 = arith.index_cast %scan3A_131 : i32 to index
          %get3A_262 = arith.index_cast %add3A_260 : i32 to index
          %get3A_263 = tpu.vector_load %arg5[%get3A_261, %get3A_262] {strides = array<i32>} : memref<8x1664xf32, #tpu.memory_space<vmem>>, vector<16xf32>,
          %add3A_264 = arith.constant 80 : i32
          %add3A_265 = arith.addi %mul3A_173, %add3A_264 : i32
          %get3A_266 = arith.index_cast %scan3A_131 : i32 to index
          %get3A_267 = arith.index_cast %add3A_265 : i32 to index
          %get3A_268 = tpu.vector_load %arg6[%get3A_266, %get3A_267] {strides = array<i32>} : memref<8x1664xf32, #tpu.memory_space<vmem>>, vector<16xf32>,
          %lt3A_269 = arith.constant 2.500000e-01 : f32
          %lt3A_270 = vector.broadcast %lt3A_269 : f32 to vector<16xf32>
          %lt3A_271 = arith.cmpf olt, %get3A_268, %lt3A_270 : vector<16xf32>
          %jit3A_272 = arith.constant -1.000000e+00 : f32
          %broadcast_in_dim3A_273 = vector.broadcast %jit3A_272 : f32 to vector<16xf32>
          %select_n3A_274 = arith.select %lt3A_271, %get3A_263, %broadcast_in_dim3A_273 : vector<16xi1>, vector<16xf32>
          %max3A_275 = arith.maximumf %max3A_258, %select_n3A_274 : vector<16xf32>
          %add3A_276 = arith.constant 96 : i32
          %add3A_277 = arith.addi %mul3A_173, %add3A_276 : i32
          %get3A_278 = arith.index_cast %scan3A_131 : i32 to index
          %get3A_279 = arith.index_cast %add3A_277 : i32 to index
          %get3A_280 = tpu.vector_load %arg5[%get3A_278, %get3A_279] {strides = array<i32>} : memref<8x1664xf32, #tpu.memory_space<vmem>>, vector<16xf32>,
          %add3A_281 = arith.constant 96 : i32
          %add3A_282 = arith.addi %mul3A_173, %add3A_281 : i32
          %get3A_283 = arith.index_cast %scan3A_131 : i32 to index
          %get3A_284 = arith.index_cast %add3A_282 : i32 to index
          %get3A_285 = tpu.vector_load %arg6[%get3A_283, %get3A_284] {strides = array<i32>} : memref<8x1664xf32, #tpu.memory_space<vmem>>, vector<16xf32>,
          %lt3A_286 = arith.constant 2.500000e-01 : f32
          %lt3A_287 = vector.broadcast %lt3A_286 : f32 to vector<16xf32>
          %lt3A_288 = arith.cmpf olt, %get3A_285, %lt3A_287 : vector<16xf32>
          %jit3A_289 = arith.constant -1.000000e+00 : f32
          %broadcast_in_dim3A_290 = vector.broadcast %jit3A_289 : f32 to vector<16xf32>
          %select_n3A_291 = arith.select %lt3A_288, %get3A_280, %broadcast_in_dim3A_290 : vector<16xi1>, vector<16xf32>
          %max3A_292 = arith.maximumf %max3A_275, %select_n3A_291 : vector<16xf32>
          %add3A_293 = arith.constant 112 : i32
          %add3A_294 = arith.addi %mul3A_173, %add3A_293 : i32
          %get3A_295 = arith.index_cast %scan3A_131 : i32 to index
          %get3A_296 = arith.index_cast %add3A_294 : i32 to index
          %get3A_297 = tpu.vector_load %arg5[%get3A_295, %get3A_296] {strides = array<i32>} : memref<8x1664xf32, #tpu.memory_space<vmem>>, vector<16xf32>,
          %add3A_298 = arith.constant 112 : i32
          %add3A_299 = arith.addi %mul3A_173, %add3A_298 : i32
          %get3A_300 = arith.index_cast %scan3A_131 : i32 to index
          %get3A_301 = arith.index_cast %add3A_299 : i32 to index
          %get3A_302 = tpu.vector_load %arg6[%get3A_300, %get3A_301] {strides = array<i32>} : memref<8x1664xf32, #tpu.memory_space<vmem>>, vector<16xf32>,
          %lt3A_303 = arith.constant 2.500000e-01 : f32
          %lt3A_304 = vector.broadcast %lt3A_303 : f32 to vector<16xf32>
          %lt3A_305 = arith.cmpf olt, %get3A_302, %lt3A_304 : vector<16xf32>
          %jit3A_306 = arith.constant -1.000000e+00 : f32
          %broadcast_in_dim3A_307 = vector.broadcast %jit3A_306 : f32 to vector<16xf32>
          %select_n3A_308 = arith.select %lt3A_305, %get3A_297, %broadcast_in_dim3A_307 : vector<16xi1>, vector<16xf32>
          %max3A_309 = arith.maximumf %max3A_292, %select_n3A_308 : vector<16xf32>
          %reduce_max3A = arith.constant true
          %reduce_max3A_310 = vector.broadcast %reduce_max3A : i1 to vector<16xi1>
          %reduce_max3A_311 = tpu.scan <max>, %max3A_309 masked %reduce_max3A_310 : vector<16xf32>, vector<16xi1> -> vector<16xf32>
          %reduce_max3A_312 = vector.extract %reduce_max3A_311[15] : f32 from vector<16xf32>
          %gt3A = arith.cmpf ogt, %reduce_max3A_312, %get3A_133 : f32
          %convert_element_type3A_313 = arith.extui %gt3A : i1 to i32
          %cond3A_314 = arith.constant 0 : i32
          %cond3A_315 = arith.cmpi ne, %convert_element_type3A_313, %cond3A_314 : i32
          scf.if %cond3A_315 {
            %get3A_317 = arith.constant 0 : i32
            %get3A_318 = arith.index_cast %get3A_317 : i32 to index
            %get3A_319 = memref.load %arg17[%get3A_318] : memref<1xi32, #tpu.memory_space<smem>>
            %swap3A_320 = arith.index_cast %get3A_319 : i32 to index
            %swap3A_321 = memref.load %arg16[%swap3A_320] : memref<16xi32, #tpu.memory_space<smem>>
            memref.store %scan3A_170, %arg16[%swap3A_320] : memref<16xi32, #tpu.memory_space<smem>>
            %add3A_322 = arith.constant 1 : i32
            %add3A_323 = arith.addi %get3A_319, %add3A_322 : i32
            %swap3A_324 = arith.constant 0 : i32
            %swap3A_325 = arith.index_cast %swap3A_324 : i32 to index
            %swap3A_326 = memref.load %arg17[%swap3A_325] : memref<1xi32, #tpu.memory_space<smem>>
            memref.store %add3A_323, %arg17[%swap3A_325] : memref<1xi32, #tpu.memory_space<smem>>
          } else {
          }
          %scan3A_316 = arith.constant 0 : i32
          scf.yield %scan3A_316 : i32
        }
        %scan3A_140 = arith.constant 13 : i32
        %get3A_141 = arith.constant 0 : i32
        %get3A_142 = arith.index_cast %get3A_141 : i32 to index
        %get3A_143 = memref.load %arg17[%get3A_142] : memref<1xi32, #tpu.memory_space<smem>>
        %get3A_144 = arith.index_cast %scan3A_131 : i32 to index
        %get3A_145 = arith.constant 0 : index
        %get3A_146 = tpu.vector_load %arg11[%get3A_144, %get3A_145] {strides = array<i32>} : memref<8x16xf32, #tpu.memory_space<vmem>>, vector<16xf32>,
        %while3A = arith.constant 0 : i32
        %while3A_147 = arith.subi %get3A_143, %while3A : i32
        %while3A_148 = arith.addi %while3A, %while3A_147 : i32
        %while3A_149 = arith.constant 1 : i32
        %while3A_150 = arith.divsi %while3A_147, %while3A_149 : i32
        %while3A_151 = arith.muli %while3A_150, %while3A_149 : i32
        %while3A_152 = arith.addi %while3A, %while3A_151 : i32
        %while3A_153 = arith.constant 1 : i32
        %while3A_154 = scf.for %while3A_170 = %while3A to %while3A_152 step %while3A_153 iter_args(%while3A_171 = %get3A_146) -> (vector<16xf32>)  : i32 {
          %get3A_172 = arith.index_cast %while3A_170 : i32 to index
          %get3A_173 = memref.load %arg16[%get3A_172] : memref<16xi32, #tpu.memory_space<smem>>
          %mul3A_174 = arith.constant 128 : i32
          %mul3A_175 = arith.muli %get3A_173, %mul3A_174 : i32
          %add3A_176 = arith.constant 0 : i32
          %add3A_177 = arith.addi %mul3A_175, %add3A_176 : i32
          %get3A_178 = arith.index_cast %scan3A_131 : i32 to index
          %get3A_179 = arith.index_cast %add3A_177 : i32 to index
          %get3A_180 = tpu.vector_load %arg5[%get3A_178, %get3A_179] {strides = array<i32>} : memref<8x1664xf32, #tpu.memory_space<vmem>>, vector<16xf32>,
          %add3A_181 = arith.constant 0 : i32
          %add3A_182 = arith.addi %mul3A_175, %add3A_181 : i32
          %get3A_183 = arith.index_cast %scan3A_131 : i32 to index
          %get3A_184 = arith.index_cast %add3A_182 : i32 to index
          %get3A_185 = tpu.vector_load %arg6[%get3A_183, %get3A_184] {strides = array<i32>} : memref<8x1664xf32, #tpu.memory_space<vmem>>, vector<16xf32>,
          %lt3A_186 = arith.constant 2.500000e-01 : f32
          %lt3A_187 = vector.broadcast %lt3A_186 : f32 to vector<16xf32>
          %lt3A_188 = arith.cmpf olt, %get3A_185, %lt3A_187 : vector<16xf32>
          %jit3A_189 = arith.constant -1.000000e+00 : f32
          %broadcast_in_dim3A = vector.broadcast %jit3A_189 : f32 to vector<16xf32>
          %select_n3A_190 = arith.select %lt3A_188, %get3A_180, %broadcast_in_dim3A : vector<16xi1>, vector<16xf32>
          %sort3A = arith.constant dense<true> : vector<16xi1>
          %sort3A_191, %sort3A_192, %sort3A_193 = tpu.sort %select_n3A_190, %select_n3A_190 masked %sort3A : (vector<16xf32>, vector<16xf32>, vector<16xi1>) -> (vector<16xi1>, vector<16xf32>, vector<16xf32>)
          %rev3A = arith.constant 15 : i32
          %rev3A_194 = vector.broadcast %rev3A : i32 to vector<16xi32>
          %rev3A_195 = tpu.iota {dimensions = array<i32: 0>} : vector<16xi32>
          %rev3A_196 = arith.subi %rev3A_194, %rev3A_195 : vector<16xi32>
          %rev3A_197 = tpu.dynamic_gather %sort3A_192[%rev3A_196] in [0] : vector<16xf32>, vector<16xi32> -> vector<16xf32>
          %max3A = arith.maximumf %while3A_171, %rev3A_197 : vector<16xf32>
          %sort3A_198 = arith.constant dense<true> : vector<16xi1>
          %sort3A_199, %sort3A_200, %sort3A_201 = tpu.sort %max3A, %max3A masked %sort3A_198 : (vector<16xf32>, vector<16xf32>, vector<16xi1>) -> (vector<16xi1>, vector<16xf32>, vector<16xf32>)
          %add3A_202 = arith.constant 16 : i32
          %add3A_203 = arith.addi %mul3A_175, %add3A_202 : i32
          %get3A_204 = arith.index_cast %scan3A_131 : i32 to index
          %get3A_205 = arith.index_cast %add3A_203 : i32 to index
          %get3A_206 = tpu.vector_load %arg5[%get3A_204, %get3A_205] {strides = array<i32>} : memref<8x1664xf32, #tpu.memory_space<vmem>>, vector<16xf32>,
          %add3A_207 = arith.constant 16 : i32
          %add3A_208 = arith.addi %mul3A_175, %add3A_207 : i32
          %get3A_209 = arith.index_cast %scan3A_131 : i32 to index
          %get3A_210 = arith.index_cast %add3A_208 : i32 to index
          %get3A_211 = tpu.vector_load %arg6[%get3A_209, %get3A_210] {strides = array<i32>} : memref<8x1664xf32, #tpu.memory_space<vmem>>, vector<16xf32>,
          %lt3A_212 = arith.constant 2.500000e-01 : f32
          %lt3A_213 = vector.broadcast %lt3A_212 : f32 to vector<16xf32>
          %lt3A_214 = arith.cmpf olt, %get3A_211, %lt3A_213 : vector<16xf32>
          %jit3A_215 = arith.constant -1.000000e+00 : f32
          %broadcast_in_dim3A_216 = vector.broadcast %jit3A_215 : f32 to vector<16xf32>
          %select_n3A_217 = arith.select %lt3A_214, %get3A_206, %broadcast_in_dim3A_216 : vector<16xi1>, vector<16xf32>
          %sort3A_218 = arith.constant dense<true> : vector<16xi1>
          %sort3A_219, %sort3A_220, %sort3A_221 = tpu.sort %select_n3A_217, %select_n3A_217 masked %sort3A_218 : (vector<16xf32>, vector<16xf32>, vector<16xi1>) -> (vector<16xi1>, vector<16xf32>, vector<16xf32>)
          %rev3A_222 = arith.constant 15 : i32
          %rev3A_223 = vector.broadcast %rev3A_222 : i32 to vector<16xi32>
          %rev3A_224 = tpu.iota {dimensions = array<i32: 0>} : vector<16xi32>
          %rev3A_225 = arith.subi %rev3A_223, %rev3A_224 : vector<16xi32>
          %rev3A_226 = tpu.dynamic_gather %sort3A_220[%rev3A_225] in [0] : vector<16xf32>, vector<16xi32> -> vector<16xf32>
          %max3A_227 = arith.maximumf %sort3A_200, %rev3A_226 : vector<16xf32>
          %sort3A_228 = arith.constant dense<true> : vector<16xi1>
          %sort3A_229, %sort3A_230, %sort3A_231 = tpu.sort %max3A_227, %max3A_227 masked %sort3A_228 : (vector<16xf32>, vector<16xf32>, vector<16xi1>) -> (vector<16xi1>, vector<16xf32>, vector<16xf32>)
          %add3A_232 = arith.constant 32 : i32
          %add3A_233 = arith.addi %mul3A_175, %add3A_232 : i32
          %get3A_234 = arith.index_cast %scan3A_131 : i32 to index
          %get3A_235 = arith.index_cast %add3A_233 : i32 to index
          %get3A_236 = tpu.vector_load %arg5[%get3A_234, %get3A_235] {strides = array<i32>} : memref<8x1664xf32, #tpu.memory_space<vmem>>, vector<16xf32>,
          %add3A_237 = arith.constant 32 : i32
          %add3A_238 = arith.addi %mul3A_175, %add3A_237 : i32
          %get3A_239 = arith.index_cast %scan3A_131 : i32 to index
          %get3A_240 = arith.index_cast %add3A_238 : i32 to index
          %get3A_241 = tpu.vector_load %arg6[%get3A_239, %get3A_240] {strides = array<i32>} : memref<8x1664xf32, #tpu.memory_space<vmem>>, vector<16xf32>,
          %lt3A_242 = arith.constant 2.500000e-01 : f32
          %lt3A_243 = vector.broadcast %lt3A_242 : f32 to vector<16xf32>
          %lt3A_244 = arith.cmpf olt, %get3A_241, %lt3A_243 : vector<16xf32>
          %jit3A_245 = arith.constant -1.000000e+00 : f32
          %broadcast_in_dim3A_246 = vector.broadcast %jit3A_245 : f32 to vector<16xf32>
          %select_n3A_247 = arith.select %lt3A_244, %get3A_236, %broadcast_in_dim3A_246 : vector<16xi1>, vector<16xf32>
          %sort3A_248 = arith.constant dense<true> : vector<16xi1>
          %sort3A_249, %sort3A_250, %sort3A_251 = tpu.sort %select_n3A_247, %select_n3A_247 masked %sort3A_248 : (vector<16xf32>, vector<16xf32>, vector<16xi1>) -> (vector<16xi1>, vector<16xf32>, vector<16xf32>)
          %rev3A_252 = arith.constant 15 : i32
          %rev3A_253 = vector.broadcast %rev3A_252 : i32 to vector<16xi32>
          %rev3A_254 = tpu.iota {dimensions = array<i32: 0>} : vector<16xi32>
          %rev3A_255 = arith.subi %rev3A_253, %rev3A_254 : vector<16xi32>
          %rev3A_256 = tpu.dynamic_gather %sort3A_250[%rev3A_255] in [0] : vector<16xf32>, vector<16xi32> -> vector<16xf32>
          %max3A_257 = arith.maximumf %sort3A_230, %rev3A_256 : vector<16xf32>
          %sort3A_258 = arith.constant dense<true> : vector<16xi1>
          %sort3A_259, %sort3A_260, %sort3A_261 = tpu.sort %max3A_257, %max3A_257 masked %sort3A_258 : (vector<16xf32>, vector<16xf32>, vector<16xi1>) -> (vector<16xi1>, vector<16xf32>, vector<16xf32>)
          %add3A_262 = arith.constant 48 : i32
          %add3A_263 = arith.addi %mul3A_175, %add3A_262 : i32
          %get3A_264 = arith.index_cast %scan3A_131 : i32 to index
          %get3A_265 = arith.index_cast %add3A_263 : i32 to index
          %get3A_266 = tpu.vector_load %arg5[%get3A_264, %get3A_265] {strides = array<i32>} : memref<8x1664xf32, #tpu.memory_space<vmem>>, vector<16xf32>,
          %add3A_267 = arith.constant 48 : i32
          %add3A_268 = arith.addi %mul3A_175, %add3A_267 : i32
          %get3A_269 = arith.index_cast %scan3A_131 : i32 to index
          %get3A_270 = arith.index_cast %add3A_268 : i32 to index
          %get3A_271 = tpu.vector_load %arg6[%get3A_269, %get3A_270] {strides = array<i32>} : memref<8x1664xf32, #tpu.memory_space<vmem>>, vector<16xf32>,
          %lt3A_272 = arith.constant 2.500000e-01 : f32
          %lt3A_273 = vector.broadcast %lt3A_272 : f32 to vector<16xf32>
          %lt3A_274 = arith.cmpf olt, %get3A_271, %lt3A_273 : vector<16xf32>
          %jit3A_275 = arith.constant -1.000000e+00 : f32
          %broadcast_in_dim3A_276 = vector.broadcast %jit3A_275 : f32 to vector<16xf32>
          %select_n3A_277 = arith.select %lt3A_274, %get3A_266, %broadcast_in_dim3A_276 : vector<16xi1>, vector<16xf32>
          %sort3A_278 = arith.constant dense<true> : vector<16xi1>
          %sort3A_279, %sort3A_280, %sort3A_281 = tpu.sort %select_n3A_277, %select_n3A_277 masked %sort3A_278 : (vector<16xf32>, vector<16xf32>, vector<16xi1>) -> (vector<16xi1>, vector<16xf32>, vector<16xf32>)
          %rev3A_282 = arith.constant 15 : i32
          %rev3A_283 = vector.broadcast %rev3A_282 : i32 to vector<16xi32>
          %rev3A_284 = tpu.iota {dimensions = array<i32: 0>} : vector<16xi32>
          %rev3A_285 = arith.subi %rev3A_283, %rev3A_284 : vector<16xi32>
          %rev3A_286 = tpu.dynamic_gather %sort3A_280[%rev3A_285] in [0] : vector<16xf32>, vector<16xi32> -> vector<16xf32>
          %max3A_287 = arith.maximumf %sort3A_260, %rev3A_286 : vector<16xf32>
          %sort3A_288 = arith.constant dense<true> : vector<16xi1>
          %sort3A_289, %sort3A_290, %sort3A_291 = tpu.sort %max3A_287, %max3A_287 masked %sort3A_288 : (vector<16xf32>, vector<16xf32>, vector<16xi1>) -> (vector<16xi1>, vector<16xf32>, vector<16xf32>)
          %add3A_292 = arith.constant 64 : i32
          %add3A_293 = arith.addi %mul3A_175, %add3A_292 : i32
          %get3A_294 = arith.index_cast %scan3A_131 : i32 to index
          %get3A_295 = arith.index_cast %add3A_293 : i32 to index
          %get3A_296 = tpu.vector_load %arg5[%get3A_294, %get3A_295] {strides = array<i32>} : memref<8x1664xf32, #tpu.memory_space<vmem>>, vector<16xf32>,
          %add3A_297 = arith.constant 64 : i32
          %add3A_298 = arith.addi %mul3A_175, %add3A_297 : i32
          %get3A_299 = arith.index_cast %scan3A_131 : i32 to index
          %get3A_300 = arith.index_cast %add3A_298 : i32 to index
          %get3A_301 = tpu.vector_load %arg6[%get3A_299, %get3A_300] {strides = array<i32>} : memref<8x1664xf32, #tpu.memory_space<vmem>>, vector<16xf32>,
          %lt3A_302 = arith.constant 2.500000e-01 : f32
          %lt3A_303 = vector.broadcast %lt3A_302 : f32 to vector<16xf32>
          %lt3A_304 = arith.cmpf olt, %get3A_301, %lt3A_303 : vector<16xf32>
          %jit3A_305 = arith.constant -1.000000e+00 : f32
          %broadcast_in_dim3A_306 = vector.broadcast %jit3A_305 : f32 to vector<16xf32>
          %select_n3A_307 = arith.select %lt3A_304, %get3A_296, %broadcast_in_dim3A_306 : vector<16xi1>, vector<16xf32>
          %sort3A_308 = arith.constant dense<true> : vector<16xi1>
          %sort3A_309, %sort3A_310, %sort3A_311 = tpu.sort %select_n3A_307, %select_n3A_307 masked %sort3A_308 : (vector<16xf32>, vector<16xf32>, vector<16xi1>) -> (vector<16xi1>, vector<16xf32>, vector<16xf32>)
          %rev3A_312 = arith.constant 15 : i32
          %rev3A_313 = vector.broadcast %rev3A_312 : i32 to vector<16xi32>
          %rev3A_314 = tpu.iota {dimensions = array<i32: 0>} : vector<16xi32>
          %rev3A_315 = arith.subi %rev3A_313, %rev3A_314 : vector<16xi32>
          %rev3A_316 = tpu.dynamic_gather %sort3A_310[%rev3A_315] in [0] : vector<16xf32>, vector<16xi32> -> vector<16xf32>
          %max3A_317 = arith.maximumf %sort3A_290, %rev3A_316 : vector<16xf32>
          %sort3A_318 = arith.constant dense<true> : vector<16xi1>
          %sort3A_319, %sort3A_320, %sort3A_321 = tpu.sort %max3A_317, %max3A_317 masked %sort3A_318 : (vector<16xf32>, vector<16xf32>, vector<16xi1>) -> (vector<16xi1>, vector<16xf32>, vector<16xf32>)
          %add3A_322 = arith.constant 80 : i32
          %add3A_323 = arith.addi %mul3A_175, %add3A_322 : i32
          %get3A_324 = arith.index_cast %scan3A_131 : i32 to index
          %get3A_325 = arith.index_cast %add3A_323 : i32 to index
          %get3A_326 = tpu.vector_load %arg5[%get3A_324, %get3A_325] {strides = array<i32>} : memref<8x1664xf32, #tpu.memory_space<vmem>>, vector<16xf32>,
          %add3A_327 = arith.constant 80 : i32
          %add3A_328 = arith.addi %mul3A_175, %add3A_327 : i32
          %get3A_329 = arith.index_cast %scan3A_131 : i32 to index
          %get3A_330 = arith.index_cast %add3A_328 : i32 to index
          %get3A_331 = tpu.vector_load %arg6[%get3A_329, %get3A_330] {strides = array<i32>} : memref<8x1664xf32, #tpu.memory_space<vmem>>, vector<16xf32>,
          %lt3A_332 = arith.constant 2.500000e-01 : f32
          %lt3A_333 = vector.broadcast %lt3A_332 : f32 to vector<16xf32>
          %lt3A_334 = arith.cmpf olt, %get3A_331, %lt3A_333 : vector<16xf32>
          %jit3A_335 = arith.constant -1.000000e+00 : f32
          %broadcast_in_dim3A_336 = vector.broadcast %jit3A_335 : f32 to vector<16xf32>
          %select_n3A_337 = arith.select %lt3A_334, %get3A_326, %broadcast_in_dim3A_336 : vector<16xi1>, vector<16xf32>
          %sort3A_338 = arith.constant dense<true> : vector<16xi1>
          %sort3A_339, %sort3A_340, %sort3A_341 = tpu.sort %select_n3A_337, %select_n3A_337 masked %sort3A_338 : (vector<16xf32>, vector<16xf32>, vector<16xi1>) -> (vector<16xi1>, vector<16xf32>, vector<16xf32>)
          %rev3A_342 = arith.constant 15 : i32
          %rev3A_343 = vector.broadcast %rev3A_342 : i32 to vector<16xi32>
          %rev3A_344 = tpu.iota {dimensions = array<i32: 0>} : vector<16xi32>
          %rev3A_345 = arith.subi %rev3A_343, %rev3A_344 : vector<16xi32>
          %rev3A_346 = tpu.dynamic_gather %sort3A_340[%rev3A_345] in [0] : vector<16xf32>, vector<16xi32> -> vector<16xf32>
          %max3A_347 = arith.maximumf %sort3A_320, %rev3A_346 : vector<16xf32>
          %sort3A_348 = arith.constant dense<true> : vector<16xi1>
          %sort3A_349, %sort3A_350, %sort3A_351 = tpu.sort %max3A_347, %max3A_347 masked %sort3A_348 : (vector<16xf32>, vector<16xf32>, vector<16xi1>) -> (vector<16xi1>, vector<16xf32>, vector<16xf32>)
          %add3A_352 = arith.constant 96 : i32
          %add3A_353 = arith.addi %mul3A_175, %add3A_352 : i32
          %get3A_354 = arith.index_cast %scan3A_131 : i32 to index
          %get3A_355 = arith.index_cast %add3A_353 : i32 to index
          %get3A_356 = tpu.vector_load %arg5[%get3A_354, %get3A_355] {strides = array<i32>} : memref<8x1664xf32, #tpu.memory_space<vmem>>, vector<16xf32>,
          %add3A_357 = arith.constant 96 : i32
          %add3A_358 = arith.addi %mul3A_175, %add3A_357 : i32
          %get3A_359 = arith.index_cast %scan3A_131 : i32 to index
          %get3A_360 = arith.index_cast %add3A_358 : i32 to index
          %get3A_361 = tpu.vector_load %arg6[%get3A_359, %get3A_360] {strides = array<i32>} : memref<8x1664xf32, #tpu.memory_space<vmem>>, vector<16xf32>,
          %lt3A_362 = arith.constant 2.500000e-01 : f32
          %lt3A_363 = vector.broadcast %lt3A_362 : f32 to vector<16xf32>
          %lt3A_364 = arith.cmpf olt, %get3A_361, %lt3A_363 : vector<16xf32>
          %jit3A_365 = arith.constant -1.000000e+00 : f32
          %broadcast_in_dim3A_366 = vector.broadcast %jit3A_365 : f32 to vector<16xf32>
          %select_n3A_367 = arith.select %lt3A_364, %get3A_356, %broadcast_in_dim3A_366 : vector<16xi1>, vector<16xf32>
          %sort3A_368 = arith.constant dense<true> : vector<16xi1>
          %sort3A_369, %sort3A_370, %sort3A_371 = tpu.sort %select_n3A_367, %select_n3A_367 masked %sort3A_368 : (vector<16xf32>, vector<16xf32>, vector<16xi1>) -> (vector<16xi1>, vector<16xf32>, vector<16xf32>)
          %rev3A_372 = arith.constant 15 : i32
          %rev3A_373 = vector.broadcast %rev3A_372 : i32 to vector<16xi32>
          %rev3A_374 = tpu.iota {dimensions = array<i32: 0>} : vector<16xi32>
          %rev3A_375 = arith.subi %rev3A_373, %rev3A_374 : vector<16xi32>
          %rev3A_376 = tpu.dynamic_gather %sort3A_370[%rev3A_375] in [0] : vector<16xf32>, vector<16xi32> -> vector<16xf32>
          %max3A_377 = arith.maximumf %sort3A_350, %rev3A_376 : vector<16xf32>
          %sort3A_378 = arith.constant dense<true> : vector<16xi1>
          %sort3A_379, %sort3A_380, %sort3A_381 = tpu.sort %max3A_377, %max3A_377 masked %sort3A_378 : (vector<16xf32>, vector<16xf32>, vector<16xi1>) -> (vector<16xi1>, vector<16xf32>, vector<16xf32>)
          %add3A_382 = arith.constant 112 : i32
          %add3A_383 = arith.addi %mul3A_175, %add3A_382 : i32
          %get3A_384 = arith.index_cast %scan3A_131 : i32 to index
          %get3A_385 = arith.index_cast %add3A_383 : i32 to index
          %get3A_386 = tpu.vector_load %arg5[%get3A_384, %get3A_385] {strides = array<i32>} : memref<8x1664xf32, #tpu.memory_space<vmem>>, vector<16xf32>,
          %add3A_387 = arith.constant 112 : i32
          %add3A_388 = arith.addi %mul3A_175, %add3A_387 : i32
          %get3A_389 = arith.index_cast %scan3A_131 : i32 to index
          %get3A_390 = arith.index_cast %add3A_388 : i32 to index
          %get3A_391 = tpu.vector_load %arg6[%get3A_389, %get3A_390] {strides = array<i32>} : memref<8x1664xf32, #tpu.memory_space<vmem>>, vector<16xf32>,
          %lt3A_392 = arith.constant 2.500000e-01 : f32
          %lt3A_393 = vector.broadcast %lt3A_392 : f32 to vector<16xf32>
          %lt3A_394 = arith.cmpf olt, %get3A_391, %lt3A_393 : vector<16xf32>
          %jit3A_395 = arith.constant -1.000000e+00 : f32
          %broadcast_in_dim3A_396 = vector.broadcast %jit3A_395 : f32 to vector<16xf32>
          %select_n3A_397 = arith.select %lt3A_394, %get3A_386, %broadcast_in_dim3A_396 : vector<16xi1>, vector<16xf32>
          %sort3A_398 = arith.constant dense<true> : vector<16xi1>
          %sort3A_399, %sort3A_400, %sort3A_401 = tpu.sort %select_n3A_397, %select_n3A_397 masked %sort3A_398 : (vector<16xf32>, vector<16xf32>, vector<16xi1>) -> (vector<16xi1>, vector<16xf32>, vector<16xf32>)
          %rev3A_402 = arith.constant 15 : i32
          %rev3A_403 = vector.broadcast %rev3A_402 : i32 to vector<16xi32>
          %rev3A_404 = tpu.iota {dimensions = array<i32: 0>} : vector<16xi32>
          %rev3A_405 = arith.subi %rev3A_403, %rev3A_404 : vector<16xi32>
          %rev3A_406 = tpu.dynamic_gather %sort3A_400[%rev3A_405] in [0] : vector<16xf32>, vector<16xi32> -> vector<16xf32>
          %max3A_407 = arith.maximumf %sort3A_380, %rev3A_406 : vector<16xf32>
          %sort3A_408 = arith.constant dense<true> : vector<16xi1>
          %sort3A_409, %sort3A_410, %sort3A_411 = tpu.sort %max3A_407, %max3A_407 masked %sort3A_408 : (vector<16xf32>, vector<16xf32>, vector<16xi1>) -> (vector<16xi1>, vector<16xf32>, vector<16xf32>)
          scf.yield %sort3A_410 : vector<16xf32>
        }
        %while3A_155 = arith.constant 1 : i32
        %while3A_156 = scf.for %while3A_170 = %while3A_152 to %while3A_148 step %while3A_155 iter_args(%while3A_171 = %while3A_154) -> (vector<16xf32>)  : i32 {
          %get3A_172 = arith.index_cast %while3A_170 : i32 to index
          %get3A_173 = memref.load %arg16[%get3A_172] : memref<16xi32, #tpu.memory_space<smem>>
          %mul3A_174 = arith.constant 128 : i32
          %mul3A_175 = arith.muli %get3A_173, %mul3A_174 : i32
          %add3A_176 = arith.constant 0 : i32
          %add3A_177 = arith.addi %mul3A_175, %add3A_176 : i32
          %get3A_178 = arith.index_cast %scan3A_131 : i32 to index
          %get3A_179 = arith.index_cast %add3A_177 : i32 to index
          %get3A_180 = tpu.vector_load %arg5[%get3A_178, %get3A_179] {strides = array<i32>} : memref<8x1664xf32, #tpu.memory_space<vmem>>, vector<16xf32>,
          %add3A_181 = arith.constant 0 : i32
          %add3A_182 = arith.addi %mul3A_175, %add3A_181 : i32
          %get3A_183 = arith.index_cast %scan3A_131 : i32 to index
          %get3A_184 = arith.index_cast %add3A_182 : i32 to index
          %get3A_185 = tpu.vector_load %arg6[%get3A_183, %get3A_184] {strides = array<i32>} : memref<8x1664xf32, #tpu.memory_space<vmem>>, vector<16xf32>,
          %lt3A_186 = arith.constant 2.500000e-01 : f32
          %lt3A_187 = vector.broadcast %lt3A_186 : f32 to vector<16xf32>
          %lt3A_188 = arith.cmpf olt, %get3A_185, %lt3A_187 : vector<16xf32>
          %jit3A_189 = arith.constant -1.000000e+00 : f32
          %broadcast_in_dim3A = vector.broadcast %jit3A_189 : f32 to vector<16xf32>
          %select_n3A_190 = arith.select %lt3A_188, %get3A_180, %broadcast_in_dim3A : vector<16xi1>, vector<16xf32>
          %sort3A = arith.constant dense<true> : vector<16xi1>
          %sort3A_191, %sort3A_192, %sort3A_193 = tpu.sort %select_n3A_190, %select_n3A_190 masked %sort3A : (vector<16xf32>, vector<16xf32>, vector<16xi1>) -> (vector<16xi1>, vector<16xf32>, vector<16xf32>)
          %rev3A = arith.constant 15 : i32
          %rev3A_194 = vector.broadcast %rev3A : i32 to vector<16xi32>
          %rev3A_195 = tpu.iota {dimensions = array<i32: 0>} : vector<16xi32>
          %rev3A_196 = arith.subi %rev3A_194, %rev3A_195 : vector<16xi32>
          %rev3A_197 = tpu.dynamic_gather %sort3A_192[%rev3A_196] in [0] : vector<16xf32>, vector<16xi32> -> vector<16xf32>
          %max3A = arith.maximumf %while3A_171, %rev3A_197 : vector<16xf32>
          %sort3A_198 = arith.constant dense<true> : vector<16xi1>
          %sort3A_199, %sort3A_200, %sort3A_201 = tpu.sort %max3A, %max3A masked %sort3A_198 : (vector<16xf32>, vector<16xf32>, vector<16xi1>) -> (vector<16xi1>, vector<16xf32>, vector<16xf32>)
          %add3A_202 = arith.constant 16 : i32
          %add3A_203 = arith.addi %mul3A_175, %add3A_202 : i32
          %get3A_204 = arith.index_cast %scan3A_131 : i32 to index
          %get3A_205 = arith.index_cast %add3A_203 : i32 to index
          %get3A_206 = tpu.vector_load %arg5[%get3A_204, %get3A_205] {strides = array<i32>} : memref<8x1664xf32, #tpu.memory_space<vmem>>, vector<16xf32>,
          %add3A_207 = arith.constant 16 : i32
          %add3A_208 = arith.addi %mul3A_175, %add3A_207 : i32
          %get3A_209 = arith.index_cast %scan3A_131 : i32 to index
          %get3A_210 = arith.index_cast %add3A_208 : i32 to index
          %get3A_211 = tpu.vector_load %arg6[%get3A_209, %get3A_210] {strides = array<i32>} : memref<8x1664xf32, #tpu.memory_space<vmem>>, vector<16xf32>,
          %lt3A_212 = arith.constant 2.500000e-01 : f32
          %lt3A_213 = vector.broadcast %lt3A_212 : f32 to vector<16xf32>
          %lt3A_214 = arith.cmpf olt, %get3A_211, %lt3A_213 : vector<16xf32>
          %jit3A_215 = arith.constant -1.000000e+00 : f32
          %broadcast_in_dim3A_216 = vector.broadcast %jit3A_215 : f32 to vector<16xf32>
          %select_n3A_217 = arith.select %lt3A_214, %get3A_206, %broadcast_in_dim3A_216 : vector<16xi1>, vector<16xf32>
          %sort3A_218 = arith.constant dense<true> : vector<16xi1>
          %sort3A_219, %sort3A_220, %sort3A_221 = tpu.sort %select_n3A_217, %select_n3A_217 masked %sort3A_218 : (vector<16xf32>, vector<16xf32>, vector<16xi1>) -> (vector<16xi1>, vector<16xf32>, vector<16xf32>)
          %rev3A_222 = arith.constant 15 : i32
          %rev3A_223 = vector.broadcast %rev3A_222 : i32 to vector<16xi32>
          %rev3A_224 = tpu.iota {dimensions = array<i32: 0>} : vector<16xi32>
          %rev3A_225 = arith.subi %rev3A_223, %rev3A_224 : vector<16xi32>
          %rev3A_226 = tpu.dynamic_gather %sort3A_220[%rev3A_225] in [0] : vector<16xf32>, vector<16xi32> -> vector<16xf32>
          %max3A_227 = arith.maximumf %sort3A_200, %rev3A_226 : vector<16xf32>
          %sort3A_228 = arith.constant dense<true> : vector<16xi1>
          %sort3A_229, %sort3A_230, %sort3A_231 = tpu.sort %max3A_227, %max3A_227 masked %sort3A_228 : (vector<16xf32>, vector<16xf32>, vector<16xi1>) -> (vector<16xi1>, vector<16xf32>, vector<16xf32>)
          %add3A_232 = arith.constant 32 : i32
          %add3A_233 = arith.addi %mul3A_175, %add3A_232 : i32
          %get3A_234 = arith.index_cast %scan3A_131 : i32 to index
          %get3A_235 = arith.index_cast %add3A_233 : i32 to index
          %get3A_236 = tpu.vector_load %arg5[%get3A_234, %get3A_235] {strides = array<i32>} : memref<8x1664xf32, #tpu.memory_space<vmem>>, vector<16xf32>,
          %add3A_237 = arith.constant 32 : i32
          %add3A_238 = arith.addi %mul3A_175, %add3A_237 : i32
          %get3A_239 = arith.index_cast %scan3A_131 : i32 to index
          %get3A_240 = arith.index_cast %add3A_238 : i32 to index
          %get3A_241 = tpu.vector_load %arg6[%get3A_239, %get3A_240] {strides = array<i32>} : memref<8x1664xf32, #tpu.memory_space<vmem>>, vector<16xf32>,
          %lt3A_242 = arith.constant 2.500000e-01 : f32
          %lt3A_243 = vector.broadcast %lt3A_242 : f32 to vector<16xf32>
          %lt3A_244 = arith.cmpf olt, %get3A_241, %lt3A_243 : vector<16xf32>
          %jit3A_245 = arith.constant -1.000000e+00 : f32
          %broadcast_in_dim3A_246 = vector.broadcast %jit3A_245 : f32 to vector<16xf32>
          %select_n3A_247 = arith.select %lt3A_244, %get3A_236, %broadcast_in_dim3A_246 : vector<16xi1>, vector<16xf32>
          %sort3A_248 = arith.constant dense<true> : vector<16xi1>
          %sort3A_249, %sort3A_250, %sort3A_251 = tpu.sort %select_n3A_247, %select_n3A_247 masked %sort3A_248 : (vector<16xf32>, vector<16xf32>, vector<16xi1>) -> (vector<16xi1>, vector<16xf32>, vector<16xf32>)
          %rev3A_252 = arith.constant 15 : i32
          %rev3A_253 = vector.broadcast %rev3A_252 : i32 to vector<16xi32>
          %rev3A_254 = tpu.iota {dimensions = array<i32: 0>} : vector<16xi32>
          %rev3A_255 = arith.subi %rev3A_253, %rev3A_254 : vector<16xi32>
          %rev3A_256 = tpu.dynamic_gather %sort3A_250[%rev3A_255] in [0] : vector<16xf32>, vector<16xi32> -> vector<16xf32>
          %max3A_257 = arith.maximumf %sort3A_230, %rev3A_256 : vector<16xf32>
          %sort3A_258 = arith.constant dense<true> : vector<16xi1>
          %sort3A_259, %sort3A_260, %sort3A_261 = tpu.sort %max3A_257, %max3A_257 masked %sort3A_258 : (vector<16xf32>, vector<16xf32>, vector<16xi1>) -> (vector<16xi1>, vector<16xf32>, vector<16xf32>)
          %add3A_262 = arith.constant 48 : i32
          %add3A_263 = arith.addi %mul3A_175, %add3A_262 : i32
          %get3A_264 = arith.index_cast %scan3A_131 : i32 to index
          %get3A_265 = arith.index_cast %add3A_263 : i32 to index
          %get3A_266 = tpu.vector_load %arg5[%get3A_264, %get3A_265] {strides = array<i32>} : memref<8x1664xf32, #tpu.memory_space<vmem>>, vector<16xf32>,
          %add3A_267 = arith.constant 48 : i32
          %add3A_268 = arith.addi %mul3A_175, %add3A_267 : i32
          %get3A_269 = arith.index_cast %scan3A_131 : i32 to index
          %get3A_270 = arith.index_cast %add3A_268 : i32 to index
          %get3A_271 = tpu.vector_load %arg6[%get3A_269, %get3A_270] {strides = array<i32>} : memref<8x1664xf32, #tpu.memory_space<vmem>>, vector<16xf32>,
          %lt3A_272 = arith.constant 2.500000e-01 : f32
          %lt3A_273 = vector.broadcast %lt3A_272 : f32 to vector<16xf32>
          %lt3A_274 = arith.cmpf olt, %get3A_271, %lt3A_273 : vector<16xf32>
          %jit3A_275 = arith.constant -1.000000e+00 : f32
          %broadcast_in_dim3A_276 = vector.broadcast %jit3A_275 : f32 to vector<16xf32>
          %select_n3A_277 = arith.select %lt3A_274, %get3A_266, %broadcast_in_dim3A_276 : vector<16xi1>, vector<16xf32>
          %sort3A_278 = arith.constant dense<true> : vector<16xi1>
          %sort3A_279, %sort3A_280, %sort3A_281 = tpu.sort %select_n3A_277, %select_n3A_277 masked %sort3A_278 : (vector<16xf32>, vector<16xf32>, vector<16xi1>) -> (vector<16xi1>, vector<16xf32>, vector<16xf32>)
          %rev3A_282 = arith.constant 15 : i32
          %rev3A_283 = vector.broadcast %rev3A_282 : i32 to vector<16xi32>
          %rev3A_284 = tpu.iota {dimensions = array<i32: 0>} : vector<16xi32>
          %rev3A_285 = arith.subi %rev3A_283, %rev3A_284 : vector<16xi32>
          %rev3A_286 = tpu.dynamic_gather %sort3A_280[%rev3A_285] in [0] : vector<16xf32>, vector<16xi32> -> vector<16xf32>
          %max3A_287 = arith.maximumf %sort3A_260, %rev3A_286 : vector<16xf32>
          %sort3A_288 = arith.constant dense<true> : vector<16xi1>
          %sort3A_289, %sort3A_290, %sort3A_291 = tpu.sort %max3A_287, %max3A_287 masked %sort3A_288 : (vector<16xf32>, vector<16xf32>, vector<16xi1>) -> (vector<16xi1>, vector<16xf32>, vector<16xf32>)
          %add3A_292 = arith.constant 64 : i32
          %add3A_293 = arith.addi %mul3A_175, %add3A_292 : i32
          %get3A_294 = arith.index_cast %scan3A_131 : i32 to index
          %get3A_295 = arith.index_cast %add3A_293 : i32 to index
          %get3A_296 = tpu.vector_load %arg5[%get3A_294, %get3A_295] {strides = array<i32>} : memref<8x1664xf32, #tpu.memory_space<vmem>>, vector<16xf32>,
          %add3A_297 = arith.constant 64 : i32
          %add3A_298 = arith.addi %mul3A_175, %add3A_297 : i32
          %get3A_299 = arith.index_cast %scan3A_131 : i32 to index
          %get3A_300 = arith.index_cast %add3A_298 : i32 to index
          %get3A_301 = tpu.vector_load %arg6[%get3A_299, %get3A_300] {strides = array<i32>} : memref<8x1664xf32, #tpu.memory_space<vmem>>, vector<16xf32>,
          %lt3A_302 = arith.constant 2.500000e-01 : f32
          %lt3A_303 = vector.broadcast %lt3A_302 : f32 to vector<16xf32>
          %lt3A_304 = arith.cmpf olt, %get3A_301, %lt3A_303 : vector<16xf32>
          %jit3A_305 = arith.constant -1.000000e+00 : f32
          %broadcast_in_dim3A_306 = vector.broadcast %jit3A_305 : f32 to vector<16xf32>
          %select_n3A_307 = arith.select %lt3A_304, %get3A_296, %broadcast_in_dim3A_306 : vector<16xi1>, vector<16xf32>
          %sort3A_308 = arith.constant dense<true> : vector<16xi1>
          %sort3A_309, %sort3A_310, %sort3A_311 = tpu.sort %select_n3A_307, %select_n3A_307 masked %sort3A_308 : (vector<16xf32>, vector<16xf32>, vector<16xi1>) -> (vector<16xi1>, vector<16xf32>, vector<16xf32>)
          %rev3A_312 = arith.constant 15 : i32
          %rev3A_313 = vector.broadcast %rev3A_312 : i32 to vector<16xi32>
          %rev3A_314 = tpu.iota {dimensions = array<i32: 0>} : vector<16xi32>
          %rev3A_315 = arith.subi %rev3A_313, %rev3A_314 : vector<16xi32>
          %rev3A_316 = tpu.dynamic_gather %sort3A_310[%rev3A_315] in [0] : vector<16xf32>, vector<16xi32> -> vector<16xf32>
          %max3A_317 = arith.maximumf %sort3A_290, %rev3A_316 : vector<16xf32>
          %sort3A_318 = arith.constant dense<true> : vector<16xi1>
          %sort3A_319, %sort3A_320, %sort3A_321 = tpu.sort %max3A_317, %max3A_317 masked %sort3A_318 : (vector<16xf32>, vector<16xf32>, vector<16xi1>) -> (vector<16xi1>, vector<16xf32>, vector<16xf32>)
          %add3A_322 = arith.constant 80 : i32
          %add3A_323 = arith.addi %mul3A_175, %add3A_322 : i32
          %get3A_324 = arith.index_cast %scan3A_131 : i32 to index
          %get3A_325 = arith.index_cast %add3A_323 : i32 to index
          %get3A_326 = tpu.vector_load %arg5[%get3A_324, %get3A_325] {strides = array<i32>} : memref<8x1664xf32, #tpu.memory_space<vmem>>, vector<16xf32>,
          %add3A_327 = arith.constant 80 : i32
          %add3A_328 = arith.addi %mul3A_175, %add3A_327 : i32
          %get3A_329 = arith.index_cast %scan3A_131 : i32 to index
          %get3A_330 = arith.index_cast %add3A_328 : i32 to index
          %get3A_331 = tpu.vector_load %arg6[%get3A_329, %get3A_330] {strides = array<i32>} : memref<8x1664xf32, #tpu.memory_space<vmem>>, vector<16xf32>,
          %lt3A_332 = arith.constant 2.500000e-01 : f32
          %lt3A_333 = vector.broadcast %lt3A_332 : f32 to vector<16xf32>
          %lt3A_334 = arith.cmpf olt, %get3A_331, %lt3A_333 : vector<16xf32>
          %jit3A_335 = arith.constant -1.000000e+00 : f32
          %broadcast_in_dim3A_336 = vector.broadcast %jit3A_335 : f32 to vector<16xf32>
          %select_n3A_337 = arith.select %lt3A_334, %get3A_326, %broadcast_in_dim3A_336 : vector<16xi1>, vector<16xf32>
          %sort3A_338 = arith.constant dense<true> : vector<16xi1>
          %sort3A_339, %sort3A_340, %sort3A_341 = tpu.sort %select_n3A_337, %select_n3A_337 masked %sort3A_338 : (vector<16xf32>, vector<16xf32>, vector<16xi1>) -> (vector<16xi1>, vector<16xf32>, vector<16xf32>)
          %rev3A_342 = arith.constant 15 : i32
          %rev3A_343 = vector.broadcast %rev3A_342 : i32 to vector<16xi32>
          %rev3A_344 = tpu.iota {dimensions = array<i32: 0>} : vector<16xi32>
          %rev3A_345 = arith.subi %rev3A_343, %rev3A_344 : vector<16xi32>
          %rev3A_346 = tpu.dynamic_gather %sort3A_340[%rev3A_345] in [0] : vector<16xf32>, vector<16xi32> -> vector<16xf32>
          %max3A_347 = arith.maximumf %sort3A_320, %rev3A_346 : vector<16xf32>
          %sort3A_348 = arith.constant dense<true> : vector<16xi1>
          %sort3A_349, %sort3A_350, %sort3A_351 = tpu.sort %max3A_347, %max3A_347 masked %sort3A_348 : (vector<16xf32>, vector<16xf32>, vector<16xi1>) -> (vector<16xi1>, vector<16xf32>, vector<16xf32>)
          %add3A_352 = arith.constant 96 : i32
          %add3A_353 = arith.addi %mul3A_175, %add3A_352 : i32
          %get3A_354 = arith.index_cast %scan3A_131 : i32 to index
          %get3A_355 = arith.index_cast %add3A_353 : i32 to index
          %get3A_356 = tpu.vector_load %arg5[%get3A_354, %get3A_355] {strides = array<i32>} : memref<8x1664xf32, #tpu.memory_space<vmem>>, vector<16xf32>,
          %add3A_357 = arith.constant 96 : i32
          %add3A_358 = arith.addi %mul3A_175, %add3A_357 : i32
          %get3A_359 = arith.index_cast %scan3A_131 : i32 to index
          %get3A_360 = arith.index_cast %add3A_358 : i32 to index
          %get3A_361 = tpu.vector_load %arg6[%get3A_359, %get3A_360] {strides = array<i32>} : memref<8x1664xf32, #tpu.memory_space<vmem>>, vector<16xf32>,
          %lt3A_362 = arith.constant 2.500000e-01 : f32
          %lt3A_363 = vector.broadcast %lt3A_362 : f32 to vector<16xf32>
          %lt3A_364 = arith.cmpf olt, %get3A_361, %lt3A_363 : vector<16xf32>
          %jit3A_365 = arith.constant -1.000000e+00 : f32
          %broadcast_in_dim3A_366 = vector.broadcast %jit3A_365 : f32 to vector<16xf32>
          %select_n3A_367 = arith.select %lt3A_364, %get3A_356, %broadcast_in_dim3A_366 : vector<16xi1>, vector<16xf32>
          %sort3A_368 = arith.constant dense<true> : vector<16xi1>
          %sort3A_369, %sort3A_370, %sort3A_371 = tpu.sort %select_n3A_367, %select_n3A_367 masked %sort3A_368 : (vector<16xf32>, vector<16xf32>, vector<16xi1>) -> (vector<16xi1>, vector<16xf32>, vector<16xf32>)
          %rev3A_372 = arith.constant 15 : i32
          %rev3A_373 = vector.broadcast %rev3A_372 : i32 to vector<16xi32>
          %rev3A_374 = tpu.iota {dimensions = array<i32: 0>} : vector<16xi32>
          %rev3A_375 = arith.subi %rev3A_373, %rev3A_374 : vector<16xi32>
          %rev3A_376 = tpu.dynamic_gather %sort3A_370[%rev3A_375] in [0] : vector<16xf32>, vector<16xi32> -> vector<16xf32>
          %max3A_377 = arith.maximumf %sort3A_350, %rev3A_376 : vector<16xf32>
          %sort3A_378 = arith.constant dense<true> : vector<16xi1>
          %sort3A_379, %sort3A_380, %sort3A_381 = tpu.sort %max3A_377, %max3A_377 masked %sort3A_378 : (vector<16xf32>, vector<16xf32>, vector<16xi1>) -> (vector<16xi1>, vector<16xf32>, vector<16xf32>)
          %add3A_382 = arith.constant 112 : i32
          %add3A_383 = arith.addi %mul3A_175, %add3A_382 : i32
          %get3A_384 = arith.index_cast %scan3A_131 : i32 to index
          %get3A_385 = arith.index_cast %add3A_383 : i32 to index
          %get3A_386 = tpu.vector_load %arg5[%get3A_384, %get3A_385] {strides = array<i32>} : memref<8x1664xf32, #tpu.memory_space<vmem>>, vector<16xf32>,
          %add3A_387 = arith.constant 112 : i32
          %add3A_388 = arith.addi %mul3A_175, %add3A_387 : i32
          %get3A_389 = arith.index_cast %scan3A_131 : i32 to index
          %get3A_390 = arith.index_cast %add3A_388 : i32 to index
          %get3A_391 = tpu.vector_load %arg6[%get3A_389, %get3A_390] {strides = array<i32>} : memref<8x1664xf32, #tpu.memory_space<vmem>>, vector<16xf32>,
          %lt3A_392 = arith.constant 2.500000e-01 : f32
          %lt3A_393 = vector.broadcast %lt3A_392 : f32 to vector<16xf32>
          %lt3A_394 = arith.cmpf olt, %get3A_391, %lt3A_393 : vector<16xf32>
          %jit3A_395 = arith.constant -1.000000e+00 : f32
          %broadcast_in_dim3A_396 = vector.broadcast %jit3A_395 : f32 to vector<16xf32>
          %select_n3A_397 = arith.select %lt3A_394, %get3A_386, %broadcast_in_dim3A_396 : vector<16xi1>, vector<16xf32>
          %sort3A_398 = arith.constant dense<true> : vector<16xi1>
          %sort3A_399, %sort3A_400, %sort3A_401 = tpu.sort %select_n3A_397, %select_n3A_397 masked %sort3A_398 : (vector<16xf32>, vector<16xf32>, vector<16xi1>) -> (vector<16xi1>, vector<16xf32>, vector<16xf32>)
          %rev3A_402 = arith.constant 15 : i32
          %rev3A_403 = vector.broadcast %rev3A_402 : i32 to vector<16xi32>
          %rev3A_404 = tpu.iota {dimensions = array<i32: 0>} : vector<16xi32>
          %rev3A_405 = arith.subi %rev3A_403, %rev3A_404 : vector<16xi32>
          %rev3A_406 = tpu.dynamic_gather %sort3A_400[%rev3A_405] in [0] : vector<16xf32>, vector<16xi32> -> vector<16xf32>
          %max3A_407 = arith.maximumf %sort3A_380, %rev3A_406 : vector<16xf32>
          %sort3A_408 = arith.constant dense<true> : vector<16xi1>
          %sort3A_409, %sort3A_410, %sort3A_411 = tpu.sort %max3A_407, %max3A_407 masked %sort3A_408 : (vector<16xf32>, vector<16xf32>, vector<16xi1>) -> (vector<16xi1>, vector<16xf32>, vector<16xf32>)
          scf.yield %sort3A_410 : vector<16xf32>
        }
        %swap3A_157 = arith.constant 0 : i32
        %swap3A_158 = arith.constant 0 : i32
        %swap3A_159 = arith.index_cast %swap3A_158 : i32 to index
        %swap3A_160 = memref.load %arg17[%swap3A_159] : memref<1xi32, #tpu.memory_space<smem>>
        memref.store %swap3A_157, %arg17[%swap3A_159] : memref<1xi32, #tpu.memory_space<smem>>
        %swap3A_161 = arith.index_cast %scan3A_131 : i32 to index
        %swap3A_162 = arith.constant 0 : index
        %swap3A_163 = tpu.vector_load %arg11[%swap3A_161, %swap3A_162] {strides = array<i32>} : memref<8x16xf32, #tpu.memory_space<vmem>>, vector<16xf32>,
        tpu.vector_store %arg11[%swap3A_161, %swap3A_162], %while3A_156 {strides = array<i32>} : memref<8x16xf32, #tpu.memory_space<vmem>>, vector<16xf32>,
        %reduce_min3A = arith.constant true
        %reduce_min3A_164 = vector.broadcast %reduce_min3A : i1 to vector<16xi1>
        %reduce_min3A_165 = tpu.scan <min>, %while3A_156 masked %reduce_min3A_164 : vector<16xf32>, vector<16xi1> -> vector<16xf32>
        %reduce_min3A_166 = vector.extract %reduce_min3A_165[15] : f32 from vector<16xf32>
        %swap3A_167 = arith.index_cast %scan3A_131 : i32 to index
        %swap3A_168 = memref.load %arg18[%swap3A_167] : memref<8xf32, #tpu.memory_space<smem>>
        memref.store %reduce_min3A_166, %arg18[%swap3A_167] : memref<8xf32, #tpu.memory_space<smem>>
        %scan3A_169 = arith.constant 0 : i32
        scf.yield %scan3A_169 : i32
      }
      %scan3A_106 = arith.constant 8 : i32
      %add3A_107 = arith.constant 3328 : i32
      %add3A_108 = arith.addi %add3A_87, %add3A_107 : i32
      %dma_start3A_109 = tpu.memref_slice %arg2[%mul3A_32, %add3A_108] : memref<64x100000xf32, #tpu.memory_space<hbm>> -> memref<8x1664xf32, #tpu.memory_space<hbm>>
      %dma_start3A_110 = tpu.memref_slice %arg2[%mul3A_32, %add3A_108] : memref<64x100000xf32, #tpu.memory_space<hbm>> -> memref<8x1664xf32, #tpu.memory_space<hbm>>
      tpu.enqueue_dma source(%dma_start3A_110 : memref<8x1664xf32, #tpu.memory_space<hbm>>) target(%arg5 : memref<8x1664xf32, #tpu.memory_space<vmem>>) target_semaphore(%arg19 : memref<!tpu.dma_semaphore, #tpu.memory_space<semaphore_mem>>)
      %add3A_111 = arith.constant 3328 : i32
      %add3A_112 = arith.addi %add3A_87, %add3A_111 : i32
      %dma_start3A_113 = tpu.memref_slice %arg3[%mul3A_32, %add3A_112] : memref<64x100000xf32, #tpu.memory_space<hbm>> -> memref<8x1664xf32, #tpu.memory_space<hbm>>
      %dma_start3A_114 = tpu.memref_slice %arg3[%mul3A_32, %add3A_112] : memref<64x100000xf32, #tpu.memory_space<hbm>> -> memref<8x1664xf32, #tpu.memory_space<hbm>>
      tpu.enqueue_dma source(%dma_start3A_114 : memref<8x1664xf32, #tpu.memory_space<hbm>>) target(%arg6 : memref<8x1664xf32, #tpu.memory_space<vmem>>) target_semaphore(%arg19 : memref<!tpu.dma_semaphore, #tpu.memory_space<semaphore_mem>>)
      %add3A_115 = arith.constant 1664 : i32
      %add3A_116 = arith.addi %add3A_87, %add3A_115 : i32
      %dma_wait3A_117 = tpu.memref_slice %arg2[%mul3A_32, %add3A_116] : memref<64x100000xf32, #tpu.memory_space<hbm>> -> memref<8x1664xf32, #tpu.memory_space<hbm>>
      %dma_wait3A_118 = tpu.memref_slice %arg2[%mul3A_32, %add3A_116] : memref<64x100000xf32, #tpu.memory_space<hbm>> -> memref<8x1664xf32, #tpu.memory_space<hbm>>
      tpu.wait_dma2 semaphore(%arg20 : memref<!tpu.dma_semaphore, #tpu.memory_space<semaphore_mem>>) src(%dma_wait3A_118 : memref<8x1664xf32, #tpu.memory_space<hbm>>) dst(%arg7 : memref<8x1664xf32, #tpu.memory_space<vmem>>)
      %add3A_119 = arith.constant 1664 : i32
      %add3A_120 = arith.addi %add3A_87, %add3A_119 : i32
      %dma_wait3A_121 = tpu.memref_slice %arg3[%mul3A_32, %add3A_120] : memref<64x100000xf32, #tpu.memory_space<hbm>> -> memref<8x1664xf32, #tpu.memory_space<hbm>>
      %dma_wait3A_122 = tpu.memref_slice %arg3[%mul3A_32, %add3A_120] : memref<64x100000xf32, #tpu.memory_space<hbm>> -> memref<8x1664xf32, #tpu.memory_space<hbm>>
      tpu.wait_dma2 semaphore(%arg20 : memref<!tpu.dma_semaphore, #tpu.memory_space<semaphore_mem>>) src(%dma_wait3A_122 : memref<8x1664xf32, #tpu.memory_space<hbm>>) dst(%arg8 : memref<8x1664xf32, #tpu.memory_space<vmem>>)
      %scan3A_123 = arith.constant 0 : i32
      %scan3A_124 = arith.constant 0 : i32
      %scan3A_125 = arith.constant 8 : i32
      %scan3A_126 = arith.addi %scan3A_124, %scan3A_125 : i32
      %scan3A_127 = arith.constant 1 : i32
      %scan3A_128 = scf.for %scan3A_131 = %scan3A_124 to %scan3A_126 step %scan3A_127 iter_args(%scan3A_132 = %scan3A_123) -> (i32)  : i32 {
        %get3A = arith.index_cast %scan3A_131 : i32 to index
        %get3A_133 = memref.load %arg18[%get3A] : memref<8xf32, #tpu.memory_space<smem>>
        %scan3A_134 = arith.constant 0 : i32
        %scan3A_135 = arith.constant 0 : i32
        %scan3A_136 = arith.constant 13 : i32
        %scan3A_137 = arith.addi %scan3A_135, %scan3A_136 : i32
        %scan3A_138 = arith.constant 1 : i32
        %scan3A_139 = scf.for %scan3A_170 = %scan3A_135 to %scan3A_137 step %scan3A_138 iter_args(%scan3A_171 = %scan3A_134) -> (i32)  : i32 {
          %mul3A_172 = arith.constant 128 : i32
          %mul3A_173 = arith.muli %scan3A_170, %mul3A_172 : i32
          %broadcast_in_dim3A = arith.constant -1.000000e+00 : f32
          %broadcast_in_dim3A_174 = vector.broadcast %broadcast_in_dim3A : f32 to vector<16xf32>
          %add3A_175 = arith.constant 0 : i32
          %add3A_176 = arith.addi %mul3A_173, %add3A_175 : i32
          %get3A_177 = arith.index_cast %scan3A_131 : i32 to index
          %get3A_178 = arith.index_cast %add3A_176 : i32 to index
          %get3A_179 = tpu.vector_load %arg7[%get3A_177, %get3A_178] {strides = array<i32>} : memref<8x1664xf32, #tpu.memory_space<vmem>>, vector<16xf32>,
          %add3A_180 = arith.constant 0 : i32
          %add3A_181 = arith.addi %mul3A_173, %add3A_180 : i32
          %get3A_182 = arith.index_cast %scan3A_131 : i32 to index
          %get3A_183 = arith.index_cast %add3A_181 : i32 to index
          %get3A_184 = tpu.vector_load %arg8[%get3A_182, %get3A_183] {strides = array<i32>} : memref<8x1664xf32, #tpu.memory_space<vmem>>, vector<16xf32>,
          %lt3A_185 = arith.constant 2.500000e-01 : f32
          %lt3A_186 = vector.broadcast %lt3A_185 : f32 to vector<16xf32>
          %lt3A_187 = arith.cmpf olt, %get3A_184, %lt3A_186 : vector<16xf32>
          %jit3A_188 = arith.constant -1.000000e+00 : f32
          %broadcast_in_dim3A_189 = vector.broadcast %jit3A_188 : f32 to vector<16xf32>
          %select_n3A_190 = arith.select %lt3A_187, %get3A_179, %broadcast_in_dim3A_189 : vector<16xi1>, vector<16xf32>
          %max3A = arith.maximumf %broadcast_in_dim3A_174, %select_n3A_190 : vector<16xf32>
          %add3A_191 = arith.constant 16 : i32
          %add3A_192 = arith.addi %mul3A_173, %add3A_191 : i32
          %get3A_193 = arith.index_cast %scan3A_131 : i32 to index
          %get3A_194 = arith.index_cast %add3A_192 : i32 to index
          %get3A_195 = tpu.vector_load %arg7[%get3A_193, %get3A_194] {strides = array<i32>} : memref<8x1664xf32, #tpu.memory_space<vmem>>, vector<16xf32>,
          %add3A_196 = arith.constant 16 : i32
          %add3A_197 = arith.addi %mul3A_173, %add3A_196 : i32
          %get3A_198 = arith.index_cast %scan3A_131 : i32 to index
          %get3A_199 = arith.index_cast %add3A_197 : i32 to index
          %get3A_200 = tpu.vector_load %arg8[%get3A_198, %get3A_199] {strides = array<i32>} : memref<8x1664xf32, #tpu.memory_space<vmem>>, vector<16xf32>,
          %lt3A_201 = arith.constant 2.500000e-01 : f32
          %lt3A_202 = vector.broadcast %lt3A_201 : f32 to vector<16xf32>
          %lt3A_203 = arith.cmpf olt, %get3A_200, %lt3A_202 : vector<16xf32>
          %jit3A_204 = arith.constant -1.000000e+00 : f32
          %broadcast_in_dim3A_205 = vector.broadcast %jit3A_204 : f32 to vector<16xf32>
          %select_n3A_206 = arith.select %lt3A_203, %get3A_195, %broadcast_in_dim3A_205 : vector<16xi1>, vector<16xf32>
          %max3A_207 = arith.maximumf %max3A, %select_n3A_206 : vector<16xf32>
          %add3A_208 = arith.constant 32 : i32
          %add3A_209 = arith.addi %mul3A_173, %add3A_208 : i32
          %get3A_210 = arith.index_cast %scan3A_131 : i32 to index
          %get3A_211 = arith.index_cast %add3A_209 : i32 to index
          %get3A_212 = tpu.vector_load %arg7[%get3A_210, %get3A_211] {strides = array<i32>} : memref<8x1664xf32, #tpu.memory_space<vmem>>, vector<16xf32>,
          %add3A_213 = arith.constant 32 : i32
          %add3A_214 = arith.addi %mul3A_173, %add3A_213 : i32
          %get3A_215 = arith.index_cast %scan3A_131 : i32 to index
          %get3A_216 = arith.index_cast %add3A_214 : i32 to index
          %get3A_217 = tpu.vector_load %arg8[%get3A_215, %get3A_216] {strides = array<i32>} : memref<8x1664xf32, #tpu.memory_space<vmem>>, vector<16xf32>,
          %lt3A_218 = arith.constant 2.500000e-01 : f32
          %lt3A_219 = vector.broadcast %lt3A_218 : f32 to vector<16xf32>
          %lt3A_220 = arith.cmpf olt, %get3A_217, %lt3A_219 : vector<16xf32>
          %jit3A_221 = arith.constant -1.000000e+00 : f32
          %broadcast_in_dim3A_222 = vector.broadcast %jit3A_221 : f32 to vector<16xf32>
          %select_n3A_223 = arith.select %lt3A_220, %get3A_212, %broadcast_in_dim3A_222 : vector<16xi1>, vector<16xf32>
          %max3A_224 = arith.maximumf %max3A_207, %select_n3A_223 : vector<16xf32>
          %add3A_225 = arith.constant 48 : i32
          %add3A_226 = arith.addi %mul3A_173, %add3A_225 : i32
          %get3A_227 = arith.index_cast %scan3A_131 : i32 to index
          %get3A_228 = arith.index_cast %add3A_226 : i32 to index
          %get3A_229 = tpu.vector_load %arg7[%get3A_227, %get3A_228] {strides = array<i32>} : memref<8x1664xf32, #tpu.memory_space<vmem>>, vector<16xf32>,
          %add3A_230 = arith.constant 48 : i32
          %add3A_231 = arith.addi %mul3A_173, %add3A_230 : i32
          %get3A_232 = arith.index_cast %scan3A_131 : i32 to index
          %get3A_233 = arith.index_cast %add3A_231 : i32 to index
          %get3A_234 = tpu.vector_load %arg8[%get3A_232, %get3A_233] {strides = array<i32>} : memref<8x1664xf32, #tpu.memory_space<vmem>>, vector<16xf32>,
          %lt3A_235 = arith.constant 2.500000e-01 : f32
          %lt3A_236 = vector.broadcast %lt3A_235 : f32 to vector<16xf32>
          %lt3A_237 = arith.cmpf olt, %get3A_234, %lt3A_236 : vector<16xf32>
          %jit3A_238 = arith.constant -1.000000e+00 : f32
          %broadcast_in_dim3A_239 = vector.broadcast %jit3A_238 : f32 to vector<16xf32>
          %select_n3A_240 = arith.select %lt3A_237, %get3A_229, %broadcast_in_dim3A_239 : vector<16xi1>, vector<16xf32>
          %max3A_241 = arith.maximumf %max3A_224, %select_n3A_240 : vector<16xf32>
          %add3A_242 = arith.constant 64 : i32
          %add3A_243 = arith.addi %mul3A_173, %add3A_242 : i32
          %get3A_244 = arith.index_cast %scan3A_131 : i32 to index
          %get3A_245 = arith.index_cast %add3A_243 : i32 to index
          %get3A_246 = tpu.vector_load %arg7[%get3A_244, %get3A_245] {strides = array<i32>} : memref<8x1664xf32, #tpu.memory_space<vmem>>, vector<16xf32>,
          %add3A_247 = arith.constant 64 : i32
          %add3A_248 = arith.addi %mul3A_173, %add3A_247 : i32
          %get3A_249 = arith.index_cast %scan3A_131 : i32 to index
          %get3A_250 = arith.index_cast %add3A_248 : i32 to index
          %get3A_251 = tpu.vector_load %arg8[%get3A_249, %get3A_250] {strides = array<i32>} : memref<8x1664xf32, #tpu.memory_space<vmem>>, vector<16xf32>,
          %lt3A_252 = arith.constant 2.500000e-01 : f32
          %lt3A_253 = vector.broadcast %lt3A_252 : f32 to vector<16xf32>
          %lt3A_254 = arith.cmpf olt, %get3A_251, %lt3A_253 : vector<16xf32>
          %jit3A_255 = arith.constant -1.000000e+00 : f32
          %broadcast_in_dim3A_256 = vector.broadcast %jit3A_255 : f32 to vector<16xf32>
          %select_n3A_257 = arith.select %lt3A_254, %get3A_246, %broadcast_in_dim3A_256 : vector<16xi1>, vector<16xf32>
          %max3A_258 = arith.maximumf %max3A_241, %select_n3A_257 : vector<16xf32>
          %add3A_259 = arith.constant 80 : i32
          %add3A_260 = arith.addi %mul3A_173, %add3A_259 : i32
          %get3A_261 = arith.index_cast %scan3A_131 : i32 to index
          %get3A_262 = arith.index_cast %add3A_260 : i32 to index
          %get3A_263 = tpu.vector_load %arg7[%get3A_261, %get3A_262] {strides = array<i32>} : memref<8x1664xf32, #tpu.memory_space<vmem>>, vector<16xf32>,
          %add3A_264 = arith.constant 80 : i32
          %add3A_265 = arith.addi %mul3A_173, %add3A_264 : i32
          %get3A_266 = arith.index_cast %scan3A_131 : i32 to index
          %get3A_267 = arith.index_cast %add3A_265 : i32 to index
          %get3A_268 = tpu.vector_load %arg8[%get3A_266, %get3A_267] {strides = array<i32>} : memref<8x1664xf32, #tpu.memory_space<vmem>>, vector<16xf32>,
          %lt3A_269 = arith.constant 2.500000e-01 : f32
          %lt3A_270 = vector.broadcast %lt3A_269 : f32 to vector<16xf32>
          %lt3A_271 = arith.cmpf olt, %get3A_268, %lt3A_270 : vector<16xf32>
          %jit3A_272 = arith.constant -1.000000e+00 : f32
          %broadcast_in_dim3A_273 = vector.broadcast %jit3A_272 : f32 to vector<16xf32>
          %select_n3A_274 = arith.select %lt3A_271, %get3A_263, %broadcast_in_dim3A_273 : vector<16xi1>, vector<16xf32>
          %max3A_275 = arith.maximumf %max3A_258, %select_n3A_274 : vector<16xf32>
          %add3A_276 = arith.constant 96 : i32
          %add3A_277 = arith.addi %mul3A_173, %add3A_276 : i32
          %get3A_278 = arith.index_cast %scan3A_131 : i32 to index
          %get3A_279 = arith.index_cast %add3A_277 : i32 to index
          %get3A_280 = tpu.vector_load %arg7[%get3A_278, %get3A_279] {strides = array<i32>} : memref<8x1664xf32, #tpu.memory_space<vmem>>, vector<16xf32>,
          %add3A_281 = arith.constant 96 : i32
          %add3A_282 = arith.addi %mul3A_173, %add3A_281 : i32
          %get3A_283 = arith.index_cast %scan3A_131 : i32 to index
          %get3A_284 = arith.index_cast %add3A_282 : i32 to index
          %get3A_285 = tpu.vector_load %arg8[%get3A_283, %get3A_284] {strides = array<i32>} : memref<8x1664xf32, #tpu.memory_space<vmem>>, vector<16xf32>,
          %lt3A_286 = arith.constant 2.500000e-01 : f32
          %lt3A_287 = vector.broadcast %lt3A_286 : f32 to vector<16xf32>
          %lt3A_288 = arith.cmpf olt, %get3A_285, %lt3A_287 : vector<16xf32>
          %jit3A_289 = arith.constant -1.000000e+00 : f32
          %broadcast_in_dim3A_290 = vector.broadcast %jit3A_289 : f32 to vector<16xf32>
          %select_n3A_291 = arith.select %lt3A_288, %get3A_280, %broadcast_in_dim3A_290 : vector<16xi1>, vector<16xf32>
          %max3A_292 = arith.maximumf %max3A_275, %select_n3A_291 : vector<16xf32>
          %add3A_293 = arith.constant 112 : i32
          %add3A_294 = arith.addi %mul3A_173, %add3A_293 : i32
          %get3A_295 = arith.index_cast %scan3A_131 : i32 to index
          %get3A_296 = arith.index_cast %add3A_294 : i32 to index
          %get3A_297 = tpu.vector_load %arg7[%get3A_295, %get3A_296] {strides = array<i32>} : memref<8x1664xf32, #tpu.memory_space<vmem>>, vector<16xf32>,
          %add3A_298 = arith.constant 112 : i32
          %add3A_299 = arith.addi %mul3A_173, %add3A_298 : i32
          %get3A_300 = arith.index_cast %scan3A_131 : i32 to index
          %get3A_301 = arith.index_cast %add3A_299 : i32 to index
          %get3A_302 = tpu.vector_load %arg8[%get3A_300, %get3A_301] {strides = array<i32>} : memref<8x1664xf32, #tpu.memory_space<vmem>>, vector<16xf32>,
          %lt3A_303 = arith.constant 2.500000e-01 : f32
          %lt3A_304 = vector.broadcast %lt3A_303 : f32 to vector<16xf32>
          %lt3A_305 = arith.cmpf olt, %get3A_302, %lt3A_304 : vector<16xf32>
          %jit3A_306 = arith.constant -1.000000e+00 : f32
          %broadcast_in_dim3A_307 = vector.broadcast %jit3A_306 : f32 to vector<16xf32>
          %select_n3A_308 = arith.select %lt3A_305, %get3A_297, %broadcast_in_dim3A_307 : vector<16xi1>, vector<16xf32>
          %max3A_309 = arith.maximumf %max3A_292, %select_n3A_308 : vector<16xf32>
          %reduce_max3A = arith.constant true
          %reduce_max3A_310 = vector.broadcast %reduce_max3A : i1 to vector<16xi1>
          %reduce_max3A_311 = tpu.scan <max>, %max3A_309 masked %reduce_max3A_310 : vector<16xf32>, vector<16xi1> -> vector<16xf32>
          %reduce_max3A_312 = vector.extract %reduce_max3A_311[15] : f32 from vector<16xf32>
          %gt3A = arith.cmpf ogt, %reduce_max3A_312, %get3A_133 : f32
          %convert_element_type3A_313 = arith.extui %gt3A : i1 to i32
          %cond3A_314 = arith.constant 0 : i32
          %cond3A_315 = arith.cmpi ne, %convert_element_type3A_313, %cond3A_314 : i32
          scf.if %cond3A_315 {
            %get3A_317 = arith.constant 0 : i32
            %get3A_318 = arith.index_cast %get3A_317 : i32 to index
            %get3A_319 = memref.load %arg17[%get3A_318] : memref<1xi32, #tpu.memory_space<smem>>
            %swap3A_320 = arith.index_cast %get3A_319 : i32 to index
            %swap3A_321 = memref.load %arg16[%swap3A_320] : memref<16xi32, #tpu.memory_space<smem>>
            memref.store %scan3A_170, %arg16[%swap3A_320] : memref<16xi32, #tpu.memory_space<smem>>
            %add3A_322 = arith.constant 1 : i32
            %add3A_323 = arith.addi %get3A_319, %add3A_322 : i32
            %swap3A_324 = arith.constant 0 : i32
            %swap3A_325 = arith.index_cast %swap3A_324 : i32 to index
            %swap3A_326 = memref.load %arg17[%swap3A_325] : memref<1xi32, #tpu.memory_space<smem>>
            memref.store %add3A_323, %arg17[%swap3A_325] : memref<1xi32, #tpu.memory_space<smem>>
          } else {
          }
          %scan3A_316 = arith.constant 0 : i32
          scf.yield %scan3A_316 : i32
        }
        %scan3A_140 = arith.constant 13 : i32
        %get3A_141 = arith.constant 0 : i32
        %get3A_142 = arith.index_cast %get3A_141 : i32 to index
        %get3A_143 = memref.load %arg17[%get3A_142] : memref<1xi32, #tpu.memory_space<smem>>
        %get3A_144 = arith.index_cast %scan3A_131 : i32 to index
        %get3A_145 = arith.constant 0 : index
        %get3A_146 = tpu.vector_load %arg11[%get3A_144, %get3A_145] {strides = array<i32>} : memref<8x16xf32, #tpu.memory_space<vmem>>, vector<16xf32>,
        %while3A = arith.constant 0 : i32
        %while3A_147 = arith.subi %get3A_143, %while3A : i32
        %while3A_148 = arith.addi %while3A, %while3A_147 : i32
        %while3A_149 = arith.constant 1 : i32
        %while3A_150 = arith.divsi %while3A_147, %while3A_149 : i32
        %while3A_151 = arith.muli %while3A_150, %while3A_149 : i32
        %while3A_152 = arith.addi %while3A, %while3A_151 : i32
        %while3A_153 = arith.constant 1 : i32
        %while3A_154 = scf.for %while3A_170 = %while3A to %while3A_152 step %while3A_153 iter_args(%while3A_171 = %get3A_146) -> (vector<16xf32>)  : i32 {
          %get3A_172 = arith.index_cast %while3A_170 : i32 to index
          %get3A_173 = memref.load %arg16[%get3A_172] : memref<16xi32, #tpu.memory_space<smem>>
          %mul3A_174 = arith.constant 128 : i32
          %mul3A_175 = arith.muli %get3A_173, %mul3A_174 : i32
          %add3A_176 = arith.constant 0 : i32
          %add3A_177 = arith.addi %mul3A_175, %add3A_176 : i32
          %get3A_178 = arith.index_cast %scan3A_131 : i32 to index
          %get3A_179 = arith.index_cast %add3A_177 : i32 to index
          %get3A_180 = tpu.vector_load %arg7[%get3A_178, %get3A_179] {strides = array<i32>} : memref<8x1664xf32, #tpu.memory_space<vmem>>, vector<16xf32>,
          %add3A_181 = arith.constant 0 : i32
          %add3A_182 = arith.addi %mul3A_175, %add3A_181 : i32
          %get3A_183 = arith.index_cast %scan3A_131 : i32 to index
          %get3A_184 = arith.index_cast %add3A_182 : i32 to index
          %get3A_185 = tpu.vector_load %arg8[%get3A_183, %get3A_184] {strides = array<i32>} : memref<8x1664xf32, #tpu.memory_space<vmem>>, vector<16xf32>,
          %lt3A_186 = arith.constant 2.500000e-01 : f32
          %lt3A_187 = vector.broadcast %lt3A_186 : f32 to vector<16xf32>
          %lt3A_188 = arith.cmpf olt, %get3A_185, %lt3A_187 : vector<16xf32>
          %jit3A_189 = arith.constant -1.000000e+00 : f32
          %broadcast_in_dim3A = vector.broadcast %jit3A_189 : f32 to vector<16xf32>
          %select_n3A_190 = arith.select %lt3A_188, %get3A_180, %broadcast_in_dim3A : vector<16xi1>, vector<16xf32>
          %sort3A = arith.constant dense<true> : vector<16xi1>
          %sort3A_191, %sort3A_192, %sort3A_193 = tpu.sort %select_n3A_190, %select_n3A_190 masked %sort3A : (vector<16xf32>, vector<16xf32>, vector<16xi1>) -> (vector<16xi1>, vector<16xf32>, vector<16xf32>)
          %rev3A = arith.constant 15 : i32
          %rev3A_194 = vector.broadcast %rev3A : i32 to vector<16xi32>
          %rev3A_195 = tpu.iota {dimensions = array<i32: 0>} : vector<16xi32>
          %rev3A_196 = arith.subi %rev3A_194, %rev3A_195 : vector<16xi32>
          %rev3A_197 = tpu.dynamic_gather %sort3A_192[%rev3A_196] in [0] : vector<16xf32>, vector<16xi32> -> vector<16xf32>
          %max3A = arith.maximumf %while3A_171, %rev3A_197 : vector<16xf32>
          %sort3A_198 = arith.constant dense<true> : vector<16xi1>
          %sort3A_199, %sort3A_200, %sort3A_201 = tpu.sort %max3A, %max3A masked %sort3A_198 : (vector<16xf32>, vector<16xf32>, vector<16xi1>) -> (vector<16xi1>, vector<16xf32>, vector<16xf32>)
          %add3A_202 = arith.constant 16 : i32
          %add3A_203 = arith.addi %mul3A_175, %add3A_202 : i32
          %get3A_204 = arith.index_cast %scan3A_131 : i32 to index
          %get3A_205 = arith.index_cast %add3A_203 : i32 to index
          %get3A_206 = tpu.vector_load %arg7[%get3A_204, %get3A_205] {strides = array<i32>} : memref<8x1664xf32, #tpu.memory_space<vmem>>, vector<16xf32>,
          %add3A_207 = arith.constant 16 : i32
          %add3A_208 = arith.addi %mul3A_175, %add3A_207 : i32
          %get3A_209 = arith.index_cast %scan3A_131 : i32 to index
          %get3A_210 = arith.index_cast %add3A_208 : i32 to index
          %get3A_211 = tpu.vector_load %arg8[%get3A_209, %get3A_210] {strides = array<i32>} : memref<8x1664xf32, #tpu.memory_space<vmem>>, vector<16xf32>,
          %lt3A_212 = arith.constant 2.500000e-01 : f32
          %lt3A_213 = vector.broadcast %lt3A_212 : f32 to vector<16xf32>
          %lt3A_214 = arith.cmpf olt, %get3A_211, %lt3A_213 : vector<16xf32>
          %jit3A_215 = arith.constant -1.000000e+00 : f32
          %broadcast_in_dim3A_216 = vector.broadcast %jit3A_215 : f32 to vector<16xf32>
          %select_n3A_217 = arith.select %lt3A_214, %get3A_206, %broadcast_in_dim3A_216 : vector<16xi1>, vector<16xf32>
          %sort3A_218 = arith.constant dense<true> : vector<16xi1>
          %sort3A_219, %sort3A_220, %sort3A_221 = tpu.sort %select_n3A_217, %select_n3A_217 masked %sort3A_218 : (vector<16xf32>, vector<16xf32>, vector<16xi1>) -> (vector<16xi1>, vector<16xf32>, vector<16xf32>)
          %rev3A_222 = arith.constant 15 : i32
          %rev3A_223 = vector.broadcast %rev3A_222 : i32 to vector<16xi32>
          %rev3A_224 = tpu.iota {dimensions = array<i32: 0>} : vector<16xi32>
          %rev3A_225 = arith.subi %rev3A_223, %rev3A_224 : vector<16xi32>
          %rev3A_226 = tpu.dynamic_gather %sort3A_220[%rev3A_225] in [0] : vector<16xf32>, vector<16xi32> -> vector<16xf32>
          %max3A_227 = arith.maximumf %sort3A_200, %rev3A_226 : vector<16xf32>
          %sort3A_228 = arith.constant dense<true> : vector<16xi1>
          %sort3A_229, %sort3A_230, %sort3A_231 = tpu.sort %max3A_227, %max3A_227 masked %sort3A_228 : (vector<16xf32>, vector<16xf32>, vector<16xi1>) -> (vector<16xi1>, vector<16xf32>, vector<16xf32>)
          %add3A_232 = arith.constant 32 : i32
          %add3A_233 = arith.addi %mul3A_175, %add3A_232 : i32
          %get3A_234 = arith.index_cast %scan3A_131 : i32 to index
          %get3A_235 = arith.index_cast %add3A_233 : i32 to index
          %get3A_236 = tpu.vector_load %arg7[%get3A_234, %get3A_235] {strides = array<i32>} : memref<8x1664xf32, #tpu.memory_space<vmem>>, vector<16xf32>,
          %add3A_237 = arith.constant 32 : i32
          %add3A_238 = arith.addi %mul3A_175, %add3A_237 : i32
          %get3A_239 = arith.index_cast %scan3A_131 : i32 to index
          %get3A_240 = arith.index_cast %add3A_238 : i32 to index
          %get3A_241 = tpu.vector_load %arg8[%get3A_239, %get3A_240] {strides = array<i32>} : memref<8x1664xf32, #tpu.memory_space<vmem>>, vector<16xf32>,
          %lt3A_242 = arith.constant 2.500000e-01 : f32
          %lt3A_243 = vector.broadcast %lt3A_242 : f32 to vector<16xf32>
          %lt3A_244 = arith.cmpf olt, %get3A_241, %lt3A_243 : vector<16xf32>
          %jit3A_245 = arith.constant -1.000000e+00 : f32
          %broadcast_in_dim3A_246 = vector.broadcast %jit3A_245 : f32 to vector<16xf32>
          %select_n3A_247 = arith.select %lt3A_244, %get3A_236, %broadcast_in_dim3A_246 : vector<16xi1>, vector<16xf32>
          %sort3A_248 = arith.constant dense<true> : vector<16xi1>
          %sort3A_249, %sort3A_250, %sort3A_251 = tpu.sort %select_n3A_247, %select_n3A_247 masked %sort3A_248 : (vector<16xf32>, vector<16xf32>, vector<16xi1>) -> (vector<16xi1>, vector<16xf32>, vector<16xf32>)
          %rev3A_252 = arith.constant 15 : i32
          %rev3A_253 = vector.broadcast %rev3A_252 : i32 to vector<16xi32>
          %rev3A_254 = tpu.iota {dimensions = array<i32: 0>} : vector<16xi32>
          %rev3A_255 = arith.subi %rev3A_253, %rev3A_254 : vector<16xi32>
          %rev3A_256 = tpu.dynamic_gather %sort3A_250[%rev3A_255] in [0] : vector<16xf32>, vector<16xi32> -> vector<16xf32>
          %max3A_257 = arith.maximumf %sort3A_230, %rev3A_256 : vector<16xf32>
          %sort3A_258 = arith.constant dense<true> : vector<16xi1>
          %sort3A_259, %sort3A_260, %sort3A_261 = tpu.sort %max3A_257, %max3A_257 masked %sort3A_258 : (vector<16xf32>, vector<16xf32>, vector<16xi1>) -> (vector<16xi1>, vector<16xf32>, vector<16xf32>)
          %add3A_262 = arith.constant 48 : i32
          %add3A_263 = arith.addi %mul3A_175, %add3A_262 : i32
          %get3A_264 = arith.index_cast %scan3A_131 : i32 to index
          %get3A_265 = arith.index_cast %add3A_263 : i32 to index
          %get3A_266 = tpu.vector_load %arg7[%get3A_264, %get3A_265] {strides = array<i32>} : memref<8x1664xf32, #tpu.memory_space<vmem>>, vector<16xf32>,
          %add3A_267 = arith.constant 48 : i32
          %add3A_268 = arith.addi %mul3A_175, %add3A_267 : i32
          %get3A_269 = arith.index_cast %scan3A_131 : i32 to index
          %get3A_270 = arith.index_cast %add3A_268 : i32 to index
          %get3A_271 = tpu.vector_load %arg8[%get3A_269, %get3A_270] {strides = array<i32>} : memref<8x1664xf32, #tpu.memory_space<vmem>>, vector<16xf32>,
          %lt3A_272 = arith.constant 2.500000e-01 : f32
          %lt3A_273 = vector.broadcast %lt3A_272 : f32 to vector<16xf32>
          %lt3A_274 = arith.cmpf olt, %get3A_271, %lt3A_273 : vector<16xf32>
          %jit3A_275 = arith.constant -1.000000e+00 : f32
          %broadcast_in_dim3A_276 = vector.broadcast %jit3A_275 : f32 to vector<16xf32>
          %select_n3A_277 = arith.select %lt3A_274, %get3A_266, %broadcast_in_dim3A_276 : vector<16xi1>, vector<16xf32>
          %sort3A_278 = arith.constant dense<true> : vector<16xi1>
          %sort3A_279, %sort3A_280, %sort3A_281 = tpu.sort %select_n3A_277, %select_n3A_277 masked %sort3A_278 : (vector<16xf32>, vector<16xf32>, vector<16xi1>) -> (vector<16xi1>, vector<16xf32>, vector<16xf32>)
          %rev3A_282 = arith.constant 15 : i32
          %rev3A_283 = vector.broadcast %rev3A_282 : i32 to vector<16xi32>
          %rev3A_284 = tpu.iota {dimensions = array<i32: 0>} : vector<16xi32>
          %rev3A_285 = arith.subi %rev3A_283, %rev3A_284 : vector<16xi32>
          %rev3A_286 = tpu.dynamic_gather %sort3A_280[%rev3A_285] in [0] : vector<16xf32>, vector<16xi32> -> vector<16xf32>
          %max3A_287 = arith.maximumf %sort3A_260, %rev3A_286 : vector<16xf32>
          %sort3A_288 = arith.constant dense<true> : vector<16xi1>
          %sort3A_289, %sort3A_290, %sort3A_291 = tpu.sort %max3A_287, %max3A_287 masked %sort3A_288 : (vector<16xf32>, vector<16xf32>, vector<16xi1>) -> (vector<16xi1>, vector<16xf32>, vector<16xf32>)
          %add3A_292 = arith.constant 64 : i32
          %add3A_293 = arith.addi %mul3A_175, %add3A_292 : i32
          %get3A_294 = arith.index_cast %scan3A_131 : i32 to index
          %get3A_295 = arith.index_cast %add3A_293 : i32 to index
          %get3A_296 = tpu.vector_load %arg7[%get3A_294, %get3A_295] {strides = array<i32>} : memref<8x1664xf32, #tpu.memory_space<vmem>>, vector<16xf32>,
          %add3A_297 = arith.constant 64 : i32
          %add3A_298 = arith.addi %mul3A_175, %add3A_297 : i32
          %get3A_299 = arith.index_cast %scan3A_131 : i32 to index
          %get3A_300 = arith.index_cast %add3A_298 : i32 to index
          %get3A_301 = tpu.vector_load %arg8[%get3A_299, %get3A_300] {strides = array<i32>} : memref<8x1664xf32, #tpu.memory_space<vmem>>, vector<16xf32>,
          %lt3A_302 = arith.constant 2.500000e-01 : f32
          %lt3A_303 = vector.broadcast %lt3A_302 : f32 to vector<16xf32>
          %lt3A_304 = arith.cmpf olt, %get3A_301, %lt3A_303 : vector<16xf32>
          %jit3A_305 = arith.constant -1.000000e+00 : f32
          %broadcast_in_dim3A_306 = vector.broadcast %jit3A_305 : f32 to vector<16xf32>
          %select_n3A_307 = arith.select %lt3A_304, %get3A_296, %broadcast_in_dim3A_306 : vector<16xi1>, vector<16xf32>
          %sort3A_308 = arith.constant dense<true> : vector<16xi1>
          %sort3A_309, %sort3A_310, %sort3A_311 = tpu.sort %select_n3A_307, %select_n3A_307 masked %sort3A_308 : (vector<16xf32>, vector<16xf32>, vector<16xi1>) -> (vector<16xi1>, vector<16xf32>, vector<16xf32>)
          %rev3A_312 = arith.constant 15 : i32
          %rev3A_313 = vector.broadcast %rev3A_312 : i32 to vector<16xi32>
          %rev3A_314 = tpu.iota {dimensions = array<i32: 0>} : vector<16xi32>
          %rev3A_315 = arith.subi %rev3A_313, %rev3A_314 : vector<16xi32>
          %rev3A_316 = tpu.dynamic_gather %sort3A_310[%rev3A_315] in [0] : vector<16xf32>, vector<16xi32> -> vector<16xf32>
          %max3A_317 = arith.maximumf %sort3A_290, %rev3A_316 : vector<16xf32>
          %sort3A_318 = arith.constant dense<true> : vector<16xi1>
          %sort3A_319, %sort3A_320, %sort3A_321 = tpu.sort %max3A_317, %max3A_317 masked %sort3A_318 : (vector<16xf32>, vector<16xf32>, vector<16xi1>) -> (vector<16xi1>, vector<16xf32>, vector<16xf32>)
          %add3A_322 = arith.constant 80 : i32
          %add3A_323 = arith.addi %mul3A_175, %add3A_322 : i32
          %get3A_324 = arith.index_cast %scan3A_131 : i32 to index
          %get3A_325 = arith.index_cast %add3A_323 : i32 to index
          %get3A_326 = tpu.vector_load %arg7[%get3A_324, %get3A_325] {strides = array<i32>} : memref<8x1664xf32, #tpu.memory_space<vmem>>, vector<16xf32>,
          %add3A_327 = arith.constant 80 : i32
          %add3A_328 = arith.addi %mul3A_175, %add3A_327 : i32
          %get3A_329 = arith.index_cast %scan3A_131 : i32 to index
          %get3A_330 = arith.index_cast %add3A_328 : i32 to index
          %get3A_331 = tpu.vector_load %arg8[%get3A_329, %get3A_330] {strides = array<i32>} : memref<8x1664xf32, #tpu.memory_space<vmem>>, vector<16xf32>,
          %lt3A_332 = arith.constant 2.500000e-01 : f32
          %lt3A_333 = vector.broadcast %lt3A_332 : f32 to vector<16xf32>
          %lt3A_334 = arith.cmpf olt, %get3A_331, %lt3A_333 : vector<16xf32>
          %jit3A_335 = arith.constant -1.000000e+00 : f32
          %broadcast_in_dim3A_336 = vector.broadcast %jit3A_335 : f32 to vector<16xf32>
          %select_n3A_337 = arith.select %lt3A_334, %get3A_326, %broadcast_in_dim3A_336 : vector<16xi1>, vector<16xf32>
          %sort3A_338 = arith.constant dense<true> : vector<16xi1>
          %sort3A_339, %sort3A_340, %sort3A_341 = tpu.sort %select_n3A_337, %select_n3A_337 masked %sort3A_338 : (vector<16xf32>, vector<16xf32>, vector<16xi1>) -> (vector<16xi1>, vector<16xf32>, vector<16xf32>)
          %rev3A_342 = arith.constant 15 : i32
          %rev3A_343 = vector.broadcast %rev3A_342 : i32 to vector<16xi32>
          %rev3A_344 = tpu.iota {dimensions = array<i32: 0>} : vector<16xi32>
          %rev3A_345 = arith.subi %rev3A_343, %rev3A_344 : vector<16xi32>
          %rev3A_346 = tpu.dynamic_gather %sort3A_340[%rev3A_345] in [0] : vector<16xf32>, vector<16xi32> -> vector<16xf32>
          %max3A_347 = arith.maximumf %sort3A_320, %rev3A_346 : vector<16xf32>
          %sort3A_348 = arith.constant dense<true> : vector<16xi1>
          %sort3A_349, %sort3A_350, %sort3A_351 = tpu.sort %max3A_347, %max3A_347 masked %sort3A_348 : (vector<16xf32>, vector<16xf32>, vector<16xi1>) -> (vector<16xi1>, vector<16xf32>, vector<16xf32>)
          %add3A_352 = arith.constant 96 : i32
          %add3A_353 = arith.addi %mul3A_175, %add3A_352 : i32
          %get3A_354 = arith.index_cast %scan3A_131 : i32 to index
          %get3A_355 = arith.index_cast %add3A_353 : i32 to index
          %get3A_356 = tpu.vector_load %arg7[%get3A_354, %get3A_355] {strides = array<i32>} : memref<8x1664xf32, #tpu.memory_space<vmem>>, vector<16xf32>,
          %add3A_357 = arith.constant 96 : i32
          %add3A_358 = arith.addi %mul3A_175, %add3A_357 : i32
          %get3A_359 = arith.index_cast %scan3A_131 : i32 to index
          %get3A_360 = arith.index_cast %add3A_358 : i32 to index
          %get3A_361 = tpu.vector_load %arg8[%get3A_359, %get3A_360] {strides = array<i32>} : memref<8x1664xf32, #tpu.memory_space<vmem>>, vector<16xf32>,
          %lt3A_362 = arith.constant 2.500000e-01 : f32
          %lt3A_363 = vector.broadcast %lt3A_362 : f32 to vector<16xf32>
          %lt3A_364 = arith.cmpf olt, %get3A_361, %lt3A_363 : vector<16xf32>
          %jit3A_365 = arith.constant -1.000000e+00 : f32
          %broadcast_in_dim3A_366 = vector.broadcast %jit3A_365 : f32 to vector<16xf32>
          %select_n3A_367 = arith.select %lt3A_364, %get3A_356, %broadcast_in_dim3A_366 : vector<16xi1>, vector<16xf32>
          %sort3A_368 = arith.constant dense<true> : vector<16xi1>
          %sort3A_369, %sort3A_370, %sort3A_371 = tpu.sort %select_n3A_367, %select_n3A_367 masked %sort3A_368 : (vector<16xf32>, vector<16xf32>, vector<16xi1>) -> (vector<16xi1>, vector<16xf32>, vector<16xf32>)
          %rev3A_372 = arith.constant 15 : i32
          %rev3A_373 = vector.broadcast %rev3A_372 : i32 to vector<16xi32>
          %rev3A_374 = tpu.iota {dimensions = array<i32: 0>} : vector<16xi32>
          %rev3A_375 = arith.subi %rev3A_373, %rev3A_374 : vector<16xi32>
          %rev3A_376 = tpu.dynamic_gather %sort3A_370[%rev3A_375] in [0] : vector<16xf32>, vector<16xi32> -> vector<16xf32>
          %max3A_377 = arith.maximumf %sort3A_350, %rev3A_376 : vector<16xf32>
          %sort3A_378 = arith.constant dense<true> : vector<16xi1>
          %sort3A_379, %sort3A_380, %sort3A_381 = tpu.sort %max3A_377, %max3A_377 masked %sort3A_378 : (vector<16xf32>, vector<16xf32>, vector<16xi1>) -> (vector<16xi1>, vector<16xf32>, vector<16xf32>)
          %add3A_382 = arith.constant 112 : i32
          %add3A_383 = arith.addi %mul3A_175, %add3A_382 : i32
          %get3A_384 = arith.index_cast %scan3A_131 : i32 to index
          %get3A_385 = arith.index_cast %add3A_383 : i32 to index
          %get3A_386 = tpu.vector_load %arg7[%get3A_384, %get3A_385] {strides = array<i32>} : memref<8x1664xf32, #tpu.memory_space<vmem>>, vector<16xf32>,
          %add3A_387 = arith.constant 112 : i32
          %add3A_388 = arith.addi %mul3A_175, %add3A_387 : i32
          %get3A_389 = arith.index_cast %scan3A_131 : i32 to index
          %get3A_390 = arith.index_cast %add3A_388 : i32 to index
          %get3A_391 = tpu.vector_load %arg8[%get3A_389, %get3A_390] {strides = array<i32>} : memref<8x1664xf32, #tpu.memory_space<vmem>>, vector<16xf32>,
          %lt3A_392 = arith.constant 2.500000e-01 : f32
          %lt3A_393 = vector.broadcast %lt3A_392 : f32 to vector<16xf32>
          %lt3A_394 = arith.cmpf olt, %get3A_391, %lt3A_393 : vector<16xf32>
          %jit3A_395 = arith.constant -1.000000e+00 : f32
          %broadcast_in_dim3A_396 = vector.broadcast %jit3A_395 : f32 to vector<16xf32>
          %select_n3A_397 = arith.select %lt3A_394, %get3A_386, %broadcast_in_dim3A_396 : vector<16xi1>, vector<16xf32>
          %sort3A_398 = arith.constant dense<true> : vector<16xi1>
          %sort3A_399, %sort3A_400, %sort3A_401 = tpu.sort %select_n3A_397, %select_n3A_397 masked %sort3A_398 : (vector<16xf32>, vector<16xf32>, vector<16xi1>) -> (vector<16xi1>, vector<16xf32>, vector<16xf32>)
          %rev3A_402 = arith.constant 15 : i32
          %rev3A_403 = vector.broadcast %rev3A_402 : i32 to vector<16xi32>
          %rev3A_404 = tpu.iota {dimensions = array<i32: 0>} : vector<16xi32>
          %rev3A_405 = arith.subi %rev3A_403, %rev3A_404 : vector<16xi32>
          %rev3A_406 = tpu.dynamic_gather %sort3A_400[%rev3A_405] in [0] : vector<16xf32>, vector<16xi32> -> vector<16xf32>
          %max3A_407 = arith.maximumf %sort3A_380, %rev3A_406 : vector<16xf32>
          %sort3A_408 = arith.constant dense<true> : vector<16xi1>
          %sort3A_409, %sort3A_410, %sort3A_411 = tpu.sort %max3A_407, %max3A_407 masked %sort3A_408 : (vector<16xf32>, vector<16xf32>, vector<16xi1>) -> (vector<16xi1>, vector<16xf32>, vector<16xf32>)
          scf.yield %sort3A_410 : vector<16xf32>
        }
        %while3A_155 = arith.constant 1 : i32
        %while3A_156 = scf.for %while3A_170 = %while3A_152 to %while3A_148 step %while3A_155 iter_args(%while3A_171 = %while3A_154) -> (vector<16xf32>)  : i32 {
          %get3A_172 = arith.index_cast %while3A_170 : i32 to index
          %get3A_173 = memref.load %arg16[%get3A_172] : memref<16xi32, #tpu.memory_space<smem>>
          %mul3A_174 = arith.constant 128 : i32
          %mul3A_175 = arith.muli %get3A_173, %mul3A_174 : i32
          %add3A_176 = arith.constant 0 : i32
          %add3A_177 = arith.addi %mul3A_175, %add3A_176 : i32
          %get3A_178 = arith.index_cast %scan3A_131 : i32 to index
          %get3A_179 = arith.index_cast %add3A_177 : i32 to index
          %get3A_180 = tpu.vector_load %arg7[%get3A_178, %get3A_179] {strides = array<i32>} : memref<8x1664xf32, #tpu.memory_space<vmem>>, vector<16xf32>,
          %add3A_181 = arith.constant 0 : i32
          %add3A_182 = arith.addi %mul3A_175, %add3A_181 : i32
          %get3A_183 = arith.index_cast %scan3A_131 : i32 to index
          %get3A_184 = arith.index_cast %add3A_182 : i32 to index
          %get3A_185 = tpu.vector_load %arg8[%get3A_183, %get3A_184] {strides = array<i32>} : memref<8x1664xf32, #tpu.memory_space<vmem>>, vector<16xf32>,
          %lt3A_186 = arith.constant 2.500000e-01 : f32
          %lt3A_187 = vector.broadcast %lt3A_186 : f32 to vector<16xf32>
          %lt3A_188 = arith.cmpf olt, %get3A_185, %lt3A_187 : vector<16xf32>
          %jit3A_189 = arith.constant -1.000000e+00 : f32
          %broadcast_in_dim3A = vector.broadcast %jit3A_189 : f32 to vector<16xf32>
          %select_n3A_190 = arith.select %lt3A_188, %get3A_180, %broadcast_in_dim3A : vector<16xi1>, vector<16xf32>
          %sort3A = arith.constant dense<true> : vector<16xi1>
          %sort3A_191, %sort3A_192, %sort3A_193 = tpu.sort %select_n3A_190, %select_n3A_190 masked %sort3A : (vector<16xf32>, vector<16xf32>, vector<16xi1>) -> (vector<16xi1>, vector<16xf32>, vector<16xf32>)
          %rev3A = arith.constant 15 : i32
          %rev3A_194 = vector.broadcast %rev3A : i32 to vector<16xi32>
          %rev3A_195 = tpu.iota {dimensions = array<i32: 0>} : vector<16xi32>
          %rev3A_196 = arith.subi %rev3A_194, %rev3A_195 : vector<16xi32>
          %rev3A_197 = tpu.dynamic_gather %sort3A_192[%rev3A_196] in [0] : vector<16xf32>, vector<16xi32> -> vector<16xf32>
          %max3A = arith.maximumf %while3A_171, %rev3A_197 : vector<16xf32>
          %sort3A_198 = arith.constant dense<true> : vector<16xi1>
          %sort3A_199, %sort3A_200, %sort3A_201 = tpu.sort %max3A, %max3A masked %sort3A_198 : (vector<16xf32>, vector<16xf32>, vector<16xi1>) -> (vector<16xi1>, vector<16xf32>, vector<16xf32>)
          %add3A_202 = arith.constant 16 : i32
          %add3A_203 = arith.addi %mul3A_175, %add3A_202 : i32
          %get3A_204 = arith.index_cast %scan3A_131 : i32 to index
          %get3A_205 = arith.index_cast %add3A_203 : i32 to index
          %get3A_206 = tpu.vector_load %arg7[%get3A_204, %get3A_205] {strides = array<i32>} : memref<8x1664xf32, #tpu.memory_space<vmem>>, vector<16xf32>,
          %add3A_207 = arith.constant 16 : i32
          %add3A_208 = arith.addi %mul3A_175, %add3A_207 : i32
          %get3A_209 = arith.index_cast %scan3A_131 : i32 to index
          %get3A_210 = arith.index_cast %add3A_208 : i32 to index
          %get3A_211 = tpu.vector_load %arg8[%get3A_209, %get3A_210] {strides = array<i32>} : memref<8x1664xf32, #tpu.memory_space<vmem>>, vector<16xf32>,
          %lt3A_212 = arith.constant 2.500000e-01 : f32
          %lt3A_213 = vector.broadcast %lt3A_212 : f32 to vector<16xf32>
          %lt3A_214 = arith.cmpf olt, %get3A_211, %lt3A_213 : vector<16xf32>
          %jit3A_215 = arith.constant -1.000000e+00 : f32
          %broadcast_in_dim3A_216 = vector.broadcast %jit3A_215 : f32 to vector<16xf32>
          %select_n3A_217 = arith.select %lt3A_214, %get3A_206, %broadcast_in_dim3A_216 : vector<16xi1>, vector<16xf32>
          %sort3A_218 = arith.constant dense<true> : vector<16xi1>
          %sort3A_219, %sort3A_220, %sort3A_221 = tpu.sort %select_n3A_217, %select_n3A_217 masked %sort3A_218 : (vector<16xf32>, vector<16xf32>, vector<16xi1>) -> (vector<16xi1>, vector<16xf32>, vector<16xf32>)
          %rev3A_222 = arith.constant 15 : i32
          %rev3A_223 = vector.broadcast %rev3A_222 : i32 to vector<16xi32>
          %rev3A_224 = tpu.iota {dimensions = array<i32: 0>} : vector<16xi32>
          %rev3A_225 = arith.subi %rev3A_223, %rev3A_224 : vector<16xi32>
          %rev3A_226 = tpu.dynamic_gather %sort3A_220[%rev3A_225] in [0] : vector<16xf32>, vector<16xi32> -> vector<16xf32>
          %max3A_227 = arith.maximumf %sort3A_200, %rev3A_226 : vector<16xf32>
          %sort3A_228 = arith.constant dense<true> : vector<16xi1>
          %sort3A_229, %sort3A_230, %sort3A_231 = tpu.sort %max3A_227, %max3A_227 masked %sort3A_228 : (vector<16xf32>, vector<16xf32>, vector<16xi1>) -> (vector<16xi1>, vector<16xf32>, vector<16xf32>)
          %add3A_232 = arith.constant 32 : i32
          %add3A_233 = arith.addi %mul3A_175, %add3A_232 : i32
          %get3A_234 = arith.index_cast %scan3A_131 : i32 to index
          %get3A_235 = arith.index_cast %add3A_233 : i32 to index
          %get3A_236 = tpu.vector_load %arg7[%get3A_234, %get3A_235] {strides = array<i32>} : memref<8x1664xf32, #tpu.memory_space<vmem>>, vector<16xf32>,
          %add3A_237 = arith.constant 32 : i32
          %add3A_238 = arith.addi %mul3A_175, %add3A_237 : i32
          %get3A_239 = arith.index_cast %scan3A_131 : i32 to index
          %get3A_240 = arith.index_cast %add3A_238 : i32 to index
          %get3A_241 = tpu.vector_load %arg8[%get3A_239, %get3A_240] {strides = array<i32>} : memref<8x1664xf32, #tpu.memory_space<vmem>>, vector<16xf32>,
          %lt3A_242 = arith.constant 2.500000e-01 : f32
          %lt3A_243 = vector.broadcast %lt3A_242 : f32 to vector<16xf32>
          %lt3A_244 = arith.cmpf olt, %get3A_241, %lt3A_243 : vector<16xf32>
          %jit3A_245 = arith.constant -1.000000e+00 : f32
          %broadcast_in_dim3A_246 = vector.broadcast %jit3A_245 : f32 to vector<16xf32>
          %select_n3A_247 = arith.select %lt3A_244, %get3A_236, %broadcast_in_dim3A_246 : vector<16xi1>, vector<16xf32>
          %sort3A_248 = arith.constant dense<true> : vector<16xi1>
          %sort3A_249, %sort3A_250, %sort3A_251 = tpu.sort %select_n3A_247, %select_n3A_247 masked %sort3A_248 : (vector<16xf32>, vector<16xf32>, vector<16xi1>) -> (vector<16xi1>, vector<16xf32>, vector<16xf32>)
          %rev3A_252 = arith.constant 15 : i32
          %rev3A_253 = vector.broadcast %rev3A_252 : i32 to vector<16xi32>
          %rev3A_254 = tpu.iota {dimensions = array<i32: 0>} : vector<16xi32>
          %rev3A_255 = arith.subi %rev3A_253, %rev3A_254 : vector<16xi32>
          %rev3A_256 = tpu.dynamic_gather %sort3A_250[%rev3A_255] in [0] : vector<16xf32>, vector<16xi32> -> vector<16xf32>
          %max3A_257 = arith.maximumf %sort3A_230, %rev3A_256 : vector<16xf32>
          %sort3A_258 = arith.constant dense<true> : vector<16xi1>
          %sort3A_259, %sort3A_260, %sort3A_261 = tpu.sort %max3A_257, %max3A_257 masked %sort3A_258 : (vector<16xf32>, vector<16xf32>, vector<16xi1>) -> (vector<16xi1>, vector<16xf32>, vector<16xf32>)
          %add3A_262 = arith.constant 48 : i32
          %add3A_263 = arith.addi %mul3A_175, %add3A_262 : i32
          %get3A_264 = arith.index_cast %scan3A_131 : i32 to index
          %get3A_265 = arith.index_cast %add3A_263 : i32 to index
          %get3A_266 = tpu.vector_load %arg7[%get3A_264, %get3A_265] {strides = array<i32>} : memref<8x1664xf32, #tpu.memory_space<vmem>>, vector<16xf32>,
          %add3A_267 = arith.constant 48 : i32
          %add3A_268 = arith.addi %mul3A_175, %add3A_267 : i32
          %get3A_269 = arith.index_cast %scan3A_131 : i32 to index
          %get3A_270 = arith.index_cast %add3A_268 : i32 to index
          %get3A_271 = tpu.vector_load %arg8[%get3A_269, %get3A_270] {strides = array<i32>} : memref<8x1664xf32, #tpu.memory_space<vmem>>, vector<16xf32>,
          %lt3A_272 = arith.constant 2.500000e-01 : f32
          %lt3A_273 = vector.broadcast %lt3A_272 : f32 to vector<16xf32>
          %lt3A_274 = arith.cmpf olt, %get3A_271, %lt3A_273 : vector<16xf32>
          %jit3A_275 = arith.constant -1.000000e+00 : f32
          %broadcast_in_dim3A_276 = vector.broadcast %jit3A_275 : f32 to vector<16xf32>
          %select_n3A_277 = arith.select %lt3A_274, %get3A_266, %broadcast_in_dim3A_276 : vector<16xi1>, vector<16xf32>
          %sort3A_278 = arith.constant dense<true> : vector<16xi1>
          %sort3A_279, %sort3A_280, %sort3A_281 = tpu.sort %select_n3A_277, %select_n3A_277 masked %sort3A_278 : (vector<16xf32>, vector<16xf32>, vector<16xi1>) -> (vector<16xi1>, vector<16xf32>, vector<16xf32>)
          %rev3A_282 = arith.constant 15 : i32
          %rev3A_283 = vector.broadcast %rev3A_282 : i32 to vector<16xi32>
          %rev3A_284 = tpu.iota {dimensions = array<i32: 0>} : vector<16xi32>
          %rev3A_285 = arith.subi %rev3A_283, %rev3A_284 : vector<16xi32>
          %rev3A_286 = tpu.dynamic_gather %sort3A_280[%rev3A_285] in [0] : vector<16xf32>, vector<16xi32> -> vector<16xf32>
          %max3A_287 = arith.maximumf %sort3A_260, %rev3A_286 : vector<16xf32>
          %sort3A_288 = arith.constant dense<true> : vector<16xi1>
          %sort3A_289, %sort3A_290, %sort3A_291 = tpu.sort %max3A_287, %max3A_287 masked %sort3A_288 : (vector<16xf32>, vector<16xf32>, vector<16xi1>) -> (vector<16xi1>, vector<16xf32>, vector<16xf32>)
          %add3A_292 = arith.constant 64 : i32
          %add3A_293 = arith.addi %mul3A_175, %add3A_292 : i32
          %get3A_294 = arith.index_cast %scan3A_131 : i32 to index
          %get3A_295 = arith.index_cast %add3A_293 : i32 to index
          %get3A_296 = tpu.vector_load %arg7[%get3A_294, %get3A_295] {strides = array<i32>} : memref<8x1664xf32, #tpu.memory_space<vmem>>, vector<16xf32>,
          %add3A_297 = arith.constant 64 : i32
          %add3A_298 = arith.addi %mul3A_175, %add3A_297 : i32
          %get3A_299 = arith.index_cast %scan3A_131 : i32 to index
          %get3A_300 = arith.index_cast %add3A_298 : i32 to index
          %get3A_301 = tpu.vector_load %arg8[%get3A_299, %get3A_300] {strides = array<i32>} : memref<8x1664xf32, #tpu.memory_space<vmem>>, vector<16xf32>,
          %lt3A_302 = arith.constant 2.500000e-01 : f32
          %lt3A_303 = vector.broadcast %lt3A_302 : f32 to vector<16xf32>
          %lt3A_304 = arith.cmpf olt, %get3A_301, %lt3A_303 : vector<16xf32>
          %jit3A_305 = arith.constant -1.000000e+00 : f32
          %broadcast_in_dim3A_306 = vector.broadcast %jit3A_305 : f32 to vector<16xf32>
          %select_n3A_307 = arith.select %lt3A_304, %get3A_296, %broadcast_in_dim3A_306 : vector<16xi1>, vector<16xf32>
          %sort3A_308 = arith.constant dense<true> : vector<16xi1>
          %sort3A_309, %sort3A_310, %sort3A_311 = tpu.sort %select_n3A_307, %select_n3A_307 masked %sort3A_308 : (vector<16xf32>, vector<16xf32>, vector<16xi1>) -> (vector<16xi1>, vector<16xf32>, vector<16xf32>)
          %rev3A_312 = arith.constant 15 : i32
          %rev3A_313 = vector.broadcast %rev3A_312 : i32 to vector<16xi32>
          %rev3A_314 = tpu.iota {dimensions = array<i32: 0>} : vector<16xi32>
          %rev3A_315 = arith.subi %rev3A_313, %rev3A_314 : vector<16xi32>
          %rev3A_316 = tpu.dynamic_gather %sort3A_310[%rev3A_315] in [0] : vector<16xf32>, vector<16xi32> -> vector<16xf32>
          %max3A_317 = arith.maximumf %sort3A_290, %rev3A_316 : vector<16xf32>
          %sort3A_318 = arith.constant dense<true> : vector<16xi1>
          %sort3A_319, %sort3A_320, %sort3A_321 = tpu.sort %max3A_317, %max3A_317 masked %sort3A_318 : (vector<16xf32>, vector<16xf32>, vector<16xi1>) -> (vector<16xi1>, vector<16xf32>, vector<16xf32>)
          %add3A_322 = arith.constant 80 : i32
          %add3A_323 = arith.addi %mul3A_175, %add3A_322 : i32
          %get3A_324 = arith.index_cast %scan3A_131 : i32 to index
          %get3A_325 = arith.index_cast %add3A_323 : i32 to index
          %get3A_326 = tpu.vector_load %arg7[%get3A_324, %get3A_325] {strides = array<i32>} : memref<8x1664xf32, #tpu.memory_space<vmem>>, vector<16xf32>,
          %add3A_327 = arith.constant 80 : i32
          %add3A_328 = arith.addi %mul3A_175, %add3A_327 : i32
          %get3A_329 = arith.index_cast %scan3A_131 : i32 to index
          %get3A_330 = arith.index_cast %add3A_328 : i32 to index
          %get3A_331 = tpu.vector_load %arg8[%get3A_329, %get3A_330] {strides = array<i32>} : memref<8x1664xf32, #tpu.memory_space<vmem>>, vector<16xf32>,
          %lt3A_332 = arith.constant 2.500000e-01 : f32
          %lt3A_333 = vector.broadcast %lt3A_332 : f32 to vector<16xf32>
          %lt3A_334 = arith.cmpf olt, %get3A_331, %lt3A_333 : vector<16xf32>
          %jit3A_335 = arith.constant -1.000000e+00 : f32
          %broadcast_in_dim3A_336 = vector.broadcast %jit3A_335 : f32 to vector<16xf32>
          %select_n3A_337 = arith.select %lt3A_334, %get3A_326, %broadcast_in_dim3A_336 : vector<16xi1>, vector<16xf32>
          %sort3A_338 = arith.constant dense<true> : vector<16xi1>
          %sort3A_339, %sort3A_340, %sort3A_341 = tpu.sort %select_n3A_337, %select_n3A_337 masked %sort3A_338 : (vector<16xf32>, vector<16xf32>, vector<16xi1>) -> (vector<16xi1>, vector<16xf32>, vector<16xf32>)
          %rev3A_342 = arith.constant 15 : i32
          %rev3A_343 = vector.broadcast %rev3A_342 : i32 to vector<16xi32>
          %rev3A_344 = tpu.iota {dimensions = array<i32: 0>} : vector<16xi32>
          %rev3A_345 = arith.subi %rev3A_343, %rev3A_344 : vector<16xi32>
          %rev3A_346 = tpu.dynamic_gather %sort3A_340[%rev3A_345] in [0] : vector<16xf32>, vector<16xi32> -> vector<16xf32>
          %max3A_347 = arith.maximumf %sort3A_320, %rev3A_346 : vector<16xf32>
          %sort3A_348 = arith.constant dense<true> : vector<16xi1>
          %sort3A_349, %sort3A_350, %sort3A_351 = tpu.sort %max3A_347, %max3A_347 masked %sort3A_348 : (vector<16xf32>, vector<16xf32>, vector<16xi1>) -> (vector<16xi1>, vector<16xf32>, vector<16xf32>)
          %add3A_352 = arith.constant 96 : i32
          %add3A_353 = arith.addi %mul3A_175, %add3A_352 : i32
          %get3A_354 = arith.index_cast %scan3A_131 : i32 to index
          %get3A_355 = arith.index_cast %add3A_353 : i32 to index
          %get3A_356 = tpu.vector_load %arg7[%get3A_354, %get3A_355] {strides = array<i32>} : memref<8x1664xf32, #tpu.memory_space<vmem>>, vector<16xf32>,
          %add3A_357 = arith.constant 96 : i32
          %add3A_358 = arith.addi %mul3A_175, %add3A_357 : i32
          %get3A_359 = arith.index_cast %scan3A_131 : i32 to index
          %get3A_360 = arith.index_cast %add3A_358 : i32 to index
          %get3A_361 = tpu.vector_load %arg8[%get3A_359, %get3A_360] {strides = array<i32>} : memref<8x1664xf32, #tpu.memory_space<vmem>>, vector<16xf32>,
          %lt3A_362 = arith.constant 2.500000e-01 : f32
          %lt3A_363 = vector.broadcast %lt3A_362 : f32 to vector<16xf32>
          %lt3A_364 = arith.cmpf olt, %get3A_361, %lt3A_363 : vector<16xf32>
          %jit3A_365 = arith.constant -1.000000e+00 : f32
          %broadcast_in_dim3A_366 = vector.broadcast %jit3A_365 : f32 to vector<16xf32>
          %select_n3A_367 = arith.select %lt3A_364, %get3A_356, %broadcast_in_dim3A_366 : vector<16xi1>, vector<16xf32>
          %sort3A_368 = arith.constant dense<true> : vector<16xi1>
          %sort3A_369, %sort3A_370, %sort3A_371 = tpu.sort %select_n3A_367, %select_n3A_367 masked %sort3A_368 : (vector<16xf32>, vector<16xf32>, vector<16xi1>) -> (vector<16xi1>, vector<16xf32>, vector<16xf32>)
          %rev3A_372 = arith.constant 15 : i32
          %rev3A_373 = vector.broadcast %rev3A_372 : i32 to vector<16xi32>
          %rev3A_374 = tpu.iota {dimensions = array<i32: 0>} : vector<16xi32>
          %rev3A_375 = arith.subi %rev3A_373, %rev3A_374 : vector<16xi32>
          %rev3A_376 = tpu.dynamic_gather %sort3A_370[%rev3A_375] in [0] : vector<16xf32>, vector<16xi32> -> vector<16xf32>
          %max3A_377 = arith.maximumf %sort3A_350, %rev3A_376 : vector<16xf32>
          %sort3A_378 = arith.constant dense<true> : vector<16xi1>
          %sort3A_379, %sort3A_380, %sort3A_381 = tpu.sort %max3A_377, %max3A_377 masked %sort3A_378 : (vector<16xf32>, vector<16xf32>, vector<16xi1>) -> (vector<16xi1>, vector<16xf32>, vector<16xf32>)
          %add3A_382 = arith.constant 112 : i32
          %add3A_383 = arith.addi %mul3A_175, %add3A_382 : i32
          %get3A_384 = arith.index_cast %scan3A_131 : i32 to index
          %get3A_385 = arith.index_cast %add3A_383 : i32 to index
          %get3A_386 = tpu.vector_load %arg7[%get3A_384, %get3A_385] {strides = array<i32>} : memref<8x1664xf32, #tpu.memory_space<vmem>>, vector<16xf32>,
          %add3A_387 = arith.constant 112 : i32
          %add3A_388 = arith.addi %mul3A_175, %add3A_387 : i32
          %get3A_389 = arith.index_cast %scan3A_131 : i32 to index
          %get3A_390 = arith.index_cast %add3A_388 : i32 to index
          %get3A_391 = tpu.vector_load %arg8[%get3A_389, %get3A_390] {strides = array<i32>} : memref<8x1664xf32, #tpu.memory_space<vmem>>, vector<16xf32>,
          %lt3A_392 = arith.constant 2.500000e-01 : f32
          %lt3A_393 = vector.broadcast %lt3A_392 : f32 to vector<16xf32>
          %lt3A_394 = arith.cmpf olt, %get3A_391, %lt3A_393 : vector<16xf32>
          %jit3A_395 = arith.constant -1.000000e+00 : f32
          %broadcast_in_dim3A_396 = vector.broadcast %jit3A_395 : f32 to vector<16xf32>
          %select_n3A_397 = arith.select %lt3A_394, %get3A_386, %broadcast_in_dim3A_396 : vector<16xi1>, vector<16xf32>
          %sort3A_398 = arith.constant dense<true> : vector<16xi1>
          %sort3A_399, %sort3A_400, %sort3A_401 = tpu.sort %select_n3A_397, %select_n3A_397 masked %sort3A_398 : (vector<16xf32>, vector<16xf32>, vector<16xi1>) -> (vector<16xi1>, vector<16xf32>, vector<16xf32>)
          %rev3A_402 = arith.constant 15 : i32
          %rev3A_403 = vector.broadcast %rev3A_402 : i32 to vector<16xi32>
          %rev3A_404 = tpu.iota {dimensions = array<i32: 0>} : vector<16xi32>
          %rev3A_405 = arith.subi %rev3A_403, %rev3A_404 : vector<16xi32>
          %rev3A_406 = tpu.dynamic_gather %sort3A_400[%rev3A_405] in [0] : vector<16xf32>, vector<16xi32> -> vector<16xf32>
          %max3A_407 = arith.maximumf %sort3A_380, %rev3A_406 : vector<16xf32>
          %sort3A_408 = arith.constant dense<true> : vector<16xi1>
          %sort3A_409, %sort3A_410, %sort3A_411 = tpu.sort %max3A_407, %max3A_407 masked %sort3A_408 : (vector<16xf32>, vector<16xf32>, vector<16xi1>) -> (vector<16xi1>, vector<16xf32>, vector<16xf32>)
          scf.yield %sort3A_410 : vector<16xf32>
        }
        %swap3A_157 = arith.constant 0 : i32
        %swap3A_158 = arith.constant 0 : i32
        %swap3A_159 = arith.index_cast %swap3A_158 : i32 to index
        %swap3A_160 = memref.load %arg17[%swap3A_159] : memref<1xi32, #tpu.memory_space<smem>>
        memref.store %swap3A_157, %arg17[%swap3A_159] : memref<1xi32, #tpu.memory_space<smem>>
        %swap3A_161 = arith.index_cast %scan3A_131 : i32 to index
        %swap3A_162 = arith.constant 0 : index
        %swap3A_163 = tpu.vector_load %arg11[%swap3A_161, %swap3A_162] {strides = array<i32>} : memref<8x16xf32, #tpu.memory_space<vmem>>, vector<16xf32>,
        tpu.vector_store %arg11[%swap3A_161, %swap3A_162], %while3A_156 {strides = array<i32>} : memref<8x16xf32, #tpu.memory_space<vmem>>, vector<16xf32>,
        %reduce_min3A = arith.constant true
        %reduce_min3A_164 = vector.broadcast %reduce_min3A : i1 to vector<16xi1>
        %reduce_min3A_165 = tpu.scan <min>, %while3A_156 masked %reduce_min3A_164 : vector<16xf32>, vector<16xi1> -> vector<16xf32>
        %reduce_min3A_166 = vector.extract %reduce_min3A_165[15] : f32 from vector<16xf32>
        %swap3A_167 = arith.index_cast %scan3A_131 : i32 to index
        %swap3A_168 = memref.load %arg18[%swap3A_167] : memref<8xf32, #tpu.memory_space<smem>>
        memref.store %reduce_min3A_166, %arg18[%swap3A_167] : memref<8xf32, #tpu.memory_space<smem>>
        %scan3A_169 = arith.constant 0 : i32
        scf.yield %scan3A_169 : i32
      }
      %scan3A_129 = arith.constant 8 : i32
      %scan3A_130 = arith.constant 0 : i32
      scf.yield %scan3A_130 : i32
    }
    %scan3A_53 = arith.constant 7 : i32
    %add3A_54 = arith.constant 23296 : i32
    %add3A_55 = arith.addi %mul3A_34, %add3A_54 : i32
    %dma_wait3A = tpu.memref_slice %arg2[%mul3A_32, %add3A_55] : memref<64x100000xf32, #tpu.memory_space<hbm>> -> memref<8x1664xf32, #tpu.memory_space<hbm>>
    %dma_wait3A_56 = tpu.memref_slice %arg2[%mul3A_32, %add3A_55] : memref<64x100000xf32, #tpu.memory_space<hbm>> -> memref<8x1664xf32, #tpu.memory_space<hbm>>
    tpu.wait_dma2 semaphore(%arg19 : memref<!tpu.dma_semaphore, #tpu.memory_space<semaphore_mem>>) src(%dma_wait3A_56 : memref<8x1664xf32, #tpu.memory_space<hbm>>) dst(%arg5 : memref<8x1664xf32, #tpu.memory_space<vmem>>)
    %dma_wait3A_57 = tpu.memref_slice %arg3[%mul3A_32, %add3A_55] : memref<64x100000xf32, #tpu.memory_space<hbm>> -> memref<8x1664xf32, #tpu.memory_space<hbm>>
    %dma_wait3A_58 = tpu.memref_slice %arg3[%mul3A_32, %add3A_55] : memref<64x100000xf32, #tpu.memory_space<hbm>> -> memref<8x1664xf32, #tpu.memory_space<hbm>>
    tpu.wait_dma2 semaphore(%arg19 : memref<!tpu.dma_semaphore, #tpu.memory_space<semaphore_mem>>) src(%dma_wait3A_58 : memref<8x1664xf32, #tpu.memory_space<hbm>>) dst(%arg6 : memref<8x1664xf32, #tpu.memory_space<vmem>>)
    %scan3A_59 = arith.constant 0 : i32
    %scan3A_60 = arith.constant 0 : i32
    %scan3A_61 = arith.constant 8 : i32
    %scan3A_62 = arith.addi %scan3A_60, %scan3A_61 : i32
    %scan3A_63 = arith.constant 1 : i32
    %scan3A_64 = scf.for %scan3A_81 = %scan3A_60 to %scan3A_62 step %scan3A_63 iter_args(%scan3A_82 = %scan3A_59) -> (i32)  : i32 {
      %get3A = arith.index_cast %scan3A_81 : i32 to index
      %get3A_83 = memref.load %arg18[%get3A] : memref<8xf32, #tpu.memory_space<smem>>
      %scan3A_84 = arith.constant 0 : i32
      %scan3A_85 = arith.constant 0 : i32
      %scan3A_86 = arith.constant 13 : i32
      %scan3A_87 = arith.addi %scan3A_85, %scan3A_86 : i32
      %scan3A_88 = arith.constant 1 : i32
      %scan3A_89 = scf.for %scan3A_120 = %scan3A_85 to %scan3A_87 step %scan3A_88 iter_args(%scan3A_121 = %scan3A_84) -> (i32)  : i32 {
        %mul3A_122 = arith.constant 128 : i32
        %mul3A_123 = arith.muli %scan3A_120, %mul3A_122 : i32
        %broadcast_in_dim3A = arith.constant -1.000000e+00 : f32
        %broadcast_in_dim3A_124 = vector.broadcast %broadcast_in_dim3A : f32 to vector<16xf32>
        %add3A_125 = arith.constant 0 : i32
        %add3A_126 = arith.addi %mul3A_123, %add3A_125 : i32
        %get3A_127 = arith.index_cast %scan3A_81 : i32 to index
        %get3A_128 = arith.index_cast %add3A_126 : i32 to index
        %get3A_129 = tpu.vector_load %arg5[%get3A_127, %get3A_128] {strides = array<i32>} : memref<8x1664xf32, #tpu.memory_space<vmem>>, vector<16xf32>,
        %add3A_130 = arith.constant 0 : i32
        %add3A_131 = arith.addi %mul3A_123, %add3A_130 : i32
        %get3A_132 = arith.index_cast %scan3A_81 : i32 to index
        %get3A_133 = arith.index_cast %add3A_131 : i32 to index
        %get3A_134 = tpu.vector_load %arg6[%get3A_132, %get3A_133] {strides = array<i32>} : memref<8x1664xf32, #tpu.memory_space<vmem>>, vector<16xf32>,
        %lt3A_135 = arith.constant 2.500000e-01 : f32
        %lt3A_136 = vector.broadcast %lt3A_135 : f32 to vector<16xf32>
        %lt3A_137 = arith.cmpf olt, %get3A_134, %lt3A_136 : vector<16xf32>
        %jit3A_138 = arith.constant -1.000000e+00 : f32
        %broadcast_in_dim3A_139 = vector.broadcast %jit3A_138 : f32 to vector<16xf32>
        %select_n3A_140 = arith.select %lt3A_137, %get3A_129, %broadcast_in_dim3A_139 : vector<16xi1>, vector<16xf32>
        %max3A = arith.maximumf %broadcast_in_dim3A_124, %select_n3A_140 : vector<16xf32>
        %add3A_141 = arith.constant 16 : i32
        %add3A_142 = arith.addi %mul3A_123, %add3A_141 : i32
        %get3A_143 = arith.index_cast %scan3A_81 : i32 to index
        %get3A_144 = arith.index_cast %add3A_142 : i32 to index
        %get3A_145 = tpu.vector_load %arg5[%get3A_143, %get3A_144] {strides = array<i32>} : memref<8x1664xf32, #tpu.memory_space<vmem>>, vector<16xf32>,
        %add3A_146 = arith.constant 16 : i32
        %add3A_147 = arith.addi %mul3A_123, %add3A_146 : i32
        %get3A_148 = arith.index_cast %scan3A_81 : i32 to index
        %get3A_149 = arith.index_cast %add3A_147 : i32 to index
        %get3A_150 = tpu.vector_load %arg6[%get3A_148, %get3A_149] {strides = array<i32>} : memref<8x1664xf32, #tpu.memory_space<vmem>>, vector<16xf32>,
        %lt3A_151 = arith.constant 2.500000e-01 : f32
        %lt3A_152 = vector.broadcast %lt3A_151 : f32 to vector<16xf32>
        %lt3A_153 = arith.cmpf olt, %get3A_150, %lt3A_152 : vector<16xf32>
        %jit3A_154 = arith.constant -1.000000e+00 : f32
        %broadcast_in_dim3A_155 = vector.broadcast %jit3A_154 : f32 to vector<16xf32>
        %select_n3A_156 = arith.select %lt3A_153, %get3A_145, %broadcast_in_dim3A_155 : vector<16xi1>, vector<16xf32>
        %max3A_157 = arith.maximumf %max3A, %select_n3A_156 : vector<16xf32>
        %add3A_158 = arith.constant 32 : i32
        %add3A_159 = arith.addi %mul3A_123, %add3A_158 : i32
        %get3A_160 = arith.index_cast %scan3A_81 : i32 to index
        %get3A_161 = arith.index_cast %add3A_159 : i32 to index
        %get3A_162 = tpu.vector_load %arg5[%get3A_160, %get3A_161] {strides = array<i32>} : memref<8x1664xf32, #tpu.memory_space<vmem>>, vector<16xf32>,
        %add3A_163 = arith.constant 32 : i32
        %add3A_164 = arith.addi %mul3A_123, %add3A_163 : i32
        %get3A_165 = arith.index_cast %scan3A_81 : i32 to index
        %get3A_166 = arith.index_cast %add3A_164 : i32 to index
        %get3A_167 = tpu.vector_load %arg6[%get3A_165, %get3A_166] {strides = array<i32>} : memref<8x1664xf32, #tpu.memory_space<vmem>>, vector<16xf32>,
        %lt3A_168 = arith.constant 2.500000e-01 : f32
        %lt3A_169 = vector.broadcast %lt3A_168 : f32 to vector<16xf32>
        %lt3A_170 = arith.cmpf olt, %get3A_167, %lt3A_169 : vector<16xf32>
        %jit3A_171 = arith.constant -1.000000e+00 : f32
        %broadcast_in_dim3A_172 = vector.broadcast %jit3A_171 : f32 to vector<16xf32>
        %select_n3A_173 = arith.select %lt3A_170, %get3A_162, %broadcast_in_dim3A_172 : vector<16xi1>, vector<16xf32>
        %max3A_174 = arith.maximumf %max3A_157, %select_n3A_173 : vector<16xf32>
        %add3A_175 = arith.constant 48 : i32
        %add3A_176 = arith.addi %mul3A_123, %add3A_175 : i32
        %get3A_177 = arith.index_cast %scan3A_81 : i32 to index
        %get3A_178 = arith.index_cast %add3A_176 : i32 to index
        %get3A_179 = tpu.vector_load %arg5[%get3A_177, %get3A_178] {strides = array<i32>} : memref<8x1664xf32, #tpu.memory_space<vmem>>, vector<16xf32>,
        %add3A_180 = arith.constant 48 : i32
        %add3A_181 = arith.addi %mul3A_123, %add3A_180 : i32
        %get3A_182 = arith.index_cast %scan3A_81 : i32 to index
        %get3A_183 = arith.index_cast %add3A_181 : i32 to index
        %get3A_184 = tpu.vector_load %arg6[%get3A_182, %get3A_183] {strides = array<i32>} : memref<8x1664xf32, #tpu.memory_space<vmem>>, vector<16xf32>,
        %lt3A_185 = arith.constant 2.500000e-01 : f32
        %lt3A_186 = vector.broadcast %lt3A_185 : f32 to vector<16xf32>
        %lt3A_187 = arith.cmpf olt, %get3A_184, %lt3A_186 : vector<16xf32>
        %jit3A_188 = arith.constant -1.000000e+00 : f32
        %broadcast_in_dim3A_189 = vector.broadcast %jit3A_188 : f32 to vector<16xf32>
        %select_n3A_190 = arith.select %lt3A_187, %get3A_179, %broadcast_in_dim3A_189 : vector<16xi1>, vector<16xf32>
        %max3A_191 = arith.maximumf %max3A_174, %select_n3A_190 : vector<16xf32>
        %add3A_192 = arith.constant 64 : i32
        %add3A_193 = arith.addi %mul3A_123, %add3A_192 : i32
        %get3A_194 = arith.index_cast %scan3A_81 : i32 to index
        %get3A_195 = arith.index_cast %add3A_193 : i32 to index
        %get3A_196 = tpu.vector_load %arg5[%get3A_194, %get3A_195] {strides = array<i32>} : memref<8x1664xf32, #tpu.memory_space<vmem>>, vector<16xf32>,
        %add3A_197 = arith.constant 64 : i32
        %add3A_198 = arith.addi %mul3A_123, %add3A_197 : i32
        %get3A_199 = arith.index_cast %scan3A_81 : i32 to index
        %get3A_200 = arith.index_cast %add3A_198 : i32 to index
        %get3A_201 = tpu.vector_load %arg6[%get3A_199, %get3A_200] {strides = array<i32>} : memref<8x1664xf32, #tpu.memory_space<vmem>>, vector<16xf32>,
        %lt3A_202 = arith.constant 2.500000e-01 : f32
        %lt3A_203 = vector.broadcast %lt3A_202 : f32 to vector<16xf32>
        %lt3A_204 = arith.cmpf olt, %get3A_201, %lt3A_203 : vector<16xf32>
        %jit3A_205 = arith.constant -1.000000e+00 : f32
        %broadcast_in_dim3A_206 = vector.broadcast %jit3A_205 : f32 to vector<16xf32>
        %select_n3A_207 = arith.select %lt3A_204, %get3A_196, %broadcast_in_dim3A_206 : vector<16xi1>, vector<16xf32>
        %max3A_208 = arith.maximumf %max3A_191, %select_n3A_207 : vector<16xf32>
        %add3A_209 = arith.constant 80 : i32
        %add3A_210 = arith.addi %mul3A_123, %add3A_209 : i32
        %get3A_211 = arith.index_cast %scan3A_81 : i32 to index
        %get3A_212 = arith.index_cast %add3A_210 : i32 to index
        %get3A_213 = tpu.vector_load %arg5[%get3A_211, %get3A_212] {strides = array<i32>} : memref<8x1664xf32, #tpu.memory_space<vmem>>, vector<16xf32>,
        %add3A_214 = arith.constant 80 : i32
        %add3A_215 = arith.addi %mul3A_123, %add3A_214 : i32
        %get3A_216 = arith.index_cast %scan3A_81 : i32 to index
        %get3A_217 = arith.index_cast %add3A_215 : i32 to index
        %get3A_218 = tpu.vector_load %arg6[%get3A_216, %get3A_217] {strides = array<i32>} : memref<8x1664xf32, #tpu.memory_space<vmem>>, vector<16xf32>,
        %lt3A_219 = arith.constant 2.500000e-01 : f32
        %lt3A_220 = vector.broadcast %lt3A_219 : f32 to vector<16xf32>
        %lt3A_221 = arith.cmpf olt, %get3A_218, %lt3A_220 : vector<16xf32>
        %jit3A_222 = arith.constant -1.000000e+00 : f32
        %broadcast_in_dim3A_223 = vector.broadcast %jit3A_222 : f32 to vector<16xf32>
        %select_n3A_224 = arith.select %lt3A_221, %get3A_213, %broadcast_in_dim3A_223 : vector<16xi1>, vector<16xf32>
        %max3A_225 = arith.maximumf %max3A_208, %select_n3A_224 : vector<16xf32>
        %add3A_226 = arith.constant 96 : i32
        %add3A_227 = arith.addi %mul3A_123, %add3A_226 : i32
        %get3A_228 = arith.index_cast %scan3A_81 : i32 to index
        %get3A_229 = arith.index_cast %add3A_227 : i32 to index
        %get3A_230 = tpu.vector_load %arg5[%get3A_228, %get3A_229] {strides = array<i32>} : memref<8x1664xf32, #tpu.memory_space<vmem>>, vector<16xf32>,
        %add3A_231 = arith.constant 96 : i32
        %add3A_232 = arith.addi %mul3A_123, %add3A_231 : i32
        %get3A_233 = arith.index_cast %scan3A_81 : i32 to index
        %get3A_234 = arith.index_cast %add3A_232 : i32 to index
        %get3A_235 = tpu.vector_load %arg6[%get3A_233, %get3A_234] {strides = array<i32>} : memref<8x1664xf32, #tpu.memory_space<vmem>>, vector<16xf32>,
        %lt3A_236 = arith.constant 2.500000e-01 : f32
        %lt3A_237 = vector.broadcast %lt3A_236 : f32 to vector<16xf32>
        %lt3A_238 = arith.cmpf olt, %get3A_235, %lt3A_237 : vector<16xf32>
        %jit3A_239 = arith.constant -1.000000e+00 : f32
        %broadcast_in_dim3A_240 = vector.broadcast %jit3A_239 : f32 to vector<16xf32>
        %select_n3A_241 = arith.select %lt3A_238, %get3A_230, %broadcast_in_dim3A_240 : vector<16xi1>, vector<16xf32>
        %max3A_242 = arith.maximumf %max3A_225, %select_n3A_241 : vector<16xf32>
        %add3A_243 = arith.constant 112 : i32
        %add3A_244 = arith.addi %mul3A_123, %add3A_243 : i32
        %get3A_245 = arith.index_cast %scan3A_81 : i32 to index
        %get3A_246 = arith.index_cast %add3A_244 : i32 to index
        %get3A_247 = tpu.vector_load %arg5[%get3A_245, %get3A_246] {strides = array<i32>} : memref<8x1664xf32, #tpu.memory_space<vmem>>, vector<16xf32>,
        %add3A_248 = arith.constant 112 : i32
        %add3A_249 = arith.addi %mul3A_123, %add3A_248 : i32
        %get3A_250 = arith.index_cast %scan3A_81 : i32 to index
        %get3A_251 = arith.index_cast %add3A_249 : i32 to index
        %get3A_252 = tpu.vector_load %arg6[%get3A_250, %get3A_251] {strides = array<i32>} : memref<8x1664xf32, #tpu.memory_space<vmem>>, vector<16xf32>,
        %lt3A_253 = arith.constant 2.500000e-01 : f32
        %lt3A_254 = vector.broadcast %lt3A_253 : f32 to vector<16xf32>
        %lt3A_255 = arith.cmpf olt, %get3A_252, %lt3A_254 : vector<16xf32>
        %jit3A_256 = arith.constant -1.000000e+00 : f32
        %broadcast_in_dim3A_257 = vector.broadcast %jit3A_256 : f32 to vector<16xf32>
        %select_n3A_258 = arith.select %lt3A_255, %get3A_247, %broadcast_in_dim3A_257 : vector<16xi1>, vector<16xf32>
        %max3A_259 = arith.maximumf %max3A_242, %select_n3A_258 : vector<16xf32>
        %reduce_max3A = arith.constant true
        %reduce_max3A_260 = vector.broadcast %reduce_max3A : i1 to vector<16xi1>
        %reduce_max3A_261 = tpu.scan <max>, %max3A_259 masked %reduce_max3A_260 : vector<16xf32>, vector<16xi1> -> vector<16xf32>
        %reduce_max3A_262 = vector.extract %reduce_max3A_261[15] : f32 from vector<16xf32>
        %gt3A = arith.cmpf ogt, %reduce_max3A_262, %get3A_83 : f32
        %convert_element_type3A_263 = arith.extui %gt3A : i1 to i32
        %cond3A_264 = arith.constant 0 : i32
        %cond3A_265 = arith.cmpi ne, %convert_element_type3A_263, %cond3A_264 : i32
        scf.if %cond3A_265 {
          %get3A_267 = arith.constant 0 : i32
          %get3A_268 = arith.index_cast %get3A_267 : i32 to index
          %get3A_269 = memref.load %arg17[%get3A_268] : memref<1xi32, #tpu.memory_space<smem>>
          %swap3A_270 = arith.index_cast %get3A_269 : i32 to index
          %swap3A_271 = memref.load %arg16[%swap3A_270] : memref<16xi32, #tpu.memory_space<smem>>
          memref.store %scan3A_120, %arg16[%swap3A_270] : memref<16xi32, #tpu.memory_space<smem>>
          %add3A_272 = arith.constant 1 : i32
          %add3A_273 = arith.addi %get3A_269, %add3A_272 : i32
          %swap3A_274 = arith.constant 0 : i32
          %swap3A_275 = arith.index_cast %swap3A_274 : i32 to index
          %swap3A_276 = memref.load %arg17[%swap3A_275] : memref<1xi32, #tpu.memory_space<smem>>
          memref.store %add3A_273, %arg17[%swap3A_275] : memref<1xi32, #tpu.memory_space<smem>>
        } else {
        }
        %scan3A_266 = arith.constant 0 : i32
        scf.yield %scan3A_266 : i32
      }
      %scan3A_90 = arith.constant 13 : i32
      %get3A_91 = arith.constant 0 : i32
      %get3A_92 = arith.index_cast %get3A_91 : i32 to index
      %get3A_93 = memref.load %arg17[%get3A_92] : memref<1xi32, #tpu.memory_space<smem>>
      %get3A_94 = arith.index_cast %scan3A_81 : i32 to index
      %get3A_95 = arith.constant 0 : index
      %get3A_96 = tpu.vector_load %arg11[%get3A_94, %get3A_95] {strides = array<i32>} : memref<8x16xf32, #tpu.memory_space<vmem>>, vector<16xf32>,
      %while3A = arith.constant 0 : i32
      %while3A_97 = arith.subi %get3A_93, %while3A : i32
      %while3A_98 = arith.addi %while3A, %while3A_97 : i32
      %while3A_99 = arith.constant 1 : i32
      %while3A_100 = arith.divsi %while3A_97, %while3A_99 : i32
      %while3A_101 = arith.muli %while3A_100, %while3A_99 : i32
      %while3A_102 = arith.addi %while3A, %while3A_101 : i32
      %while3A_103 = arith.constant 1 : i32
      %while3A_104 = scf.for %while3A_120 = %while3A to %while3A_102 step %while3A_103 iter_args(%while3A_121 = %get3A_96) -> (vector<16xf32>)  : i32 {
        %get3A_122 = arith.index_cast %while3A_120 : i32 to index
        %get3A_123 = memref.load %arg16[%get3A_122] : memref<16xi32, #tpu.memory_space<smem>>
        %mul3A_124 = arith.constant 128 : i32
        %mul3A_125 = arith.muli %get3A_123, %mul3A_124 : i32
        %add3A_126 = arith.constant 0 : i32
        %add3A_127 = arith.addi %mul3A_125, %add3A_126 : i32
        %get3A_128 = arith.index_cast %scan3A_81 : i32 to index
        %get3A_129 = arith.index_cast %add3A_127 : i32 to index
        %get3A_130 = tpu.vector_load %arg5[%get3A_128, %get3A_129] {strides = array<i32>} : memref<8x1664xf32, #tpu.memory_space<vmem>>, vector<16xf32>,
        %add3A_131 = arith.constant 0 : i32
        %add3A_132 = arith.addi %mul3A_125, %add3A_131 : i32
        %get3A_133 = arith.index_cast %scan3A_81 : i32 to index
        %get3A_134 = arith.index_cast %add3A_132 : i32 to index
        %get3A_135 = tpu.vector_load %arg6[%get3A_133, %get3A_134] {strides = array<i32>} : memref<8x1664xf32, #tpu.memory_space<vmem>>, vector<16xf32>,
        %lt3A_136 = arith.constant 2.500000e-01 : f32
        %lt3A_137 = vector.broadcast %lt3A_136 : f32 to vector<16xf32>
        %lt3A_138 = arith.cmpf olt, %get3A_135, %lt3A_137 : vector<16xf32>
        %jit3A_139 = arith.constant -1.000000e+00 : f32
        %broadcast_in_dim3A = vector.broadcast %jit3A_139 : f32 to vector<16xf32>
        %select_n3A_140 = arith.select %lt3A_138, %get3A_130, %broadcast_in_dim3A : vector<16xi1>, vector<16xf32>
        %sort3A = arith.constant dense<true> : vector<16xi1>
        %sort3A_141, %sort3A_142, %sort3A_143 = tpu.sort %select_n3A_140, %select_n3A_140 masked %sort3A : (vector<16xf32>, vector<16xf32>, vector<16xi1>) -> (vector<16xi1>, vector<16xf32>, vector<16xf32>)
        %rev3A = arith.constant 15 : i32
        %rev3A_144 = vector.broadcast %rev3A : i32 to vector<16xi32>
        %rev3A_145 = tpu.iota {dimensions = array<i32: 0>} : vector<16xi32>
        %rev3A_146 = arith.subi %rev3A_144, %rev3A_145 : vector<16xi32>
        %rev3A_147 = tpu.dynamic_gather %sort3A_142[%rev3A_146] in [0] : vector<16xf32>, vector<16xi32> -> vector<16xf32>
        %max3A = arith.maximumf %while3A_121, %rev3A_147 : vector<16xf32>
        %sort3A_148 = arith.constant dense<true> : vector<16xi1>
        %sort3A_149, %sort3A_150, %sort3A_151 = tpu.sort %max3A, %max3A masked %sort3A_148 : (vector<16xf32>, vector<16xf32>, vector<16xi1>) -> (vector<16xi1>, vector<16xf32>, vector<16xf32>)
        %add3A_152 = arith.constant 16 : i32
        %add3A_153 = arith.addi %mul3A_125, %add3A_152 : i32
        %get3A_154 = arith.index_cast %scan3A_81 : i32 to index
        %get3A_155 = arith.index_cast %add3A_153 : i32 to index
        %get3A_156 = tpu.vector_load %arg5[%get3A_154, %get3A_155] {strides = array<i32>} : memref<8x1664xf32, #tpu.memory_space<vmem>>, vector<16xf32>,
        %add3A_157 = arith.constant 16 : i32
        %add3A_158 = arith.addi %mul3A_125, %add3A_157 : i32
        %get3A_159 = arith.index_cast %scan3A_81 : i32 to index
        %get3A_160 = arith.index_cast %add3A_158 : i32 to index
        %get3A_161 = tpu.vector_load %arg6[%get3A_159, %get3A_160] {strides = array<i32>} : memref<8x1664xf32, #tpu.memory_space<vmem>>, vector<16xf32>,
        %lt3A_162 = arith.constant 2.500000e-01 : f32
        %lt3A_163 = vector.broadcast %lt3A_162 : f32 to vector<16xf32>
        %lt3A_164 = arith.cmpf olt, %get3A_161, %lt3A_163 : vector<16xf32>
        %jit3A_165 = arith.constant -1.000000e+00 : f32
        %broadcast_in_dim3A_166 = vector.broadcast %jit3A_165 : f32 to vector<16xf32>
        %select_n3A_167 = arith.select %lt3A_164, %get3A_156, %broadcast_in_dim3A_166 : vector<16xi1>, vector<16xf32>
        %sort3A_168 = arith.constant dense<true> : vector<16xi1>
        %sort3A_169, %sort3A_170, %sort3A_171 = tpu.sort %select_n3A_167, %select_n3A_167 masked %sort3A_168 : (vector<16xf32>, vector<16xf32>, vector<16xi1>) -> (vector<16xi1>, vector<16xf32>, vector<16xf32>)
        %rev3A_172 = arith.constant 15 : i32
        %rev3A_173 = vector.broadcast %rev3A_172 : i32 to vector<16xi32>
        %rev3A_174 = tpu.iota {dimensions = array<i32: 0>} : vector<16xi32>
        %rev3A_175 = arith.subi %rev3A_173, %rev3A_174 : vector<16xi32>
        %rev3A_176 = tpu.dynamic_gather %sort3A_170[%rev3A_175] in [0] : vector<16xf32>, vector<16xi32> -> vector<16xf32>
        %max3A_177 = arith.maximumf %sort3A_150, %rev3A_176 : vector<16xf32>
        %sort3A_178 = arith.constant dense<true> : vector<16xi1>
        %sort3A_179, %sort3A_180, %sort3A_181 = tpu.sort %max3A_177, %max3A_177 masked %sort3A_178 : (vector<16xf32>, vector<16xf32>, vector<16xi1>) -> (vector<16xi1>, vector<16xf32>, vector<16xf32>)
        %add3A_182 = arith.constant 32 : i32
        %add3A_183 = arith.addi %mul3A_125, %add3A_182 : i32
        %get3A_184 = arith.index_cast %scan3A_81 : i32 to index
        %get3A_185 = arith.index_cast %add3A_183 : i32 to index
        %get3A_186 = tpu.vector_load %arg5[%get3A_184, %get3A_185] {strides = array<i32>} : memref<8x1664xf32, #tpu.memory_space<vmem>>, vector<16xf32>,
        %add3A_187 = arith.constant 32 : i32
        %add3A_188 = arith.addi %mul3A_125, %add3A_187 : i32
        %get3A_189 = arith.index_cast %scan3A_81 : i32 to index
        %get3A_190 = arith.index_cast %add3A_188 : i32 to index
        %get3A_191 = tpu.vector_load %arg6[%get3A_189, %get3A_190] {strides = array<i32>} : memref<8x1664xf32, #tpu.memory_space<vmem>>, vector<16xf32>,
        %lt3A_192 = arith.constant 2.500000e-01 : f32
        %lt3A_193 = vector.broadcast %lt3A_192 : f32 to vector<16xf32>
        %lt3A_194 = arith.cmpf olt, %get3A_191, %lt3A_193 : vector<16xf32>
        %jit3A_195 = arith.constant -1.000000e+00 : f32
        %broadcast_in_dim3A_196 = vector.broadcast %jit3A_195 : f32 to vector<16xf32>
        %select_n3A_197 = arith.select %lt3A_194, %get3A_186, %broadcast_in_dim3A_196 : vector<16xi1>, vector<16xf32>
        %sort3A_198 = arith.constant dense<true> : vector<16xi1>
        %sort3A_199, %sort3A_200, %sort3A_201 = tpu.sort %select_n3A_197, %select_n3A_197 masked %sort3A_198 : (vector<16xf32>, vector<16xf32>, vector<16xi1>) -> (vector<16xi1>, vector<16xf32>, vector<16xf32>)
        %rev3A_202 = arith.constant 15 : i32
        %rev3A_203 = vector.broadcast %rev3A_202 : i32 to vector<16xi32>
        %rev3A_204 = tpu.iota {dimensions = array<i32: 0>} : vector<16xi32>
        %rev3A_205 = arith.subi %rev3A_203, %rev3A_204 : vector<16xi32>
        %rev3A_206 = tpu.dynamic_gather %sort3A_200[%rev3A_205] in [0] : vector<16xf32>, vector<16xi32> -> vector<16xf32>
        %max3A_207 = arith.maximumf %sort3A_180, %rev3A_206 : vector<16xf32>
        %sort3A_208 = arith.constant dense<true> : vector<16xi1>
        %sort3A_209, %sort3A_210, %sort3A_211 = tpu.sort %max3A_207, %max3A_207 masked %sort3A_208 : (vector<16xf32>, vector<16xf32>, vector<16xi1>) -> (vector<16xi1>, vector<16xf32>, vector<16xf32>)
        %add3A_212 = arith.constant 48 : i32
        %add3A_213 = arith.addi %mul3A_125, %add3A_212 : i32
        %get3A_214 = arith.index_cast %scan3A_81 : i32 to index
        %get3A_215 = arith.index_cast %add3A_213 : i32 to index
        %get3A_216 = tpu.vector_load %arg5[%get3A_214, %get3A_215] {strides = array<i32>} : memref<8x1664xf32, #tpu.memory_space<vmem>>, vector<16xf32>,
        %add3A_217 = arith.constant 48 : i32
        %add3A_218 = arith.addi %mul3A_125, %add3A_217 : i32
        %get3A_219 = arith.index_cast %scan3A_81 : i32 to index
        %get3A_220 = arith.index_cast %add3A_218 : i32 to index
        %get3A_221 = tpu.vector_load %arg6[%get3A_219, %get3A_220] {strides = array<i32>} : memref<8x1664xf32, #tpu.memory_space<vmem>>, vector<16xf32>,
        %lt3A_222 = arith.constant 2.500000e-01 : f32
        %lt3A_223 = vector.broadcast %lt3A_222 : f32 to vector<16xf32>
        %lt3A_224 = arith.cmpf olt, %get3A_221, %lt3A_223 : vector<16xf32>
        %jit3A_225 = arith.constant -1.000000e+00 : f32
        %broadcast_in_dim3A_226 = vector.broadcast %jit3A_225 : f32 to vector<16xf32>
        %select_n3A_227 = arith.select %lt3A_224, %get3A_216, %broadcast_in_dim3A_226 : vector<16xi1>, vector<16xf32>
        %sort3A_228 = arith.constant dense<true> : vector<16xi1>
        %sort3A_229, %sort3A_230, %sort3A_231 = tpu.sort %select_n3A_227, %select_n3A_227 masked %sort3A_228 : (vector<16xf32>, vector<16xf32>, vector<16xi1>) -> (vector<16xi1>, vector<16xf32>, vector<16xf32>)
        %rev3A_232 = arith.constant 15 : i32
        %rev3A_233 = vector.broadcast %rev3A_232 : i32 to vector<16xi32>
        %rev3A_234 = tpu.iota {dimensions = array<i32: 0>} : vector<16xi32>
        %rev3A_235 = arith.subi %rev3A_233, %rev3A_234 : vector<16xi32>
        %rev3A_236 = tpu.dynamic_gather %sort3A_230[%rev3A_235] in [0] : vector<16xf32>, vector<16xi32> -> vector<16xf32>
        %max3A_237 = arith.maximumf %sort3A_210, %rev3A_236 : vector<16xf32>
        %sort3A_238 = arith.constant dense<true> : vector<16xi1>
        %sort3A_239, %sort3A_240, %sort3A_241 = tpu.sort %max3A_237, %max3A_237 masked %sort3A_238 : (vector<16xf32>, vector<16xf32>, vector<16xi1>) -> (vector<16xi1>, vector<16xf32>, vector<16xf32>)
        %add3A_242 = arith.constant 64 : i32
        %add3A_243 = arith.addi %mul3A_125, %add3A_242 : i32
        %get3A_244 = arith.index_cast %scan3A_81 : i32 to index
        %get3A_245 = arith.index_cast %add3A_243 : i32 to index
        %get3A_246 = tpu.vector_load %arg5[%get3A_244, %get3A_245] {strides = array<i32>} : memref<8x1664xf32, #tpu.memory_space<vmem>>, vector<16xf32>,
        %add3A_247 = arith.constant 64 : i32
        %add3A_248 = arith.addi %mul3A_125, %add3A_247 : i32
        %get3A_249 = arith.index_cast %scan3A_81 : i32 to index
        %get3A_250 = arith.index_cast %add3A_248 : i32 to index
        %get3A_251 = tpu.vector_load %arg6[%get3A_249, %get3A_250] {strides = array<i32>} : memref<8x1664xf32, #tpu.memory_space<vmem>>, vector<16xf32>,
        %lt3A_252 = arith.constant 2.500000e-01 : f32
        %lt3A_253 = vector.broadcast %lt3A_252 : f32 to vector<16xf32>
        %lt3A_254 = arith.cmpf olt, %get3A_251, %lt3A_253 : vector<16xf32>
        %jit3A_255 = arith.constant -1.000000e+00 : f32
        %broadcast_in_dim3A_256 = vector.broadcast %jit3A_255 : f32 to vector<16xf32>
        %select_n3A_257 = arith.select %lt3A_254, %get3A_246, %broadcast_in_dim3A_256 : vector<16xi1>, vector<16xf32>
        %sort3A_258 = arith.constant dense<true> : vector<16xi1>
        %sort3A_259, %sort3A_260, %sort3A_261 = tpu.sort %select_n3A_257, %select_n3A_257 masked %sort3A_258 : (vector<16xf32>, vector<16xf32>, vector<16xi1>) -> (vector<16xi1>, vector<16xf32>, vector<16xf32>)
        %rev3A_262 = arith.constant 15 : i32
        %rev3A_263 = vector.broadcast %rev3A_262 : i32 to vector<16xi32>
        %rev3A_264 = tpu.iota {dimensions = array<i32: 0>} : vector<16xi32>
        %rev3A_265 = arith.subi %rev3A_263, %rev3A_264 : vector<16xi32>
        %rev3A_266 = tpu.dynamic_gather %sort3A_260[%rev3A_265] in [0] : vector<16xf32>, vector<16xi32> -> vector<16xf32>
        %max3A_267 = arith.maximumf %sort3A_240, %rev3A_266 : vector<16xf32>
        %sort3A_268 = arith.constant dense<true> : vector<16xi1>
        %sort3A_269, %sort3A_270, %sort3A_271 = tpu.sort %max3A_267, %max3A_267 masked %sort3A_268 : (vector<16xf32>, vector<16xf32>, vector<16xi1>) -> (vector<16xi1>, vector<16xf32>, vector<16xf32>)
        %add3A_272 = arith.constant 80 : i32
        %add3A_273 = arith.addi %mul3A_125, %add3A_272 : i32
        %get3A_274 = arith.index_cast %scan3A_81 : i32 to index
        %get3A_275 = arith.index_cast %add3A_273 : i32 to index
        %get3A_276 = tpu.vector_load %arg5[%get3A_274, %get3A_275] {strides = array<i32>} : memref<8x1664xf32, #tpu.memory_space<vmem>>, vector<16xf32>,
        %add3A_277 = arith.constant 80 : i32
        %add3A_278 = arith.addi %mul3A_125, %add3A_277 : i32
        %get3A_279 = arith.index_cast %scan3A_81 : i32 to index
        %get3A_280 = arith.index_cast %add3A_278 : i32 to index
        %get3A_281 = tpu.vector_load %arg6[%get3A_279, %get3A_280] {strides = array<i32>} : memref<8x1664xf32, #tpu.memory_space<vmem>>, vector<16xf32>,
        %lt3A_282 = arith.constant 2.500000e-01 : f32
        %lt3A_283 = vector.broadcast %lt3A_282 : f32 to vector<16xf32>
        %lt3A_284 = arith.cmpf olt, %get3A_281, %lt3A_283 : vector<16xf32>
        %jit3A_285 = arith.constant -1.000000e+00 : f32
        %broadcast_in_dim3A_286 = vector.broadcast %jit3A_285 : f32 to vector<16xf32>
        %select_n3A_287 = arith.select %lt3A_284, %get3A_276, %broadcast_in_dim3A_286 : vector<16xi1>, vector<16xf32>
        %sort3A_288 = arith.constant dense<true> : vector<16xi1>
        %sort3A_289, %sort3A_290, %sort3A_291 = tpu.sort %select_n3A_287, %select_n3A_287 masked %sort3A_288 : (vector<16xf32>, vector<16xf32>, vector<16xi1>) -> (vector<16xi1>, vector<16xf32>, vector<16xf32>)
        %rev3A_292 = arith.constant 15 : i32
        %rev3A_293 = vector.broadcast %rev3A_292 : i32 to vector<16xi32>
        %rev3A_294 = tpu.iota {dimensions = array<i32: 0>} : vector<16xi32>
        %rev3A_295 = arith.subi %rev3A_293, %rev3A_294 : vector<16xi32>
        %rev3A_296 = tpu.dynamic_gather %sort3A_290[%rev3A_295] in [0] : vector<16xf32>, vector<16xi32> -> vector<16xf32>
        %max3A_297 = arith.maximumf %sort3A_270, %rev3A_296 : vector<16xf32>
        %sort3A_298 = arith.constant dense<true> : vector<16xi1>
        %sort3A_299, %sort3A_300, %sort3A_301 = tpu.sort %max3A_297, %max3A_297 masked %sort3A_298 : (vector<16xf32>, vector<16xf32>, vector<16xi1>) -> (vector<16xi1>, vector<16xf32>, vector<16xf32>)
        %add3A_302 = arith.constant 96 : i32
        %add3A_303 = arith.addi %mul3A_125, %add3A_302 : i32
        %get3A_304 = arith.index_cast %scan3A_81 : i32 to index
        %get3A_305 = arith.index_cast %add3A_303 : i32 to index
        %get3A_306 = tpu.vector_load %arg5[%get3A_304, %get3A_305] {strides = array<i32>} : memref<8x1664xf32, #tpu.memory_space<vmem>>, vector<16xf32>,
        %add3A_307 = arith.constant 96 : i32
        %add3A_308 = arith.addi %mul3A_125, %add3A_307 : i32
        %get3A_309 = arith.index_cast %scan3A_81 : i32 to index
        %get3A_310 = arith.index_cast %add3A_308 : i32 to index
        %get3A_311 = tpu.vector_load %arg6[%get3A_309, %get3A_310] {strides = array<i32>} : memref<8x1664xf32, #tpu.memory_space<vmem>>, vector<16xf32>,
        %lt3A_312 = arith.constant 2.500000e-01 : f32
        %lt3A_313 = vector.broadcast %lt3A_312 : f32 to vector<16xf32>
        %lt3A_314 = arith.cmpf olt, %get3A_311, %lt3A_313 : vector<16xf32>
        %jit3A_315 = arith.constant -1.000000e+00 : f32
        %broadcast_in_dim3A_316 = vector.broadcast %jit3A_315 : f32 to vector<16xf32>
        %select_n3A_317 = arith.select %lt3A_314, %get3A_306, %broadcast_in_dim3A_316 : vector<16xi1>, vector<16xf32>
        %sort3A_318 = arith.constant dense<true> : vector<16xi1>
        %sort3A_319, %sort3A_320, %sort3A_321 = tpu.sort %select_n3A_317, %select_n3A_317 masked %sort3A_318 : (vector<16xf32>, vector<16xf32>, vector<16xi1>) -> (vector<16xi1>, vector<16xf32>, vector<16xf32>)
        %rev3A_322 = arith.constant 15 : i32
        %rev3A_323 = vector.broadcast %rev3A_322 : i32 to vector<16xi32>
        %rev3A_324 = tpu.iota {dimensions = array<i32: 0>} : vector<16xi32>
        %rev3A_325 = arith.subi %rev3A_323, %rev3A_324 : vector<16xi32>
        %rev3A_326 = tpu.dynamic_gather %sort3A_320[%rev3A_325] in [0] : vector<16xf32>, vector<16xi32> -> vector<16xf32>
        %max3A_327 = arith.maximumf %sort3A_300, %rev3A_326 : vector<16xf32>
        %sort3A_328 = arith.constant dense<true> : vector<16xi1>
        %sort3A_329, %sort3A_330, %sort3A_331 = tpu.sort %max3A_327, %max3A_327 masked %sort3A_328 : (vector<16xf32>, vector<16xf32>, vector<16xi1>) -> (vector<16xi1>, vector<16xf32>, vector<16xf32>)
        %add3A_332 = arith.constant 112 : i32
        %add3A_333 = arith.addi %mul3A_125, %add3A_332 : i32
        %get3A_334 = arith.index_cast %scan3A_81 : i32 to index
        %get3A_335 = arith.index_cast %add3A_333 : i32 to index
        %get3A_336 = tpu.vector_load %arg5[%get3A_334, %get3A_335] {strides = array<i32>} : memref<8x1664xf32, #tpu.memory_space<vmem>>, vector<16xf32>,
        %add3A_337 = arith.constant 112 : i32
        %add3A_338 = arith.addi %mul3A_125, %add3A_337 : i32
        %get3A_339 = arith.index_cast %scan3A_81 : i32 to index
        %get3A_340 = arith.index_cast %add3A_338 : i32 to index
        %get3A_341 = tpu.vector_load %arg6[%get3A_339, %get3A_340] {strides = array<i32>} : memref<8x1664xf32, #tpu.memory_space<vmem>>, vector<16xf32>,
        %lt3A_342 = arith.constant 2.500000e-01 : f32
        %lt3A_343 = vector.broadcast %lt3A_342 : f32 to vector<16xf32>
        %lt3A_344 = arith.cmpf olt, %get3A_341, %lt3A_343 : vector<16xf32>
        %jit3A_345 = arith.constant -1.000000e+00 : f32
        %broadcast_in_dim3A_346 = vector.broadcast %jit3A_345 : f32 to vector<16xf32>
        %select_n3A_347 = arith.select %lt3A_344, %get3A_336, %broadcast_in_dim3A_346 : vector<16xi1>, vector<16xf32>
        %sort3A_348 = arith.constant dense<true> : vector<16xi1>
        %sort3A_349, %sort3A_350, %sort3A_351 = tpu.sort %select_n3A_347, %select_n3A_347 masked %sort3A_348 : (vector<16xf32>, vector<16xf32>, vector<16xi1>) -> (vector<16xi1>, vector<16xf32>, vector<16xf32>)
        %rev3A_352 = arith.constant 15 : i32
        %rev3A_353 = vector.broadcast %rev3A_352 : i32 to vector<16xi32>
        %rev3A_354 = tpu.iota {dimensions = array<i32: 0>} : vector<16xi32>
        %rev3A_355 = arith.subi %rev3A_353, %rev3A_354 : vector<16xi32>
        %rev3A_356 = tpu.dynamic_gather %sort3A_350[%rev3A_355] in [0] : vector<16xf32>, vector<16xi32> -> vector<16xf32>
        %max3A_357 = arith.maximumf %sort3A_330, %rev3A_356 : vector<16xf32>
        %sort3A_358 = arith.constant dense<true> : vector<16xi1>
        %sort3A_359, %sort3A_360, %sort3A_361 = tpu.sort %max3A_357, %max3A_357 masked %sort3A_358 : (vector<16xf32>, vector<16xf32>, vector<16xi1>) -> (vector<16xi1>, vector<16xf32>, vector<16xf32>)
        scf.yield %sort3A_360 : vector<16xf32>
      }
      %while3A_105 = arith.constant 1 : i32
      %while3A_106 = scf.for %while3A_120 = %while3A_102 to %while3A_98 step %while3A_105 iter_args(%while3A_121 = %while3A_104) -> (vector<16xf32>)  : i32 {
        %get3A_122 = arith.index_cast %while3A_120 : i32 to index
        %get3A_123 = memref.load %arg16[%get3A_122] : memref<16xi32, #tpu.memory_space<smem>>
        %mul3A_124 = arith.constant 128 : i32
        %mul3A_125 = arith.muli %get3A_123, %mul3A_124 : i32
        %add3A_126 = arith.constant 0 : i32
        %add3A_127 = arith.addi %mul3A_125, %add3A_126 : i32
        %get3A_128 = arith.index_cast %scan3A_81 : i32 to index
        %get3A_129 = arith.index_cast %add3A_127 : i32 to index
        %get3A_130 = tpu.vector_load %arg5[%get3A_128, %get3A_129] {strides = array<i32>} : memref<8x1664xf32, #tpu.memory_space<vmem>>, vector<16xf32>,
        %add3A_131 = arith.constant 0 : i32
        %add3A_132 = arith.addi %mul3A_125, %add3A_131 : i32
        %get3A_133 = arith.index_cast %scan3A_81 : i32 to index
        %get3A_134 = arith.index_cast %add3A_132 : i32 to index
        %get3A_135 = tpu.vector_load %arg6[%get3A_133, %get3A_134] {strides = array<i32>} : memref<8x1664xf32, #tpu.memory_space<vmem>>, vector<16xf32>,
        %lt3A_136 = arith.constant 2.500000e-01 : f32
        %lt3A_137 = vector.broadcast %lt3A_136 : f32 to vector<16xf32>
        %lt3A_138 = arith.cmpf olt, %get3A_135, %lt3A_137 : vector<16xf32>
        %jit3A_139 = arith.constant -1.000000e+00 : f32
        %broadcast_in_dim3A = vector.broadcast %jit3A_139 : f32 to vector<16xf32>
        %select_n3A_140 = arith.select %lt3A_138, %get3A_130, %broadcast_in_dim3A : vector<16xi1>, vector<16xf32>
        %sort3A = arith.constant dense<true> : vector<16xi1>
        %sort3A_141, %sort3A_142, %sort3A_143 = tpu.sort %select_n3A_140, %select_n3A_140 masked %sort3A : (vector<16xf32>, vector<16xf32>, vector<16xi1>) -> (vector<16xi1>, vector<16xf32>, vector<16xf32>)
        %rev3A = arith.constant 15 : i32
        %rev3A_144 = vector.broadcast %rev3A : i32 to vector<16xi32>
        %rev3A_145 = tpu.iota {dimensions = array<i32: 0>} : vector<16xi32>
        %rev3A_146 = arith.subi %rev3A_144, %rev3A_145 : vector<16xi32>
        %rev3A_147 = tpu.dynamic_gather %sort3A_142[%rev3A_146] in [0] : vector<16xf32>, vector<16xi32> -> vector<16xf32>
        %max3A = arith.maximumf %while3A_121, %rev3A_147 : vector<16xf32>
        %sort3A_148 = arith.constant dense<true> : vector<16xi1>
        %sort3A_149, %sort3A_150, %sort3A_151 = tpu.sort %max3A, %max3A masked %sort3A_148 : (vector<16xf32>, vector<16xf32>, vector<16xi1>) -> (vector<16xi1>, vector<16xf32>, vector<16xf32>)
        %add3A_152 = arith.constant 16 : i32
        %add3A_153 = arith.addi %mul3A_125, %add3A_152 : i32
        %get3A_154 = arith.index_cast %scan3A_81 : i32 to index
        %get3A_155 = arith.index_cast %add3A_153 : i32 to index
        %get3A_156 = tpu.vector_load %arg5[%get3A_154, %get3A_155] {strides = array<i32>} : memref<8x1664xf32, #tpu.memory_space<vmem>>, vector<16xf32>,
        %add3A_157 = arith.constant 16 : i32
        %add3A_158 = arith.addi %mul3A_125, %add3A_157 : i32
        %get3A_159 = arith.index_cast %scan3A_81 : i32 to index
        %get3A_160 = arith.index_cast %add3A_158 : i32 to index
        %get3A_161 = tpu.vector_load %arg6[%get3A_159, %get3A_160] {strides = array<i32>} : memref<8x1664xf32, #tpu.memory_space<vmem>>, vector<16xf32>,
        %lt3A_162 = arith.constant 2.500000e-01 : f32
        %lt3A_163 = vector.broadcast %lt3A_162 : f32 to vector<16xf32>
        %lt3A_164 = arith.cmpf olt, %get3A_161, %lt3A_163 : vector<16xf32>
        %jit3A_165 = arith.constant -1.000000e+00 : f32
        %broadcast_in_dim3A_166 = vector.broadcast %jit3A_165 : f32 to vector<16xf32>
        %select_n3A_167 = arith.select %lt3A_164, %get3A_156, %broadcast_in_dim3A_166 : vector<16xi1>, vector<16xf32>
        %sort3A_168 = arith.constant dense<true> : vector<16xi1>
        %sort3A_169, %sort3A_170, %sort3A_171 = tpu.sort %select_n3A_167, %select_n3A_167 masked %sort3A_168 : (vector<16xf32>, vector<16xf32>, vector<16xi1>) -> (vector<16xi1>, vector<16xf32>, vector<16xf32>)
        %rev3A_172 = arith.constant 15 : i32
        %rev3A_173 = vector.broadcast %rev3A_172 : i32 to vector<16xi32>
        %rev3A_174 = tpu.iota {dimensions = array<i32: 0>} : vector<16xi32>
        %rev3A_175 = arith.subi %rev3A_173, %rev3A_174 : vector<16xi32>
        %rev3A_176 = tpu.dynamic_gather %sort3A_170[%rev3A_175] in [0] : vector<16xf32>, vector<16xi32> -> vector<16xf32>
        %max3A_177 = arith.maximumf %sort3A_150, %rev3A_176 : vector<16xf32>
        %sort3A_178 = arith.constant dense<true> : vector<16xi1>
        %sort3A_179, %sort3A_180, %sort3A_181 = tpu.sort %max3A_177, %max3A_177 masked %sort3A_178 : (vector<16xf32>, vector<16xf32>, vector<16xi1>) -> (vector<16xi1>, vector<16xf32>, vector<16xf32>)
        %add3A_182 = arith.constant 32 : i32
        %add3A_183 = arith.addi %mul3A_125, %add3A_182 : i32
        %get3A_184 = arith.index_cast %scan3A_81 : i32 to index
        %get3A_185 = arith.index_cast %add3A_183 : i32 to index
        %get3A_186 = tpu.vector_load %arg5[%get3A_184, %get3A_185] {strides = array<i32>} : memref<8x1664xf32, #tpu.memory_space<vmem>>, vector<16xf32>,
        %add3A_187 = arith.constant 32 : i32
        %add3A_188 = arith.addi %mul3A_125, %add3A_187 : i32
        %get3A_189 = arith.index_cast %scan3A_81 : i32 to index
        %get3A_190 = arith.index_cast %add3A_188 : i32 to index
        %get3A_191 = tpu.vector_load %arg6[%get3A_189, %get3A_190] {strides = array<i32>} : memref<8x1664xf32, #tpu.memory_space<vmem>>, vector<16xf32>,
        %lt3A_192 = arith.constant 2.500000e-01 : f32
        %lt3A_193 = vector.broadcast %lt3A_192 : f32 to vector<16xf32>
        %lt3A_194 = arith.cmpf olt, %get3A_191, %lt3A_193 : vector<16xf32>
        %jit3A_195 = arith.constant -1.000000e+00 : f32
        %broadcast_in_dim3A_196 = vector.broadcast %jit3A_195 : f32 to vector<16xf32>
        %select_n3A_197 = arith.select %lt3A_194, %get3A_186, %broadcast_in_dim3A_196 : vector<16xi1>, vector<16xf32>
        %sort3A_198 = arith.constant dense<true> : vector<16xi1>
        %sort3A_199, %sort3A_200, %sort3A_201 = tpu.sort %select_n3A_197, %select_n3A_197 masked %sort3A_198 : (vector<16xf32>, vector<16xf32>, vector<16xi1>) -> (vector<16xi1>, vector<16xf32>, vector<16xf32>)
        %rev3A_202 = arith.constant 15 : i32
        %rev3A_203 = vector.broadcast %rev3A_202 : i32 to vector<16xi32>
        %rev3A_204 = tpu.iota {dimensions = array<i32: 0>} : vector<16xi32>
        %rev3A_205 = arith.subi %rev3A_203, %rev3A_204 : vector<16xi32>
        %rev3A_206 = tpu.dynamic_gather %sort3A_200[%rev3A_205] in [0] : vector<16xf32>, vector<16xi32> -> vector<16xf32>
        %max3A_207 = arith.maximumf %sort3A_180, %rev3A_206 : vector<16xf32>
        %sort3A_208 = arith.constant dense<true> : vector<16xi1>
        %sort3A_209, %sort3A_210, %sort3A_211 = tpu.sort %max3A_207, %max3A_207 masked %sort3A_208 : (vector<16xf32>, vector<16xf32>, vector<16xi1>) -> (vector<16xi1>, vector<16xf32>, vector<16xf32>)
        %add3A_212 = arith.constant 48 : i32
        %add3A_213 = arith.addi %mul3A_125, %add3A_212 : i32
        %get3A_214 = arith.index_cast %scan3A_81 : i32 to index
        %get3A_215 = arith.index_cast %add3A_213 : i32 to index
        %get3A_216 = tpu.vector_load %arg5[%get3A_214, %get3A_215] {strides = array<i32>} : memref<8x1664xf32, #tpu.memory_space<vmem>>, vector<16xf32>,
        %add3A_217 = arith.constant 48 : i32
        %add3A_218 = arith.addi %mul3A_125, %add3A_217 : i32
        %get3A_219 = arith.index_cast %scan3A_81 : i32 to index
        %get3A_220 = arith.index_cast %add3A_218 : i32 to index
        %get3A_221 = tpu.vector_load %arg6[%get3A_219, %get3A_220] {strides = array<i32>} : memref<8x1664xf32, #tpu.memory_space<vmem>>, vector<16xf32>,
        %lt3A_222 = arith.constant 2.500000e-01 : f32
        %lt3A_223 = vector.broadcast %lt3A_222 : f32 to vector<16xf32>
        %lt3A_224 = arith.cmpf olt, %get3A_221, %lt3A_223 : vector<16xf32>
        %jit3A_225 = arith.constant -1.000000e+00 : f32
        %broadcast_in_dim3A_226 = vector.broadcast %jit3A_225 : f32 to vector<16xf32>
        %select_n3A_227 = arith.select %lt3A_224, %get3A_216, %broadcast_in_dim3A_226 : vector<16xi1>, vector<16xf32>
        %sort3A_228 = arith.constant dense<true> : vector<16xi1>
        %sort3A_229, %sort3A_230, %sort3A_231 = tpu.sort %select_n3A_227, %select_n3A_227 masked %sort3A_228 : (vector<16xf32>, vector<16xf32>, vector<16xi1>) -> (vector<16xi1>, vector<16xf32>, vector<16xf32>)
        %rev3A_232 = arith.constant 15 : i32
        %rev3A_233 = vector.broadcast %rev3A_232 : i32 to vector<16xi32>
        %rev3A_234 = tpu.iota {dimensions = array<i32: 0>} : vector<16xi32>
        %rev3A_235 = arith.subi %rev3A_233, %rev3A_234 : vector<16xi32>
        %rev3A_236 = tpu.dynamic_gather %sort3A_230[%rev3A_235] in [0] : vector<16xf32>, vector<16xi32> -> vector<16xf32>
        %max3A_237 = arith.maximumf %sort3A_210, %rev3A_236 : vector<16xf32>
        %sort3A_238 = arith.constant dense<true> : vector<16xi1>
        %sort3A_239, %sort3A_240, %sort3A_241 = tpu.sort %max3A_237, %max3A_237 masked %sort3A_238 : (vector<16xf32>, vector<16xf32>, vector<16xi1>) -> (vector<16xi1>, vector<16xf32>, vector<16xf32>)
        %add3A_242 = arith.constant 64 : i32
        %add3A_243 = arith.addi %mul3A_125, %add3A_242 : i32
        %get3A_244 = arith.index_cast %scan3A_81 : i32 to index
        %get3A_245 = arith.index_cast %add3A_243 : i32 to index
        %get3A_246 = tpu.vector_load %arg5[%get3A_244, %get3A_245] {strides = array<i32>} : memref<8x1664xf32, #tpu.memory_space<vmem>>, vector<16xf32>,
        %add3A_247 = arith.constant 64 : i32
        %add3A_248 = arith.addi %mul3A_125, %add3A_247 : i32
        %get3A_249 = arith.index_cast %scan3A_81 : i32 to index
        %get3A_250 = arith.index_cast %add3A_248 : i32 to index
        %get3A_251 = tpu.vector_load %arg6[%get3A_249, %get3A_250] {strides = array<i32>} : memref<8x1664xf32, #tpu.memory_space<vmem>>, vector<16xf32>,
        %lt3A_252 = arith.constant 2.500000e-01 : f32
        %lt3A_253 = vector.broadcast %lt3A_252 : f32 to vector<16xf32>
        %lt3A_254 = arith.cmpf olt, %get3A_251, %lt3A_253 : vector<16xf32>
        %jit3A_255 = arith.constant -1.000000e+00 : f32
        %broadcast_in_dim3A_256 = vector.broadcast %jit3A_255 : f32 to vector<16xf32>
        %select_n3A_257 = arith.select %lt3A_254, %get3A_246, %broadcast_in_dim3A_256 : vector<16xi1>, vector<16xf32>
        %sort3A_258 = arith.constant dense<true> : vector<16xi1>
        %sort3A_259, %sort3A_260, %sort3A_261 = tpu.sort %select_n3A_257, %select_n3A_257 masked %sort3A_258 : (vector<16xf32>, vector<16xf32>, vector<16xi1>) -> (vector<16xi1>, vector<16xf32>, vector<16xf32>)
        %rev3A_262 = arith.constant 15 : i32
        %rev3A_263 = vector.broadcast %rev3A_262 : i32 to vector<16xi32>
        %rev3A_264 = tpu.iota {dimensions = array<i32: 0>} : vector<16xi32>
        %rev3A_265 = arith.subi %rev3A_263, %rev3A_264 : vector<16xi32>
        %rev3A_266 = tpu.dynamic_gather %sort3A_260[%rev3A_265] in [0] : vector<16xf32>, vector<16xi32> -> vector<16xf32>
        %max3A_267 = arith.maximumf %sort3A_240, %rev3A_266 : vector<16xf32>
        %sort3A_268 = arith.constant dense<true> : vector<16xi1>
        %sort3A_269, %sort3A_270, %sort3A_271 = tpu.sort %max3A_267, %max3A_267 masked %sort3A_268 : (vector<16xf32>, vector<16xf32>, vector<16xi1>) -> (vector<16xi1>, vector<16xf32>, vector<16xf32>)
        %add3A_272 = arith.constant 80 : i32
        %add3A_273 = arith.addi %mul3A_125, %add3A_272 : i32
        %get3A_274 = arith.index_cast %scan3A_81 : i32 to index
        %get3A_275 = arith.index_cast %add3A_273 : i32 to index
        %get3A_276 = tpu.vector_load %arg5[%get3A_274, %get3A_275] {strides = array<i32>} : memref<8x1664xf32, #tpu.memory_space<vmem>>, vector<16xf32>,
        %add3A_277 = arith.constant 80 : i32
        %add3A_278 = arith.addi %mul3A_125, %add3A_277 : i32
        %get3A_279 = arith.index_cast %scan3A_81 : i32 to index
        %get3A_280 = arith.index_cast %add3A_278 : i32 to index
        %get3A_281 = tpu.vector_load %arg6[%get3A_279, %get3A_280] {strides = array<i32>} : memref<8x1664xf32, #tpu.memory_space<vmem>>, vector<16xf32>,
        %lt3A_282 = arith.constant 2.500000e-01 : f32
        %lt3A_283 = vector.broadcast %lt3A_282 : f32 to vector<16xf32>
        %lt3A_284 = arith.cmpf olt, %get3A_281, %lt3A_283 : vector<16xf32>
        %jit3A_285 = arith.constant -1.000000e+00 : f32
        %broadcast_in_dim3A_286 = vector.broadcast %jit3A_285 : f32 to vector<16xf32>
        %select_n3A_287 = arith.select %lt3A_284, %get3A_276, %broadcast_in_dim3A_286 : vector<16xi1>, vector<16xf32>
        %sort3A_288 = arith.constant dense<true> : vector<16xi1>
        %sort3A_289, %sort3A_290, %sort3A_291 = tpu.sort %select_n3A_287, %select_n3A_287 masked %sort3A_288 : (vector<16xf32>, vector<16xf32>, vector<16xi1>) -> (vector<16xi1>, vector<16xf32>, vector<16xf32>)
        %rev3A_292 = arith.constant 15 : i32
        %rev3A_293 = vector.broadcast %rev3A_292 : i32 to vector<16xi32>
        %rev3A_294 = tpu.iota {dimensions = array<i32: 0>} : vector<16xi32>
        %rev3A_295 = arith.subi %rev3A_293, %rev3A_294 : vector<16xi32>
        %rev3A_296 = tpu.dynamic_gather %sort3A_290[%rev3A_295] in [0] : vector<16xf32>, vector<16xi32> -> vector<16xf32>
        %max3A_297 = arith.maximumf %sort3A_270, %rev3A_296 : vector<16xf32>
        %sort3A_298 = arith.constant dense<true> : vector<16xi1>
        %sort3A_299, %sort3A_300, %sort3A_301 = tpu.sort %max3A_297, %max3A_297 masked %sort3A_298 : (vector<16xf32>, vector<16xf32>, vector<16xi1>) -> (vector<16xi1>, vector<16xf32>, vector<16xf32>)
        %add3A_302 = arith.constant 96 : i32
        %add3A_303 = arith.addi %mul3A_125, %add3A_302 : i32
        %get3A_304 = arith.index_cast %scan3A_81 : i32 to index
        %get3A_305 = arith.index_cast %add3A_303 : i32 to index
        %get3A_306 = tpu.vector_load %arg5[%get3A_304, %get3A_305] {strides = array<i32>} : memref<8x1664xf32, #tpu.memory_space<vmem>>, vector<16xf32>,
        %add3A_307 = arith.constant 96 : i32
        %add3A_308 = arith.addi %mul3A_125, %add3A_307 : i32
        %get3A_309 = arith.index_cast %scan3A_81 : i32 to index
        %get3A_310 = arith.index_cast %add3A_308 : i32 to index
        %get3A_311 = tpu.vector_load %arg6[%get3A_309, %get3A_310] {strides = array<i32>} : memref<8x1664xf32, #tpu.memory_space<vmem>>, vector<16xf32>,
        %lt3A_312 = arith.constant 2.500000e-01 : f32
        %lt3A_313 = vector.broadcast %lt3A_312 : f32 to vector<16xf32>
        %lt3A_314 = arith.cmpf olt, %get3A_311, %lt3A_313 : vector<16xf32>
        %jit3A_315 = arith.constant -1.000000e+00 : f32
        %broadcast_in_dim3A_316 = vector.broadcast %jit3A_315 : f32 to vector<16xf32>
        %select_n3A_317 = arith.select %lt3A_314, %get3A_306, %broadcast_in_dim3A_316 : vector<16xi1>, vector<16xf32>
        %sort3A_318 = arith.constant dense<true> : vector<16xi1>
        %sort3A_319, %sort3A_320, %sort3A_321 = tpu.sort %select_n3A_317, %select_n3A_317 masked %sort3A_318 : (vector<16xf32>, vector<16xf32>, vector<16xi1>) -> (vector<16xi1>, vector<16xf32>, vector<16xf32>)
        %rev3A_322 = arith.constant 15 : i32
        %rev3A_323 = vector.broadcast %rev3A_322 : i32 to vector<16xi32>
        %rev3A_324 = tpu.iota {dimensions = array<i32: 0>} : vector<16xi32>
        %rev3A_325 = arith.subi %rev3A_323, %rev3A_324 : vector<16xi32>
        %rev3A_326 = tpu.dynamic_gather %sort3A_320[%rev3A_325] in [0] : vector<16xf32>, vector<16xi32> -> vector<16xf32>
        %max3A_327 = arith.maximumf %sort3A_300, %rev3A_326 : vector<16xf32>
        %sort3A_328 = arith.constant dense<true> : vector<16xi1>
        %sort3A_329, %sort3A_330, %sort3A_331 = tpu.sort %max3A_327, %max3A_327 masked %sort3A_328 : (vector<16xf32>, vector<16xf32>, vector<16xi1>) -> (vector<16xi1>, vector<16xf32>, vector<16xf32>)
        %add3A_332 = arith.constant 112 : i32
        %add3A_333 = arith.addi %mul3A_125, %add3A_332 : i32
        %get3A_334 = arith.index_cast %scan3A_81 : i32 to index
        %get3A_335 = arith.index_cast %add3A_333 : i32 to index
        %get3A_336 = tpu.vector_load %arg5[%get3A_334, %get3A_335] {strides = array<i32>} : memref<8x1664xf32, #tpu.memory_space<vmem>>, vector<16xf32>,
        %add3A_337 = arith.constant 112 : i32
        %add3A_338 = arith.addi %mul3A_125, %add3A_337 : i32
        %get3A_339 = arith.index_cast %scan3A_81 : i32 to index
        %get3A_340 = arith.index_cast %add3A_338 : i32 to index
        %get3A_341 = tpu.vector_load %arg6[%get3A_339, %get3A_340] {strides = array<i32>} : memref<8x1664xf32, #tpu.memory_space<vmem>>, vector<16xf32>,
        %lt3A_342 = arith.constant 2.500000e-01 : f32
        %lt3A_343 = vector.broadcast %lt3A_342 : f32 to vector<16xf32>
        %lt3A_344 = arith.cmpf olt, %get3A_341, %lt3A_343 : vector<16xf32>
        %jit3A_345 = arith.constant -1.000000e+00 : f32
        %broadcast_in_dim3A_346 = vector.broadcast %jit3A_345 : f32 to vector<16xf32>
        %select_n3A_347 = arith.select %lt3A_344, %get3A_336, %broadcast_in_dim3A_346 : vector<16xi1>, vector<16xf32>
        %sort3A_348 = arith.constant dense<true> : vector<16xi1>
        %sort3A_349, %sort3A_350, %sort3A_351 = tpu.sort %select_n3A_347, %select_n3A_347 masked %sort3A_348 : (vector<16xf32>, vector<16xf32>, vector<16xi1>) -> (vector<16xi1>, vector<16xf32>, vector<16xf32>)
        %rev3A_352 = arith.constant 15 : i32
        %rev3A_353 = vector.broadcast %rev3A_352 : i32 to vector<16xi32>
        %rev3A_354 = tpu.iota {dimensions = array<i32: 0>} : vector<16xi32>
        %rev3A_355 = arith.subi %rev3A_353, %rev3A_354 : vector<16xi32>
        %rev3A_356 = tpu.dynamic_gather %sort3A_350[%rev3A_355] in [0] : vector<16xf32>, vector<16xi32> -> vector<16xf32>
        %max3A_357 = arith.maximumf %sort3A_330, %rev3A_356 : vector<16xf32>
        %sort3A_358 = arith.constant dense<true> : vector<16xi1>
        %sort3A_359, %sort3A_360, %sort3A_361 = tpu.sort %max3A_357, %max3A_357 masked %sort3A_358 : (vector<16xf32>, vector<16xf32>, vector<16xi1>) -> (vector<16xi1>, vector<16xf32>, vector<16xf32>)
        scf.yield %sort3A_360 : vector<16xf32>
      }
      %swap3A_107 = arith.constant 0 : i32
      %swap3A_108 = arith.constant 0 : i32
      %swap3A_109 = arith.index_cast %swap3A_108 : i32 to index
      %swap3A_110 = memref.load %arg17[%swap3A_109] : memref<1xi32, #tpu.memory_space<smem>>
      memref.store %swap3A_107, %arg17[%swap3A_109] : memref<1xi32, #tpu.memory_space<smem>>
      %swap3A_111 = arith.index_cast %scan3A_81 : i32 to index
      %swap3A_112 = arith.constant 0 : index
      %swap3A_113 = tpu.vector_load %arg11[%swap3A_111, %swap3A_112] {strides = array<i32>} : memref<8x16xf32, #tpu.memory_space<vmem>>, vector<16xf32>,
      tpu.vector_store %arg11[%swap3A_111, %swap3A_112], %while3A_106 {strides = array<i32>} : memref<8x16xf32, #tpu.memory_space<vmem>>, vector<16xf32>,
      %reduce_min3A = arith.constant true
      %reduce_min3A_114 = vector.broadcast %reduce_min3A : i1 to vector<16xi1>
      %reduce_min3A_115 = tpu.scan <min>, %while3A_106 masked %reduce_min3A_114 : vector<16xf32>, vector<16xi1> -> vector<16xf32>
      %reduce_min3A_116 = vector.extract %reduce_min3A_115[15] : f32 from vector<16xf32>
      %swap3A_117 = arith.index_cast %scan3A_81 : i32 to index
      %swap3A_118 = memref.load %arg18[%swap3A_117] : memref<8xf32, #tpu.memory_space<smem>>
      memref.store %reduce_min3A_116, %arg18[%swap3A_117] : memref<8xf32, #tpu.memory_space<smem>>
      %scan3A_119 = arith.constant 0 : i32
      scf.yield %scan3A_119 : i32
    }
    %scan3A_65 = arith.constant 8 : i32
    %eq3A_66 = arith.constant 3 : i32
    %eq3A_67 = arith.cmpi eq, %select_n3A_30, %eq3A_66 : i32
    %convert_element_type3A = arith.extui %eq3A_67 : i1 to i32
    %cond3A = arith.constant 0 : i32
    %cond3A_68 = arith.cmpi ne, %convert_element_type3A, %cond3A : i32
    scf.if %cond3A_68 {
      %dma_start3A_81 = arith.constant 99840 : i32
      %dma_start3A_82 = tpu.memref_slice %arg2[%mul3A_32, %dma_start3A_81] : memref<64x100000xf32, #tpu.memory_space<hbm>> -> memref<8x160xf32, #tpu.memory_space<hbm>>
      %dma_start3A_83 = arith.constant 99840 : i32
      %dma_start3A_84 = tpu.memref_slice %arg2[%mul3A_32, %dma_start3A_83] : memref<64x100000xf32, #tpu.memory_space<hbm>> -> memref<8x160xf32, #tpu.memory_space<hbm>>
      tpu.enqueue_dma source(%dma_start3A_84 : memref<8x160xf32, #tpu.memory_space<hbm>>) target(%arg9 : memref<8x160xf32, #tpu.memory_space<vmem>>) target_semaphore(%arg21 : memref<!tpu.dma_semaphore, #tpu.memory_space<semaphore_mem>>)
      %dma_start3A_85 = arith.constant 99840 : i32
      %dma_start3A_86 = tpu.memref_slice %arg3[%mul3A_32, %dma_start3A_85] : memref<64x100000xf32, #tpu.memory_space<hbm>> -> memref<8x160xf32, #tpu.memory_space<hbm>>
      %dma_start3A_87 = arith.constant 99840 : i32
      %dma_start3A_88 = tpu.memref_slice %arg3[%mul3A_32, %dma_start3A_87] : memref<64x100000xf32, #tpu.memory_space<hbm>> -> memref<8x160xf32, #tpu.memory_space<hbm>>
      tpu.enqueue_dma source(%dma_start3A_88 : memref<8x160xf32, #tpu.memory_space<hbm>>) target(%arg10 : memref<8x160xf32, #tpu.memory_space<vmem>>) target_semaphore(%arg21 : memref<!tpu.dma_semaphore, #tpu.memory_space<semaphore_mem>>)
      %dma_wait3A_89 = arith.constant 99840 : i32
      %dma_wait3A_90 = tpu.memref_slice %arg2[%mul3A_32, %dma_wait3A_89] : memref<64x100000xf32, #tpu.memory_space<hbm>> -> memref<8x160xf32, #tpu.memory_space<hbm>>
      %dma_wait3A_91 = arith.constant 99840 : i32
      %dma_wait3A_92 = tpu.memref_slice %arg2[%mul3A_32, %dma_wait3A_91] : memref<64x100000xf32, #tpu.memory_space<hbm>> -> memref<8x160xf32, #tpu.memory_space<hbm>>
      tpu.wait_dma2 semaphore(%arg21 : memref<!tpu.dma_semaphore, #tpu.memory_space<semaphore_mem>>) src(%dma_wait3A_92 : memref<8x160xf32, #tpu.memory_space<hbm>>) dst(%arg9 : memref<8x160xf32, #tpu.memory_space<vmem>>)
      %dma_wait3A_93 = arith.constant 99840 : i32
      %dma_wait3A_94 = tpu.memref_slice %arg3[%mul3A_32, %dma_wait3A_93] : memref<64x100000xf32, #tpu.memory_space<hbm>> -> memref<8x160xf32, #tpu.memory_space<hbm>>
      %dma_wait3A_95 = arith.constant 99840 : i32
      %dma_wait3A_96 = tpu.memref_slice %arg3[%mul3A_32, %dma_wait3A_95] : memref<64x100000xf32, #tpu.memory_space<hbm>> -> memref<8x160xf32, #tpu.memory_space<hbm>>
      tpu.wait_dma2 semaphore(%arg21 : memref<!tpu.dma_semaphore, #tpu.memory_space<semaphore_mem>>) src(%dma_wait3A_96 : memref<8x160xf32, #tpu.memory_space<hbm>>) dst(%arg10 : memref<8x160xf32, #tpu.memory_space<vmem>>)
      %scan3A_97 = arith.constant 0 : i32
      %scan3A_98 = arith.constant 0 : i32
      %scan3A_99 = arith.constant 8 : i32
      %scan3A_100 = arith.addi %scan3A_98, %scan3A_99 : i32
      %scan3A_101 = arith.constant 1 : i32
      %scan3A_102 = scf.for %scan3A_104 = %scan3A_98 to %scan3A_100 step %scan3A_101 iter_args(%scan3A_105 = %scan3A_97) -> (i32)  : i32 {
        %get3A = arith.index_cast %scan3A_104 : i32 to index
        %get3A_106 = arith.constant 0 : index
        %get3A_107 = tpu.vector_load %arg11[%get3A, %get3A_106] {strides = array<i32>} : memref<8x16xf32, #tpu.memory_space<vmem>>, vector<16xf32>,
        %scan3A_108 = arith.constant 0 : i32
        %scan3A_109 = arith.constant 10 : i32
        %scan3A_110 = arith.addi %scan3A_108, %scan3A_109 : i32
        %scan3A_111 = arith.constant 1 : i32
        %scan3A_112 = scf.for %scan3A_118 = %scan3A_108 to %scan3A_110 step %scan3A_111 iter_args(%scan3A_119 = %get3A_107) -> (vector<16xf32>)  : i32 {
          %mul3A_120 = arith.constant 16 : i32
          %mul3A_121 = arith.muli %scan3A_118, %mul3A_120 : i32
          %get3A_122 = arith.index_cast %scan3A_104 : i32 to index
          %get3A_123 = arith.index_cast %mul3A_121 : i32 to index
          %get3A_124 = tpu.vector_load %arg9[%get3A_122, %get3A_123] {strides = array<i32>} : memref<8x160xf32, #tpu.memory_space<vmem>>, vector<16xf32>,
          %mul3A_125 = arith.constant 16 : i32
          %mul3A_126 = arith.muli %scan3A_118, %mul3A_125 : i32
          %get3A_127 = arith.index_cast %scan3A_104 : i32 to index
          %get3A_128 = arith.index_cast %mul3A_126 : i32 to index
          %get3A_129 = tpu.vector_load %arg10[%get3A_127, %get3A_128] {strides = array<i32>} : memref<8x160xf32, #tpu.memory_space<vmem>>, vector<16xf32>,
          %lt3A_130 = arith.constant 2.500000e-01 : f32
          %lt3A_131 = vector.broadcast %lt3A_130 : f32 to vector<16xf32>
          %lt3A_132 = arith.cmpf olt, %get3A_129, %lt3A_131 : vector<16xf32>
          %jit3A_133 = arith.constant -1.000000e+00 : f32
          %broadcast_in_dim3A = vector.broadcast %jit3A_133 : f32 to vector<16xf32>
          %select_n3A_134 = arith.select %lt3A_132, %get3A_124, %broadcast_in_dim3A : vector<16xi1>, vector<16xf32>
          %sort3A = arith.constant dense<true> : vector<16xi1>
          %sort3A_135, %sort3A_136, %sort3A_137 = tpu.sort %select_n3A_134, %select_n3A_134 masked %sort3A : (vector<16xf32>, vector<16xf32>, vector<16xi1>) -> (vector<16xi1>, vector<16xf32>, vector<16xf32>)
          %rev3A = arith.constant 15 : i32
          %rev3A_138 = vector.broadcast %rev3A : i32 to vector<16xi32>
          %rev3A_139 = tpu.iota {dimensions = array<i32: 0>} : vector<16xi32>
          %rev3A_140 = arith.subi %rev3A_138, %rev3A_139 : vector<16xi32>
          %rev3A_141 = tpu.dynamic_gather %sort3A_136[%rev3A_140] in [0] : vector<16xf32>, vector<16xi32> -> vector<16xf32>
          %max3A = arith.maximumf %scan3A_119, %rev3A_141 : vector<16xf32>
          %sort3A_142 = arith.constant dense<true> : vector<16xi1>
          %sort3A_143, %sort3A_144, %sort3A_145 = tpu.sort %max3A, %max3A masked %sort3A_142 : (vector<16xf32>, vector<16xf32>, vector<16xi1>) -> (vector<16xi1>, vector<16xf32>, vector<16xf32>)
          scf.yield %sort3A_144 : vector<16xf32>
        }
        %scan3A_113 = arith.constant 10 : i32
        %swap3A_114 = arith.index_cast %scan3A_104 : i32 to index
        %swap3A_115 = arith.constant 0 : index
        %swap3A_116 = tpu.vector_load %arg11[%swap3A_114, %swap3A_115] {strides = array<i32>} : memref<8x16xf32, #tpu.memory_space<vmem>>, vector<16xf32>,
        tpu.vector_store %arg11[%swap3A_114, %swap3A_115], %scan3A_112 {strides = array<i32>} : memref<8x16xf32, #tpu.memory_space<vmem>>, vector<16xf32>,
        %scan3A_117 = arith.constant 0 : i32
        scf.yield %scan3A_117 : i32
      }
      %scan3A_103 = arith.constant 8 : i32
    } else {
    }
    %scan3A_69 = arith.constant 0 : i32
    %scan3A_70 = arith.constant 0 : i32
    %scan3A_71 = arith.constant 8 : i32
    %scan3A_72 = arith.addi %scan3A_70, %scan3A_71 : i32
    %scan3A_73 = arith.constant 1 : i32
    %scan3A_74 = scf.for %scan3A_81 = %scan3A_70 to %scan3A_72 step %scan3A_73 iter_args(%scan3A_82 = %scan3A_69) -> (i32)  : i32 {
      %get3A = arith.index_cast %scan3A_81 : i32 to index
      %get3A_83 = arith.constant 0 : index
      %get3A_84 = tpu.vector_load %arg11[%get3A, %get3A_83] {strides = array<i32>} : memref<8x16xf32, #tpu.memory_space<vmem>>, vector<16xf32>,
      %swap3A_85 = arith.index_cast %scan3A_81 : i32 to index
      %swap3A_86 = arith.constant 0 : index
      %swap3A_87 = tpu.vector_load %arg12[%swap3A_85, %swap3A_86] {strides = array<i32>} : memref<8x16xf32, #tpu.memory_space<vmem>>, vector<16xf32>,
      tpu.vector_store %arg12[%swap3A_85, %swap3A_86], %get3A_84 {strides = array<i32>} : memref<8x16xf32, #tpu.memory_space<vmem>>, vector<16xf32>,
      %scan3A_88 = arith.constant 0 : i32
      scf.yield %scan3A_88 : i32
    }
    %scan3A_75 = arith.constant 8 : i32
    "tpu.region"() ({
      %run_scoped3A = tpu.sem_alloc : memref<!tpu.dma_semaphore, #tpu.memory_space<semaphore_mem>>
      %dma_start3A_81 = arith.constant 0 : i32
      %dma_start3A_82 = arith.constant 0 : i32
      %dma_start3A_83 = tpu.memref_slice %arg15[%arg1, %dma_start3A_81, %dma_start3A_82] : memref<16x8x16xf32, #tpu.memory_space<vmem_shared>> -> memref<1x8x16xf32, #tpu.memory_space<vmem_shared>>
      %dma_start3A_84 = tpu.memref_squeeze %dma_start3A_83 : memref<1x8x16xf32, #tpu.memory_space<vmem_shared>> -> memref<8x16xf32, #tpu.memory_space<vmem_shared>>
      %dma_start3A_85 = arith.constant 0 : i32
      %dma_start3A_86 = arith.constant 0 : i32
      %dma_start3A_87 = tpu.memref_slice %arg15[%arg1, %dma_start3A_85, %dma_start3A_86] : memref<16x8x16xf32, #tpu.memory_space<vmem_shared>> -> memref<1x8x16xf32, #tpu.memory_space<vmem_shared>>
      %dma_start3A_88 = tpu.memref_squeeze %dma_start3A_87 : memref<1x8x16xf32, #tpu.memory_space<vmem_shared>> -> memref<8x16xf32, #tpu.memory_space<vmem_shared>>
      tpu.enqueue_dma source(%arg12 : memref<8x16xf32, #tpu.memory_space<vmem>>) target(%dma_start3A_88 : memref<8x16xf32, #tpu.memory_space<vmem_shared>>) target_semaphore(%run_scoped3A : memref<!tpu.dma_semaphore, #tpu.memory_space<semaphore_mem>>)
      %dma_wait3A_89 = arith.constant 0 : i32
      %dma_wait3A_90 = arith.constant 0 : i32
      %dma_wait3A_91 = tpu.memref_slice %arg15[%arg1, %dma_wait3A_89, %dma_wait3A_90] : memref<16x8x16xf32, #tpu.memory_space<vmem_shared>> -> memref<1x8x16xf32, #tpu.memory_space<vmem_shared>>
      %dma_wait3A_92 = tpu.memref_squeeze %dma_wait3A_91 : memref<1x8x16xf32, #tpu.memory_space<vmem_shared>> -> memref<8x16xf32, #tpu.memory_space<vmem_shared>>
      %dma_wait3A_93 = arith.constant 0 : i32
      %dma_wait3A_94 = arith.constant 0 : i32
      %dma_wait3A_95 = tpu.memref_slice %arg15[%arg1, %dma_wait3A_93, %dma_wait3A_94] : memref<16x8x16xf32, #tpu.memory_space<vmem_shared>> -> memref<1x8x16xf32, #tpu.memory_space<vmem_shared>>
      %dma_wait3A_96 = tpu.memref_squeeze %dma_wait3A_95 : memref<1x8x16xf32, #tpu.memory_space<vmem_shared>> -> memref<8x16xf32, #tpu.memory_space<vmem_shared>>
      tpu.wait_dma2 semaphore(%run_scoped3A : memref<!tpu.dma_semaphore, #tpu.memory_space<semaphore_mem>>) src(%arg12 : memref<8x16xf32, #tpu.memory_space<vmem>>) dst(%dma_wait3A_96 : memref<8x16xf32, #tpu.memory_space<vmem_shared>>)
      tpu.yield
    }) : () -> ()
    %barrier3A = arith.constant 0 : index
    tpu.barrier barrier_id(%barrier3A)
    %eq3A_76 = arith.constant 0 : i32
    %eq3A_77 = arith.cmpi eq, %select_n3A_30, %eq3A_76 : i32
    %convert_element_type3A_78 = arith.extui %eq3A_77 : i1 to i32
    %cond3A_79 = arith.constant 0 : i32
    %cond3A_80 = arith.cmpi ne, %convert_element_type3A_78, %cond3A_79 : i32
    scf.if %cond3A_80 {
      %add3A_81 = arith.constant 1 : i32
      %add3A_82 = arith.addi %arg1, %add3A_81 : i32
      "tpu.region"() ({
        %run_scoped3A = tpu.sem_alloc : memref<!tpu.dma_semaphore, #tpu.memory_space<semaphore_mem>>
        %dma_start3A_370 = arith.constant 0 : i32
        %dma_start3A_371 = arith.constant 0 : i32
        %dma_start3A_372 = tpu.memref_slice %arg15[%add3A_82, %dma_start3A_370, %dma_start3A_371] : memref<16x8x16xf32, #tpu.memory_space<vmem_shared>> -> memref<1x8x16xf32, #tpu.memory_space<vmem_shared>>
        %dma_start3A_373 = tpu.memref_squeeze %dma_start3A_372 : memref<1x8x16xf32, #tpu.memory_space<vmem_shared>> -> memref<8x16xf32, #tpu.memory_space<vmem_shared>>
        %dma_start3A_374 = arith.constant 0 : i32
        %dma_start3A_375 = arith.constant 0 : i32
        %dma_start3A_376 = tpu.memref_slice %arg15[%add3A_82, %dma_start3A_374, %dma_start3A_375] : memref<16x8x16xf32, #tpu.memory_space<vmem_shared>> -> memref<1x8x16xf32, #tpu.memory_space<vmem_shared>>
        %dma_start3A_377 = tpu.memref_squeeze %dma_start3A_376 : memref<1x8x16xf32, #tpu.memory_space<vmem_shared>> -> memref<8x16xf32, #tpu.memory_space<vmem_shared>>
        tpu.enqueue_dma source(%dma_start3A_377 : memref<8x16xf32, #tpu.memory_space<vmem_shared>>) target(%arg13 : memref<8x16xf32, #tpu.memory_space<vmem>>) target_semaphore(%run_scoped3A : memref<!tpu.dma_semaphore, #tpu.memory_space<semaphore_mem>>)
        %dma_wait3A_378 = arith.constant 0 : i32
        %dma_wait3A_379 = arith.constant 0 : i32
        %dma_wait3A_380 = tpu.memref_slice %arg15[%add3A_82, %dma_wait3A_378, %dma_wait3A_379] : memref<16x8x16xf32, #tpu.memory_space<vmem_shared>> -> memref<1x8x16xf32, #tpu.memory_space<vmem_shared>>
        %dma_wait3A_381 = tpu.memref_squeeze %dma_wait3A_380 : memref<1x8x16xf32, #tpu.memory_space<vmem_shared>> -> memref<8x16xf32, #tpu.memory_space<vmem_shared>>
        %dma_wait3A_382 = arith.constant 0 : i32
        %dma_wait3A_383 = arith.constant 0 : i32
        %dma_wait3A_384 = tpu.memref_slice %arg15[%add3A_82, %dma_wait3A_382, %dma_wait3A_383] : memref<16x8x16xf32, #tpu.memory_space<vmem_shared>> -> memref<1x8x16xf32, #tpu.memory_space<vmem_shared>>
        %dma_wait3A_385 = tpu.memref_squeeze %dma_wait3A_384 : memref<1x8x16xf32, #tpu.memory_space<vmem_shared>> -> memref<8x16xf32, #tpu.memory_space<vmem_shared>>
        tpu.wait_dma2 semaphore(%run_scoped3A : memref<!tpu.dma_semaphore, #tpu.memory_space<semaphore_mem>>) src(%dma_wait3A_385 : memref<8x16xf32, #tpu.memory_space<vmem_shared>>) dst(%arg13 : memref<8x16xf32, #tpu.memory_space<vmem>>)
        tpu.yield
      }) : () -> ()
      %scan3A_83 = arith.constant 0 : i32
      %scan3A_84 = arith.constant 0 : i32
      %scan3A_85 = arith.constant 8 : i32
      %scan3A_86 = arith.addi %scan3A_84, %scan3A_85 : i32
      %scan3A_87 = arith.constant 1 : i32
      %scan3A_88 = scf.for %scan3A_370 = %scan3A_84 to %scan3A_86 step %scan3A_87 iter_args(%scan3A_371 = %scan3A_83) -> (i32)  : i32 {
        %get3A_372 = arith.index_cast %scan3A_370 : i32 to index
        %get3A_373 = arith.constant 0 : index
        %get3A_374 = tpu.vector_load %arg12[%get3A_372, %get3A_373] {strides = array<i32>} : memref<8x16xf32, #tpu.memory_space<vmem>>, vector<16xf32>,
        %get3A_375 = arith.index_cast %scan3A_370 : i32 to index
        %get3A_376 = arith.constant 0 : index
        %get3A_377 = tpu.vector_load %arg13[%get3A_375, %get3A_376] {strides = array<i32>} : memref<8x16xf32, #tpu.memory_space<vmem>>, vector<16xf32>,
        %rev3A = arith.constant 15 : i32
        %rev3A_378 = vector.broadcast %rev3A : i32 to vector<16xi32>
        %rev3A_379 = tpu.iota {dimensions = array<i32: 0>} : vector<16xi32>
        %rev3A_380 = arith.subi %rev3A_378, %rev3A_379 : vector<16xi32>
        %rev3A_381 = tpu.dynamic_gather %get3A_377[%rev3A_380] in [0] : vector<16xf32>, vector<16xi32> -> vector<16xf32>
        %max3A_382 = arith.maximumf %get3A_374, %rev3A_381 : vector<16xf32>
        %sort3A = arith.constant dense<true> : vector<16xi1>
        %sort3A_383, %sort3A_384, %sort3A_385 = tpu.sort %max3A_382, %max3A_382 masked %sort3A : (vector<16xf32>, vector<16xf32>, vector<16xi1>) -> (vector<16xi1>, vector<16xf32>, vector<16xf32>)
        %swap3A_386 = arith.index_cast %scan3A_370 : i32 to index
        %swap3A_387 = arith.constant 0 : index
        %swap3A_388 = tpu.vector_load %arg12[%swap3A_386, %swap3A_387] {strides = array<i32>} : memref<8x16xf32, #tpu.memory_space<vmem>>, vector<16xf32>,
        tpu.vector_store %arg12[%swap3A_386, %swap3A_387], %sort3A_384 {strides = array<i32>} : memref<8x16xf32, #tpu.memory_space<vmem>>, vector<16xf32>,
        %scan3A_389 = arith.constant 0 : i32
        scf.yield %scan3A_389 : i32
      }
      %scan3A_89 = arith.constant 8 : i32
      %add3A_90 = arith.constant 2 : i32
      %add3A_91 = arith.addi %arg1, %add3A_90 : i32
      "tpu.region"() ({
        %run_scoped3A = tpu.sem_alloc : memref<!tpu.dma_semaphore, #tpu.memory_space<semaphore_mem>>
        %dma_start3A_370 = arith.constant 0 : i32
        %dma_start3A_371 = arith.constant 0 : i32
        %dma_start3A_372 = tpu.memref_slice %arg15[%add3A_91, %dma_start3A_370, %dma_start3A_371] : memref<16x8x16xf32, #tpu.memory_space<vmem_shared>> -> memref<1x8x16xf32, #tpu.memory_space<vmem_shared>>
        %dma_start3A_373 = tpu.memref_squeeze %dma_start3A_372 : memref<1x8x16xf32, #tpu.memory_space<vmem_shared>> -> memref<8x16xf32, #tpu.memory_space<vmem_shared>>
        %dma_start3A_374 = arith.constant 0 : i32
        %dma_start3A_375 = arith.constant 0 : i32
        %dma_start3A_376 = tpu.memref_slice %arg15[%add3A_91, %dma_start3A_374, %dma_start3A_375] : memref<16x8x16xf32, #tpu.memory_space<vmem_shared>> -> memref<1x8x16xf32, #tpu.memory_space<vmem_shared>>
        %dma_start3A_377 = tpu.memref_squeeze %dma_start3A_376 : memref<1x8x16xf32, #tpu.memory_space<vmem_shared>> -> memref<8x16xf32, #tpu.memory_space<vmem_shared>>
        tpu.enqueue_dma source(%dma_start3A_377 : memref<8x16xf32, #tpu.memory_space<vmem_shared>>) target(%arg13 : memref<8x16xf32, #tpu.memory_space<vmem>>) target_semaphore(%run_scoped3A : memref<!tpu.dma_semaphore, #tpu.memory_space<semaphore_mem>>)
        %dma_wait3A_378 = arith.constant 0 : i32
        %dma_wait3A_379 = arith.constant 0 : i32
        %dma_wait3A_380 = tpu.memref_slice %arg15[%add3A_91, %dma_wait3A_378, %dma_wait3A_379] : memref<16x8x16xf32, #tpu.memory_space<vmem_shared>> -> memref<1x8x16xf32, #tpu.memory_space<vmem_shared>>
        %dma_wait3A_381 = tpu.memref_squeeze %dma_wait3A_380 : memref<1x8x16xf32, #tpu.memory_space<vmem_shared>> -> memref<8x16xf32, #tpu.memory_space<vmem_shared>>
        %dma_wait3A_382 = arith.constant 0 : i32
        %dma_wait3A_383 = arith.constant 0 : i32
        %dma_wait3A_384 = tpu.memref_slice %arg15[%add3A_91, %dma_wait3A_382, %dma_wait3A_383] : memref<16x8x16xf32, #tpu.memory_space<vmem_shared>> -> memref<1x8x16xf32, #tpu.memory_space<vmem_shared>>
        %dma_wait3A_385 = tpu.memref_squeeze %dma_wait3A_384 : memref<1x8x16xf32, #tpu.memory_space<vmem_shared>> -> memref<8x16xf32, #tpu.memory_space<vmem_shared>>
        tpu.wait_dma2 semaphore(%run_scoped3A : memref<!tpu.dma_semaphore, #tpu.memory_space<semaphore_mem>>) src(%dma_wait3A_385 : memref<8x16xf32, #tpu.memory_space<vmem_shared>>) dst(%arg13 : memref<8x16xf32, #tpu.memory_space<vmem>>)
        tpu.yield
      }) : () -> ()
      %scan3A_92 = arith.constant 0 : i32
      %scan3A_93 = arith.constant 0 : i32
      %scan3A_94 = arith.constant 8 : i32
      %scan3A_95 = arith.addi %scan3A_93, %scan3A_94 : i32
      %scan3A_96 = arith.constant 1 : i32
      %scan3A_97 = scf.for %scan3A_370 = %scan3A_93 to %scan3A_95 step %scan3A_96 iter_args(%scan3A_371 = %scan3A_92) -> (i32)  : i32 {
        %get3A_372 = arith.index_cast %scan3A_370 : i32 to index
        %get3A_373 = arith.constant 0 : index
        %get3A_374 = tpu.vector_load %arg12[%get3A_372, %get3A_373] {strides = array<i32>} : memref<8x16xf32, #tpu.memory_space<vmem>>, vector<16xf32>,
        %get3A_375 = arith.index_cast %scan3A_370 : i32 to index
        %get3A_376 = arith.constant 0 : index
        %get3A_377 = tpu.vector_load %arg13[%get3A_375, %get3A_376] {strides = array<i32>} : memref<8x16xf32, #tpu.memory_space<vmem>>, vector<16xf32>,
        %rev3A = arith.constant 15 : i32
        %rev3A_378 = vector.broadcast %rev3A : i32 to vector<16xi32>
        %rev3A_379 = tpu.iota {dimensions = array<i32: 0>} : vector<16xi32>
        %rev3A_380 = arith.subi %rev3A_378, %rev3A_379 : vector<16xi32>
        %rev3A_381 = tpu.dynamic_gather %get3A_377[%rev3A_380] in [0] : vector<16xf32>, vector<16xi32> -> vector<16xf32>
        %max3A_382 = arith.maximumf %get3A_374, %rev3A_381 : vector<16xf32>
        %sort3A = arith.constant dense<true> : vector<16xi1>
        %sort3A_383, %sort3A_384, %sort3A_385 = tpu.sort %max3A_382, %max3A_382 masked %sort3A : (vector<16xf32>, vector<16xf32>, vector<16xi1>) -> (vector<16xi1>, vector<16xf32>, vector<16xf32>)
        %swap3A_386 = arith.index_cast %scan3A_370 : i32 to index
        %swap3A_387 = arith.constant 0 : index
        %swap3A_388 = tpu.vector_load %arg12[%swap3A_386, %swap3A_387] {strides = array<i32>} : memref<8x16xf32, #tpu.memory_space<vmem>>, vector<16xf32>,
        tpu.vector_store %arg12[%swap3A_386, %swap3A_387], %sort3A_384 {strides = array<i32>} : memref<8x16xf32, #tpu.memory_space<vmem>>, vector<16xf32>,
        %scan3A_389 = arith.constant 0 : i32
        scf.yield %scan3A_389 : i32
      }
      %scan3A_98 = arith.constant 8 : i32
      %add3A_99 = arith.constant 3 : i32
      %add3A_100 = arith.addi %arg1, %add3A_99 : i32
      "tpu.region"() ({
        %run_scoped3A = tpu.sem_alloc : memref<!tpu.dma_semaphore, #tpu.memory_space<semaphore_mem>>
        %dma_start3A_370 = arith.constant 0 : i32
        %dma_start3A_371 = arith.constant 0 : i32
        %dma_start3A_372 = tpu.memref_slice %arg15[%add3A_100, %dma_start3A_370, %dma_start3A_371] : memref<16x8x16xf32, #tpu.memory_space<vmem_shared>> -> memref<1x8x16xf32, #tpu.memory_space<vmem_shared>>
        %dma_start3A_373 = tpu.memref_squeeze %dma_start3A_372 : memref<1x8x16xf32, #tpu.memory_space<vmem_shared>> -> memref<8x16xf32, #tpu.memory_space<vmem_shared>>
        %dma_start3A_374 = arith.constant 0 : i32
        %dma_start3A_375 = arith.constant 0 : i32
        %dma_start3A_376 = tpu.memref_slice %arg15[%add3A_100, %dma_start3A_374, %dma_start3A_375] : memref<16x8x16xf32, #tpu.memory_space<vmem_shared>> -> memref<1x8x16xf32, #tpu.memory_space<vmem_shared>>
        %dma_start3A_377 = tpu.memref_squeeze %dma_start3A_376 : memref<1x8x16xf32, #tpu.memory_space<vmem_shared>> -> memref<8x16xf32, #tpu.memory_space<vmem_shared>>
        tpu.enqueue_dma source(%dma_start3A_377 : memref<8x16xf32, #tpu.memory_space<vmem_shared>>) target(%arg13 : memref<8x16xf32, #tpu.memory_space<vmem>>) target_semaphore(%run_scoped3A : memref<!tpu.dma_semaphore, #tpu.memory_space<semaphore_mem>>)
        %dma_wait3A_378 = arith.constant 0 : i32
        %dma_wait3A_379 = arith.constant 0 : i32
        %dma_wait3A_380 = tpu.memref_slice %arg15[%add3A_100, %dma_wait3A_378, %dma_wait3A_379] : memref<16x8x16xf32, #tpu.memory_space<vmem_shared>> -> memref<1x8x16xf32, #tpu.memory_space<vmem_shared>>
        %dma_wait3A_381 = tpu.memref_squeeze %dma_wait3A_380 : memref<1x8x16xf32, #tpu.memory_space<vmem_shared>> -> memref<8x16xf32, #tpu.memory_space<vmem_shared>>
        %dma_wait3A_382 = arith.constant 0 : i32
        %dma_wait3A_383 = arith.constant 0 : i32
        %dma_wait3A_384 = tpu.memref_slice %arg15[%add3A_100, %dma_wait3A_382, %dma_wait3A_383] : memref<16x8x16xf32, #tpu.memory_space<vmem_shared>> -> memref<1x8x16xf32, #tpu.memory_space<vmem_shared>>
        %dma_wait3A_385 = tpu.memref_squeeze %dma_wait3A_384 : memref<1x8x16xf32, #tpu.memory_space<vmem_shared>> -> memref<8x16xf32, #tpu.memory_space<vmem_shared>>
        tpu.wait_dma2 semaphore(%run_scoped3A : memref<!tpu.dma_semaphore, #tpu.memory_space<semaphore_mem>>) src(%dma_wait3A_385 : memref<8x16xf32, #tpu.memory_space<vmem_shared>>) dst(%arg13 : memref<8x16xf32, #tpu.memory_space<vmem>>)
        tpu.yield
      }) : () -> ()
      %scan3A_101 = arith.constant 0 : i32
      %scan3A_102 = arith.constant 0 : i32
      %scan3A_103 = arith.constant 8 : i32
      %scan3A_104 = arith.addi %scan3A_102, %scan3A_103 : i32
      %scan3A_105 = arith.constant 1 : i32
      %scan3A_106 = scf.for %scan3A_370 = %scan3A_102 to %scan3A_104 step %scan3A_105 iter_args(%scan3A_371 = %scan3A_101) -> (i32)  : i32 {
        %get3A_372 = arith.index_cast %scan3A_370 : i32 to index
        %get3A_373 = arith.constant 0 : index
        %get3A_374 = tpu.vector_load %arg12[%get3A_372, %get3A_373] {strides = array<i32>} : memref<8x16xf32, #tpu.memory_space<vmem>>, vector<16xf32>,
        %get3A_375 = arith.index_cast %scan3A_370 : i32 to index
        %get3A_376 = arith.constant 0 : index
        %get3A_377 = tpu.vector_load %arg13[%get3A_375, %get3A_376] {strides = array<i32>} : memref<8x16xf32, #tpu.memory_space<vmem>>, vector<16xf32>,
        %rev3A = arith.constant 15 : i32
        %rev3A_378 = vector.broadcast %rev3A : i32 to vector<16xi32>
        %rev3A_379 = tpu.iota {dimensions = array<i32: 0>} : vector<16xi32>
        %rev3A_380 = arith.subi %rev3A_378, %rev3A_379 : vector<16xi32>
        %rev3A_381 = tpu.dynamic_gather %get3A_377[%rev3A_380] in [0] : vector<16xf32>, vector<16xi32> -> vector<16xf32>
        %max3A_382 = arith.maximumf %get3A_374, %rev3A_381 : vector<16xf32>
        %sort3A = arith.constant dense<true> : vector<16xi1>
        %sort3A_383, %sort3A_384, %sort3A_385 = tpu.sort %max3A_382, %max3A_382 masked %sort3A : (vector<16xf32>, vector<16xf32>, vector<16xi1>) -> (vector<16xi1>, vector<16xf32>, vector<16xf32>)
        %swap3A_386 = arith.index_cast %scan3A_370 : i32 to index
        %swap3A_387 = arith.constant 0 : index
        %swap3A_388 = tpu.vector_load %arg12[%swap3A_386, %swap3A_387] {strides = array<i32>} : memref<8x16xf32, #tpu.memory_space<vmem>>, vector<16xf32>,
        tpu.vector_store %arg12[%swap3A_386, %swap3A_387], %sort3A_384 {strides = array<i32>} : memref<8x16xf32, #tpu.memory_space<vmem>>, vector<16xf32>,
        %scan3A_389 = arith.constant 0 : i32
        scf.yield %scan3A_389 : i32
      }
      %scan3A_107 = arith.constant 8 : i32
      %iota3A = tpu.iota {dimensions = array<i32: 0>} : vector<16xi32>
      %broadcast_in_dim3A = arith.constant 0.000000e+00 : f32
      %broadcast_in_dim3A_108 = vector.broadcast %broadcast_in_dim3A : f32 to vector<16xf32>
      %get3A = arith.constant 0 : i32
      %get3A_109 = arith.index_cast %get3A : i32 to index
      %get3A_110 = arith.constant 0 : index
      %get3A_111 = tpu.vector_load %arg12[%get3A_109, %get3A_110] {strides = array<i32>} : memref<8x16xf32, #tpu.memory_space<vmem>>, vector<16xf32>,
      %sub3A_112 = arith.constant 2.000000e-01 : f32
      %sub3A_113 = vector.broadcast %sub3A_112 : f32 to vector<16xf32>
      %sub3A_114 = arith.subf %get3A_111, %sub3A_113 : vector<16xf32>
      %max3A = arith.constant 0.000000e+00 : f32
      %max3A_115 = vector.broadcast %max3A : f32 to vector<16xf32>
      %max3A_116 = arith.maximumf %sub3A_114, %max3A_115 : vector<16xf32>
      %mul3A_117 = arith.mulf %max3A_116, %sub3A_114 : vector<16xf32>
      %mul3A_118 = arith.constant 6.400000e+01 : f32
      %mul3A_119 = vector.broadcast %mul3A_118 : f32 to vector<16xf32>
      %mul3A_120 = arith.mulf %mul3A_117, %mul3A_119 : vector<16xf32>
      %sub3A_121 = arith.constant 4.100000e+01 : f32
      %sub3A_122 = vector.broadcast %sub3A_121 : f32 to vector<16xf32>
      %sub3A_123 = arith.subf %mul3A_120, %sub3A_122 : vector<16xf32>
      %exp3A = math.exp %sub3A_123 : vector<16xf32>
      %ge3A = arith.constant 6 : i32
      %ge3A_124 = vector.broadcast %ge3A : i32 to vector<16xi32>
      %ge3A_125 = arith.cmpi sge, %iota3A, %ge3A_124 : vector<16xi32>
      %jit3A_126 = arith.constant 0.000000e+00 : f32
      %broadcast_in_dim3A_127 = vector.broadcast %jit3A_126 : f32 to vector<16xf32>
      %select_n3A_128 = arith.select %ge3A_125, %exp3A, %broadcast_in_dim3A_127 : vector<16xi1>, vector<16xf32>
      %reduce_sum3A = arith.constant true
      %reduce_sum3A_129 = vector.broadcast %reduce_sum3A : i1 to vector<16xi1>
      %reduce_sum3A_130 = tpu.scan <sum>, %select_n3A_128 masked %reduce_sum3A_129 : vector<16xf32>, vector<16xi1> -> vector<16xf32>
      %reduce_sum3A_131 = vector.extract %reduce_sum3A_130[15] : f32 from vector<16xf32>
      %eq3A_132 = arith.constant 0 : i32
      %eq3A_133 = vector.broadcast %eq3A_132 : i32 to vector<16xi32>
      %eq3A_134 = arith.cmpi eq, %iota3A, %eq3A_133 : vector<16xi32>
      %broadcast_in_dim3A_135 = vector.broadcast %reduce_sum3A_131 : f32 to vector<16xf32>
      %select_n3A_136 = arith.select %eq3A_134, %broadcast_in_dim3A_135, %broadcast_in_dim3A_108 : vector<16xi1>, vector<16xf32>
      %get3A_137 = arith.constant 1 : i32
      %get3A_138 = arith.index_cast %get3A_137 : i32 to index
      %get3A_139 = arith.constant 0 : index
      %get3A_140 = tpu.vector_load %arg12[%get3A_138, %get3A_139] {strides = array<i32>} : memref<8x16xf32, #tpu.memory_space<vmem>>, vector<16xf32>,
      %sub3A_141 = arith.constant 2.000000e-01 : f32
      %sub3A_142 = vector.broadcast %sub3A_141 : f32 to vector<16xf32>
      %sub3A_143 = arith.subf %get3A_140, %sub3A_142 : vector<16xf32>
      %max3A_144 = arith.constant 0.000000e+00 : f32
      %max3A_145 = vector.broadcast %max3A_144 : f32 to vector<16xf32>
      %max3A_146 = arith.maximumf %sub3A_143, %max3A_145 : vector<16xf32>
      %mul3A_147 = arith.mulf %max3A_146, %sub3A_143 : vector<16xf32>
      %mul3A_148 = arith.constant 6.400000e+01 : f32
      %mul3A_149 = vector.broadcast %mul3A_148 : f32 to vector<16xf32>
      %mul3A_150 = arith.mulf %mul3A_147, %mul3A_149 : vector<16xf32>
      %sub3A_151 = arith.constant 4.100000e+01 : f32
      %sub3A_152 = vector.broadcast %sub3A_151 : f32 to vector<16xf32>
      %sub3A_153 = arith.subf %mul3A_150, %sub3A_152 : vector<16xf32>
      %exp3A_154 = math.exp %sub3A_153 : vector<16xf32>
      %ge3A_155 = arith.constant 6 : i32
      %ge3A_156 = vector.broadcast %ge3A_155 : i32 to vector<16xi32>
      %ge3A_157 = arith.cmpi sge, %iota3A, %ge3A_156 : vector<16xi32>
      %jit3A_158 = arith.constant 0.000000e+00 : f32
      %broadcast_in_dim3A_159 = vector.broadcast %jit3A_158 : f32 to vector<16xf32>
      %select_n3A_160 = arith.select %ge3A_157, %exp3A_154, %broadcast_in_dim3A_159 : vector<16xi1>, vector<16xf32>
      %reduce_sum3A_161 = arith.constant true
      %reduce_sum3A_162 = vector.broadcast %reduce_sum3A_161 : i1 to vector<16xi1>
      %reduce_sum3A_163 = tpu.scan <sum>, %select_n3A_160 masked %reduce_sum3A_162 : vector<16xf32>, vector<16xi1> -> vector<16xf32>
      %reduce_sum3A_164 = vector.extract %reduce_sum3A_163[15] : f32 from vector<16xf32>
      %eq3A_165 = arith.constant 1 : i32
      %eq3A_166 = vector.broadcast %eq3A_165 : i32 to vector<16xi32>
      %eq3A_167 = arith.cmpi eq, %iota3A, %eq3A_166 : vector<16xi32>
      %broadcast_in_dim3A_168 = vector.broadcast %reduce_sum3A_164 : f32 to vector<16xf32>
      %select_n3A_169 = arith.select %eq3A_167, %broadcast_in_dim3A_168, %select_n3A_136 : vector<16xi1>, vector<16xf32>
      %get3A_170 = arith.constant 2 : i32
      %get3A_171 = arith.index_cast %get3A_170 : i32 to index
      %get3A_172 = arith.constant 0 : index
      %get3A_173 = tpu.vector_load %arg12[%get3A_171, %get3A_172] {strides = array<i32>} : memref<8x16xf32, #tpu.memory_space<vmem>>, vector<16xf32>,
      %sub3A_174 = arith.constant 2.000000e-01 : f32
      %sub3A_175 = vector.broadcast %sub3A_174 : f32 to vector<16xf32>
      %sub3A_176 = arith.subf %get3A_173, %sub3A_175 : vector<16xf32>
      %max3A_177 = arith.constant 0.000000e+00 : f32
      %max3A_178 = vector.broadcast %max3A_177 : f32 to vector<16xf32>
      %max3A_179 = arith.maximumf %sub3A_176, %max3A_178 : vector<16xf32>
      %mul3A_180 = arith.mulf %max3A_179, %sub3A_176 : vector<16xf32>
      %mul3A_181 = arith.constant 6.400000e+01 : f32
      %mul3A_182 = vector.broadcast %mul3A_181 : f32 to vector<16xf32>
      %mul3A_183 = arith.mulf %mul3A_180, %mul3A_182 : vector<16xf32>
      %sub3A_184 = arith.constant 4.100000e+01 : f32
      %sub3A_185 = vector.broadcast %sub3A_184 : f32 to vector<16xf32>
      %sub3A_186 = arith.subf %mul3A_183, %sub3A_185 : vector<16xf32>
      %exp3A_187 = math.exp %sub3A_186 : vector<16xf32>
      %ge3A_188 = arith.constant 6 : i32
      %ge3A_189 = vector.broadcast %ge3A_188 : i32 to vector<16xi32>
      %ge3A_190 = arith.cmpi sge, %iota3A, %ge3A_189 : vector<16xi32>
      %jit3A_191 = arith.constant 0.000000e+00 : f32
      %broadcast_in_dim3A_192 = vector.broadcast %jit3A_191 : f32 to vector<16xf32>
      %select_n3A_193 = arith.select %ge3A_190, %exp3A_187, %broadcast_in_dim3A_192 : vector<16xi1>, vector<16xf32>
      %reduce_sum3A_194 = arith.constant true
      %reduce_sum3A_195 = vector.broadcast %reduce_sum3A_194 : i1 to vector<16xi1>
      %reduce_sum3A_196 = tpu.scan <sum>, %select_n3A_193 masked %reduce_sum3A_195 : vector<16xf32>, vector<16xi1> -> vector<16xf32>
      %reduce_sum3A_197 = vector.extract %reduce_sum3A_196[15] : f32 from vector<16xf32>
      %eq3A_198 = arith.constant 2 : i32
      %eq3A_199 = vector.broadcast %eq3A_198 : i32 to vector<16xi32>
      %eq3A_200 = arith.cmpi eq, %iota3A, %eq3A_199 : vector<16xi32>
      %broadcast_in_dim3A_201 = vector.broadcast %reduce_sum3A_197 : f32 to vector<16xf32>
      %select_n3A_202 = arith.select %eq3A_200, %broadcast_in_dim3A_201, %select_n3A_169 : vector<16xi1>, vector<16xf32>
      %get3A_203 = arith.constant 3 : i32
      %get3A_204 = arith.index_cast %get3A_203 : i32 to index
      %get3A_205 = arith.constant 0 : index
      %get3A_206 = tpu.vector_load %arg12[%get3A_204, %get3A_205] {strides = array<i32>} : memref<8x16xf32, #tpu.memory_space<vmem>>, vector<16xf32>,
      %sub3A_207 = arith.constant 2.000000e-01 : f32
      %sub3A_208 = vector.broadcast %sub3A_207 : f32 to vector<16xf32>
      %sub3A_209 = arith.subf %get3A_206, %sub3A_208 : vector<16xf32>
      %max3A_210 = arith.constant 0.000000e+00 : f32
      %max3A_211 = vector.broadcast %max3A_210 : f32 to vector<16xf32>
      %max3A_212 = arith.maximumf %sub3A_209, %max3A_211 : vector<16xf32>
      %mul3A_213 = arith.mulf %max3A_212, %sub3A_209 : vector<16xf32>
      %mul3A_214 = arith.constant 6.400000e+01 : f32
      %mul3A_215 = vector.broadcast %mul3A_214 : f32 to vector<16xf32>
      %mul3A_216 = arith.mulf %mul3A_213, %mul3A_215 : vector<16xf32>
      %sub3A_217 = arith.constant 4.100000e+01 : f32
      %sub3A_218 = vector.broadcast %sub3A_217 : f32 to vector<16xf32>
      %sub3A_219 = arith.subf %mul3A_216, %sub3A_218 : vector<16xf32>
      %exp3A_220 = math.exp %sub3A_219 : vector<16xf32>
      %ge3A_221 = arith.constant 6 : i32
      %ge3A_222 = vector.broadcast %ge3A_221 : i32 to vector<16xi32>
      %ge3A_223 = arith.cmpi sge, %iota3A, %ge3A_222 : vector<16xi32>
      %jit3A_224 = arith.constant 0.000000e+00 : f32
      %broadcast_in_dim3A_225 = vector.broadcast %jit3A_224 : f32 to vector<16xf32>
      %select_n3A_226 = arith.select %ge3A_223, %exp3A_220, %broadcast_in_dim3A_225 : vector<16xi1>, vector<16xf32>
      %reduce_sum3A_227 = arith.constant true
      %reduce_sum3A_228 = vector.broadcast %reduce_sum3A_227 : i1 to vector<16xi1>
      %reduce_sum3A_229 = tpu.scan <sum>, %select_n3A_226 masked %reduce_sum3A_228 : vector<16xf32>, vector<16xi1> -> vector<16xf32>
      %reduce_sum3A_230 = vector.extract %reduce_sum3A_229[15] : f32 from vector<16xf32>
      %eq3A_231 = arith.constant 3 : i32
      %eq3A_232 = vector.broadcast %eq3A_231 : i32 to vector<16xi32>
      %eq3A_233 = arith.cmpi eq, %iota3A, %eq3A_232 : vector<16xi32>
      %broadcast_in_dim3A_234 = vector.broadcast %reduce_sum3A_230 : f32 to vector<16xf32>
      %select_n3A_235 = arith.select %eq3A_233, %broadcast_in_dim3A_234, %select_n3A_202 : vector<16xi1>, vector<16xf32>
      %get3A_236 = arith.constant 4 : i32
      %get3A_237 = arith.index_cast %get3A_236 : i32 to index
      %get3A_238 = arith.constant 0 : index
      %get3A_239 = tpu.vector_load %arg12[%get3A_237, %get3A_238] {strides = array<i32>} : memref<8x16xf32, #tpu.memory_space<vmem>>, vector<16xf32>,
      %sub3A_240 = arith.constant 2.000000e-01 : f32
      %sub3A_241 = vector.broadcast %sub3A_240 : f32 to vector<16xf32>
      %sub3A_242 = arith.subf %get3A_239, %sub3A_241 : vector<16xf32>
      %max3A_243 = arith.constant 0.000000e+00 : f32
      %max3A_244 = vector.broadcast %max3A_243 : f32 to vector<16xf32>
      %max3A_245 = arith.maximumf %sub3A_242, %max3A_244 : vector<16xf32>
      %mul3A_246 = arith.mulf %max3A_245, %sub3A_242 : vector<16xf32>
      %mul3A_247 = arith.constant 6.400000e+01 : f32
      %mul3A_248 = vector.broadcast %mul3A_247 : f32 to vector<16xf32>
      %mul3A_249 = arith.mulf %mul3A_246, %mul3A_248 : vector<16xf32>
      %sub3A_250 = arith.constant 4.100000e+01 : f32
      %sub3A_251 = vector.broadcast %sub3A_250 : f32 to vector<16xf32>
      %sub3A_252 = arith.subf %mul3A_249, %sub3A_251 : vector<16xf32>
      %exp3A_253 = math.exp %sub3A_252 : vector<16xf32>
      %ge3A_254 = arith.constant 6 : i32
      %ge3A_255 = vector.broadcast %ge3A_254 : i32 to vector<16xi32>
      %ge3A_256 = arith.cmpi sge, %iota3A, %ge3A_255 : vector<16xi32>
      %jit3A_257 = arith.constant 0.000000e+00 : f32
      %broadcast_in_dim3A_258 = vector.broadcast %jit3A_257 : f32 to vector<16xf32>
      %select_n3A_259 = arith.select %ge3A_256, %exp3A_253, %broadcast_in_dim3A_258 : vector<16xi1>, vector<16xf32>
      %reduce_sum3A_260 = arith.constant true
      %reduce_sum3A_261 = vector.broadcast %reduce_sum3A_260 : i1 to vector<16xi1>
      %reduce_sum3A_262 = tpu.scan <sum>, %select_n3A_259 masked %reduce_sum3A_261 : vector<16xf32>, vector<16xi1> -> vector<16xf32>
      %reduce_sum3A_263 = vector.extract %reduce_sum3A_262[15] : f32 from vector<16xf32>
      %eq3A_264 = arith.constant 4 : i32
      %eq3A_265 = vector.broadcast %eq3A_264 : i32 to vector<16xi32>
      %eq3A_266 = arith.cmpi eq, %iota3A, %eq3A_265 : vector<16xi32>
      %broadcast_in_dim3A_267 = vector.broadcast %reduce_sum3A_263 : f32 to vector<16xf32>
      %select_n3A_268 = arith.select %eq3A_266, %broadcast_in_dim3A_267, %select_n3A_235 : vector<16xi1>, vector<16xf32>
      %get3A_269 = arith.constant 5 : i32
      %get3A_270 = arith.index_cast %get3A_269 : i32 to index
      %get3A_271 = arith.constant 0 : index
      %get3A_272 = tpu.vector_load %arg12[%get3A_270, %get3A_271] {strides = array<i32>} : memref<8x16xf32, #tpu.memory_space<vmem>>, vector<16xf32>,
      %sub3A_273 = arith.constant 2.000000e-01 : f32
      %sub3A_274 = vector.broadcast %sub3A_273 : f32 to vector<16xf32>
      %sub3A_275 = arith.subf %get3A_272, %sub3A_274 : vector<16xf32>
      %max3A_276 = arith.constant 0.000000e+00 : f32
      %max3A_277 = vector.broadcast %max3A_276 : f32 to vector<16xf32>
      %max3A_278 = arith.maximumf %sub3A_275, %max3A_277 : vector<16xf32>
      %mul3A_279 = arith.mulf %max3A_278, %sub3A_275 : vector<16xf32>
      %mul3A_280 = arith.constant 6.400000e+01 : f32
      %mul3A_281 = vector.broadcast %mul3A_280 : f32 to vector<16xf32>
      %mul3A_282 = arith.mulf %mul3A_279, %mul3A_281 : vector<16xf32>
      %sub3A_283 = arith.constant 4.100000e+01 : f32
      %sub3A_284 = vector.broadcast %sub3A_283 : f32 to vector<16xf32>
      %sub3A_285 = arith.subf %mul3A_282, %sub3A_284 : vector<16xf32>
      %exp3A_286 = math.exp %sub3A_285 : vector<16xf32>
      %ge3A_287 = arith.constant 6 : i32
      %ge3A_288 = vector.broadcast %ge3A_287 : i32 to vector<16xi32>
      %ge3A_289 = arith.cmpi sge, %iota3A, %ge3A_288 : vector<16xi32>
      %jit3A_290 = arith.constant 0.000000e+00 : f32
      %broadcast_in_dim3A_291 = vector.broadcast %jit3A_290 : f32 to vector<16xf32>
      %select_n3A_292 = arith.select %ge3A_289, %exp3A_286, %broadcast_in_dim3A_291 : vector<16xi1>, vector<16xf32>
      %reduce_sum3A_293 = arith.constant true
      %reduce_sum3A_294 = vector.broadcast %reduce_sum3A_293 : i1 to vector<16xi1>
      %reduce_sum3A_295 = tpu.scan <sum>, %select_n3A_292 masked %reduce_sum3A_294 : vector<16xf32>, vector<16xi1> -> vector<16xf32>
      %reduce_sum3A_296 = vector.extract %reduce_sum3A_295[15] : f32 from vector<16xf32>
      %eq3A_297 = arith.constant 5 : i32
      %eq3A_298 = vector.broadcast %eq3A_297 : i32 to vector<16xi32>
      %eq3A_299 = arith.cmpi eq, %iota3A, %eq3A_298 : vector<16xi32>
      %broadcast_in_dim3A_300 = vector.broadcast %reduce_sum3A_296 : f32 to vector<16xf32>
      %select_n3A_301 = arith.select %eq3A_299, %broadcast_in_dim3A_300, %select_n3A_268 : vector<16xi1>, vector<16xf32>
      %get3A_302 = arith.constant 6 : i32
      %get3A_303 = arith.index_cast %get3A_302 : i32 to index
      %get3A_304 = arith.constant 0 : index
      %get3A_305 = tpu.vector_load %arg12[%get3A_303, %get3A_304] {strides = array<i32>} : memref<8x16xf32, #tpu.memory_space<vmem>>, vector<16xf32>,
      %sub3A_306 = arith.constant 2.000000e-01 : f32
      %sub3A_307 = vector.broadcast %sub3A_306 : f32 to vector<16xf32>
      %sub3A_308 = arith.subf %get3A_305, %sub3A_307 : vector<16xf32>
      %max3A_309 = arith.constant 0.000000e+00 : f32
      %max3A_310 = vector.broadcast %max3A_309 : f32 to vector<16xf32>
      %max3A_311 = arith.maximumf %sub3A_308, %max3A_310 : vector<16xf32>
      %mul3A_312 = arith.mulf %max3A_311, %sub3A_308 : vector<16xf32>
      %mul3A_313 = arith.constant 6.400000e+01 : f32
      %mul3A_314 = vector.broadcast %mul3A_313 : f32 to vector<16xf32>
      %mul3A_315 = arith.mulf %mul3A_312, %mul3A_314 : vector<16xf32>
      %sub3A_316 = arith.constant 4.100000e+01 : f32
      %sub3A_317 = vector.broadcast %sub3A_316 : f32 to vector<16xf32>
      %sub3A_318 = arith.subf %mul3A_315, %sub3A_317 : vector<16xf32>
      %exp3A_319 = math.exp %sub3A_318 : vector<16xf32>
      %ge3A_320 = arith.constant 6 : i32
      %ge3A_321 = vector.broadcast %ge3A_320 : i32 to vector<16xi32>
      %ge3A_322 = arith.cmpi sge, %iota3A, %ge3A_321 : vector<16xi32>
      %jit3A_323 = arith.constant 0.000000e+00 : f32
      %broadcast_in_dim3A_324 = vector.broadcast %jit3A_323 : f32 to vector<16xf32>
      %select_n3A_325 = arith.select %ge3A_322, %exp3A_319, %broadcast_in_dim3A_324 : vector<16xi1>, vector<16xf32>
      %reduce_sum3A_326 = arith.constant true
      %reduce_sum3A_327 = vector.broadcast %reduce_sum3A_326 : i1 to vector<16xi1>
      %reduce_sum3A_328 = tpu.scan <sum>, %select_n3A_325 masked %reduce_sum3A_327 : vector<16xf32>, vector<16xi1> -> vector<16xf32>
      %reduce_sum3A_329 = vector.extract %reduce_sum3A_328[15] : f32 from vector<16xf32>
      %eq3A_330 = arith.constant 6 : i32
      %eq3A_331 = vector.broadcast %eq3A_330 : i32 to vector<16xi32>
      %eq3A_332 = arith.cmpi eq, %iota3A, %eq3A_331 : vector<16xi32>
      %broadcast_in_dim3A_333 = vector.broadcast %reduce_sum3A_329 : f32 to vector<16xf32>
      %select_n3A_334 = arith.select %eq3A_332, %broadcast_in_dim3A_333, %select_n3A_301 : vector<16xi1>, vector<16xf32>
      %get3A_335 = arith.constant 7 : i32
      %get3A_336 = arith.index_cast %get3A_335 : i32 to index
      %get3A_337 = arith.constant 0 : index
      %get3A_338 = tpu.vector_load %arg12[%get3A_336, %get3A_337] {strides = array<i32>} : memref<8x16xf32, #tpu.memory_space<vmem>>, vector<16xf32>,
      %sub3A_339 = arith.constant 2.000000e-01 : f32
      %sub3A_340 = vector.broadcast %sub3A_339 : f32 to vector<16xf32>
      %sub3A_341 = arith.subf %get3A_338, %sub3A_340 : vector<16xf32>
      %max3A_342 = arith.constant 0.000000e+00 : f32
      %max3A_343 = vector.broadcast %max3A_342 : f32 to vector<16xf32>
      %max3A_344 = arith.maximumf %sub3A_341, %max3A_343 : vector<16xf32>
      %mul3A_345 = arith.mulf %max3A_344, %sub3A_341 : vector<16xf32>
      %mul3A_346 = arith.constant 6.400000e+01 : f32
      %mul3A_347 = vector.broadcast %mul3A_346 : f32 to vector<16xf32>
      %mul3A_348 = arith.mulf %mul3A_345, %mul3A_347 : vector<16xf32>
      %sub3A_349 = arith.constant 4.100000e+01 : f32
      %sub3A_350 = vector.broadcast %sub3A_349 : f32 to vector<16xf32>
      %sub3A_351 = arith.subf %mul3A_348, %sub3A_350 : vector<16xf32>
      %exp3A_352 = math.exp %sub3A_351 : vector<16xf32>
      %ge3A_353 = arith.constant 6 : i32
      %ge3A_354 = vector.broadcast %ge3A_353 : i32 to vector<16xi32>
      %ge3A_355 = arith.cmpi sge, %iota3A, %ge3A_354 : vector<16xi32>
      %jit3A_356 = arith.constant 0.000000e+00 : f32
      %broadcast_in_dim3A_357 = vector.broadcast %jit3A_356 : f32 to vector<16xf32>
      %select_n3A_358 = arith.select %ge3A_355, %exp3A_352, %broadcast_in_dim3A_357 : vector<16xi1>, vector<16xf32>
      %reduce_sum3A_359 = arith.constant true
      %reduce_sum3A_360 = vector.broadcast %reduce_sum3A_359 : i1 to vector<16xi1>
      %reduce_sum3A_361 = tpu.scan <sum>, %select_n3A_358 masked %reduce_sum3A_360 : vector<16xf32>, vector<16xi1> -> vector<16xf32>
      %reduce_sum3A_362 = vector.extract %reduce_sum3A_361[15] : f32 from vector<16xf32>
      %eq3A_363 = arith.constant 7 : i32
      %eq3A_364 = vector.broadcast %eq3A_363 : i32 to vector<16xi32>
      %eq3A_365 = arith.cmpi eq, %iota3A, %eq3A_364 : vector<16xi32>
      %broadcast_in_dim3A_366 = vector.broadcast %reduce_sum3A_362 : f32 to vector<16xf32>
      %select_n3A_367 = arith.select %eq3A_365, %broadcast_in_dim3A_366, %select_n3A_334 : vector<16xi1>, vector<16xf32>
      %swap3A_368 = arith.constant 0 : index
      %swap3A_369 = tpu.vector_load %arg14[%swap3A_368] {strides = array<i32>} : memref<16xf32, #tpu.memory_space<vmem>>, vector<16xf32>,
      tpu.vector_store %arg14[%swap3A_368], %select_n3A_367 {strides = array<i32>} : memref<16xf32, #tpu.memory_space<vmem>>, vector<16xf32>,
      "tpu.region"() ({
        %run_scoped3A = tpu.sem_alloc : memref<!tpu.dma_semaphore, #tpu.memory_space<semaphore_mem>>
        %dma_start3A_370 = arith.constant 0 : i32
        %dma_start3A_371 = tpu.memref_slice %arg4[%add3A, %dma_start3A_370] : memref<8x16xf32, #tpu.memory_space<hbm>> -> memref<1x16xf32, #tpu.memory_space<hbm>>
        %dma_start3A_372 = tpu.memref_squeeze %dma_start3A_371 : memref<1x16xf32, #tpu.memory_space<hbm>> -> memref<16xf32, #tpu.memory_space<hbm>>
        %dma_start3A_373 = arith.constant 0 : i32
        %dma_start3A_374 = tpu.memref_slice %arg4[%add3A, %dma_start3A_373] : memref<8x16xf32, #tpu.memory_space<hbm>> -> memref<1x16xf32, #tpu.memory_space<hbm>>
        %dma_start3A_375 = tpu.memref_squeeze %dma_start3A_374 : memref<1x16xf32, #tpu.memory_space<hbm>> -> memref<16xf32, #tpu.memory_space<hbm>>
        tpu.enqueue_dma source(%arg14 : memref<16xf32, #tpu.memory_space<vmem>>) target(%dma_start3A_375 : memref<16xf32, #tpu.memory_space<hbm>>) target_semaphore(%run_scoped3A : memref<!tpu.dma_semaphore, #tpu.memory_space<semaphore_mem>>)
        %dma_wait3A_376 = arith.constant 0 : i32
        %dma_wait3A_377 = tpu.memref_slice %arg4[%add3A, %dma_wait3A_376] : memref<8x16xf32, #tpu.memory_space<hbm>> -> memref<1x16xf32, #tpu.memory_space<hbm>>
        %dma_wait3A_378 = tpu.memref_squeeze %dma_wait3A_377 : memref<1x16xf32, #tpu.memory_space<hbm>> -> memref<16xf32, #tpu.memory_space<hbm>>
        %dma_wait3A_379 = arith.constant 0 : i32
        %dma_wait3A_380 = tpu.memref_slice %arg4[%add3A, %dma_wait3A_379] : memref<8x16xf32, #tpu.memory_space<hbm>> -> memref<1x16xf32, #tpu.memory_space<hbm>>
        %dma_wait3A_381 = tpu.memref_squeeze %dma_wait3A_380 : memref<1x16xf32, #tpu.memory_space<hbm>> -> memref<16xf32, #tpu.memory_space<hbm>>
        tpu.wait_dma2 semaphore(%run_scoped3A : memref<!tpu.dma_semaphore, #tpu.memory_space<semaphore_mem>>) src(%arg14 : memref<16xf32, #tpu.memory_space<vmem>>) dst(%dma_wait3A_381 : memref<16xf32, #tpu.memory_space<hbm>>)
        tpu.yield
      }) : () -> ()
    } else {
    }
    return
  }
}

module attributes {stable_mosaic.version = 14 : i64} {
  func.func @_tc_stats_kernel(%arg0: i32, %arg1: memref<8x100000xf32, #tpu.memory_space<vmem>>, %arg2: memref<8x100000xf32, #tpu.memory_space<vmem>>, %arg3: memref<8x128xf32, #tpu.memory_space<vmem>>) attributes {dimension_semantics = [#tpu.dimension_semantics<arbitrary>], iteration_bounds = array<i64: 8>, scalar_prefetch = 0 : i64, scratch_operands = 0 : i64, tpu.core_type = #tpu.core_type<tc>, window_params = [{transform_indices = @transform_0, window_bounds = array<i64: 8, 100000>}, {transform_indices = @transform_1, window_bounds = array<i64: 8, 100000>}, {transform_indices = @transform_2, window_bounds = array<i64: 8, 128>}]} {
    %get3A = arith.constant 0 : index
    %get3A_0 = arith.constant 0 : index
    %get3A_1 = vector.load %arg1[%get3A, %get3A_0] : memref<8x100000xf32, #tpu.memory_space<vmem>>, vector<8x100000xf32>
    %get3A_2 = arith.constant 0 : index
    %get3A_3 = arith.constant 0 : index
    %get3A_4 = vector.load %arg2[%get3A_2, %get3A_3] : memref<8x100000xf32, #tpu.memory_space<vmem>>, vector<8x100000xf32>
    %mul3A = arith.constant 8.000000e+00 : f32
    %mul3A_5 = vector.broadcast %mul3A : f32 to vector<8x100000xf32>
    %mul3A_6 = arith.mulf %get3A_1, %mul3A_5 : vector<8x100000xf32>
    %sub3A = arith.constant 6.400000e+00 : f32
    %sub3A_7 = vector.broadcast %sub3A : f32 to vector<8x100000xf32>
    %sub3A_8 = arith.subf %sub3A_7, %mul3A_6 : vector<8x100000xf32>
    %max3A = arith.constant 0.000000e+00 : f32
    %max3A_9 = vector.broadcast %max3A : f32 to vector<8x100000xf32>
    %max3A_10 = arith.maximumf %sub3A_8, %max3A_9 : vector<8x100000xf32>
    %mul3A_11 = arith.mulf %max3A_10, %max3A_10 : vector<8x100000xf32>
    %sub3A_12 = arith.constant 4.100000e+01 : f32
    %sub3A_13 = vector.broadcast %sub3A_12 : f32 to vector<8x100000xf32>
    %sub3A_14 = arith.subf %mul3A_11, %sub3A_13 : vector<8x100000xf32>
    %exp3A = math.exp %sub3A_14 : vector<8x100000xf32>
    %gt3A = arith.constant 5.000000e-01 : f32
    %gt3A_15 = vector.broadcast %gt3A : f32 to vector<8x100000xf32>
    %gt3A_16 = arith.cmpf ogt, %get3A_4, %gt3A_15 : vector<8x100000xf32>
    %jit3A = arith.constant 0.000000e+00 : f32
    %broadcast_in_dim3A = vector.broadcast %jit3A : f32 to vector<8x100000xf32>
    %select_n3A = arith.select %gt3A_16, %exp3A, %broadcast_in_dim3A : vector<8x100000xi1>, vector<8x100000xf32>
    %reduce_sum3A = arith.constant dense<0.000000e+00> : vector<8xf32>
    %reduce_sum3A_17 = vector.multi_reduction <add>, %select_n3A, %reduce_sum3A [1] : vector<8x100000xf32> to vector<8xf32>
    %sub3A_18 = arith.constant 1.600000e+00 : f32
    %sub3A_19 = vector.broadcast %sub3A_18 : f32 to vector<8x100000xf32>
    %sub3A_20 = arith.subf %mul3A_6, %sub3A_19 : vector<8x100000xf32>
    %max3A_21 = arith.constant 0.000000e+00 : f32
    %max3A_22 = vector.broadcast %max3A_21 : f32 to vector<8x100000xf32>
    %max3A_23 = arith.maximumf %sub3A_20, %max3A_22 : vector<8x100000xf32>
    %mul3A_24 = arith.mulf %max3A_23, %max3A_23 : vector<8x100000xf32>
    %sub3A_25 = arith.constant 4.100000e+01 : f32
    %sub3A_26 = vector.broadcast %sub3A_25 : f32 to vector<8x100000xf32>
    %sub3A_27 = arith.subf %mul3A_24, %sub3A_26 : vector<8x100000xf32>
    %exp3A_28 = math.exp %sub3A_27 : vector<8x100000xf32>
    %lt3A = arith.constant 2.500000e-01 : f32
    %lt3A_29 = vector.broadcast %lt3A : f32 to vector<8x100000xf32>
    %lt3A_30 = arith.cmpf olt, %get3A_4, %lt3A_29 : vector<8x100000xf32>
    %jit3A_31 = arith.constant 0.000000e+00 : f32
    %broadcast_in_dim3A_32 = vector.broadcast %jit3A_31 : f32 to vector<8x100000xf32>
    %select_n3A_33 = arith.select %lt3A_30, %exp3A_28, %broadcast_in_dim3A_32 : vector<8x100000xi1>, vector<8x100000xf32>
    %reduce_sum3A_34 = arith.constant dense<0.000000e+00> : vector<8xf32>
    %reduce_sum3A_35 = vector.multi_reduction <add>, %select_n3A_33, %reduce_sum3A_34 [1] : vector<8x100000xf32> to vector<8xf32>
    %jit3A_36 = arith.constant 1.000000e+00 : f32
    %jit3A_37 = arith.constant 0.000000e+00 : f32
    %broadcast_in_dim3A_38 = vector.broadcast %jit3A_36 : f32 to vector<8x100000xf32>
    %broadcast_in_dim3A_39 = vector.broadcast %jit3A_37 : f32 to vector<8x100000xf32>
    %select_n3A_40 = arith.select %lt3A_30, %broadcast_in_dim3A_38, %broadcast_in_dim3A_39 : vector<8x100000xi1>, vector<8x100000xf32>
    %reduce_sum3A_41 = arith.constant dense<0.000000e+00> : vector<8xf32>
    %reduce_sum3A_42 = vector.multi_reduction <add>, %select_n3A_40, %reduce_sum3A_41 [1] : vector<8x100000xf32> to vector<8xf32>
    %iota3A = tpu.iota {dimensions = array<i32: 1>} : vector<8x128xi32>
    %lt3A_43 = arith.constant 16 : i32
    %lt3A_44 = vector.broadcast %lt3A_43 : i32 to vector<8x128xi32>
    %lt3A_45 = arith.cmpi slt, %iota3A, %lt3A_44 : vector<8x128xi32>
    %broadcast_in_dim3A_46 = vector.shape_cast %reduce_sum3A_17 : vector<8xf32> to vector<8x1xf32>
    %lt3A_47 = arith.constant 32 : i32
    %lt3A_48 = vector.broadcast %lt3A_47 : i32 to vector<8x128xi32>
    %lt3A_49 = arith.cmpi slt, %iota3A, %lt3A_48 : vector<8x128xi32>
    %broadcast_in_dim3A_50 = vector.shape_cast %reduce_sum3A_35 : vector<8xf32> to vector<8x1xf32>
    %lt3A_51 = arith.constant 48 : i32
    %lt3A_52 = vector.broadcast %lt3A_51 : i32 to vector<8x128xi32>
    %lt3A_53 = arith.cmpi slt, %iota3A, %lt3A_52 : vector<8x128xi32>
    %broadcast_in_dim3A_54 = vector.shape_cast %reduce_sum3A_42 : vector<8xf32> to vector<8x1xf32>
    %jit3A_55 = arith.constant 0.000000e+00 : f32
    %broadcast_in_dim3A_56 = vector.shape_cast %broadcast_in_dim3A_54 : vector<8x1xf32> to vector<8x1xf32>
    %broadcast_in_dim3A_57 = vector.broadcast %broadcast_in_dim3A_56 : vector<8x1xf32> to vector<8x128xf32>
    %broadcast_in_dim3A_58 = vector.broadcast %jit3A_55 : f32 to vector<8x128xf32>
    %select_n3A_59 = arith.select %lt3A_53, %broadcast_in_dim3A_57, %broadcast_in_dim3A_58 : vector<8x128xi1>, vector<8x128xf32>
    %broadcast_in_dim3A_60 = vector.shape_cast %broadcast_in_dim3A_50 : vector<8x1xf32> to vector<8x1xf32>
    %broadcast_in_dim3A_61 = vector.broadcast %broadcast_in_dim3A_60 : vector<8x1xf32> to vector<8x128xf32>
    %select_n3A_62 = arith.select %lt3A_49, %broadcast_in_dim3A_61, %select_n3A_59 : vector<8x128xi1>, vector<8x128xf32>
    %broadcast_in_dim3A_63 = vector.shape_cast %broadcast_in_dim3A_46 : vector<8x1xf32> to vector<8x1xf32>
    %broadcast_in_dim3A_64 = vector.broadcast %broadcast_in_dim3A_63 : vector<8x1xf32> to vector<8x128xf32>
    %select_n3A_65 = arith.select %lt3A_45, %broadcast_in_dim3A_64, %select_n3A_62 : vector<8x128xi1>, vector<8x128xf32>
    %swap3A = arith.constant 0 : index
    %swap3A_66 = arith.constant 0 : index
    %swap3A_67 = vector.load %arg3[%swap3A, %swap3A_66] : memref<8x128xf32, #tpu.memory_space<vmem>>, vector<8x128xf32>
    tpu.vector_store %arg3[%swap3A, %swap3A_66], %select_n3A_65 {strides = array<i32>} : memref<8x128xf32, #tpu.memory_space<vmem>>, vector<8x128xf32>,
    return
  }
  func.func @transform_0(%arg0: i32) -> (i32, i32) {
    %c0_i32 = arith.constant 0 : i32
    %c0_i32_0 = arith.constant 0 : i32
    return %arg0, %c0_i32 : i32, i32
  }
  func.func @transform_1(%arg0: i32) -> (i32, i32) {
    %c0_i32 = arith.constant 0 : i32
    %c0_i32_0 = arith.constant 0 : i32
    return %arg0, %c0_i32 : i32, i32
  }
  func.func @transform_2(%arg0: i32) -> (i32, i32) {
    %c0_i32 = arith.constant 0 : i32
    %c0_i32_0 = arith.constant 0 : i32
    return %arg0, %c0_i32 : i32, i32
  }
}

</mosaic_0001>

<sc_bundles>
// kernel: kernel.4.cloned.1.call-start
scs
__scs_entry_jumppad:
0x0: {  	(pc) =	sbr.rel $0x88, $3  }
0x1: {  	(tag) =	ssettag $0x0;
	lr =	simm.s32 $0x1  }
0x2: {  	[smem:$0x3F9F] =	sst lr;
	_ =	strace $0xD0000000  }
0x3: {  	_ = 	snop  }
0x4: {  	_ = 	snop  }
0x5: {  	_ = 	snop  }
0x6: {  	_ = 	snop  }
0x7: {  	_ = 	snop  }
__scs_overlays_trampoline_lowered:
0x8: {  	[smem:$0x3FAE] =	sst s0  }
0x9: {  	[smem:$0x3FAF] =	sst s1  }
0xa: {  	[smem:$0x3FB0] =	sst s2  }
0xb: {  	[smem:$0x3FB1] =	sst s3  }
0xc: {  	[smem:$0x3FB2] =	sst s4  }
0xd: {  	[smem:$0x3FB3] =	sst s5  }
0xe: {  	[smem:$0x3FB4] =	sst s6  }
0xf: {  	[smem:$0x3FB5] =	sst s7  }
0x10: {  	[smem:$0x3FB6] =	sst s8  }
0x11: {  	[smem:$0x3FB7] =	sst s9;
	s0 =	simm.s32 @!p0 $0x0  }
0x12: {  	s1 =	sld [smem:$0x3F9D];
	s0 =	simm.s32 @p0 $0x1  }
0x13: {  	[smem:$0x3FB8] =	sst s0;
	s0 =	simm.s32 @!p1 $0x0  }
0x14: {  	s2 =	sld [smem:$0x3F9C];
	s0 =	simm.s32 @p1 $0x1  }
0x15: {  	[smem:$0x3FB9] =	sst s0;
	s0 =	simm.s32 @!p2 $0x0  }
0x16: {  	s3 =	sld [smem:$0x3FDB];
	s0 =	simm.s32 @p2 $0x1  }
0x17: {  	s4 =	simm.s32 $0x1BF5;
	[smem:$0x3FBB] =	sst s0  }
0x18: {  	s0 =	sld [smem:$0x3F9E];
	_ =	swait.ge [sflag:s4], $0x0  }
0x19: {  	s7 =	sld [smem:$0x3F9F]  }
0x1a: {  	s8 =	sadd.s32 $0xFFFFE003, lr  }
0x1b: {  	s9 =	sadd.s32 $0xFFFFFEF7, lr;
	s5 =	simm.s32 $0xFFFFFFFF;
	p2 =	slt.u32 s8, $0xFFFFF086  }
0x1c: {  	p1 =	slt.u32 s9, $0xF7A;
	s5 =	simm.s32 @!p2 $0x0  }
0x1d: {  	s5 =	simm.s32 @p1 $0x1;
	p0 =	seq.s32 s7, s2  }
0x1e: {  	s7 =	smul.u32 @!p0 $0xF7A, s2;
	p2 =	seq.s32 @!p0 s5, $0x0  }
0x1f: {  	s9 =	smul.u32 $0xF7A, s1;
	s8 =	simm.s32 @!p0 $0x1BF5;
	p2 =	por !p2, p0  }
0x20: {  	[sflag:s8] =	ssyncset.s32 @!p0 $0xFFFFF086;
	s6 =	sadd.s32 @!p0 s3, s7;
	s7 =	simm.s32 @!p0 $0x108  }
0x21: {  	s3 =	sadd.s32 s3, s9;
	s6 =	sadd.s32 @!p0 $0x88, s6;
	s7 =	simm.s32 @p2 $0x1082  }
0x22: {  	[simem:s7], [sflag:s8] =	dma.local @!p0 [hbm:s6], $0xF7A  }
0x23: {  	s9 =	sor.u32 $0xD0000000, s2;
	s6 =	simm.s32 $0x108;
	_ =	swait.ge @!p0 [sflag:s8], $0x0  }
0x24: {  	s3 =	sadd.s32 $0x88, s3;
	s6 =	simm.s32 @!p1 $0x1082;
	[sflag:s4] =	ssyncset.s32 $0xFFFFF086  }
0x25: {  	[simem:s6], [sflag:s4] =	dma.local [hbm:s3], $0xF7A  }
0x26: {  	[smem:$0x3F9F] =	sst s1;
	(tag) =	ssettag s2;
	_ =	strace s9  }
0x27: {  	s1 =	sld [smem:$0x3FAF]  }
0x28: {  	s2 =	sld [smem:$0x3FB0]  }
0x29: {  	s4 =	sld [smem:$0x3FB2]  }
0x2a: {  	p0 =	seq.s32 s5, $0x0;
	s5 =	sld [smem:$0x3FB3]  }
0x2b: {  	s6 =	sld [smem:$0x3FB4]  }
0x2c: {  	s7 =	sld [smem:$0x3FB5]  }
0x2d: {  	s3 =	simm.s32 $0x108;
	s8 =	sld [smem:$0x3FB6]  }
0x2e: {  	s3 =	simm.s32 @!p0 $0x1082;
	s9 =	sld [smem:$0x3FB7]  }
0x2f: {  	lr =	sadd.s32 s0, s3;
	s0 =	sld [smem:$0x3FAE]  }
0x30: {  	s3 =	sld [smem:$0x3FB1]  }
0x31: {  	[smem:$0x3FBA] =	sst s10  }
0x32: {  	s10 =	sld [smem:$0x3FB8];
	_ =	sdelay $0x3  }
0x33: {  	p0 =	seq.s32 s10, $0x1;
	s10 =	sld [smem:$0x3FBA];
	_ =	sdelay $0x3  }
0x34: {  	[smem:$0x3FBA] =	sst s10  }
0x35: {  	s10 =	sld [smem:$0x3FB9];
	_ =	sdelay $0x3  }
0x36: {  	p1 =	seq.s32 s10, $0x1;
	s10 =	sld [smem:$0x3FBA];
	_ =	sdelay $0x3  }
0x37: {  	[smem:$0x3FBA] =	sst s10  }
0x38: {  	s10 =	sld [smem:$0x3FBB]  }
0x39: {  	_ = 	snop;
	(pc) =	sbr.ind lr, $3  }
0x3a: {  	_ = 	snop  }
0x3b: {  	_ = 	snop  }
0x3c: {  	p2 =	seq.s32 s10, $0x1;
	s10 =	sld [smem:$0x3FBA]  }
0x3d: {  	_ =	shalt  }
0x3e: {  	_ =	shalt  }
0x3f: {  	_ =	shalt  }
0x40: {  	_ =	shalt  }
0x41: {  	_ =	shalt  }
0x42: {  	_ =	shalt  }
0x43: {  	_ =	shalt  }
0x44: {  	_ =	shalt  }
0x45: {  	_ =	shalt  }
0x46: {  	_ =	shalt  }
0x47: {  	_ =	shalt  }
0x48: {  	_ =	shalt  }
0x49: {  	_ =	shalt  }
0x4a: {  	_ =	shalt  }
0x4b: {  	_ =	shalt  }
0x4c: {  	_ =	shalt  }
0x4d: {  	_ =	shalt  }
0x4e: {  	_ =	shalt  }
0x4f: {  	_ =	shalt  }
0x50: {  	_ =	shalt  }
0x51: {  	_ =	shalt  }
0x52: {  	_ =	shalt  }
0x53: {  	_ =	shalt  }
0x54: {  	_ =	shalt  }
0x55: {  	_ =	shalt  }
0x56: {  	_ =	shalt  }
0x57: {  	_ =	shalt  }
0x58: {  	_ =	shalt  }
0x59: {  	_ =	shalt  }
0x5a: {  	_ =	shalt  }
0x5b: {  	_ =	shalt  }
0x5c: {  	_ =	shalt  }
0x5d: {  	_ =	shalt  }
0x5e: {  	_ =	shalt  }
0x5f: {  	_ =	shalt  }
0x60: {  	_ =	shalt  }
0x61: {  	_ =	shalt  }
0x62: {  	_ =	shalt  }
0x63: {  	_ =	shalt  }
0x64: {  	_ =	shalt  }
0x65: {  	_ =	shalt  }
0x66: {  	_ =	shalt  }
0x67: {  	_ =	shalt  }
0x68: {  	_ =	shalt  }
0x69: {  	_ =	shalt  }
0x6a: {  	_ =	shalt  }
0x6b: {  	_ =	shalt  }
0x6c: {  	_ =	shalt  }
0x6d: {  	_ =	shalt  }
0x6e: {  	_ =	shalt  }
0x6f: {  	_ =	shalt  }
0x70: {  	_ =	shalt  }
0x71: {  	_ =	shalt  }
0x72: {  	_ =	shalt  }
0x73: {  	_ =	shalt  }
0x74: {  	_ =	shalt  }
0x75: {  	_ =	shalt  }
0x76: {  	_ =	shalt  }
0x77: {  	_ =	shalt  }
0x78: {  	_ =	shalt  }
0x79: {  	_ =	shalt  }
0x7a: {  	_ =	shalt  }
0x7b: {  	_ =	shalt  }
0x7c: {  	_ =	shalt  }
0x7d: {  	_ =	shalt  }
0x7e: {  	_ =	shalt  }
0x7f: {  	_ =	shalt  }
0x80: {  	_ =	shalt  }
0x81: {  	_ =	shalt  }
0x82: {  	_ =	shalt  }
0x83: {  	_ =	shalt  }
0x84: {  	_ =	shalt  }
0x85: {  	_ =	shalt  }
0x86: {  	_ =	shalt  }
0x87: {  	_ =	shalt  }
.Lfunc_end0:
.L_simem_size_0:
called_computation_lowered:
.L_overlay_start_0:
0x88: {  	s2 =	sld [smem:$0x3FD9]  }
0x89: {  	s3 =	sld [smem:$0x3FFE];
	_ =	sdelay $0x1  }
0x8a: {  	s1 =	srdreg.scid  }
0x8b: {  	s0 =	sand.u32 $0x1, s1  }
0x8c: {  	s17 =	sshll.u32 s0, $0xA;
	s2 =	sadd.s32 s3, s2  }
0x8d: {  	s2 =	sadd.s32 s2, s17  }
0x8e: {  	[smem:$0x3FC6] =	sst s2  }
0x8f: {  	_ = 	snop  }
0x90: {  	s2 =	sld [smem:$0x3FC9]  }
0x91: {  	s18 =	sld [smem:$0x3FC8];
	(tm) =	ssettm $0x1  }
0x92: {  	s4 =	sld [smem:$0x3FFB];
	_ =	sdelay $0x3  }
0x93: {  	_ =	strace s4  }
0x94: {  	s4 =	sld [smem:$0x3FFC];
	_ =	sdelay $0x3  }
0x95: {  	_ =	strace s4  }
0x96: {  	s4 =	sld [smem:$0x3FFD];
	_ =	sdelay $0x3  }
0x97: {  	_ =	strace s4  }
0x98: {  	_ =	strace $0x8FFFFFFF  }
0x99: {  	s19 =	sld [smem:$0x3FDB];
	_ =	sdelay $0x1  }
0x9a: {  	s5 =	simm.s32 $_scs_section_size  }
0x9b: {  	s6 =	simm.s32 $_size__tile_overlayer_lowered;
	s7 =	simm.s32 $_tile_overlayer_lowered  }
0x9c: {  	s22 =	simm.s32 $0x1BFF;
	s21 =	sshll.u32 s7, $0x1;
	s4 =	sadd.s32 s5, s19  }
0x9d: {  	s8 =	simm.s32 $0x0;
	s20 =	sshll.u32 s6, $0x1;
	s6 =	sadd.s32 s21, s4  }
0x9e: {  	[timem:s8], [sflag:s22] =	dma.local [hbm:s6], s20  }
0x9f: {  	_ =	swait.ge [sflag:s22], s20  }
0xa0: {  	s5 =	ssub.s32 $0x0, s20;
	[sflag:s22] =	ssyncset.done $0x0  }
0xa1: {  	[sflag:s22] =	ssyncadd.s32 s5;
	_ =	sdelay $0x1  }
0xa2: {  	s23 =	simm.s32 $0x1B8B  }
0xa3: {  	_ =	swait.ge [sflag:s23], $0x1  }
0xa4: {  	[sflag:s23] =	ssyncset.done $0x0  }
0xa5: {  	s25 =	simm.s32 $0x1B8E;
	s24 =	sld [smem:$0x3FFE];
	[sflag:s23] =	ssyncadd.s32 $0xFFFFFFFF  }
0xa6: {  	s26 =	simm.s32 $execute0_lowered;
	[smem:$0x3FD2] =	sst s25  }
0xa7: {  	s6 =	sshll.u32 s26, $0x1;
	_ =	strace $0x80000046;
	[dreg:$0x1] =	wrdreg $0xFFFFFFFF  }
0xa8: {  	s28 =	simm.s32 $_size_execute0_lowered;
	s4 =	sadd.s32 s4, s6;
	[dreg:$0x0] =	wrdreg $0x0  }
0xa9: {  	s6 =	sshll.u32 s28, $0x1;
	[dreg:$0x2] =	wrdreg s4  }
0xaa: {  	[dreg:$0x3] =	wrdreg s6  }
0xab: {  	[dreg:$0x4] =	wrdreg $0xC0  }
0xac: {  	_ =	task [dreg:s8], $0x5FFFF  }
0xad: {  	[dreg:$0x1] =	wrdreg $0xFFFFFFFF  }
0xae: {  	[dreg:$0x0] =	wrdreg $0x60  }
0xaf: {  	[dreg:$0x2] =	wrdreg s2  }
0xb0: {  	[dreg:$0x3] =	wrdreg s18  }
0xb1: {  	[dreg:$0x4] =	wrdreg s24  }
0xb2: {  	[dreg:$0x5] =	wrdreg $0xEC800  }
0xb3: {  	[dreg:$0x6] =	wrdreg $0x9  }
0xb4: {  	_ =	task.clear_ibuf [dreg:s8], $0x7FFFF;
	_ =	strace $0x90000046  }
0xb5: {  	s29 =	simm.s32 $0x9;
	_ =	strace $0x80000048  }
0xb6: {  	_ =	swait.ge [sflag:s29], $0x1  }
0xb7: {  	[sflag:s29] =	ssyncadd.s32 $0xFFFFFFFF  }
0xb8: {  	_ =	strace $0x90000048  }
0xb9: {  	_ =	sfence  }
0xba: {  	s30 =	sld [smem:$0x0];
	_ =	sdelay $0x2  }
0xbb: {  	s31 =	sshll.u32 s1, $0xD;
	s1 =	sshrl.u32 s1, $0x2  }
0xbc: {  	s3 =	sand.u32 $0x4000, s31;
	s1 =	sadd.s32 s1, s30  }
0xbd: {  	s0 =	sor.u32 s3, s0;
	s1 =	sshll.u32 s1, $0x11  }
0xbe: {  	s0 =	sor.u32 s1, s0  }
0xbf: {  	s0 =	sadd.s32 $0x8F2B, s0  }
0xc0: {  	[sflag:s0] =	ssyncadd.remote.s32 $0x1  }
0xc1: {  	_ =	sfence.sel $0xFFFF  }
0xc2: {  	[dreg:$0x0] =	wrdreg $0xFFFFFFFF;
	(pc) =	sbr.abs _section_cstart, $3  }
0xc3: {  	[dreg:$0x1] =	wrdreg $0xFFFFFFFF  }
0xc4: {  	_ =	task.clear_ibuf [dreg:s8], $0x2FFFF;
	_ =	strace $0x9FFFFFFF  }
0xc5: {  	(tm) =	ssettm $0x7FFFFFFF  }
tec
execute0_lowered:
.L_overlay_start_1:
0x0: {  	(tag) =	ssettag $0x1  }
0x1: {  	s1 =	rddreg [dreg:$0x0]  }
0x2: {  	s2 =	rddreg [dreg:$0x1]  }
0x3: {  	s0 =	srdreg.scid;
	s6 =	rddreg [dreg:$0x2]  }
0x4: {  	s11 =	stileid.u32;
	s9 =	rddreg [dreg:$0x3];
	s18 =	simm.s32 $0xBF800000  }
0x5: {  	s19 =	simm.s32 $0x3400;
	s20 =	simm.s32 $0x6800;
	s21 =	simm.s32 $0x9C00  }
0x6: {  	s22 =	simm.s32 $0x1;
	s23 =	simm.s32 $0x2;
	s29 =	simm.s32 $0x4  }
0x7: {  	s0 =	sand.u32 $0x1, s0;
	s4 =	sshrl.u32 s11, $0x2;
	s7 =	sand.u32 $0x3, s11  }
0x8: {  	s11 =	sshll.u32 s11, $0xA;
	s3 =	sshll.u32 s0, $0x2;
	s5 =	smul.u32 $0x30C00, s7  }
0x9: {  	s0 =	ssub.s32 $0x2, s0;
	p0 =	sne.s32 s7, $0x3;
	s3 =	sor.u32 s4, s3  }
0xa: {  	s4 =	simm.s32 $0x0;
	s10 =	sshrl.u32 s0, $0x1;
	s8 =	smul.u32 $0xC3800, s3  }
0xb: {  	p1 =	sne.s32 s7, $0x0;
	[smem:$0x7FF] =	sst s4;
	s0 =	ssub.s32 s0, s10  }
0xc: {  	s3 =	sshll.u32 s3, $0x4;
	_ =	strace $0x80000047;
	s5 =	sadd.s32 s5, s8  }
0xd: {  	s3 =	sadd.s32 s6, s3;
	s15 =	smax.u32 s0, $0x1;
	s25 =	sshrl.u32 s5, $0x3  }
0xe: {  	s8 =	sshrl.u32 s8, $0x3;
	[dreg:$0xc] =	wrdreg s3;
	s12 =	sadd.s32 s1, s25  }
0xf: {  	s26 =	sadd.s32 $0x18600, s8;
	s10 =	sadd.s32 s2, s25;
	[dreg:$0x5] =	wrdreg s12  }
0x10: {  	s28 =	sadd.s32 s1, s26;
	[dreg:$0x6] =	wrdreg s10;
	s10 =	sadd.s32 s2, s26  }
.Ltmp0:
0x11: {  	[dreg:$0x8] =	wrdreg s10;
	s10 =	sadd.s32 s11, s9;
	(pc) =	sbr.rel .LBB2_1-.Ltmp0, $4  }
0x12: {  	v0 =	vlaneseq.u32;
	vm0 =	vcmask $0x320;
	s3 =	simm.s32 $0x0;
	[dreg:$0x7] =	wrdreg s28;
	s9 =	sadd.s32 $0x400, s10  }
0x13: {  	vm1 =	vcmask $0x720;
	vm2 =	vcmask $0xB20;
	v1 =	vmul.u32 $0xFFFFFFFF, v0;
	s5 =	smul.u32 $0x6180, s7;
	s30 =	sadd.s32 $0x800, s10;
	[dreg:$0x9] =	wrdreg s9  }
0x14: {  	vm3 =	vcmask $0xF20;
	vm4 =	vcmask $0x1320;
	vm5 =	vcmask $0x1720;
	s16 =	sadd.s32 $0x680, s8;
	s31 =	sadd.s32 $0xC00, s10;
	[dreg:$0xa] =	wrdreg s30  }
0x15: {  	vm6 =	vcmask $0x1B20;
	v0 =	vimm.f32 $-1.000000000e+00;
	v1 =	vadd.s32 $0xF, v1;
	s17 =	sadd.s32 $0xD00, s8;
	s26 =	simm.s32 $0x3;
	[dreg:$0xb] =	wrdreg s31  }
.LBB2_37:
0x16: {  	v2 =	vld [tilespmem:$0xE000]  }
0x17: {  	v3 =	vld [tilespmem:$0xE080]  }
0x18: {  	v4 =	vld [tilespmem:$0xE100]  }
0x19: {  	v5 =	vld [tilespmem:$0xE180]  }
0x1a: {  	v6 =	vld [tilespmem:$0xE200]  }
0x1b: {  	v63 =	vld [tilespmem:$0xE380];
	[tilespmem:$0xE400] =	vst v2  }
0x1c: {  	v2 =	vld [tilespmem:$0xE280];
	[tilespmem:$0xE480] =	vst v3  }
0x1d: {  	v3 =	vld [tilespmem:$0xE300];
	[tilespmem:$0xE500] =	vst v4  }
0x1e: {  	[tilespmem:$0xE580] =	vst v5  }
0x1f: {  	[tilespmem:$0xE600] =	vst v6  }
0x20: {  	[tilespmem:$0xE780] =	vst v63  }
0x21: {  	[tilespmem:$0xE680] =	vst v2  }
0x22: {  	s0 =	simm.s32 $0xE400;
	[tilespmem:$0xE700] =	vst v3  }
0x23: {  	[spmem:s10] =	stream.linear.scatter [tilespmem:s0], [sflag:$0x4], $0x400, $0x38;
	[tilespmem:$0xED00] =	vst v63  }
.Ltmp1:
0x24: {  	_ =	swait.ge [sflag:s29], $0x400;
	(pc) =	sbr.rel @!p1 .LBB2_38-.Ltmp1, $3  }
0x25: {  	[sflag:s29] =	ssyncset.done $0x0  }
0x26: {  	[sflag:s29] =	ssyncadd.s32 $0xFFFFFC00  }
0x27: {  	[bflag:$0x0] =	sbarrier.arrive $0xFFFF;
	_ =	sdelay $0x1  }
.LBB2_39:
0x28: {  	s3 =	sadd.s32 $0x1, s3  }
0x29: {  	p2 =	sne.s32 s3, s15  }
.Ltmp2:
0x2a: {  	_ = 	snop;
	(pc) =	sbr.rel @!p2 .LBB2_40-.Ltmp2, $1  }
0x2b: {  	_ =	sdelay $0x3  }
.LBB2_1:
0x2c: {  	[tilespmem:$0xE000] =	vst v0  }
0x2d: {  	[tilespmem:$0xE080] =	vst v0  }
0x2e: {  	[tilespmem:$0xE100] =	vst v0  }
0x2f: {  	[tilespmem:$0xE180] =	vst v0  }
0x30: {  	[smem:$0x80] =	sst s4;
	[tilespmem:$0xE200] =	vst v0  }
0x31: {  	[tilespmem:$0xE280] =	vst v0;
	s0 =	rddreg [dreg:$0x5]  }
0x32: {  	[tilespmem:$0xE300] =	vst v0;
	s31 =	rddreg [dreg:$0x6]  }
0x33: {  	[tilespmem:$0xE380] =	vst v0;
	[smem:$0x100] =	sst s18  }
0x34: {  	[tilespmem:s4], [sflag:$0x1] =	stream.linear.gather [hbm4b:s0+s4], $0x3400, $0x38;
	[tilespmem:$0xED00] =	vst v63  }
0x35: {  	[smem:$0x101] =	sst s18  }
0x36: {  	[smem:$0x102] =	sst s18  }
0x37: {  	[tilespmem:s19], [sflag:$0x1] =	stream.linear.gather [hbm4b:s31+s4], $0x3400, $0x38;
	[tilespmem:$0xED00] =	vst v63  }
.Ltmp3:
0x38: {  	[smem:$0x103] =	sst s18;
	(pc) =	sbr.rel .LBB2_2-.Ltmp3, $4  }
0x39: {  	[smem:$0x104] =	sst s18  }
0x3a: {  	[smem:$0x105] =	sst s18  }
0x3b: {  	[smem:$0x106] =	sst s18  }
0x3c: {  	s0 =	simm.s32 $0x0;
	[smem:$0x107] =	sst s18  }
.LBB2_22:
0x3d: {  	s0 =	sadd.s32 $0x1, s0  }
0x3e: {  	p2 =	sne.s32 s0, $0x7  }
.Ltmp4:
0x3f: {  	_ = 	snop;
	(pc) =	sbr.rel @!p2 .LBB2_23-.Ltmp4, $1  }
0x40: {  	_ =	sdelay $0x3  }
.LBB2_2:
0x41: {  	s6 =	smul.u32 $0xD00, s0;
	_ =	sdelay $0x1  }
0x42: {  	s31 =	sadd.s32 s5, s6  }
0x43: {  	s6 =	sadd.s32 s31, s16  }
0x44: {  	s24 =	simm.s32 $0x0;
	s7 =	sadd.s32 s1, s6  }
0x45: {  	[tilespmem:s20], [sflag:$0x2] =	stream.linear.gather [hbm4b:s7+s24], $0x3400, $0x38;
	[tilespmem:$0xED00] =	vst v63  }
0x46: {  	s6 =	sadd.s32 s2, s6  }
0x47: {  	[tilespmem:s21], [sflag:$0x2] =	stream.linear.gather [hbm4b:s6+s24], $0x3400, $0x38;
	[tilespmem:$0xED00] =	vst v63  }
0x48: {  	_ =	swait.ge [sflag:s22], $0x3400  }
.Ltmp5:
0x49: {  	[sflag:s22] =	ssyncset.done $0x0;
	(pc) =	sbr.rel .LBB2_3-.Ltmp5, $4  }
0x4a: {  	[sflag:s22] =	ssyncadd.s32 $0xFFFFCC00  }
0x4b: {  	_ =	swait.ge [sflag:s22], $0x3400  }
0x4c: {  	[sflag:s22] =	ssyncset.done $0x0  }
0x4d: {  	s25 =	simm.s32 $0x3440;
	s11 =	simm.s32 $0x40;
	[sflag:s22] =	ssyncadd.s32 $0xFFFFCC00  }
.LBB2_7:
0x4e: {  	_ = 	snop  }
.LBB2_10:
0x4f: {  	s6 =	sshll.u32 s6, $0xA  }
0x50: {  	s6 =	sadd.s32 s12, s6  }
0x51: {  	v3 =	vld [tilespmem:s6+$0x3400]  }
0x52: {  	v4 =	vld [tilespmem:s6+$0x0];
	_ =	sdelay $0x2  }
0x53: {  	v5, _, _ =	vpop @p2 (xrf1)  }
0x54: {  	vm7 =	vlt.f32 v3, $2.500000000e-01;
	v3 =	vperm.xlane @p2 v5, v1  }
0x55: {  	v5, _, _ =	vpop @p2 (xrf1);
	v4 =	vnsel vm7, $0xBF800000, v4  }
0x56: {  	(xrf1) =	vsort.ascd.msk.f32 $0xffff, v4, v4;
	v3 =	vmax.f32 @p2 v5, v3  }
0x57: {  	(xrf1) =	vsort.ascd.msk.f32 @p2 $0xffff, v3, v3;
	_ =	sdelay $0x7  }
0x58: {  	s7 =	sor.u32 $0x10, s6;
	v3 =	vld [tilespmem:s6+$0x3410]  }
0x59: {  	v57 =	vld [tilespmem:s7+$0x0];
	_ =	sdelay $0x3  }
0x5a: {  	vm7 =	vlt.f32 v3, $2.500000000e-01;
	v3, _, _ =	vpop (xrf1)  }
0x5b: {  	v4 =	vnsel vm7, $0xBF800000, v57;
	v3 =	vperm.xlane v3, v1;
	v5, _, _ =	vpop @p2 (xrf1)  }
0x5c: {  	(xrf1) =	vsort.ascd.msk.f32 $0xffff, v4, v4;
	v2 =	vpsel p2, v5, v2  }
0x5d: {  	v2 =	vmax.f32 v2, v3  }
0x5e: {  	(xrf1) =	vsort.ascd.msk.f32 $0xffff, v2, v2;
	_ =	sdelay $0x6  }
0x5f: {  	s8 =	sor.u32 $0x20, s6;
	v2 =	vld [tilespmem:s6+$0x3420]  }
0x60: {  	v3 =	vld [tilespmem:s8+$0x0];
	_ =	sdelay $0x3  }
0x61: {  	vm7 =	vlt.f32 v2, $2.500000000e-01;
	v2, _, _ =	vpop (xrf1)  }
0x62: {  	v3 =	vnsel vm7, $0xBF800000, v3;
	v2 =	vperm.xlane v2, v1  }
0x63: {  	(xrf1) =	vsort.ascd.msk.f32 $0xffff, v3, v3;
	v58, _, _ =	vpop (xrf1)  }
0x64: {  	v2 =	vmax.f32 v58, v2  }
0x65: {  	(xrf1) =	vsort.ascd.msk.f32 $0xffff, v2, v2;
	_ =	sdelay $0x6  }
0x66: {  	s9 =	sor.u32 $0x30, s6;
	v2 =	vld [tilespmem:s6+$0x3430]  }
0x67: {  	v3 =	vld [tilespmem:s9+$0x0];
	_ =	sdelay $0x3  }
0x68: {  	vm7 =	vlt.f32 v2, $2.500000000e-01;
	v2, _, _ =	vpop (xrf1)  }
0x69: {  	v3 =	vnsel vm7, $0xBF800000, v3;
	v2 =	vperm.xlane v2, v1  }
0x6a: {  	(xrf1) =	vsort.ascd.msk.f32 $0xffff, v3, v3;
	v59, _, _ =	vpop (xrf1)  }
0x6b: {  	v2 =	vmax.f32 v59, v2  }
0x6c: {  	(xrf1) =	vsort.ascd.msk.f32 $0xffff, v2, v2;
	_ =	sdelay $0x6  }
0x6d: {  	s12 =	sor.u32 $0x40, s6;
	v2 =	vld [tilespmem:s6+$0x3440]  }
0x6e: {  	v3 =	vld [tilespmem:s12+$0x0];
	_ =	sdelay $0x3  }
0x6f: {  	vm7 =	vlt.f32 v2, $2.500000000e-01;
	v2, _, _ =	vpop (xrf1)  }
0x70: {  	v3 =	vnsel vm7, $0xBF800000, v3;
	v2 =	vperm.xlane v2, v1  }
0x71: {  	(xrf1) =	vsort.ascd.msk.f32 $0xffff, v3, v3;
	v60, _, _ =	vpop (xrf1)  }
0x72: {  	v2 =	vmax.f32 v60, v2  }
0x73: {  	(xrf1) =	vsort.ascd.msk.f32 $0xffff, v2, v2;
	_ =	sdelay $0x6  }
0x74: {  	s14 =	sor.u32 $0x50, s6;
	v2 =	vld [tilespmem:s6+$0x3450]  }
0x75: {  	v3 =	vld [tilespmem:s14+$0x0];
	_ =	sdelay $0x3  }
0x76: {  	vm7 =	vlt.f32 v2, $2.500000000e-01;
	v2, _, _ =	vpop (xrf1)  }
0x77: {  	v2 =	vperm.xlane v2, v1;
	v3 =	vnsel vm7, $0xBF800000, v3  }
0x78: {  	(xrf1) =	vsort.ascd.msk.f32 $0xffff, v3, v3;
	v61, _, _ =	vpop (xrf1)  }
0x79: {  	v2 =	vmax.f32 v61, v2  }
0x7a: {  	(xrf1) =	vsort.ascd.msk.f32 $0xffff, v2, v2;
	_ =	sdelay $0x6  }
0x7b: {  	s28 =	sor.u32 $0x60, s6;
	v2 =	vld [tilespmem:s6+$0x3460]  }
0x7c: {  	v3 =	vld [tilespmem:s28+$0x0];
	_ =	sdelay $0x3  }
0x7d: {  	vm7 =	vlt.f32 v2, $2.500000000e-01;
	v2, _, _ =	vpop (xrf1)  }
0x7e: {  	v2 =	vperm.xlane v2, v1;
	v3 =	vnsel vm7, $0xBF800000, v3  }
0x7f: {  	(xrf1) =	vsort.ascd.msk.f32 $0xffff, v3, v3;
	v62, _, _ =	vpop (xrf1)  }
0x80: {  	v2 =	vmax.f32 v62, v2  }
0x81: {  	(xrf1) =	vsort.ascd.msk.f32 $0xffff, v2, v2;
	_ =	sdelay $0x6  }
0x82: {  	s30 =	sor.u32 $0x70, s6;
	v2 =	vld [tilespmem:s6+$0x3470]  }
0x83: {  	v3 =	vld [tilespmem:s30+$0x0];
	_ =	sdelay $0x3  }
0x84: {  	vm7 =	vlt.f32 v2, $2.500000000e-01;
	v2, _, _ =	vpop (xrf1)  }
0x85: {  	v2 =	vperm.xlane v2, v1;
	v3 =	vnsel vm7, $0xBF800000, v3  }
0x86: {  	(xrf1) =	vsort.ascd.msk.f32 $0xffff, v3, v3;
	v63, _, _ =	vpop (xrf1)  }
0x87: {  	v2 =	vmax.f32 v63, v2  }
0x88: {  	(xrf1) =	vsort.ascd.msk.f32 $0xffff, v2, v2;
	_ =	sdelay $0xb  }
0x89: {  	v2, _, _ =	vpop (xrf1)  }
0x8a: {  	v2 =	vperm.xlane v2, v1  }
0x8b: {  	v3, _, _ =	vpop (xrf1)  }
0x8c: {  	v2 =	vmax.f32 v3, v2  }
0x8d: {  	(xrf1) =	vsort.ascd.msk.f32 $0xffff, v2, v2;
	_ =	sdelay $0xd  }
0x8e: {  	v2, _, _ =	vpop (xrf1)  }
.LBB2_11:
0x8f: {  	(xrf0) =	vmin.scan.msk.f32 $0xffff, v2;
	_ =	sdelay $0x5  }
0x90: {  	v3, _, _ =	vpop (xrf0)  }
0x91: {  	(v2sf) =	vpush v3, $0xF;
	_ =	sdelay $0x9  }
0x92: {  	s6 =	sadd.s32 $0x100, s24;
	s24 =	sadd.s32 $0x1, s24  }
0x93: {  	p2 =	sne.s32 s24, $0x8  }
.Ltmp6:
0x94: {  	_ = 	snop;
	(pc) =	sbr.rel @!p2 .LBB2_12-.Ltmp6, $3  }
0x95: {  	_ =	sdelay $0x1  }
0x96: {  	[smem:$0x80] =	sst s4;
	s7 =	spop (v2sf)  }
0x97: {  	[tilespmem:s13+$0xE000] =	vst v2;
	s25 =	sadd.s32 $0x80, s25;
	s11 =	sadd.s32 $0x80, s11;
	[smem:s6] =	sst s7  }
.LBB2_3:
0x98: {  	v2 =	vld [tilespmem:s11+$0x20]  }
0x99: {  	v3 =	vld [tilespmem:s11+$0x10]  }
0x9a: {  	v4 =	vld [tilespmem:s11+$0x0]  }
0x9b: {  	v5 =	vld [tilespmem:s11+$0xFFFFFFF0]  }
0x9c: {  	v6 =	vld [tilespmem:s11+$0xFFFFFFE0]  }
0x9d: {  	v7 =	vld [tilespmem:s11+$0xFFFFFFD0]  }
0x9e: {  	v8 =	vld [tilespmem:s11+$0xFFFFFFC0]  }
0x9f: {  	v9 =	vld [tilespmem:s25+$0xFFFFFFC0]  }
0xa0: {  	v10 =	vld [tilespmem:s25+$0xFFFFFFD0]  }
0xa1: {  	v11 =	vld [tilespmem:s25+$0xFFFFFFE0]  }
0xa2: {  	v12 =	vld [tilespmem:s25+$0xFFFFFFF0]  }
0xa3: {  	v13 =	vld [tilespmem:s25+$0x0]  }
0xa4: {  	v14 =	vld [tilespmem:s25+$0x10]  }
0xa5: {  	vm7 =	vlt.f32 v9, $2.500000000e-01;
	v8 =	vmax.f32 v8, $-1.000000000e+00;
	vm8 =	vlt.f32 v10, $2.500000000e-01;
	v9 =	vld [tilespmem:s25+$0x20]  }
0xa6: {  	v10 =	vld [tilespmem:s25+$0x30];
	v8 =	vnsel vm7, $0xBF800000, v8;
	v7 =	vnsel vm8, $0xBF800000, v7;
	vm7 =	vlt.f32 v11, $2.500000000e-01  }
0xa7: {  	s6 =	sadd.s32 $0x400, s11;
	v7 =	vmax.f32 v8, v7;
	v6 =	vnsel vm7, $0xBF800000, v6;
	vm7 =	vlt.f32 v12, $2.500000000e-01;
	v8 =	vld [tilespmem:s11+$0x30]  }
0xa8: {  	s7 =	sadd.s32 $0x400, s25;
	v11 =	vld [tilespmem:s6+$0x20];
	v6 =	vmax.f32 v7, v6;
	v5 =	vnsel vm7, $0xBF800000, v5;
	vm7 =	vlt.f32 v13, $2.500000000e-01  }
0xa9: {  	v12 =	vld [tilespmem:s7+$0xFFFFFFF0];
	v5 =	vmax.f32 v6, v5;
	v4 =	vnsel vm7, $0xBF800000, v4;
	vm7 =	vlt.f32 v14, $2.500000000e-01  }
0xaa: {  	v7 =	vld [tilespmem:s6+$0x10];
	v4 =	vmax.f32 v5, v4;
	v3 =	vnsel vm7, $0xBF800000, v3;
	vm7 =	vlt.f32 v9, $2.500000000e-01  }
0xab: {  	v13 =	vld [tilespmem:s7+$0x0];
	v3 =	vmax.f32 v4, v3;
	v2 =	vnsel vm7, $0xBF800000, v2;
	vm7 =	vlt.f32 v10, $2.500000000e-01  }
0xac: {  	v6 =	vld [tilespmem:s6+$0x0];
	v2 =	vmax.f32 v3, v2;
	v3 =	vnsel vm7, $0xBF800000, v8  }
0xad: {  	v9 =	vld [tilespmem:s7+$0xFFFFFFD0];
	v2 =	vmax.f32 v2, v3  }
0xae: {  	v10 =	vld [tilespmem:s7+$0xFFFFFFE0];
	(xrf0) =	vmax.scan.msk.f32 $0xffff, v2  }
0xaf: {  	v2 =	vld [tilespmem:s7+$0xFFFFFFC0]  }
0xb0: {  	v3 =	vld [tilespmem:s6+$0xFFFFFFC0]  }
0xb1: {  	v8 =	vld [tilespmem:s6+$0xFFFFFFD0]  }
0xb2: {  	v4 =	vld [tilespmem:s6+$0xFFFFFFE0]  }
0xb3: {  	v5 =	vld [tilespmem:s6+$0xFFFFFFF0]  }
0xb4: {  	v14 =	vld [tilespmem:s7+$0x10];
	vm7 =	vlt.f32 v2, $2.500000000e-01;
	v2, _, _ =	vpop (xrf0)  }
0xb5: {  	vm8 =	vlt.f32 v9, $2.500000000e-01;
	v9 =	vld [tilespmem:s7+$0x20];
	v3 =	vmax.f32 v3, $-1.000000000e+00;
	(v2sf) =	vpush v2, $0xF  }
0xb6: {  	v2 =	vnsel vm7, $0xBF800000, v3;
	v3 =	vnsel vm8, $0xBF800000, v8;
	vm7 =	vlt.f32 v10, $2.500000000e-01;
	v8 =	vld [tilespmem:s7+$0x30]  }
0xb7: {  	v10 =	vld [tilespmem:s6+$0x30];
	s6 =	sadd.s32 $0x400, s6;
	v3 =	vmax.f32 v2, v3;
	v4 =	vnsel vm7, $0xBF800000, v4;
	vm7 =	vlt.f32 v12, $2.500000000e-01  }
0xb8: {  	v2 =	vld [tilespmem:s6+$0x20];
	v3 =	vmax.f32 v3, v4;
	v5 =	vnsel vm7, $0xBF800000, v5;
	vm7 =	vlt.f32 v13, $2.500000000e-01  }
0xb9: {  	v12 =	vld [tilespmem:s6+$0xFFFFFFE0];
	v5 =	vmax.f32 v3, v5;
	v6 =	vnsel vm7, $0xBF800000, v6;
	vm7 =	vlt.f32 v14, $2.500000000e-01  }
0xba: {  	s28 =	sadd.s32 $0x400, s7;
	v4 =	vld [tilespmem:s6+$0x10];
	v6 =	vmax.f32 v5, v6;
	v7 =	vnsel vm7, $0xBF800000, v7;
	vm7 =	vlt.f32 v9, $2.500000000e-01  }
0xbb: {  	v13 =	vld [tilespmem:s28+$0xFFFFFFF0];
	v6 =	vmax.f32 v6, v7;
	v7 =	vnsel vm7, $0xBF800000, v11;
	vm7 =	vlt.f32 v8, $2.500000000e-01  }
0xbc: {  	v3 =	vld [tilespmem:s6+$0x0];
	v6 =	vmax.f32 v6, v7;
	v7 =	vnsel vm7, $0xBF800000, v10  }
0xbd: {  	v9 =	vld [tilespmem:s6+$0xFFFFFFD0];
	v6 =	vmax.f32 v6, v7  }
0xbe: {  	v8 =	vld [tilespmem:s6+$0xFFFFFFC0];
	(xrf0) =	vmax.scan.msk.f32 $0xffff, v6  }
0xbf: {  	v6 =	vld [tilespmem:s28+$0xFFFFFFC0]  }
0xc0: {  	v10 =	vld [tilespmem:s28+$0xFFFFFFD0]  }
0xc1: {  	v11 =	vld [tilespmem:s28+$0xFFFFFFE0]  }
0xc2: {  	s8 =	sld [smem:s24+$0x100];
	v5 =	vld [tilespmem:s6+$0xFFFFFFF0]  }
0xc3: {  	v7 =	vld [tilespmem:s28+$0x0]  }
0xc4: {  	vm7 =	vlt.f32 v6, $2.500000000e-01;
	v6 =	vld [tilespmem:s28+$0x10];
	v14, _, _ =	vpop (xrf0);
	s14 =	spop (v2sf)  }
0xc5: {  	s12 =	sshll.u32 s24, $0x7;
	v15 =	vmax.f32 v8, $-1.000000000e+00;
	v8 =	vld [tilespmem:s28+$0x20];
	vm8 =	vlt.f32 v10, $2.500000000e-01;
	(v2sf) =	vpush v14, $0xF;
	p2 =	sgt.f32 s14, s8  }
0xc6: {  	s13 =	simm.s32 $0x2;
	s30 =	simm.s32 $0x3;
	s9 =	simm.s32 $0x0;
	v10 =	vnsel vm7, $0xBF800000, v15;
	vm7 =	vlt.f32 v11, $2.500000000e-01;
	v14 =	vnsel vm8, $0xBF800000, v9;
	v9 =	vld [tilespmem:s28+$0x30]  }
0xc7: {  	v12 =	vnsel vm7, $0xBF800000, v12;
	vm7 =	vlt.f32 v13, $2.500000000e-01;
	s14 =	simm.s32 $0x1;
	v11 =	vmax.f32 v10, v14;
	v10 =	vld [tilespmem:s6+$0x30];
	s6 =	sadd.s32 $0x400, s6;
	s7 =	sld @p2 [smem:$0x80]  }
.LBB2_4:
0xc8: {  	v13 =	vld [tilespmem:s6+$0x20];
	v11 =	vmax.f32 v11, v12;
	v5 =	vnsel vm7, $0xBF800000, v5;
	vm7 =	vlt.f32 v7, $2.500000000e-01  }
0xc9: {  	v7 =	vld [tilespmem:s6+$0x10];
	v5 =	vmax.f32 v11, v5;
	v11 =	vnsel vm7, $0xBF800000, v3;
	vm7 =	vlt.f32 v6, $2.500000000e-01  }
0xca: {  	v3 =	vld [tilespmem:s6+$0x0];
	v6 =	vmax.f32 v5, v11;
	v4 =	vnsel vm7, $0xBF800000, v4;
	vm7 =	vlt.f32 v8, $2.500000000e-01;
	[smem:s7] =	sst @p2 s9;
	s7 =	sadd.s32 @p2 $0x1, s7;
	s9 =	smov.u32 s14  }
0xcb: {  	s14 =	smov.u32 s13;
	s13 =	smov.u32 s30;
	v5 =	vld [tilespmem:s6+$0xFFFFFFF0];
	v4 =	vmax.f32 v6, v4;
	v8 =	vnsel vm7, $0xBF800000, v2;
	vm7 =	vlt.f32 v9, $2.500000000e-01;
	[smem:$0x80] =	sst @p2 s7  }
0xcc: {  	v12 =	vld [tilespmem:s6+$0xFFFFFFE0];
	v6 =	vmax.f32 v4, v8;
	v10 =	vnsel vm7, $0xBF800000, v10  }
0xcd: {  	v9 =	vld [tilespmem:s6+$0xFFFFFFD0];
	v6 =	vmax.f32 v6, v10;
	v2 =	vmov v13  }
0xce: {  	s28 =	sadd.s32 $0x400, s28;
	v8 =	vld [tilespmem:s6+$0xFFFFFFC0];
	(xrf0) =	vmax.scan.msk.f32 $0xffff, v6;
	v4 =	vmov v7  }
0xcf: {  	v6 =	vld [tilespmem:s28+$0xFFFFFFC0]  }
0xd0: {  	s30 =	sadd.s32 $0x1, s30;
	v10 =	vld [tilespmem:s28+$0xFFFFFFD0]  }
0xd1: {  	p3 =	sne.s32 s30, $0xD;
	v11 =	vld [tilespmem:s28+$0xFFFFFFE0]  }
0xd2: {  	v13 =	vld [tilespmem:s28+$0xFFFFFFF0]  }
.Ltmp7:
0xd3: {  	v7 =	vld [tilespmem:s28+$0x0];
	(pc) =	sbr.rel @p3 .LBB2_4-.Ltmp7, $4  }
0xd4: {  	vm7 =	vlt.f32 v6, $2.500000000e-01;
	v6 =	vld [tilespmem:s28+$0x10];
	v14, _, _ =	vpop (xrf0);
	s7 =	spop (v2sf)  }
0xd5: {  	v15 =	vmax.f32 v8, $-1.000000000e+00;
	vm8 =	vlt.f32 v10, $2.500000000e-01;
	v8 =	vld [tilespmem:s28+$0x20];
	(v2sf) =	vpush v14, $0xF;
	p2 =	sgt.f32 s7, s8  }
0xd6: {  	v10 =	vnsel vm7, $0xBF800000, v15;
	v14 =	vnsel vm8, $0xBF800000, v9;
	vm7 =	vlt.f32 v11, $2.500000000e-01;
	v9 =	vld [tilespmem:s28+$0x30]  }
0xd7: {  	v11 =	vmax.f32 v10, v14;
	v12 =	vnsel vm7, $0xBF800000, v12;
	vm7 =	vlt.f32 v13, $2.500000000e-01;
	v10 =	vld [tilespmem:s6+$0x30];
	s6 =	sadd.s32 $0x400, s6;
	s7 =	sld @p2 [smem:$0x80]  }
0xd8: {  	v11 =	vmax.f32 v11, v12;
	v5 =	vnsel vm7, $0xBF800000, v5;
	vm7 =	vlt.f32 v7, $2.500000000e-01  }
0xd9: {  	v5 =	vmax.f32 v11, v5;
	v3 =	vnsel vm7, $0xBF800000, v3;
	vm7 =	vlt.f32 v6, $2.500000000e-01  }
0xda: {  	v3 =	vmax.f32 v5, v3;
	v4 =	vnsel vm7, $0xBF800000, v4;
	vm7 =	vlt.f32 v8, $2.500000000e-01  }
0xdb: {  	v3 =	vmax.f32 v3, v4;
	v2 =	vnsel vm7, $0xBF800000, v2;
	vm7 =	vlt.f32 v9, $2.500000000e-01  }
0xdc: {  	v2 =	vmax.f32 v3, v2;
	v3 =	vnsel vm7, $0xBF800000, v10  }
0xdd: {  	v2 =	vmax.f32 v2, v3  }
0xde: {  	(xrf0) =	vmax.scan.msk.f32 $0xffff, v2;
	_ =	sdelay $0x5  }
0xdf: {  	v2, _, _ =	vpop (xrf0)  }
0xe0: {  	(v2sf) =	vpush v2, $0xF;
	_ =	sdelay $0x9  }
0xe1: {  	s6 =	spop (v2sf)  }
0xe2: {  	[smem:s7] =	sst @p2 s9;
	s7 =	sadd.s32 @p2 $0x1, s7;
	p3 =	sgt.f32 s6, s8  }
0xe3: {  	[smem:$0x80] =	sst @p2 s7  }
0xe4: {  	s6 =	sld @p3 [smem:$0x80];
	_ =	sdelay $0x1  }
0xe5: {  	s28 =	spop (v2sf)  }
0xe6: {  	[smem:s6] =	sst @p3 s14;
	s6 =	sadd.s32 @p3 $0x1, s6;
	p2 =	sgt.f32 s28, s8  }
0xe7: {  	[smem:$0x80] =	sst @p3 s6  }
0xe8: {  	s6 =	sld @p2 [smem:$0x80];
	_ =	sdelay $0x2  }
0xe9: {  	[smem:s6] =	sst @p2 s13;
	s6 =	sadd.s32 @p2 $0x1, s6  }
0xea: {  	[smem:$0x80] =	sst @p2 s6  }
0xeb: {  	s7 =	sld [smem:$0x80];
	_ =	sdelay $0x1  }
0xec: {  	s30 =	sshll.u32 s24, $0x9  }
0xed: {  	s13 =	sshrl.u32 s30, $0x2;
	p2 =	slt.s32 s7, $0x1  }
.Ltmp8:
0xee: {  	v2 =	vld [tilespmem:s13+$0xE000];
	(pc) =	sbr.rel @p2 .LBB2_11-.Ltmp8, $2  }
0xef: {  	_ =	sdelay $0x2  }
0xf0: {  	s8 =	simm.s32 $0x0  }
0xf1: {  	p3 =	sne.s32 s7, $0x1  }
.Ltmp9:
0xf2: {  	_ = 	snop;
	(pc) =	sbr.rel @!p3 .LBB2_7-.Ltmp9, $3  }
0xf3: {  	_ = 	snop  }
0xf4: {  	s6 =	sld [smem:s8+$0x0];
	_ =	sdelay $0x1  }
0xf5: {  	s9 =	sadd.s32 $0xFFFFFFFF, s7;
	p2 =	por $0x0, $0x0  }
0xf6: {  	s6 =	sshll.u32 s6, $0xA  }
0xf7: {  	s6 =	sadd.s32 s12, s6  }
0xf8: {  	v3 =	vld [tilespmem:s6+$0x3400]  }
0xf9: {  	v4 =	vld [tilespmem:s6+$0x0];
	_ =	sdelay $0x3  }
0xfa: {  	vm7 =	vlt.f32 v3, $2.500000000e-01  }
0xfb: {  	v3 =	vnsel vm7, $0xBF800000, v4  }
0xfc: {  	(xrf1) =	vsort.ascd.msk.f32 $0xffff, v3, v3;
	_ =	sdelay $0x8  }
0xfd: {  	s7 =	sor.u32 $0x10, s6;
	v3 =	vld [tilespmem:s6+$0x3410]  }
0xfe: {  	v51 =	vld [tilespmem:s7+$0x0];
	_ =	sdelay $0x3  }
0xff: {  	vm7 =	vlt.f32 v3, $2.500000000e-01;
	v3, _, _ =	vpop (xrf1)  }
0x100: {  	v4 =	vnsel vm7, $0xBF800000, v51;
	v3 =	vperm.xlane v3, v1  }
0x101: {  	(xrf1) =	vsort.ascd.msk.f32 $0xffff, v4, v4  }
0x102: {  	v3 =	vmax.f32 v2, v3  }
0x103: {  	(xrf1) =	vsort.ascd.msk.f32 $0xffff, v3, v3;
	_ =	sdelay $0x6  }
0x104: {  	s14 =	sor.u32 $0x20, s6;
	v3 =	vld [tilespmem:s6+$0x3420]  }
0x105: {  	v52 =	vld [tilespmem:s14+$0x0];
	_ =	sdelay $0x3  }
0x106: {  	vm7 =	vlt.f32 v3, $2.500000000e-01;
	v3, _, _ =	vpop (xrf1)  }
0x107: {  	v4 =	vnsel vm7, $0xBF800000, v52;
	v3 =	vperm.xlane v3, v1  }
0x108: {  	(xrf1) =	vsort.ascd.msk.f32 $0xffff, v4, v4;
	v5, _, _ =	vpop (xrf1)  }
0x109: {  	v3 =	vmax.f32 v5, v3  }
0x10a: {  	(xrf1) =	vsort.ascd.msk.f32 $0xffff, v3, v3;
	_ =	sdelay $0x6  }
0x10b: {  	s30 =	sor.u32 $0x30, s6;
	v3 =	vld [tilespmem:s6+$0x3430]  }
0x10c: {  	v53 =	vld [tilespmem:s30+$0x0];
	_ =	sdelay $0x3  }
0x10d: {  	vm7 =	vlt.f32 v3, $2.500000000e-01;
	v3, _, _ =	vpop (xrf1)  }
0x10e: {  	v4 =	vnsel vm7, $0xBF800000, v53;
	v3 =	vperm.xlane v3, v1  }
0x10f: {  	(xrf1) =	vsort.ascd.msk.f32 $0xffff, v4, v4;
	v54, _, _ =	vpop (xrf1)  }
0x110: {  	v3 =	vmax.f32 v54, v3  }
0x111: {  	(xrf1) =	vsort.ascd.msk.f32 $0xffff, v3, v3;
	_ =	sdelay $0x6  }
0x112: {  	s14 =	sor.u32 $0x40, s6;
	v3 =	vld [tilespmem:s6+$0x3440]  }
0x113: {  	v55 =	vld [tilespmem:s14+$0x0];
	_ =	sdelay $0x3  }
0x114: {  	vm7 =	vlt.f32 v3, $2.500000000e-01;
	v3, _, _ =	vpop (xrf1)  }
0x115: {  	v4 =	vnsel vm7, $0xBF800000, v55;
	v3 =	vperm.xlane v3, v1  }
0x116: {  	(xrf1) =	vsort.ascd.msk.f32 $0xffff, v4, v4;
	v56, _, _ =	vpop (xrf1)  }
0x117: {  	v3 =	vmax.f32 v56, v3  }
0x118: {  	(xrf1) =	vsort.ascd.msk.f32 $0xffff, v3, v3;
	_ =	sdelay $0x6  }
0x119: {  	s30 =	sor.u32 $0x50, s6;
	v3 =	vld [tilespmem:s6+$0x3450]  }
0x11a: {  	v57 =	vld [tilespmem:s30+$0x0];
	_ =	sdelay $0x3  }
0x11b: {  	vm7 =	vlt.f32 v3, $2.500000000e-01;
	v3, _, _ =	vpop (xrf1)  }
0x11c: {  	v3 =	vperm.xlane v3, v1;
	v4 =	vnsel vm7, $0xBF800000, v57  }
0x11d: {  	(xrf1) =	vsort.ascd.msk.f32 $0xffff, v4, v4;
	v58, _, _ =	vpop (xrf1)  }
0x11e: {  	v3 =	vmax.f32 v58, v3  }
0x11f: {  	(xrf1) =	vsort.ascd.msk.f32 $0xffff, v3, v3;
	_ =	sdelay $0x6  }
0x120: {  	s14 =	sor.u32 $0x60, s6;
	v3 =	vld [tilespmem:s6+$0x3460]  }
0x121: {  	v59 =	vld [tilespmem:s14+$0x0];
	_ =	sdelay $0x3  }
0x122: {  	vm7 =	vlt.f32 v3, $2.500000000e-01;
	v3, _, _ =	vpop (xrf1)  }
0x123: {  	v3 =	vperm.xlane v3, v1;
	v4 =	vnsel vm7, $0xBF800000, v59  }
0x124: {  	(xrf1) =	vsort.ascd.msk.f32 $0xffff, v4, v4;
	v60, _, _ =	vpop (xrf1)  }
0x125: {  	v3 =	vmax.f32 v60, v3  }
0x126: {  	(xrf1) =	vsort.ascd.msk.f32 $0xffff, v3, v3;
	_ =	sdelay $0x6  }
0x127: {  	s30 =	sor.u32 $0x70, s6;
	v3 =	vld [tilespmem:s6+$0x3470]  }
0x128: {  	v61 =	vld [tilespmem:s30+$0x0];
	_ =	sdelay $0x3  }
0x129: {  	v62, _, _ =	vpop (xrf1);
	vm7 =	vlt.f32 v3, $2.500000000e-01  }
0x12a: {  	v3 =	vperm.xlane v62, v1;
	v4 =	vnsel vm7, $0xBF800000, v61  }
0x12b: {  	v63, _, _ =	vpop (xrf1);
	(xrf1) =	vsort.ascd.msk.f32 $0xffff, v4, v4  }
0x12c: {  	v3 =	vmax.f32 v63, v3  }
0x12d: {  	p3 =	sne.s32 s9, $0x1;
	(xrf1) =	vsort.ascd.msk.f32 $0xffff, v3, v3  }
.Ltmp10:
0x12e: {  	_ = 	snop;
	(pc) =	sbr.rel @!p3 .LBB2_10-.Ltmp10, $3  }
0x12f: {  	s14 =	sadd.s32 $0x1, s8  }
0x130: {  	s6 =	sld [smem:s14+$0x0];
	_ =	sdelay $0x1  }
0x131: {  	s28 =	sadd.s32 $0xFFFFFFFF, s9;
	p2 =	por $0x1, $0x1  }
.LBB2_9:
0x132: {  	p3 =	sne.s32 s28, $0x1;
	_ =	sdelay $0x1  }
0x133: {  	s6 =	sshll.u32 s6, $0xA  }
0x134: {  	s8 =	sadd.s32 s12, s6  }
0x135: {  	v3 =	vld [tilespmem:s8+$0x3400]  }
0x136: {  	v4 =	vld [tilespmem:s8+$0x0];
	_ =	sdelay $0x3  }
0x137: {  	vm7 =	vlt.f32 v3, $2.500000000e-01;
	v3, _, _ =	vpop (xrf1)  }
0x138: {  	v5 =	vnsel vm7, $0xBF800000, v4;
	v3 =	vperm.xlane v3, v1  }
0x139: {  	(xrf1) =	vsort.ascd.msk.f32 $0xffff, v5, v5;
	v4, _, _ =	vpop (xrf1)  }
0x13a: {  	v3 =	vmax.f32 v4, v3  }
0x13b: {  	(xrf1) =	vsort.ascd.msk.f32 $0xffff, v3, v3;
	_ =	sdelay $0x6  }
0x13c: {  	s6 =	sor.u32 $0x10, s8;
	v3 =	vld [tilespmem:s8+$0x3410]  }
0x13d: {  	v4 =	vld [tilespmem:s6+$0x0];
	_ =	sdelay $0x3  }
0x13e: {  	vm7 =	vlt.f32 v3, $2.500000000e-01;
	v3, _, _ =	vpop (xrf1)  }
0x13f: {  	v3 =	vperm.xlane v3, v1;
	v5 =	vnsel vm7, $0xBF800000, v4  }
0x140: {  	(xrf1) =	vsort.ascd.msk.f32 $0xffff, v5, v5;
	v4, _, _ =	vpop (xrf1)  }
0x141: {  	v3 =	vmax.f32 v4, v3  }
0x142: {  	(xrf1) =	vsort.ascd.msk.f32 $0xffff, v3, v3;
	_ =	sdelay $0x6  }
0x143: {  	s6 =	sor.u32 $0x20, s8;
	v3 =	vld [tilespmem:s8+$0x3420]  }
0x144: {  	v4 =	vld [tilespmem:s6+$0x0];
	_ =	sdelay $0x3  }
0x145: {  	vm7 =	vlt.f32 v3, $2.500000000e-01;
	v3, _, _ =	vpop (xrf1)  }
0x146: {  	v3 =	vperm.xlane v3, v1;
	v4 =	vnsel vm7, $0xBF800000, v4  }
0x147: {  	v5, _, _ =	vpop (xrf1);
	(xrf1) =	vsort.ascd.msk.f32 $0xffff, v4, v4  }
0x148: {  	v3 =	vmax.f32 v5, v3  }
0x149: {  	(xrf1) =	vsort.ascd.msk.f32 $0xffff, v3, v3;
	_ =	sdelay $0x6  }
0x14a: {  	s6 =	sor.u32 $0x30, s8;
	v3 =	vld [tilespmem:s8+$0x3430]  }
0x14b: {  	v4 =	vld [tilespmem:s6+$0x0];
	_ =	sdelay $0x3  }
0x14c: {  	vm7 =	vlt.f32 v3, $2.500000000e-01;
	v3, _, _ =	vpop (xrf1)  }
0x14d: {  	v3 =	vperm.xlane v3, v1;
	v4 =	vnsel vm7, $0xBF800000, v4  }
0x14e: {  	v5, _, _ =	vpop (xrf1);
	(xrf1) =	vsort.ascd.msk.f32 $0xffff, v4, v4  }
0x14f: {  	v3 =	vmax.f32 v5, v3  }
0x150: {  	(xrf1) =	vsort.ascd.msk.f32 $0xffff, v3, v3;
	_ =	sdelay $0x6  }
0x151: {  	s6 =	sor.u32 $0x40, s8;
	v3 =	vld [tilespmem:s8+$0x3440]  }
0x152: {  	v4 =	vld [tilespmem:s6+$0x0];
	_ =	sdelay $0x3  }
0x153: {  	vm7 =	vlt.f32 v3, $2.500000000e-01;
	v3, _, _ =	vpop (xrf1)  }
0x154: {  	v3 =	vperm.xlane v3, v1;
	v4 =	vnsel vm7, $0xBF800000, v4  }
0x155: {  	v5, _, _ =	vpop (xrf1);
	(xrf1) =	vsort.ascd.msk.f32 $0xffff, v4, v4  }
0x156: {  	v3 =	vmax.f32 v5, v3  }
0x157: {  	(xrf1) =	vsort.ascd.msk.f32 $0xffff, v3, v3;
	_ =	sdelay $0x6  }
0x158: {  	s6 =	sor.u32 $0x50, s8;
	v3 =	vld [tilespmem:s8+$0x3450]  }
0x159: {  	v4 =	vld [tilespmem:s6+$0x0];
	_ =	sdelay $0x3  }
0x15a: {  	vm7 =	vlt.f32 v3, $2.500000000e-01;
	v3, _, _ =	vpop (xrf1)  }
0x15b: {  	v3 =	vperm.xlane v3, v1;
	v4 =	vnsel vm7, $0xBF800000, v4  }
0x15c: {  	v5, _, _ =	vpop (xrf1);
	(xrf1) =	vsort.ascd.msk.f32 $0xffff, v4, v4  }
0x15d: {  	v3 =	vmax.f32 v5, v3  }
0x15e: {  	(xrf1) =	vsort.ascd.msk.f32 $0xffff, v3, v3;
	_ =	sdelay $0x6  }
0x15f: {  	s6 =	sor.u32 $0x60, s8;
	v3 =	vld [tilespmem:s8+$0x3460]  }
0x160: {  	v4 =	vld [tilespmem:s6+$0x0];
	_ =	sdelay $0x3  }
0x161: {  	vm7 =	vlt.f32 v3, $2.500000000e-01;
	v3, _, _ =	vpop (xrf1)  }
0x162: {  	v3 =	vperm.xlane v3, v1;
	v4 =	vnsel vm7, $0xBF800000, v4  }
0x163: {  	v5, _, _ =	vpop (xrf1);
	(xrf1) =	vsort.ascd.msk.f32 $0xffff, v4, v4  }
0x164: {  	v3 =	vmax.f32 v5, v3  }
0x165: {  	(xrf1) =	vsort.ascd.msk.f32 $0xffff, v3, v3;
	_ =	sdelay $0x6  }
0x166: {  	s6 =	sor.u32 $0x70, s8;
	v3 =	vld [tilespmem:s8+$0x3470]  }
0x167: {  	v4 =	vld [tilespmem:s6+$0x0];
	_ =	sdelay $0x3  }
0x168: {  	vm7 =	vlt.f32 v3, $2.500000000e-01;
	v3, _, _ =	vpop (xrf1)  }
0x169: {  	v3 =	vperm.xlane v3, v1;
	v4 =	vnsel vm7, $0xBF800000, v4  }
.Ltmp11:
0x16a: {  	v5, _, _ =	vpop (xrf1);
	(xrf1) =	vsort.ascd.msk.f32 $0xffff, v4, v4;
	(pc) =	sbr.rel @p3 .LBB2_9-.Ltmp11, $4  }
0x16b: {  	v3 =	vmax.f32 v5, v3  }
0x16c: {  	(xrf1) =	vsort.ascd.msk.f32 $0xffff, v3, v3  }
0x16d: {  	s14 =	sadd.s32 $0x1, s14  }
0x16e: {  	s28 =	sadd.s32 $0xFFFFFFFF, s28;
	s6 =	sld [smem:s14+$0x0]  }
.Ltmp12:
0x16f: {  	_ = 	snop;
	(pc) =	sbr.rel .LBB2_10-.Ltmp12, $1  }
0x170: {  	_ =	sdelay $0x3  }
.LBB2_12:
0x171: {  	s6 =	sadd.s32 s31, s17  }
0x172: {  	s11 =	simm.s32 $0x0;
	s7 =	sadd.s32 s1, s6  }
0x173: {  	[tilespmem:s11], [sflag:$0x1] =	stream.linear.gather [hbm4b:s7+s11], $0x3400, $0x38;
	[tilespmem:$0xED00] =	vst v63  }
0x174: {  	s6 =	sadd.s32 s2, s6  }
0x175: {  	[tilespmem:s19], [sflag:$0x1] =	stream.linear.gather [hbm4b:s6+s11], $0x3400, $0x38;
	[tilespmem:$0xED00] =	vst v63  }
0x176: {  	_ =	swait.ge [sflag:s23], $0x3400  }
.Ltmp13:
0x177: {  	[sflag:s23] =	ssyncset.done $0x0;
	(pc) =	sbr.rel .LBB2_13-.Ltmp13, $4  }
0x178: {  	[sflag:s23] =	ssyncadd.s32 $0xFFFFCC00  }
0x179: {  	_ =	swait.ge [sflag:s23], $0x3400  }
0x17a: {  	[sflag:s23] =	ssyncset.done $0x0  }
0x17b: {  	s24 =	simm.s32 $0x9C40;
	s25 =	simm.s32 $0x6840;
	[sflag:s23] =	ssyncadd.s32 $0xFFFFCC00  }
.LBB2_17:
0x17c: {  	_ = 	snop  }
.LBB2_20:
0x17d: {  	s6 =	sshll.u32 s6, $0xA  }
0x17e: {  	s6 =	sadd.s32 s12, s6  }
0x17f: {  	v3 =	vld [tilespmem:s6+$0x9C00]  }
0x180: {  	v4 =	vld [tilespmem:s6+$0x6800];
	_ =	sdelay $0x2  }
0x181: {  	v5, _, _ =	vpop @p2 (xrf1)  }
0x182: {  	vm7 =	vlt.f32 v3, $2.500000000e-01;
	v3 =	vperm.xlane @p2 v5, v1  }
0x183: {  	v5, _, _ =	vpop @p2 (xrf1);
	v4 =	vnsel vm7, $0xBF800000, v4  }
0x184: {  	(xrf1) =	vsort.ascd.msk.f32 $0xffff, v4, v4;
	v3 =	vmax.f32 @p2 v5, v3  }
0x185: {  	(xrf1) =	vsort.ascd.msk.f32 @p2 $0xffff, v3, v3;
	_ =	sdelay $0x7  }
0x186: {  	v3 =	vld [tilespmem:s6+$0x9C10]  }
0x187: {  	v57 =	vld [tilespmem:s6+$0x6810];
	_ =	sdelay $0x3  }
0x188: {  	vm7 =	vlt.f32 v3, $2.500000000e-01;
	v3, _, _ =	vpop (xrf1)  }
0x189: {  	v4 =	vnsel vm7, $0xBF800000, v57;
	v3 =	vperm.xlane v3, v1;
	v5, _, _ =	vpop @p2 (xrf1)  }
0x18a: {  	(xrf1) =	vsort.ascd.msk.f32 $0xffff, v4, v4;
	v2 =	vpsel p2, v5, v2  }
0x18b: {  	v2 =	vmax.f32 v2, v3  }
0x18c: {  	(xrf1) =	vsort.ascd.msk.f32 $0xffff, v2, v2;
	_ =	sdelay $0x6  }
0x18d: {  	v2 =	vld [tilespmem:s6+$0x9C20]  }
0x18e: {  	v3 =	vld [tilespmem:s6+$0x6820];
	_ =	sdelay $0x3  }
0x18f: {  	vm7 =	vlt.f32 v2, $2.500000000e-01;
	v2, _, _ =	vpop (xrf1)  }
0x190: {  	v3 =	vnsel vm7, $0xBF800000, v3;
	v2 =	vperm.xlane v2, v1  }
0x191: {  	(xrf1) =	vsort.ascd.msk.f32 $0xffff, v3, v3;
	v58, _, _ =	vpop (xrf1)  }
0x192: {  	v2 =	vmax.f32 v58, v2  }
0x193: {  	(xrf1) =	vsort.ascd.msk.f32 $0xffff, v2, v2;
	_ =	sdelay $0x6  }
0x194: {  	v2 =	vld [tilespmem:s6+$0x9C30]  }
0x195: {  	v3 =	vld [tilespmem:s6+$0x6830];
	_ =	sdelay $0x3  }
0x196: {  	vm7 =	vlt.f32 v2, $2.500000000e-01;
	v2, _, _ =	vpop (xrf1)  }
0x197: {  	v3 =	vnsel vm7, $0xBF800000, v3;
	v2 =	vperm.xlane v2, v1  }
0x198: {  	(xrf1) =	vsort.ascd.msk.f32 $0xffff, v3, v3;
	v59, _, _ =	vpop (xrf1)  }
0x199: {  	v2 =	vmax.f32 v59, v2  }
0x19a: {  	(xrf1) =	vsort.ascd.msk.f32 $0xffff, v2, v2;
	_ =	sdelay $0x6  }
0x19b: {  	v2 =	vld [tilespmem:s6+$0x9C40]  }
0x19c: {  	v3 =	vld [tilespmem:s6+$0x6840];
	_ =	sdelay $0x3  }
0x19d: {  	vm7 =	vlt.f32 v2, $2.500000000e-01;
	v2, _, _ =	vpop (xrf1)  }
0x19e: {  	v3 =	vnsel vm7, $0xBF800000, v3;
	v2 =	vperm.xlane v2, v1  }
0x19f: {  	(xrf1) =	vsort.ascd.msk.f32 $0xffff, v3, v3;
	v60, _, _ =	vpop (xrf1)  }
0x1a0: {  	v2 =	vmax.f32 v60, v2  }
0x1a1: {  	(xrf1) =	vsort.ascd.msk.f32 $0xffff, v2, v2;
	_ =	sdelay $0x6  }
0x1a2: {  	v2 =	vld [tilespmem:s6+$0x9C50]  }
0x1a3: {  	v3 =	vld [tilespmem:s6+$0x6850];
	_ =	sdelay $0x3  }
0x1a4: {  	vm7 =	vlt.f32 v2, $2.500000000e-01;
	v2, _, _ =	vpop (xrf1)  }
0x1a5: {  	v2 =	vperm.xlane v2, v1;
	v3 =	vnsel vm7, $0xBF800000, v3  }
0x1a6: {  	(xrf1) =	vsort.ascd.msk.f32 $0xffff, v3, v3;
	v61, _, _ =	vpop (xrf1)  }
0x1a7: {  	v2 =	vmax.f32 v61, v2  }
0x1a8: {  	(xrf1) =	vsort.ascd.msk.f32 $0xffff, v2, v2;
	_ =	sdelay $0x6  }
0x1a9: {  	v2 =	vld [tilespmem:s6+$0x9C60]  }
0x1aa: {  	v3 =	vld [tilespmem:s6+$0x6860];
	_ =	sdelay $0x3  }
0x1ab: {  	vm7 =	vlt.f32 v2, $2.500000000e-01;
	v2, _, _ =	vpop (xrf1)  }
0x1ac: {  	v2 =	vperm.xlane v2, v1;
	v3 =	vnsel vm7, $0xBF800000, v3  }
0x1ad: {  	(xrf1) =	vsort.ascd.msk.f32 $0xffff, v3, v3;
	v62, _, _ =	vpop (xrf1)  }
0x1ae: {  	v2 =	vmax.f32 v62, v2  }
0x1af: {  	(xrf1) =	vsort.ascd.msk.f32 $0xffff, v2, v2;
	_ =	sdelay $0x6  }
0x1b0: {  	v2 =	vld [tilespmem:s6+$0x9C70]  }
0x1b1: {  	v3 =	vld [tilespmem:s6+$0x6870];
	_ =	sdelay $0x3  }
0x1b2: {  	vm7 =	vlt.f32 v2, $2.500000000e-01;
	v2, _, _ =	vpop (xrf1)  }
0x1b3: {  	v2 =	vperm.xlane v2, v1;
	v3 =	vnsel vm7, $0xBF800000, v3  }
0x1b4: {  	(xrf1) =	vsort.ascd.msk.f32 $0xffff, v3, v3;
	v63, _, _ =	vpop (xrf1)  }
0x1b5: {  	v2 =	vmax.f32 v63, v2  }
0x1b6: {  	(xrf1) =	vsort.ascd.msk.f32 $0xffff, v2, v2;
	_ =	sdelay $0xb  }
0x1b7: {  	v2, _, _ =	vpop (xrf1)  }
0x1b8: {  	v2 =	vperm.xlane v2, v1  }
0x1b9: {  	v3, _, _ =	vpop (xrf1)  }
0x1ba: {  	v2 =	vmax.f32 v3, v2  }
0x1bb: {  	(xrf1) =	vsort.ascd.msk.f32 $0xffff, v2, v2;
	_ =	sdelay $0xd  }
0x1bc: {  	v2, _, _ =	vpop (xrf1)  }
.LBB2_21:
0x1bd: {  	(xrf0) =	vmin.scan.msk.f32 $0xffff, v2;
	_ =	sdelay $0x5  }
0x1be: {  	v3, _, _ =	vpop (xrf0)  }
0x1bf: {  	(v2sf) =	vpush v3, $0xF;
	_ =	sdelay $0x9  }
0x1c0: {  	s6 =	sadd.s32 $0x100, s11;
	s11 =	sadd.s32 $0x1, s11  }
0x1c1: {  	p2 =	sne.s32 s11, $0x8  }
.Ltmp14:
0x1c2: {  	_ = 	snop;
	(pc) =	sbr.rel @!p2 .LBB2_22-.Ltmp14, $3  }
0x1c3: {  	_ =	sdelay $0x1  }
0x1c4: {  	[smem:$0x80] =	sst s4;
	s7 =	spop (v2sf)  }
0x1c5: {  	[tilespmem:s13+$0xE000] =	vst v2;
	s24 =	sadd.s32 $0x80, s24;
	s25 =	sadd.s32 $0x80, s25;
	[smem:s6] =	sst s7  }
.LBB2_13:
0x1c6: {  	v2 =	vld [tilespmem:s25+$0x20]  }
0x1c7: {  	v3 =	vld [tilespmem:s25+$0x10]  }
0x1c8: {  	v4 =	vld [tilespmem:s25+$0x0]  }
0x1c9: {  	v5 =	vld [tilespmem:s25+$0xFFFFFFF0]  }
0x1ca: {  	v6 =	vld [tilespmem:s25+$0xFFFFFFE0]  }
0x1cb: {  	v7 =	vld [tilespmem:s25+$0xFFFFFFD0]  }
0x1cc: {  	v8 =	vld [tilespmem:s25+$0xFFFFFFC0]  }
0x1cd: {  	v9 =	vld [tilespmem:s24+$0xFFFFFFC0]  }
0x1ce: {  	v10 =	vld [tilespmem:s24+$0xFFFFFFD0]  }
0x1cf: {  	v11 =	vld [tilespmem:s24+$0xFFFFFFE0]  }
0x1d0: {  	v12 =	vld [tilespmem:s24+$0xFFFFFFF0]  }
0x1d1: {  	v13 =	vld [tilespmem:s24+$0x0]  }
0x1d2: {  	v14 =	vld [tilespmem:s24+$0x10]  }
0x1d3: {  	vm7 =	vlt.f32 v9, $2.500000000e-01;
	v8 =	vmax.f32 v8, $-1.000000000e+00;
	vm8 =	vlt.f32 v10, $2.500000000e-01;
	v9 =	vld [tilespmem:s24+$0x20]  }
0x1d4: {  	v10 =	vld [tilespmem:s24+$0x30];
	v8 =	vnsel vm7, $0xBF800000, v8;
	v7 =	vnsel vm8, $0xBF800000, v7;
	vm7 =	vlt.f32 v11, $2.500000000e-01  }
0x1d5: {  	s6 =	sadd.s32 $0x400, s25;
	v7 =	vmax.f32 v8, v7;
	v6 =	vnsel vm7, $0xBF800000, v6;
	vm7 =	vlt.f32 v12, $2.500000000e-01;
	v8 =	vld [tilespmem:s25+$0x30]  }
0x1d6: {  	s7 =	sadd.s32 $0x400, s24;
	v11 =	vld [tilespmem:s6+$0x20];
	v6 =	vmax.f32 v7, v6;
	v5 =	vnsel vm7, $0xBF800000, v5;
	vm7 =	vlt.f32 v13, $2.500000000e-01  }
0x1d7: {  	v12 =	vld [tilespmem:s7+$0xFFFFFFF0];
	v5 =	vmax.f32 v6, v5;
	v4 =	vnsel vm7, $0xBF800000, v4;
	vm7 =	vlt.f32 v14, $2.500000000e-01  }
0x1d8: {  	v7 =	vld [tilespmem:s6+$0x10];
	v4 =	vmax.f32 v5, v4;
	v3 =	vnsel vm7, $0xBF800000, v3;
	vm7 =	vlt.f32 v9, $2.500000000e-01  }
0x1d9: {  	v13 =	vld [tilespmem:s7+$0x0];
	v3 =	vmax.f32 v4, v3;
	v2 =	vnsel vm7, $0xBF800000, v2;
	vm7 =	vlt.f32 v10, $2.500000000e-01  }
0x1da: {  	v6 =	vld [tilespmem:s6+$0x0];
	v2 =	vmax.f32 v3, v2;
	v3 =	vnsel vm7, $0xBF800000, v8  }
0x1db: {  	v9 =	vld [tilespmem:s7+$0xFFFFFFD0];
	v2 =	vmax.f32 v2, v3  }
0x1dc: {  	v10 =	vld [tilespmem:s7+$0xFFFFFFE0];
	(xrf0) =	vmax.scan.msk.f32 $0xffff, v2  }
0x1dd: {  	v2 =	vld [tilespmem:s7+$0xFFFFFFC0]  }
0x1de: {  	v3 =	vld [tilespmem:s6+$0xFFFFFFC0]  }
0x1df: {  	v8 =	vld [tilespmem:s6+$0xFFFFFFD0]  }
0x1e0: {  	v4 =	vld [tilespmem:s6+$0xFFFFFFE0]  }
0x1e1: {  	v5 =	vld [tilespmem:s6+$0xFFFFFFF0]  }
0x1e2: {  	v14 =	vld [tilespmem:s7+$0x10];
	vm7 =	vlt.f32 v2, $2.500000000e-01;
	v2, _, _ =	vpop (xrf0)  }
0x1e3: {  	vm8 =	vlt.f32 v9, $2.500000000e-01;
	v9 =	vld [tilespmem:s7+$0x20];
	v3 =	vmax.f32 v3, $-1.000000000e+00;
	(v2sf) =	vpush v2, $0xF  }
0x1e4: {  	v2 =	vnsel vm7, $0xBF800000, v3;
	v3 =	vnsel vm8, $0xBF800000, v8;
	vm7 =	vlt.f32 v10, $2.500000000e-01;
	v8 =	vld [tilespmem:s7+$0x30]  }
0x1e5: {  	v10 =	vld [tilespmem:s6+$0x30];
	s6 =	sadd.s32 $0x400, s6;
	v3 =	vmax.f32 v2, v3;
	v4 =	vnsel vm7, $0xBF800000, v4;
	vm7 =	vlt.f32 v12, $2.500000000e-01  }
0x1e6: {  	v2 =	vld [tilespmem:s6+$0x20];
	v3 =	vmax.f32 v3, v4;
	v5 =	vnsel vm7, $0xBF800000, v5;
	vm7 =	vlt.f32 v13, $2.500000000e-01  }
0x1e7: {  	v12 =	vld [tilespmem:s6+$0xFFFFFFE0];
	v5 =	vmax.f32 v3, v5;
	v6 =	vnsel vm7, $0xBF800000, v6;
	vm7 =	vlt.f32 v14, $2.500000000e-01  }
0x1e8: {  	s28 =	sadd.s32 $0x400, s7;
	v4 =	vld [tilespmem:s6+$0x10];
	v6 =	vmax.f32 v5, v6;
	v7 =	vnsel vm7, $0xBF800000, v7;
	vm7 =	vlt.f32 v9, $2.500000000e-01  }
0x1e9: {  	v13 =	vld [tilespmem:s28+$0xFFFFFFF0];
	v6 =	vmax.f32 v6, v7;
	v7 =	vnsel vm7, $0xBF800000, v11;
	vm7 =	vlt.f32 v8, $2.500000000e-01  }
0x1ea: {  	v3 =	vld [tilespmem:s6+$0x0];
	v6 =	vmax.f32 v6, v7;
	v7 =	vnsel vm7, $0xBF800000, v10  }
0x1eb: {  	v9 =	vld [tilespmem:s6+$0xFFFFFFD0];
	v6 =	vmax.f32 v6, v7  }
0x1ec: {  	v8 =	vld [tilespmem:s6+$0xFFFFFFC0];
	(xrf0) =	vmax.scan.msk.f32 $0xffff, v6  }
0x1ed: {  	v6 =	vld [tilespmem:s28+$0xFFFFFFC0]  }
0x1ee: {  	v10 =	vld [tilespmem:s28+$0xFFFFFFD0]  }
0x1ef: {  	v11 =	vld [tilespmem:s28+$0xFFFFFFE0]  }
0x1f0: {  	s8 =	sld [smem:s11+$0x100];
	v5 =	vld [tilespmem:s6+$0xFFFFFFF0]  }
0x1f1: {  	v7 =	vld [tilespmem:s28+$0x0]  }
0x1f2: {  	vm7 =	vlt.f32 v6, $2.500000000e-01;
	v6 =	vld [tilespmem:s28+$0x10];
	v14, _, _ =	vpop (xrf0);
	s31 =	spop (v2sf)  }
0x1f3: {  	s12 =	sshll.u32 s11, $0x7;
	v15 =	vmax.f32 v8, $-1.000000000e+00;
	v8 =	vld [tilespmem:s28+$0x20];
	vm8 =	vlt.f32 v10, $2.500000000e-01;
	(v2sf) =	vpush v14, $0xF;
	p2 =	sgt.f32 s31, s8  }
0x1f4: {  	s14 =	simm.s32 $0x1;
	s13 =	simm.s32 $0x2;
	s30 =	simm.s32 $0x3;
	v10 =	vnsel vm7, $0xBF800000, v15;
	vm7 =	vlt.f32 v11, $2.500000000e-01;
	v14 =	vnsel vm8, $0xBF800000, v9;
	v9 =	vld [tilespmem:s28+$0x30]  }
0x1f5: {  	s9 =	simm.s32 $0x0;
	v12 =	vnsel vm7, $0xBF800000, v12;
	vm7 =	vlt.f32 v13, $2.500000000e-01;
	v11 =	vmax.f32 v10, v14;
	v10 =	vld [tilespmem:s6+$0x30];
	s6 =	sadd.s32 $0x400, s6;
	s7 =	sld @p2 [smem:$0x80]  }
.LBB2_14:
0x1f6: {  	v13 =	vld [tilespmem:s6+$0x20];
	v11 =	vmax.f32 v11, v12;
	v5 =	vnsel vm7, $0xBF800000, v5;
	vm7 =	vlt.f32 v7, $2.500000000e-01  }
0x1f7: {  	v7 =	vld [tilespmem:s6+$0x10];
	v5 =	vmax.f32 v11, v5;
	v11 =	vnsel vm7, $0xBF800000, v3;
	vm7 =	vlt.f32 v6, $2.500000000e-01  }
0x1f8: {  	v3 =	vld [tilespmem:s6+$0x0];
	v6 =	vmax.f32 v5, v11;
	v4 =	vnsel vm7, $0xBF800000, v4;
	vm7 =	vlt.f32 v8, $2.500000000e-01;
	[smem:s7] =	sst @p2 s9;
	s7 =	sadd.s32 @p2 $0x1, s7;
	s9 =	smov.u32 s14  }
0x1f9: {  	s14 =	smov.u32 s13;
	s13 =	smov.u32 s30;
	v5 =	vld [tilespmem:s6+$0xFFFFFFF0];
	v4 =	vmax.f32 v6, v4;
	v8 =	vnsel vm7, $0xBF800000, v2;
	vm7 =	vlt.f32 v9, $2.500000000e-01;
	[smem:$0x80] =	sst @p2 s7  }
0x1fa: {  	v12 =	vld [tilespmem:s6+$0xFFFFFFE0];
	v6 =	vmax.f32 v4, v8;
	v10 =	vnsel vm7, $0xBF800000, v10  }
0x1fb: {  	v9 =	vld [tilespmem:s6+$0xFFFFFFD0];
	v6 =	vmax.f32 v6, v10;
	v2 =	vmov v13  }
0x1fc: {  	s28 =	sadd.s32 $0x400, s28;
	v8 =	vld [tilespmem:s6+$0xFFFFFFC0];
	(xrf0) =	vmax.scan.msk.f32 $0xffff, v6;
	v4 =	vmov v7  }
0x1fd: {  	v6 =	vld [tilespmem:s28+$0xFFFFFFC0]  }
0x1fe: {  	s30 =	sadd.s32 $0x1, s30;
	v10 =	vld [tilespmem:s28+$0xFFFFFFD0]  }
0x1ff: {  	p3 =	sne.s32 s30, $0xD;
	v11 =	vld [tilespmem:s28+$0xFFFFFFE0]  }
0x200: {  	v13 =	vld [tilespmem:s28+$0xFFFFFFF0]  }
.Ltmp15:
0x201: {  	v7 =	vld [tilespmem:s28+$0x0];
	(pc) =	sbr.rel @p3 .LBB2_14-.Ltmp15, $4  }
0x202: {  	vm7 =	vlt.f32 v6, $2.500000000e-01;
	v6 =	vld [tilespmem:s28+$0x10];
	v14, _, _ =	vpop (xrf0);
	s7 =	spop (v2sf)  }
0x203: {  	v15 =	vmax.f32 v8, $-1.000000000e+00;
	vm8 =	vlt.f32 v10, $2.500000000e-01;
	v8 =	vld [tilespmem:s28+$0x20];
	(v2sf) =	vpush v14, $0xF;
	p2 =	sgt.f32 s7, s8  }
0x204: {  	v10 =	vnsel vm7, $0xBF800000, v15;
	v14 =	vnsel vm8, $0xBF800000, v9;
	vm7 =	vlt.f32 v11, $2.500000000e-01;
	v9 =	vld [tilespmem:s28+$0x30]  }
0x205: {  	v11 =	vmax.f32 v10, v14;
	v12 =	vnsel vm7, $0xBF800000, v12;
	vm7 =	vlt.f32 v13, $2.500000000e-01;
	v10 =	vld [tilespmem:s6+$0x30];
	s6 =	sadd.s32 $0x400, s6;
	s7 =	sld @p2 [smem:$0x80]  }
0x206: {  	v11 =	vmax.f32 v11, v12;
	v5 =	vnsel vm7, $0xBF800000, v5;
	vm7 =	vlt.f32 v7, $2.500000000e-01  }
0x207: {  	v5 =	vmax.f32 v11, v5;
	v3 =	vnsel vm7, $0xBF800000, v3;
	vm7 =	vlt.f32 v6, $2.500000000e-01  }
0x208: {  	v3 =	vmax.f32 v5, v3;
	v4 =	vnsel vm7, $0xBF800000, v4;
	vm7 =	vlt.f32 v8, $2.500000000e-01  }
0x209: {  	v3 =	vmax.f32 v3, v4;
	v2 =	vnsel vm7, $0xBF800000, v2;
	vm7 =	vlt.f32 v9, $2.500000000e-01  }
0x20a: {  	v2 =	vmax.f32 v3, v2;
	v3 =	vnsel vm7, $0xBF800000, v10  }
0x20b: {  	v2 =	vmax.f32 v2, v3  }
0x20c: {  	(xrf0) =	vmax.scan.msk.f32 $0xffff, v2;
	_ =	sdelay $0x5  }
0x20d: {  	v2, _, _ =	vpop (xrf0)  }
0x20e: {  	(v2sf) =	vpush v2, $0xF;
	_ =	sdelay $0x9  }
0x20f: {  	s6 =	spop (v2sf)  }
0x210: {  	[smem:s7] =	sst @p2 s9;
	s7 =	sadd.s32 @p2 $0x1, s7;
	p3 =	sgt.f32 s6, s8  }
0x211: {  	[smem:$0x80] =	sst @p2 s7  }
0x212: {  	s6 =	sld @p3 [smem:$0x80];
	_ =	sdelay $0x1  }
0x213: {  	s30 =	spop (v2sf)  }
0x214: {  	[smem:s6] =	sst @p3 s14;
	s6 =	sadd.s32 @p3 $0x1, s6;
	p2 =	sgt.f32 s30, s8  }
0x215: {  	[smem:$0x80] =	sst @p3 s6  }
0x216: {  	s6 =	sld @p2 [smem:$0x80];
	_ =	sdelay $0x2  }
0x217: {  	[smem:s6] =	sst @p2 s13;
	s6 =	sadd.s32 @p2 $0x1, s6  }
0x218: {  	[smem:$0x80] =	sst @p2 s6  }
0x219: {  	s7 =	sld [smem:$0x80];
	_ =	sdelay $0x1  }
0x21a: {  	s31 =	sshll.u32 s11, $0x9  }
0x21b: {  	s13 =	sshrl.u32 s31, $0x2;
	p2 =	slt.s32 s7, $0x1  }
.Ltmp16:
0x21c: {  	v2 =	vld [tilespmem:s13+$0xE000];
	(pc) =	sbr.rel @p2 .LBB2_21-.Ltmp16, $2  }
0x21d: {  	_ =	sdelay $0x2  }
0x21e: {  	s8 =	simm.s32 $0x0  }
0x21f: {  	p3 =	sne.s32 s7, $0x1  }
.Ltmp17:
0x220: {  	_ = 	snop;
	(pc) =	sbr.rel @!p3 .LBB2_17-.Ltmp17, $3  }
0x221: {  	_ = 	snop  }
0x222: {  	s6 =	sld [smem:s8+$0x0];
	_ =	sdelay $0x1  }
0x223: {  	s9 =	sadd.s32 $0xFFFFFFFF, s7;
	p2 =	por $0x0, $0x0  }
0x224: {  	s6 =	sshll.u32 s6, $0xA  }
0x225: {  	s6 =	sadd.s32 s12, s6  }
0x226: {  	v3 =	vld [tilespmem:s6+$0x9C00]  }
0x227: {  	v4 =	vld [tilespmem:s6+$0x6800];
	_ =	sdelay $0x3  }
0x228: {  	vm7 =	vlt.f32 v3, $2.500000000e-01  }
0x229: {  	v3 =	vnsel vm7, $0xBF800000, v4  }
0x22a: {  	(xrf1) =	vsort.ascd.msk.f32 $0xffff, v3, v3;
	_ =	sdelay $0x8  }
0x22b: {  	v3 =	vld [tilespmem:s6+$0x9C10]  }
0x22c: {  	v51 =	vld [tilespmem:s6+$0x6810];
	_ =	sdelay $0x3  }
0x22d: {  	vm7 =	vlt.f32 v3, $2.500000000e-01;
	v3, _, _ =	vpop (xrf1)  }
0x22e: {  	v4 =	vnsel vm7, $0xBF800000, v51;
	v3 =	vperm.xlane v3, v1  }
0x22f: {  	(xrf1) =	vsort.ascd.msk.f32 $0xffff, v4, v4  }
0x230: {  	v3 =	vmax.f32 v2, v3  }
0x231: {  	(xrf1) =	vsort.ascd.msk.f32 $0xffff, v3, v3;
	_ =	sdelay $0x6  }
0x232: {  	v3 =	vld [tilespmem:s6+$0x9C20]  }
0x233: {  	v52 =	vld [tilespmem:s6+$0x6820];
	_ =	sdelay $0x3  }
0x234: {  	vm7 =	vlt.f32 v3, $2.500000000e-01;
	v3, _, _ =	vpop (xrf1)  }
0x235: {  	v4 =	vnsel vm7, $0xBF800000, v52;
	v3 =	vperm.xlane v3, v1  }
0x236: {  	(xrf1) =	vsort.ascd.msk.f32 $0xffff, v4, v4;
	v5, _, _ =	vpop (xrf1)  }
0x237: {  	v3 =	vmax.f32 v5, v3  }
0x238: {  	(xrf1) =	vsort.ascd.msk.f32 $0xffff, v3, v3;
	_ =	sdelay $0x6  }
0x239: {  	v3 =	vld [tilespmem:s6+$0x9C30]  }
0x23a: {  	v53 =	vld [tilespmem:s6+$0x6830];
	_ =	sdelay $0x3  }
0x23b: {  	vm7 =	vlt.f32 v3, $2.500000000e-01;
	v3, _, _ =	vpop (xrf1)  }
0x23c: {  	v4 =	vnsel vm7, $0xBF800000, v53;
	v3 =	vperm.xlane v3, v1  }
0x23d: {  	(xrf1) =	vsort.ascd.msk.f32 $0xffff, v4, v4;
	v54, _, _ =	vpop (xrf1)  }
0x23e: {  	v3 =	vmax.f32 v54, v3  }
0x23f: {  	(xrf1) =	vsort.ascd.msk.f32 $0xffff, v3, v3;
	_ =	sdelay $0x6  }
0x240: {  	v3 =	vld [tilespmem:s6+$0x9C40]  }
0x241: {  	v55 =	vld [tilespmem:s6+$0x6840];
	_ =	sdelay $0x3  }
0x242: {  	vm7 =	vlt.f32 v3, $2.500000000e-01;
	v3, _, _ =	vpop (xrf1)  }
0x243: {  	v4 =	vnsel vm7, $0xBF800000, v55;
	v3 =	vperm.xlane v3, v1  }
0x244: {  	(xrf1) =	vsort.ascd.msk.f32 $0xffff, v4, v4;
	v56, _, _ =	vpop (xrf1)  }
0x245: {  	v3 =	vmax.f32 v56, v3  }
0x246: {  	(xrf1) =	vsort.ascd.msk.f32 $0xffff, v3, v3;
	_ =	sdelay $0x6  }
0x247: {  	v3 =	vld [tilespmem:s6+$0x9C50]  }
0x248: {  	v57 =	vld [tilespmem:s6+$0x6850];
	_ =	sdelay $0x3  }
0x249: {  	vm7 =	vlt.f32 v3, $2.500000000e-01;
	v3, _, _ =	vpop (xrf1)  }
0x24a: {  	v3 =	vperm.xlane v3, v1;
	v4 =	vnsel vm7, $0xBF800000, v57  }
0x24b: {  	(xrf1) =	vsort.ascd.msk.f32 $0xffff, v4, v4;
	v58, _, _ =	vpop (xrf1)  }
0x24c: {  	v3 =	vmax.f32 v58, v3  }
0x24d: {  	(xrf1) =	vsort.ascd.msk.f32 $0xffff, v3, v3;
	_ =	sdelay $0x6  }
0x24e: {  	v3 =	vld [tilespmem:s6+$0x9C60]  }
0x24f: {  	v59 =	vld [tilespmem:s6+$0x6860];
	_ =	sdelay $0x3  }
0x250: {  	vm7 =	vlt.f32 v3, $2.500000000e-01;
	v3, _, _ =	vpop (xrf1)  }
0x251: {  	v3 =	vperm.xlane v3, v1;
	v4 =	vnsel vm7, $0xBF800000, v59  }
0x252: {  	(xrf1) =	vsort.ascd.msk.f32 $0xffff, v4, v4;
	v60, _, _ =	vpop (xrf1)  }
0x253: {  	v3 =	vmax.f32 v60, v3  }
0x254: {  	(xrf1) =	vsort.ascd.msk.f32 $0xffff, v3, v3;
	_ =	sdelay $0x6  }
0x255: {  	v3 =	vld [tilespmem:s6+$0x9C70]  }
0x256: {  	v61 =	vld [tilespmem:s6+$0x6870];
	_ =	sdelay $0x3  }
0x257: {  	v62, _, _ =	vpop (xrf1);
	vm7 =	vlt.f32 v3, $2.500000000e-01  }
0x258: {  	v3 =	vperm.xlane v62, v1;
	v4 =	vnsel vm7, $0xBF800000, v61  }
0x259: {  	v63, _, _ =	vpop (xrf1);
	(xrf1) =	vsort.ascd.msk.f32 $0xffff, v4, v4  }
0x25a: {  	v3 =	vmax.f32 v63, v3  }
0x25b: {  	p3 =	sne.s32 s9, $0x1;
	(xrf1) =	vsort.ascd.msk.f32 $0xffff, v3, v3  }
.Ltmp18:
0x25c: {  	_ = 	snop;
	(pc) =	sbr.rel @!p3 .LBB2_20-.Ltmp18, $3  }
0x25d: {  	s14 =	sadd.s32 $0x1, s8  }
0x25e: {  	s6 =	sld [smem:s14+$0x0];
	_ =	sdelay $0x1  }
0x25f: {  	s28 =	sadd.s32 $0xFFFFFFFF, s9;
	p2 =	por $0x1, $0x1  }
.LBB2_19:
0x260: {  	p3 =	sne.s32 s28, $0x1;
	_ =	sdelay $0x1  }
0x261: {  	s6 =	sshll.u32 s6, $0xA  }
0x262: {  	s8 =	sadd.s32 s12, s6  }
0x263: {  	v3 =	vld [tilespmem:s8+$0x9C00]  }
0x264: {  	v4 =	vld [tilespmem:s8+$0x6800];
	_ =	sdelay $0x3  }
0x265: {  	vm7 =	vlt.f32 v3, $2.500000000e-01;
	v3, _, _ =	vpop (xrf1)  }
0x266: {  	v5 =	vnsel vm7, $0xBF800000, v4;
	v3 =	vperm.xlane v3, v1  }
0x267: {  	(xrf1) =	vsort.ascd.msk.f32 $0xffff, v5, v5;
	v4, _, _ =	vpop (xrf1)  }
0x268: {  	v3 =	vmax.f32 v4, v3  }
0x269: {  	(xrf1) =	vsort.ascd.msk.f32 $0xffff, v3, v3;
	_ =	sdelay $0x6  }
0x26a: {  	v3 =	vld [tilespmem:s8+$0x9C10]  }
0x26b: {  	v4 =	vld [tilespmem:s8+$0x6810];
	_ =	sdelay $0x3  }
0x26c: {  	vm7 =	vlt.f32 v3, $2.500000000e-01;
	v3, _, _ =	vpop (xrf1)  }
0x26d: {  	v3 =	vperm.xlane v3, v1;
	v5 =	vnsel vm7, $0xBF800000, v4  }
0x26e: {  	(xrf1) =	vsort.ascd.msk.f32 $0xffff, v5, v5;
	v4, _, _ =	vpop (xrf1)  }
0x26f: {  	v3 =	vmax.f32 v4, v3  }
0x270: {  	(xrf1) =	vsort.ascd.msk.f32 $0xffff, v3, v3;
	_ =	sdelay $0x6  }
0x271: {  	v3 =	vld [tilespmem:s8+$0x9C20]  }
0x272: {  	v4 =	vld [tilespmem:s8+$0x6820];
	_ =	sdelay $0x3  }
0x273: {  	vm7 =	vlt.f32 v3, $2.500000000e-01;
	v3, _, _ =	vpop (xrf1)  }
0x274: {  	v3 =	vperm.xlane v3, v1;
	v4 =	vnsel vm7, $0xBF800000, v4  }
0x275: {  	v5, _, _ =	vpop (xrf1);
	(xrf1) =	vsort.ascd.msk.f32 $0xffff, v4, v4  }
0x276: {  	v3 =	vmax.f32 v5, v3  }
0x277: {  	(xrf1) =	vsort.ascd.msk.f32 $0xffff, v3, v3;
	_ =	sdelay $0x6  }
0x278: {  	v3 =	vld [tilespmem:s8+$0x9C30]  }
0x279: {  	v4 =	vld [tilespmem:s8+$0x6830];
	_ =	sdelay $0x3  }
0x27a: {  	vm7 =	vlt.f32 v3, $2.500000000e-01;
	v3, _, _ =	vpop (xrf1)  }
0x27b: {  	v3 =	vperm.xlane v3, v1;
	v4 =	vnsel vm7, $0xBF800000, v4  }
0x27c: {  	v5, _, _ =	vpop (xrf1);
	(xrf1) =	vsort.ascd.msk.f32 $0xffff, v4, v4  }
0x27d: {  	v3 =	vmax.f32 v5, v3  }
0x27e: {  	(xrf1) =	vsort.ascd.msk.f32 $0xffff, v3, v3;
	_ =	sdelay $0x6  }
0x27f: {  	v3 =	vld [tilespmem:s8+$0x9C40]  }
0x280: {  	v4 =	vld [tilespmem:s8+$0x6840];
	_ =	sdelay $0x3  }
0x281: {  	vm7 =	vlt.f32 v3, $2.500000000e-01;
	v3, _, _ =	vpop (xrf1)  }
0x282: {  	v3 =	vperm.xlane v3, v1;
	v4 =	vnsel vm7, $0xBF800000, v4  }
0x283: {  	v5, _, _ =	vpop (xrf1);
	(xrf1) =	vsort.ascd.msk.f32 $0xffff, v4, v4  }
0x284: {  	v3 =	vmax.f32 v5, v3  }
0x285: {  	(xrf1) =	vsort.ascd.msk.f32 $0xffff, v3, v3;
	_ =	sdelay $0x6  }
0x286: {  	v3 =	vld [tilespmem:s8+$0x9C50]  }
0x287: {  	v4 =	vld [tilespmem:s8+$0x6850];
	_ =	sdelay $0x3  }
0x288: {  	vm7 =	vlt.f32 v3, $2.500000000e-01;
	v3, _, _ =	vpop (xrf1)  }
0x289: {  	v3 =	vperm.xlane v3, v1;
	v4 =	vnsel vm7, $0xBF800000, v4  }
0x28a: {  	v5, _, _ =	vpop (xrf1);
	(xrf1) =	vsort.ascd.msk.f32 $0xffff, v4, v4  }
0x28b: {  	v3 =	vmax.f32 v5, v3  }
0x28c: {  	(xrf1) =	vsort.ascd.msk.f32 $0xffff, v3, v3;
	_ =	sdelay $0x6  }
0x28d: {  	v3 =	vld [tilespmem:s8+$0x9C60]  }
0x28e: {  	v4 =	vld [tilespmem:s8+$0x6860];
	_ =	sdelay $0x3  }
0x28f: {  	vm7 =	vlt.f32 v3, $2.500000000e-01;
	v3, _, _ =	vpop (xrf1)  }
0x290: {  	v3 =	vperm.xlane v3, v1;
	v4 =	vnsel vm7, $0xBF800000, v4  }
0x291: {  	v5, _, _ =	vpop (xrf1);
	(xrf1) =	vsort.ascd.msk.f32 $0xffff, v4, v4  }
0x292: {  	v3 =	vmax.f32 v5, v3  }
0x293: {  	(xrf1) =	vsort.ascd.msk.f32 $0xffff, v3, v3;
	_ =	sdelay $0x6  }
0x294: {  	v3 =	vld [tilespmem:s8+$0x9C70]  }
0x295: {  	v4 =	vld [tilespmem:s8+$0x6870];
	_ =	sdelay $0x3  }
0x296: {  	vm7 =	vlt.f32 v3, $2.500000000e-01;
	v3, _, _ =	vpop (xrf1)  }
0x297: {  	v3 =	vperm.xlane v3, v1;
	v4 =	vnsel vm7, $0xBF800000, v4  }
.Ltmp19:
0x298: {  	v5, _, _ =	vpop (xrf1);
	(xrf1) =	vsort.ascd.msk.f32 $0xffff, v4, v4;
	(pc) =	sbr.rel @p3 .LBB2_19-.Ltmp19, $4  }
0x299: {  	v3 =	vmax.f32 v5, v3  }
0x29a: {  	(xrf1) =	vsort.ascd.msk.f32 $0xffff, v3, v3  }
0x29b: {  	s14 =	sadd.s32 $0x1, s14  }
0x29c: {  	s28 =	sadd.s32 $0xFFFFFFFF, s28;
	s6 =	sld [smem:s14+$0x0]  }
.Ltmp20:
0x29d: {  	_ = 	snop;
	(pc) =	sbr.rel .LBB2_20-.Ltmp20, $1  }
0x29e: {  	_ =	sdelay $0x3  }
.LBB2_23:
0x29f: {  	_ =	swait.ge [sflag:s22], $0x3400  }
.Ltmp21:
0x2a0: {  	[sflag:s22] =	ssyncset.done $0x0;
	(pc) =	sbr.rel .LBB2_24-.Ltmp21, $4  }
0x2a1: {  	[sflag:s22] =	ssyncadd.s32 $0xFFFFCC00  }
0x2a2: {  	_ =	swait.ge [sflag:s22], $0x3400  }
0x2a3: {  	s0 =	simm.s32 $0x0;
	[sflag:s22] =	ssyncset.done $0x0  }
0x2a4: {  	s24 =	simm.s32 $0x3440;
	s11 =	simm.s32 $0x40;
	[sflag:s22] =	ssyncadd.s32 $0xFFFFCC00  }
.LBB2_38:
0x2a5: {  	s0 =	rddreg [dreg:$0x9];
	s6 =	simm.s32 $0xE800  }
0x2a6: {  	[tilespmem:s6], [sflag:$0x4] =	stream.linear.gather [spmem:s0], $0x400, $0x38;
	[tilespmem:$0xED00] =	vst v63  }
0x2a7: {  	_ =	swait.ge [sflag:s29], $0x400  }
0x2a8: {  	[sflag:s29] =	ssyncset.done $0x0  }
0x2a9: {  	[sflag:s29] =	ssyncadd.s32 $0xFFFFFC00  }
0x2aa: {  	v2 =	vld [tilespmem:$0xE400]  }
0x2ab: {  	v3 =	vld [tilespmem:$0xE800]  }
0x2ac: {  	v4 =	vld [tilespmem:$0xE480]  }
0x2ad: {  	v5 =	vld [tilespmem:$0xE880]  }
0x2ae: {  	v6 =	vld [tilespmem:$0xE500]  }
0x2af: {  	v7 =	vld [tilespmem:$0xE900]  }
0x2b0: {  	v8 =	vld [tilespmem:$0xE580]  }
0x2b1: {  	v9 =	vld [tilespmem:$0xE980]  }
0x2b2: {  	v10 =	vld [tilespmem:$0xE600]  }
0x2b3: {  	v11 =	vld [tilespmem:$0xEA00]  }
0x2b4: {  	v12 =	vld [tilespmem:$0xE680]  }
0x2b5: {  	v13 =	vld [tilespmem:$0xEA80];
	v3 =	vperm.xlane v3, v1  }
0x2b6: {  	v14 =	vld [tilespmem:$0xEB00];
	v5 =	vperm.xlane v5, v1  }
0x2b7: {  	v43 =	vld [tilespmem:$0xEB80];
	v2 =	vmax.f32 v2, v3;
	v3 =	vperm.xlane v7, v1  }
0x2b8: {  	v45 =	vld [tilespmem:$0xE700];
	v44 =	vperm.xlane v9, v1;
	(xrf1) =	vsort.ascd.msk.f32 $0xffff, v2, v2;
	v2 =	vmax.f32 v4, v5  }
0x2b9: {  	v46 =	vld [tilespmem:$0xE780];
	(xrf1) =	vsort.ascd.msk.f32 $0xffff, v2, v2;
	v2 =	vmax.f32 v6, v3;
	v3 =	vperm.xlane v11, v1  }
0x2ba: {  	v47 =	vperm.xlane v13, v1;
	(xrf1) =	vsort.ascd.msk.f32 $0xffff, v2, v2;
	v2 =	vmax.f32 v8, v44  }
0x2bb: {  	(xrf1) =	vsort.ascd.msk.f32 $0xffff, v2, v2;
	v2 =	vmax.f32 v10, v3;
	v3 =	vperm.xlane v14, v1  }
0x2bc: {  	v48 =	vperm.xlane v43, v1;
	(xrf1) =	vsort.ascd.msk.f32 $0xffff, v2, v2;
	v2 =	vmax.f32 v12, v47  }
0x2bd: {  	(xrf1) =	vsort.ascd.msk.f32 $0xffff, v2, v2;
	v2 =	vmax.f32 v45, v3  }
0x2be: {  	(xrf1) =	vsort.ascd.msk.f32 $0xffff, v2, v2;
	v2 =	vmax.f32 v46, v48  }
0x2bf: {  	(xrf1) =	vsort.ascd.msk.f32 $0xffff, v2, v2;
	_ =	sdelay $0x6  }
0x2c0: {  	v2, _, _ =	vpop (xrf1)  }
0x2c1: {  	[tilespmem:$0xE400] =	vst v2;
	v2, _, _ =	vpop (xrf1)  }
0x2c2: {  	[tilespmem:$0xE480] =	vst v2;
	v2, _, _ =	vpop (xrf1)  }
0x2c3: {  	[tilespmem:$0xE500] =	vst v2;
	v2, _, _ =	vpop (xrf1)  }
0x2c4: {  	[tilespmem:$0xE580] =	vst v2;
	v2, _, _ =	vpop (xrf1)  }
0x2c5: {  	[tilespmem:$0xE600] =	vst v2;
	v2, _, _ =	vpop (xrf1)  }
0x2c6: {  	[tilespmem:$0xE680] =	vst v2;
	v2, _, _ =	vpop (xrf1)  }
0x2c7: {  	[tilespmem:$0xE700] =	vst v2;
	v2, _, _ =	vpop (xrf1)  }
0x2c8: {  	s25 =	rddreg [dreg:$0xa];
	[tilespmem:$0xE780] =	vst v2  }
0x2c9: {  	[tilespmem:s6], [sflag:$0x4] =	stream.linear.gather [spmem:s25], $0x400, $0x38;
	[tilespmem:$0xED00] =	vst v63  }
0x2ca: {  	_ =	swait.ge [sflag:s29], $0x400  }
0x2cb: {  	[sflag:s29] =	ssyncset.done $0x0  }
0x2cc: {  	[sflag:s29] =	ssyncadd.s32 $0xFFFFFC00  }
0x2cd: {  	v2 =	vld [tilespmem:$0xE400]  }
0x2ce: {  	v3 =	vld [tilespmem:$0xE800]  }
0x2cf: {  	v49 =	vld [tilespmem:$0xE480]  }
0x2d0: {  	v50 =	vld [tilespmem:$0xE880]  }
0x2d1: {  	v51 =	vld [tilespmem:$0xE500]  }
0x2d2: {  	v52 =	vld [tilespmem:$0xE900]  }
0x2d3: {  	v53 =	vld [tilespmem:$0xE580]  }
0x2d4: {  	v54 =	vld [tilespmem:$0xE980]  }
0x2d5: {  	v55 =	vld [tilespmem:$0xE600]  }
0x2d6: {  	v56 =	vld [tilespmem:$0xEA00]  }
0x2d7: {  	v57 =	vld [tilespmem:$0xE680]  }
0x2d8: {  	v58 =	vld [tilespmem:$0xEA80];
	v3 =	vperm.xlane v3, v1  }
0x2d9: {  	v59 =	vld [tilespmem:$0xEB00];
	v5 =	vperm.xlane v50, v1  }
0x2da: {  	v60 =	vld [tilespmem:$0xEB80];
	v2 =	vmax.f32 v2, v3;
	v3 =	vperm.xlane v52, v1  }
0x2db: {  	v62 =	vld [tilespmem:$0xE700];
	v61 =	vperm.xlane v54, v1;
	(xrf1) =	vsort.ascd.msk.f32 $0xffff, v2, v2;
	v2 =	vmax.f32 v49, v5  }
0x2dc: {  	v63 =	vld [tilespmem:$0xE780];
	(xrf1) =	vsort.ascd.msk.f32 $0xffff, v2, v2;
	v2 =	vmax.f32 v51, v3;
	v3 =	vperm.xlane v56, v1  }
0x2dd: {  	v9 =	vperm.xlane v58, v1;
	(xrf1) =	vsort.ascd.msk.f32 $0xffff, v2, v2;
	v2 =	vmax.f32 v53, v61  }
0x2de: {  	(xrf1) =	vsort.ascd.msk.f32 $0xffff, v2, v2;
	v2 =	vmax.f32 v55, v3;
	v3 =	vperm.xlane v59, v1  }
0x2df: {  	v10 =	vperm.xlane v60, v1;
	(xrf1) =	vsort.ascd.msk.f32 $0xffff, v2, v2;
	v2 =	vmax.f32 v57, v9  }
0x2e0: {  	(xrf1) =	vsort.ascd.msk.f32 $0xffff, v2, v2;
	v2 =	vmax.f32 v62, v3  }
0x2e1: {  	(xrf1) =	vsort.ascd.msk.f32 $0xffff, v2, v2;
	v2 =	vmax.f32 v63, v10  }
0x2e2: {  	(xrf1) =	vsort.ascd.msk.f32 $0xffff, v2, v2;
	_ =	sdelay $0x6  }
0x2e3: {  	v2, _, _ =	vpop (xrf1)  }
0x2e4: {  	v3, _, _ =	vpop (xrf1);
	[tilespmem:$0xE400] =	vst v2  }
0x2e5: {  	[tilespmem:$0xE480] =	vst v3;
	v2, _, _ =	vpop (xrf1)  }
0x2e6: {  	[tilespmem:$0xE500] =	vst v2;
	v2, _, _ =	vpop (xrf1)  }
0x2e7: {  	[tilespmem:$0xE580] =	vst v2;
	v2, _, _ =	vpop (xrf1)  }
0x2e8: {  	[tilespmem:$0xE600] =	vst v2;
	v2, _, _ =	vpop (xrf1)  }
0x2e9: {  	[tilespmem:$0xE680] =	vst v2;
	v2, _, _ =	vpop (xrf1)  }
0x2ea: {  	[tilespmem:$0xE700] =	vst v2;
	v2, _, _ =	vpop (xrf1)  }
0x2eb: {  	s28 =	rddreg [dreg:$0xb];
	[tilespmem:$0xE780] =	vst v2  }
0x2ec: {  	[tilespmem:s6], [sflag:$0x4] =	stream.linear.gather [spmem:s28], $0x400, $0x38;
	[tilespmem:$0xED00] =	vst v63  }
0x2ed: {  	_ =	swait.ge [sflag:s29], $0x400  }
0x2ee: {  	[sflag:s29] =	ssyncset.done $0x0  }
0x2ef: {  	[sflag:s29] =	ssyncadd.s32 $0xFFFFFC00  }
0x2f0: {  	v2 =	vld [tilespmem:$0xE800]  }
0x2f1: {  	v3 =	vld [tilespmem:$0xE880]  }
0x2f2: {  	v11 =	vld [tilespmem:$0xE400]  }
0x2f3: {  	v12 =	vld [tilespmem:$0xE480];
	_ =	sdelay $0x1  }
0x2f4: {  	v13 =	vld [tilespmem:$0xE900];
	v2 =	vperm.xlane v2, v1  }
0x2f5: {  	v14 =	vld [tilespmem:$0xE500];
	v3 =	vperm.xlane v3, v1  }
0x2f6: {  	v15 =	vld [tilespmem:$0xE600];
	v2 =	vmax.f32 v11, v2  }
0x2f7: {  	v16 =	vld [tilespmem:$0xEA00];
	(xrf1) =	vsort.ascd.msk.f32 $0xffff, v2, v2;
	v2 =	vmax.f32 v12, v3  }
0x2f8: {  	v17 =	vld [tilespmem:$0xE680];
	(xrf1) =	vsort.ascd.msk.f32 $0xffff, v2, v2  }
0x2f9: {  	v2 =	vld [tilespmem:$0xE980]  }
0x2fa: {  	v18 =	vld [tilespmem:$0xEA80]  }
0x2fb: {  	v6 =	vperm.xlane v13, v1;
	v3 =	vld [tilespmem:$0xE580]  }
0x2fc: {  	v19 =	vld [tilespmem:$0xEB00]  }
0x2fd: {  	v20 =	vld [tilespmem:$0xEB80];
	v4 =	vmax.f32 v14, v6  }
0x2fe: {  	(xrf1) =	vsort.ascd.msk.f32 $0xffff, v4, v4;
	v2 =	vperm.xlane v2, v1  }
0x2ff: {  	v21 =	vld [tilespmem:$0xE700];
	v7 =	vperm.xlane v16, v1  }
0x300: {  	v22 =	vld [tilespmem:$0xE780];
	v2 =	vmax.f32 v3, v2;
	v3 =	vperm.xlane v18, v1  }
0x301: {  	v4 =	vperm.xlane v19, v1;
	(xrf1) =	vsort.ascd.msk.f32 $0xffff, v2, v2;
	v2 =	vmax.f32 v15, v7  }
0x302: {  	(xrf1) =	vsort.ascd.msk.f32 $0xffff, v2, v2;
	v2 =	vmax.f32 v17, v3;
	v3 =	vperm.xlane v20, v1;
	_ =	sdelay $0x1  }
0x303: {  	(xrf1) =	vsort.ascd.msk.f32 $0xffff, v2, v2;
	v2 =	vmax.f32 v21, v4  }
0x304: {  	v23, _, _ =	vpop (xrf1);
	(xrf1) =	vsort.ascd.msk.f32 $0xffff, v2, v2;
	v2 =	vmax.f32 v22, v3  }
0x305: {  	v3, _, _ =	vpop (xrf1);
	(xrf1) =	vsort.ascd.msk.f32 $0xffff, v2, v2  }
0x306: {  	v2 =	vadd.f32 $-2.000000030e-01, v23  }
0x307: {  	v24 =	vadd.f32 $-2.000000030e-01, v3  }
0x308: {  	v25 =	vmax.f32 v2, $0.0e+00  }
0x309: {  	v2 =	vmul.f32 v25, v2;
	v26 =	vmax.f32 v24, $0.0e+00  }
0x30a: {  	v5 =	vmul.f32 v26, v24  }
0x30b: {  	v27, _, _ =	vpop (xrf1);
	v2 =	vmul.f32 $6.400000000e+01, v2  }
0x30c: {  	v28 =	vadd.f32 $-2.000000030e-01, v27;
	v5 =	vmul.f32 $6.400000000e+01, v5  }
0x30d: {  	v2 =	vadd.f32 $-4.100000000e+01, v2  }
0x30e: {  	v29 =	vmax.f32 v28, $0.0e+00;
	v5 =	vadd.f32 $-4.100000000e+01, v5;
	v30, _, _ =	vpop (xrf1)  }
0x30f: {  	v7 =	vmul.f32 v29, v28;
	v2 =	vmul.f32 $1.442695020e+00, v2;
	v31, _, _ =	vpop (xrf1);
	v32 =	vadd.f32 $-2.000000030e-01, v30  }
0x310: {  	v5 =	vmul.f32 $1.442695020e+00, v5;
	v34 =	vadd.f32 $-2.000000030e-01, v31  }
0x311: {  	v33, _, _ =	vpop (xrf1);
	(erf) = vpow2.f32 v2;
	v2 =	vmul.f32 $6.400000000e+01, v7;
	v36 =	vmax.f32 v32, $0.0e+00  }
0x312: {  	v37 =	vadd.f32 $-2.000000030e-01, v33;
	(erf) = vpow2.f32 v5;
	v7 =	vmul.f32 v36, v32;
	v35, _, _ =	vpop (xrf1)  }
0x313: {  	v39 =	vmax.f32 v34, $0.0e+00;
	v2 =	vadd.f32 $-4.100000000e+01, v2;
	v38, _, _ =	vpop (xrf1);
	v15 =	vadd.f32 $-2.000000030e-01, v35  }
0x314: {  	v5 =	vmul.f32 v39, v34;
	v40 =	vmax.f32 v37, $0.0e+00;
	v16 =	vadd.f32 $-2.000000030e-01, v38  }
0x315: {  	v7 =	vmul.f32 $6.400000000e+01, v7;
	v12 =	vmul.f32 v40, v37;
	v41 =	vmax.f32 v15, $0.0e+00  }
0x316: {  	v5 =	vmul.f32 $6.400000000e+01, v5;
	v13 =	vmul.f32 v41, v15;
	v42 =	vmax.f32 v16, $0.0e+00  }
0x317: {  	v7 =	vadd.f32 $-4.100000000e+01, v7;
	v12 =	vmul.f32 $6.400000000e+01, v12;
	v15 =	vmul.f32 v42, v16  }
0x318: {  	v2 =	vmul.f32 $1.442695020e+00, v2;
	v5 =	vadd.f32 $-4.100000000e+01, v5;
	v13 =	vmul.f32 $6.400000000e+01, v13  }
0x319: {  	v7 =	vmul.f32 $1.442695020e+00, v7;
	v12 =	vadd.f32 $-4.100000000e+01, v12;
	v15 =	vmul.f32 $6.400000000e+01, v15  }
0x31a: {  	(erf) = vpow2.f32 v2;
	v2 =	vmul.f32 $1.442695020e+00, v5;
	v43 =	vadd.f32 $-4.100000000e+01, v13  }
0x31b: {  	(erf) = vpow2.f32 v7;
	v44 =	vmul.f32 $1.442695020e+00, v12;
	v45 =	vadd.f32 $-4.100000000e+01, v15  }
0x31c: {  	(erf) = vpow2.f32 v2;
	v2 =	vmul.f32 $1.442695020e+00, v43  }
0x31d: {  	(erf) = vpow2.f32 v44;
	v46 =	vmul.f32 $1.442695020e+00, v45  }
0x31e: {  	(erf) = vpow2.f32 v2  }
0x31f: {  	(erf) = vpow2.f32 v46;
	_ =	sdelay $0x1  }
0x320: {  	vm7 =	vmmov $0x3f;
	v2 =	vpop (erf)  }
0x321: {  	v47 =	vpop (erf);
	v2 =	vsel vm7, $0x0, v2  }
0x322: {  	v48 =	vpop (erf);
	(xrf2) =	vadd.scan.msk.f32 $0xffff, v2;
	v2 =	vsel vm7, $0x0, v47  }
0x323: {  	v49 =	vpop (erf);
	(xrf2) =	vadd.scan.msk.f32 $0xffff, v2;
	v2 =	vsel vm7, $0x0, v48  }
0x324: {  	v50 =	vpop (erf);
	(xrf2) =	vadd.scan.msk.f32 $0xffff, v2;
	v2 =	vsel vm7, $0x0, v49  }
0x325: {  	v51 =	vpop (erf);
	(xrf2) =	vadd.scan.msk.f32 $0xffff, v2;
	v2 =	vsel vm7, $0x0, v50  }
0x326: {  	(xrf2) =	vadd.scan.msk.f32 $0xffff, v2;
	v2 =	vsel vm7, $0x0, v51;
	v52 =	vpop (erf)  }
0x327: {  	(xrf2) =	vadd.scan.msk.f32 $0xffff, v2;
	v2 =	vsel vm7, $0x0, v52;
	v53 =	vpop (erf)  }
0x328: {  	(xrf2) =	vadd.scan.msk.f32 $0xffff, v2;
	v2 =	vsel vm7, $0x0, v53  }
0x329: {  	(xrf2) =	vadd.scan.msk.f32 $0xffff, v2;
	_ =	sdelay $0x2  }
0x32a: {  	v2, _, _ =	vpop (xrf2)  }
0x32b: {  	v54, _, _ =	vpop (xrf2);
	v2 =	vbroadcast v2, $0xF  }
0x32c: {  	vm7 =	vmmov $0x1;
	v55, _, _ =	vpop (xrf2);
	v5 =	vbroadcast v54, $0xF  }
0x32d: {  	[tilespmem:$0xE400] =	vst v23;
	v56, _, _ =	vpop (xrf2);
	v2 =	vnsel vm7, $0x0, v2;
	v57 =	vbroadcast v55, $0xF  }
0x32e: {  	[tilespmem:$0xE480] =	vst v3;
	v58, _, _ =	vpop (xrf2);
	v2 =	vsel vm0, v2, v5;
	v3 =	vbroadcast v56, $0xF  }
0x32f: {  	[tilespmem:$0xE500] =	vst v27;
	v59, _, _ =	vpop (xrf2);
	v2 =	vsel vm1, v2, v57;
	v60 =	vbroadcast v58, $0xF  }
0x330: {  	[tilespmem:$0xE580] =	vst v30;
	v2 =	vsel vm2, v2, v3;
	v3 =	vbroadcast v59, $0xF;
	v61, _, _ =	vpop (xrf2)  }
0x331: {  	[tilespmem:$0xE600] =	vst v31;
	v2 =	vsel vm3, v2, v60;
	v62 =	vbroadcast v61, $0xF;
	v63, _, _ =	vpop (xrf2)  }
0x332: {  	[tilespmem:$0xE680] =	vst v33;
	v2 =	vsel vm4, v2, v3;
	v3 =	vbroadcast v63, $0xF  }
0x333: {  	[tilespmem:$0xE700] =	vst v35;
	v2 =	vsel vm5, v2, v62  }
0x334: {  	[tilespmem:$0xE780] =	vst v38;
	v2 =	vsel vm6, v2, v3  }
.Ltmp22:
0x335: {  	s31 =	simm.s32 $0xEC00;
	s30 =	rddreg [dreg:$0xc];
	[tilespmem:$0xEC00] =	vst v2;
	(pc) =	sbr.rel .LBB2_39-.Ltmp22, $4  }
0x336: {  	[hbm4b:s30+s4] =	stream.linear.scatter [tilespmem:s31], [sflag:$0x4], $0x80, $0x38;
	[tilespmem:$0xED00] =	vst v63  }
0x337: {  	_ =	swait.ge [sflag:s29], $0x80  }
0x338: {  	[sflag:s29] =	ssyncset.done $0x0  }
0x339: {  	[sflag:s29] =	ssyncadd.s32 $0xFFFFFF80  }
.LBB2_28:
0x33a: {  	_ = 	snop  }
.LBB2_31:
0x33b: {  	s6 =	sshll.u32 s6, $0xA  }
0x33c: {  	s6 =	sadd.s32 s12, s6  }
0x33d: {  	v3 =	vld [tilespmem:s6+$0x3400]  }
0x33e: {  	v4 =	vld [tilespmem:s6+$0x0];
	_ =	sdelay $0x2  }
0x33f: {  	v5, _, _ =	vpop @p2 (xrf1)  }
0x340: {  	vm7 =	vlt.f32 v3, $2.500000000e-01;
	v3 =	vperm.xlane @p2 v5, v1  }
0x341: {  	v5, _, _ =	vpop @p2 (xrf1);
	v4 =	vnsel vm7, $0xBF800000, v4  }
0x342: {  	(xrf1) =	vsort.ascd.msk.f32 $0xffff, v4, v4;
	v3 =	vmax.f32 @p2 v5, v3  }
0x343: {  	(xrf1) =	vsort.ascd.msk.f32 @p2 $0xffff, v3, v3;
	_ =	sdelay $0x7  }
0x344: {  	s7 =	sor.u32 $0x10, s6;
	v3 =	vld [tilespmem:s6+$0x3410]  }
0x345: {  	v57 =	vld [tilespmem:s7+$0x0];
	_ =	sdelay $0x3  }
0x346: {  	vm7 =	vlt.f32 v3, $2.500000000e-01;
	v3, _, _ =	vpop (xrf1)  }
0x347: {  	v4 =	vnsel vm7, $0xBF800000, v57;
	v3 =	vperm.xlane v3, v1;
	v5, _, _ =	vpop @p2 (xrf1)  }
0x348: {  	(xrf1) =	vsort.ascd.msk.f32 $0xffff, v4, v4;
	v2 =	vpsel p2, v5, v2  }
0x349: {  	v2 =	vmax.f32 v2, v3  }
0x34a: {  	(xrf1) =	vsort.ascd.msk.f32 $0xffff, v2, v2;
	_ =	sdelay $0x6  }
0x34b: {  	s12 =	sor.u32 $0x20, s6;
	v2 =	vld [tilespmem:s6+$0x3420]  }
0x34c: {  	v3 =	vld [tilespmem:s12+$0x0];
	_ =	sdelay $0x3  }
0x34d: {  	vm7 =	vlt.f32 v2, $2.500000000e-01;
	v2, _, _ =	vpop (xrf1)  }
0x34e: {  	v3 =	vnsel vm7, $0xBF800000, v3;
	v2 =	vperm.xlane v2, v1  }
0x34f: {  	(xrf1) =	vsort.ascd.msk.f32 $0xffff, v3, v3;
	v58, _, _ =	vpop (xrf1)  }
0x350: {  	v2 =	vmax.f32 v58, v2  }
0x351: {  	(xrf1) =	vsort.ascd.msk.f32 $0xffff, v2, v2;
	_ =	sdelay $0x6  }
0x352: {  	s14 =	sor.u32 $0x30, s6;
	v2 =	vld [tilespmem:s6+$0x3430]  }
0x353: {  	v3 =	vld [tilespmem:s14+$0x0];
	_ =	sdelay $0x3  }
0x354: {  	vm7 =	vlt.f32 v2, $2.500000000e-01;
	v2, _, _ =	vpop (xrf1)  }
0x355: {  	v3 =	vnsel vm7, $0xBF800000, v3;
	v2 =	vperm.xlane v2, v1  }
0x356: {  	(xrf1) =	vsort.ascd.msk.f32 $0xffff, v3, v3;
	v59, _, _ =	vpop (xrf1)  }
0x357: {  	v2 =	vmax.f32 v59, v2  }
0x358: {  	(xrf1) =	vsort.ascd.msk.f32 $0xffff, v2, v2;
	_ =	sdelay $0x6  }
0x359: {  	s25 =	sor.u32 $0x40, s6;
	v2 =	vld [tilespmem:s6+$0x3440]  }
0x35a: {  	v3 =	vld [tilespmem:s25+$0x0];
	_ =	sdelay $0x3  }
0x35b: {  	vm7 =	vlt.f32 v2, $2.500000000e-01;
	v2, _, _ =	vpop (xrf1)  }
0x35c: {  	v3 =	vnsel vm7, $0xBF800000, v3;
	v2 =	vperm.xlane v2, v1  }
0x35d: {  	(xrf1) =	vsort.ascd.msk.f32 $0xffff, v3, v3;
	v60, _, _ =	vpop (xrf1)  }
0x35e: {  	v2 =	vmax.f32 v60, v2  }
0x35f: {  	(xrf1) =	vsort.ascd.msk.f32 $0xffff, v2, v2;
	_ =	sdelay $0x6  }
0x360: {  	s28 =	sor.u32 $0x50, s6;
	v2 =	vld [tilespmem:s6+$0x3450]  }
0x361: {  	v3 =	vld [tilespmem:s28+$0x0];
	_ =	sdelay $0x3  }
0x362: {  	vm7 =	vlt.f32 v2, $2.500000000e-01;
	v2, _, _ =	vpop (xrf1)  }
0x363: {  	v2 =	vperm.xlane v2, v1;
	v3 =	vnsel vm7, $0xBF800000, v3  }
0x364: {  	(xrf1) =	vsort.ascd.msk.f32 $0xffff, v3, v3;
	v61, _, _ =	vpop (xrf1)  }
0x365: {  	v2 =	vmax.f32 v61, v2  }
0x366: {  	(xrf1) =	vsort.ascd.msk.f32 $0xffff, v2, v2;
	_ =	sdelay $0x6  }
0x367: {  	s30 =	sor.u32 $0x60, s6;
	v2 =	vld [tilespmem:s6+$0x3460]  }
0x368: {  	v3 =	vld [tilespmem:s30+$0x0];
	_ =	sdelay $0x3  }
0x369: {  	vm7 =	vlt.f32 v2, $2.500000000e-01;
	v2, _, _ =	vpop (xrf1)  }
0x36a: {  	v2 =	vperm.xlane v2, v1;
	v3 =	vnsel vm7, $0xBF800000, v3  }
0x36b: {  	(xrf1) =	vsort.ascd.msk.f32 $0xffff, v3, v3;
	v62, _, _ =	vpop (xrf1)  }
0x36c: {  	v2 =	vmax.f32 v62, v2  }
0x36d: {  	(xrf1) =	vsort.ascd.msk.f32 $0xffff, v2, v2;
	_ =	sdelay $0x6  }
0x36e: {  	s31 =	sor.u32 $0x70, s6;
	v2 =	vld [tilespmem:s6+$0x3470]  }
0x36f: {  	v3 =	vld [tilespmem:s31+$0x0];
	_ =	sdelay $0x3  }
0x370: {  	vm7 =	vlt.f32 v2, $2.500000000e-01;
	v2, _, _ =	vpop (xrf1)  }
0x371: {  	v2 =	vperm.xlane v2, v1;
	v3 =	vnsel vm7, $0xBF800000, v3  }
0x372: {  	(xrf1) =	vsort.ascd.msk.f32 $0xffff, v3, v3;
	v63, _, _ =	vpop (xrf1)  }
0x373: {  	v2 =	vmax.f32 v63, v2  }
0x374: {  	(xrf1) =	vsort.ascd.msk.f32 $0xffff, v2, v2;
	_ =	sdelay $0xb  }
0x375: {  	v2, _, _ =	vpop (xrf1)  }
0x376: {  	v2 =	vperm.xlane v2, v1  }
0x377: {  	v3, _, _ =	vpop (xrf1)  }
0x378: {  	v2 =	vmax.f32 v3, v2  }
0x379: {  	(xrf1) =	vsort.ascd.msk.f32 $0xffff, v2, v2;
	_ =	sdelay $0xd  }
0x37a: {  	v2, _, _ =	vpop (xrf1)  }
.LBB2_32:
0x37b: {  	(xrf0) =	vmin.scan.msk.f32 $0xffff, v2;
	_ =	sdelay $0x5  }
0x37c: {  	v3, _, _ =	vpop (xrf0)  }
0x37d: {  	(v2sf) =	vpush v3, $0xF;
	_ =	sdelay $0x9  }
0x37e: {  	s6 =	sadd.s32 $0x100, s0;
	s0 =	sadd.s32 $0x1, s0  }
0x37f: {  	p2 =	sne.s32 s0, $0x8  }
.Ltmp23:
0x380: {  	_ = 	snop;
	(pc) =	sbr.rel @!p2 .LBB2_33-.Ltmp23, $3  }
0x381: {  	_ =	sdelay $0x1  }
0x382: {  	[smem:$0x80] =	sst s4;
	s7 =	spop (v2sf)  }
0x383: {  	[tilespmem:s13+$0xE000] =	vst v2;
	s24 =	sadd.s32 $0x80, s24;
	s11 =	sadd.s32 $0x80, s11;
	[smem:s6] =	sst s7  }
.LBB2_24:
0x384: {  	v2 =	vld [tilespmem:s11+$0x20]  }
0x385: {  	v3 =	vld [tilespmem:s11+$0x10]  }
0x386: {  	v4 =	vld [tilespmem:s11+$0x0]  }
0x387: {  	v5 =	vld [tilespmem:s11+$0xFFFFFFF0]  }
0x388: {  	v6 =	vld [tilespmem:s11+$0xFFFFFFE0]  }
0x389: {  	v7 =	vld [tilespmem:s11+$0xFFFFFFD0]  }
0x38a: {  	v8 =	vld [tilespmem:s11+$0xFFFFFFC0]  }
0x38b: {  	v9 =	vld [tilespmem:s24+$0xFFFFFFC0]  }
0x38c: {  	v10 =	vld [tilespmem:s24+$0xFFFFFFD0]  }
0x38d: {  	v11 =	vld [tilespmem:s24+$0xFFFFFFE0]  }
0x38e: {  	v12 =	vld [tilespmem:s24+$0xFFFFFFF0]  }
0x38f: {  	v13 =	vld [tilespmem:s24+$0x0]  }
0x390: {  	v14 =	vld [tilespmem:s24+$0x10]  }
0x391: {  	vm7 =	vlt.f32 v9, $2.500000000e-01;
	v8 =	vmax.f32 v8, $-1.000000000e+00;
	vm8 =	vlt.f32 v10, $2.500000000e-01;
	v9 =	vld [tilespmem:s24+$0x20]  }
0x392: {  	v10 =	vld [tilespmem:s24+$0x30];
	v8 =	vnsel vm7, $0xBF800000, v8;
	v7 =	vnsel vm8, $0xBF800000, v7;
	vm7 =	vlt.f32 v11, $2.500000000e-01  }
0x393: {  	s6 =	sadd.s32 $0x400, s11;
	v7 =	vmax.f32 v8, v7;
	v6 =	vnsel vm7, $0xBF800000, v6;
	vm7 =	vlt.f32 v12, $2.500000000e-01;
	v8 =	vld [tilespmem:s11+$0x30]  }
0x394: {  	s7 =	sadd.s32 $0x400, s24;
	v11 =	vld [tilespmem:s6+$0x20];
	v6 =	vmax.f32 v7, v6;
	v5 =	vnsel vm7, $0xBF800000, v5;
	vm7 =	vlt.f32 v13, $2.500000000e-01  }
0x395: {  	v12 =	vld [tilespmem:s7+$0xFFFFFFF0];
	v5 =	vmax.f32 v6, v5;
	v4 =	vnsel vm7, $0xBF800000, v4;
	vm7 =	vlt.f32 v14, $2.500000000e-01  }
0x396: {  	v7 =	vld [tilespmem:s6+$0x10];
	v4 =	vmax.f32 v5, v4;
	v3 =	vnsel vm7, $0xBF800000, v3;
	vm7 =	vlt.f32 v9, $2.500000000e-01  }
0x397: {  	v13 =	vld [tilespmem:s7+$0x0];
	v3 =	vmax.f32 v4, v3;
	v2 =	vnsel vm7, $0xBF800000, v2;
	vm7 =	vlt.f32 v10, $2.500000000e-01  }
0x398: {  	v6 =	vld [tilespmem:s6+$0x0];
	v2 =	vmax.f32 v3, v2;
	v3 =	vnsel vm7, $0xBF800000, v8  }
0x399: {  	v9 =	vld [tilespmem:s7+$0xFFFFFFD0];
	v2 =	vmax.f32 v2, v3  }
0x39a: {  	v10 =	vld [tilespmem:s7+$0xFFFFFFE0];
	(xrf0) =	vmax.scan.msk.f32 $0xffff, v2  }
0x39b: {  	v2 =	vld [tilespmem:s7+$0xFFFFFFC0]  }
0x39c: {  	v3 =	vld [tilespmem:s6+$0xFFFFFFC0]  }
0x39d: {  	v8 =	vld [tilespmem:s6+$0xFFFFFFD0]  }
0x39e: {  	v4 =	vld [tilespmem:s6+$0xFFFFFFE0]  }
0x39f: {  	v5 =	vld [tilespmem:s6+$0xFFFFFFF0]  }
0x3a0: {  	v14 =	vld [tilespmem:s7+$0x10];
	vm7 =	vlt.f32 v2, $2.500000000e-01;
	v2, _, _ =	vpop (xrf0)  }
0x3a1: {  	vm8 =	vlt.f32 v9, $2.500000000e-01;
	v9 =	vld [tilespmem:s7+$0x20];
	v3 =	vmax.f32 v3, $-1.000000000e+00;
	(v2sf) =	vpush v2, $0xF  }
0x3a2: {  	v2 =	vnsel vm7, $0xBF800000, v3;
	v3 =	vnsel vm8, $0xBF800000, v8;
	vm7 =	vlt.f32 v10, $2.500000000e-01;
	v8 =	vld [tilespmem:s7+$0x30]  }
0x3a3: {  	v10 =	vld [tilespmem:s6+$0x30];
	s6 =	sadd.s32 $0x400, s6;
	v3 =	vmax.f32 v2, v3;
	v4 =	vnsel vm7, $0xBF800000, v4;
	vm7 =	vlt.f32 v12, $2.500000000e-01  }
0x3a4: {  	v2 =	vld [tilespmem:s6+$0x20];
	v3 =	vmax.f32 v3, v4;
	v5 =	vnsel vm7, $0xBF800000, v5;
	vm7 =	vlt.f32 v13, $2.500000000e-01  }
0x3a5: {  	v12 =	vld [tilespmem:s6+$0xFFFFFFE0];
	v5 =	vmax.f32 v3, v5;
	v6 =	vnsel vm7, $0xBF800000, v6;
	vm7 =	vlt.f32 v14, $2.500000000e-01  }
0x3a6: {  	s25 =	sadd.s32 $0x400, s7;
	v4 =	vld [tilespmem:s6+$0x10];
	v6 =	vmax.f32 v5, v6;
	v7 =	vnsel vm7, $0xBF800000, v7;
	vm7 =	vlt.f32 v9, $2.500000000e-01  }
0x3a7: {  	v13 =	vld [tilespmem:s25+$0xFFFFFFF0];
	v6 =	vmax.f32 v6, v7;
	v7 =	vnsel vm7, $0xBF800000, v11;
	vm7 =	vlt.f32 v8, $2.500000000e-01  }
0x3a8: {  	v3 =	vld [tilespmem:s6+$0x0];
	v6 =	vmax.f32 v6, v7;
	v7 =	vnsel vm7, $0xBF800000, v10  }
0x3a9: {  	v9 =	vld [tilespmem:s6+$0xFFFFFFD0];
	v6 =	vmax.f32 v6, v7  }
0x3aa: {  	v8 =	vld [tilespmem:s6+$0xFFFFFFC0];
	(xrf0) =	vmax.scan.msk.f32 $0xffff, v6  }
0x3ab: {  	v6 =	vld [tilespmem:s25+$0xFFFFFFC0]  }
0x3ac: {  	v10 =	vld [tilespmem:s25+$0xFFFFFFD0]  }
0x3ad: {  	v11 =	vld [tilespmem:s25+$0xFFFFFFE0]  }
0x3ae: {  	s8 =	sld [smem:s0+$0x100];
	v5 =	vld [tilespmem:s6+$0xFFFFFFF0]  }
0x3af: {  	v7 =	vld [tilespmem:s25+$0x0]  }
0x3b0: {  	vm7 =	vlt.f32 v6, $2.500000000e-01;
	v6 =	vld [tilespmem:s25+$0x10];
	v14, _, _ =	vpop (xrf0);
	s31 =	spop (v2sf)  }
0x3b1: {  	s12 =	sshll.u32 s0, $0x7;
	v15 =	vmax.f32 v8, $-1.000000000e+00;
	v8 =	vld [tilespmem:s25+$0x20];
	vm8 =	vlt.f32 v10, $2.500000000e-01;
	(v2sf) =	vpush v14, $0xF;
	p2 =	sgt.f32 s31, s8  }
0x3b2: {  	s14 =	simm.s32 $0x1;
	s13 =	simm.s32 $0x2;
	s28 =	simm.s32 $0x3;
	v10 =	vnsel vm7, $0xBF800000, v15;
	vm7 =	vlt.f32 v11, $2.500000000e-01;
	v14 =	vnsel vm8, $0xBF800000, v9;
	v9 =	vld [tilespmem:s25+$0x30]  }
0x3b3: {  	s9 =	simm.s32 $0x0;
	v12 =	vnsel vm7, $0xBF800000, v12;
	vm7 =	vlt.f32 v13, $2.500000000e-01;
	v11 =	vmax.f32 v10, v14;
	v10 =	vld [tilespmem:s6+$0x30];
	s6 =	sadd.s32 $0x400, s6;
	s7 =	sld @p2 [smem:$0x80]  }
.LBB2_25:
0x3b4: {  	v13 =	vld [tilespmem:s6+$0x20];
	v11 =	vmax.f32 v11, v12;
	v5 =	vnsel vm7, $0xBF800000, v5;
	vm7 =	vlt.f32 v7, $2.500000000e-01  }
0x3b5: {  	v7 =	vld [tilespmem:s6+$0x10];
	v5 =	vmax.f32 v11, v5;
	v11 =	vnsel vm7, $0xBF800000, v3;
	vm7 =	vlt.f32 v6, $2.500000000e-01  }
0x3b6: {  	v3 =	vld [tilespmem:s6+$0x0];
	v6 =	vmax.f32 v5, v11;
	v4 =	vnsel vm7, $0xBF800000, v4;
	vm7 =	vlt.f32 v8, $2.500000000e-01;
	[smem:s7] =	sst @p2 s9;
	s7 =	sadd.s32 @p2 $0x1, s7;
	s9 =	smov.u32 s14  }
0x3b7: {  	s14 =	smov.u32 s13;
	s13 =	smov.u32 s28;
	v5 =	vld [tilespmem:s6+$0xFFFFFFF0];
	v4 =	vmax.f32 v6, v4;
	v8 =	vnsel vm7, $0xBF800000, v2;
	vm7 =	vlt.f32 v9, $2.500000000e-01;
	[smem:$0x80] =	sst @p2 s7  }
0x3b8: {  	v12 =	vld [tilespmem:s6+$0xFFFFFFE0];
	v6 =	vmax.f32 v4, v8;
	v10 =	vnsel vm7, $0xBF800000, v10  }
0x3b9: {  	v9 =	vld [tilespmem:s6+$0xFFFFFFD0];
	v6 =	vmax.f32 v6, v10;
	v2 =	vmov v13  }
0x3ba: {  	s25 =	sadd.s32 $0x400, s25;
	v8 =	vld [tilespmem:s6+$0xFFFFFFC0];
	(xrf0) =	vmax.scan.msk.f32 $0xffff, v6;
	v4 =	vmov v7  }
0x3bb: {  	v6 =	vld [tilespmem:s25+$0xFFFFFFC0]  }
0x3bc: {  	s28 =	sadd.s32 $0x1, s28;
	v10 =	vld [tilespmem:s25+$0xFFFFFFD0]  }
0x3bd: {  	p3 =	sne.s32 s28, $0xD;
	v11 =	vld [tilespmem:s25+$0xFFFFFFE0]  }
0x3be: {  	v13 =	vld [tilespmem:s25+$0xFFFFFFF0]  }
.Ltmp24:
0x3bf: {  	v7 =	vld [tilespmem:s25+$0x0];
	(pc) =	sbr.rel @p3 .LBB2_25-.Ltmp24, $4  }
0x3c0: {  	vm7 =	vlt.f32 v6, $2.500000000e-01;
	v6 =	vld [tilespmem:s25+$0x10];
	v14, _, _ =	vpop (xrf0);
	s7 =	spop (v2sf)  }
0x3c1: {  	v15 =	vmax.f32 v8, $-1.000000000e+00;
	vm8 =	vlt.f32 v10, $2.500000000e-01;
	v8 =	vld [tilespmem:s25+$0x20];
	(v2sf) =	vpush v14, $0xF;
	p2 =	sgt.f32 s7, s8  }
0x3c2: {  	v10 =	vnsel vm7, $0xBF800000, v15;
	v14 =	vnsel vm8, $0xBF800000, v9;
	vm7 =	vlt.f32 v11, $2.500000000e-01;
	v9 =	vld [tilespmem:s25+$0x30]  }
0x3c3: {  	v11 =	vmax.f32 v10, v14;
	v12 =	vnsel vm7, $0xBF800000, v12;
	vm7 =	vlt.f32 v13, $2.500000000e-01;
	v10 =	vld [tilespmem:s6+$0x30];
	s6 =	sadd.s32 $0x400, s6;
	s7 =	sld @p2 [smem:$0x80]  }
0x3c4: {  	v11 =	vmax.f32 v11, v12;
	v5 =	vnsel vm7, $0xBF800000, v5;
	vm7 =	vlt.f32 v7, $2.500000000e-01  }
0x3c5: {  	v5 =	vmax.f32 v11, v5;
	v3 =	vnsel vm7, $0xBF800000, v3;
	vm7 =	vlt.f32 v6, $2.500000000e-01  }
0x3c6: {  	v3 =	vmax.f32 v5, v3;
	v4 =	vnsel vm7, $0xBF800000, v4;
	vm7 =	vlt.f32 v8, $2.500000000e-01  }
0x3c7: {  	v3 =	vmax.f32 v3, v4;
	v2 =	vnsel vm7, $0xBF800000, v2;
	vm7 =	vlt.f32 v9, $2.500000000e-01  }
0x3c8: {  	v2 =	vmax.f32 v3, v2;
	v3 =	vnsel vm7, $0xBF800000, v10  }
0x3c9: {  	v2 =	vmax.f32 v2, v3  }
0x3ca: {  	(xrf0) =	vmax.scan.msk.f32 $0xffff, v2;
	_ =	sdelay $0x5  }
0x3cb: {  	v2, _, _ =	vpop (xrf0)  }
0x3cc: {  	(v2sf) =	vpush v2, $0xF;
	_ =	sdelay $0x9  }
0x3cd: {  	s6 =	spop (v2sf)  }
0x3ce: {  	[smem:s7] =	sst @p2 s9;
	s7 =	sadd.s32 @p2 $0x1, s7;
	p3 =	sgt.f32 s6, s8  }
0x3cf: {  	[smem:$0x80] =	sst @p2 s7  }
0x3d0: {  	s6 =	sld @p3 [smem:$0x80];
	_ =	sdelay $0x1  }
0x3d1: {  	s30 =	spop (v2sf)  }
0x3d2: {  	[smem:s6] =	sst @p3 s14;
	s6 =	sadd.s32 @p3 $0x1, s6;
	p2 =	sgt.f32 s30, s8  }
0x3d3: {  	[smem:$0x80] =	sst @p3 s6  }
0x3d4: {  	s6 =	sld @p2 [smem:$0x80];
	_ =	sdelay $0x2  }
0x3d5: {  	[smem:s6] =	sst @p2 s13;
	s6 =	sadd.s32 @p2 $0x1, s6  }
0x3d6: {  	[smem:$0x80] =	sst @p2 s6  }
0x3d7: {  	s7 =	sld [smem:$0x80];
	_ =	sdelay $0x1  }
0x3d8: {  	s31 =	sshll.u32 s0, $0x9  }
0x3d9: {  	s13 =	sshrl.u32 s31, $0x2;
	p2 =	slt.s32 s7, $0x1  }
.Ltmp25:
0x3da: {  	v2 =	vld [tilespmem:s13+$0xE000];
	(pc) =	sbr.rel @p2 .LBB2_32-.Ltmp25, $2  }
0x3db: {  	_ =	sdelay $0x2  }
0x3dc: {  	s8 =	simm.s32 $0x0  }
0x3dd: {  	p3 =	sne.s32 s7, $0x1  }
.Ltmp26:
0x3de: {  	_ = 	snop;
	(pc) =	sbr.rel @!p3 .LBB2_28-.Ltmp26, $3  }
0x3df: {  	_ = 	snop  }
0x3e0: {  	s6 =	sld [smem:s8+$0x0];
	_ =	sdelay $0x1  }
0x3e1: {  	s9 =	sadd.s32 $0xFFFFFFFF, s7;
	p2 =	por $0x0, $0x0  }
0x3e2: {  	s6 =	sshll.u32 s6, $0xA  }
0x3e3: {  	s6 =	sadd.s32 s12, s6  }
0x3e4: {  	v3 =	vld [tilespmem:s6+$0x3400]  }
0x3e5: {  	v4 =	vld [tilespmem:s6+$0x0];
	_ =	sdelay $0x3  }
0x3e6: {  	vm7 =	vlt.f32 v3, $2.500000000e-01  }
0x3e7: {  	v3 =	vnsel vm7, $0xBF800000, v4  }
0x3e8: {  	(xrf1) =	vsort.ascd.msk.f32 $0xffff, v3, v3;
	_ =	sdelay $0x8  }
0x3e9: {  	s7 =	sor.u32 $0x10, s6;
	v3 =	vld [tilespmem:s6+$0x3410]  }
0x3ea: {  	v51 =	vld [tilespmem:s7+$0x0];
	_ =	sdelay $0x3  }
0x3eb: {  	vm7 =	vlt.f32 v3, $2.500000000e-01;
	v3, _, _ =	vpop (xrf1)  }
0x3ec: {  	v4 =	vnsel vm7, $0xBF800000, v51;
	v3 =	vperm.xlane v3, v1  }
0x3ed: {  	(xrf1) =	vsort.ascd.msk.f32 $0xffff, v4, v4  }
0x3ee: {  	v3 =	vmax.f32 v2, v3  }
0x3ef: {  	(xrf1) =	vsort.ascd.msk.f32 $0xffff, v3, v3;
	_ =	sdelay $0x6  }
0x3f0: {  	s31 =	sor.u32 $0x20, s6;
	v3 =	vld [tilespmem:s6+$0x3420]  }
0x3f1: {  	v52 =	vld [tilespmem:s31+$0x0];
	_ =	sdelay $0x3  }
0x3f2: {  	vm7 =	vlt.f32 v3, $2.500000000e-01;
	v3, _, _ =	vpop (xrf1)  }
0x3f3: {  	v4 =	vnsel vm7, $0xBF800000, v52;
	v3 =	vperm.xlane v3, v1  }
0x3f4: {  	(xrf1) =	vsort.ascd.msk.f32 $0xffff, v4, v4;
	v5, _, _ =	vpop (xrf1)  }
0x3f5: {  	v3 =	vmax.f32 v5, v3  }
0x3f6: {  	(xrf1) =	vsort.ascd.msk.f32 $0xffff, v3, v3;
	_ =	sdelay $0x6  }
0x3f7: {  	s14 =	sor.u32 $0x30, s6;
	v3 =	vld [tilespmem:s6+$0x3430]  }
0x3f8: {  	v53 =	vld [tilespmem:s14+$0x0];
	_ =	sdelay $0x3  }
0x3f9: {  	vm7 =	vlt.f32 v3, $2.500000000e-01;
	v3, _, _ =	vpop (xrf1)  }
0x3fa: {  	v4 =	vnsel vm7, $0xBF800000, v53;
	v3 =	vperm.xlane v3, v1  }
0x3fb: {  	(xrf1) =	vsort.ascd.msk.f32 $0xffff, v4, v4;
	v54, _, _ =	vpop (xrf1)  }
0x3fc: {  	v3 =	vmax.f32 v54, v3  }
0x3fd: {  	(xrf1) =	vsort.ascd.msk.f32 $0xffff, v3, v3;
	_ =	sdelay $0x6  }
0x3fe: {  	s25 =	sor.u32 $0x40, s6;
	v3 =	vld [tilespmem:s6+$0x3440]  }
0x3ff: {  	v55 =	vld [tilespmem:s25+$0x0];
	_ =	sdelay $0x3  }
0x400: {  	vm7 =	vlt.f32 v3, $2.500000000e-01;
	v3, _, _ =	vpop (xrf1)  }
0x401: {  	v4 =	vnsel vm7, $0xBF800000, v55;
	v3 =	vperm.xlane v3, v1  }
0x402: {  	(xrf1) =	vsort.ascd.msk.f32 $0xffff, v4, v4;
	v56, _, _ =	vpop (xrf1)  }
0x403: {  	v3 =	vmax.f32 v56, v3  }
0x404: {  	(xrf1) =	vsort.ascd.msk.f32 $0xffff, v3, v3;
	_ =	sdelay $0x6  }
0x405: {  	s28 =	sor.u32 $0x50, s6;
	v3 =	vld [tilespmem:s6+$0x3450]  }
0x406: {  	v57 =	vld [tilespmem:s28+$0x0];
	_ =	sdelay $0x3  }
0x407: {  	vm7 =	vlt.f32 v3, $2.500000000e-01;
	v3, _, _ =	vpop (xrf1)  }
0x408: {  	v3 =	vperm.xlane v3, v1;
	v4 =	vnsel vm7, $0xBF800000, v57  }
0x409: {  	(xrf1) =	vsort.ascd.msk.f32 $0xffff, v4, v4;
	v58, _, _ =	vpop (xrf1)  }
0x40a: {  	v3 =	vmax.f32 v58, v3  }
0x40b: {  	(xrf1) =	vsort.ascd.msk.f32 $0xffff, v3, v3;
	_ =	sdelay $0x6  }
0x40c: {  	s30 =	sor.u32 $0x60, s6;
	v3 =	vld [tilespmem:s6+$0x3460]  }
0x40d: {  	v59 =	vld [tilespmem:s30+$0x0];
	_ =	sdelay $0x3  }
0x40e: {  	vm7 =	vlt.f32 v3, $2.500000000e-01;
	v3, _, _ =	vpop (xrf1)  }
0x40f: {  	v3 =	vperm.xlane v3, v1;
	v4 =	vnsel vm7, $0xBF800000, v59  }
0x410: {  	(xrf1) =	vsort.ascd.msk.f32 $0xffff, v4, v4;
	v60, _, _ =	vpop (xrf1)  }
0x411: {  	v3 =	vmax.f32 v60, v3  }
0x412: {  	(xrf1) =	vsort.ascd.msk.f32 $0xffff, v3, v3;
	_ =	sdelay $0x6  }
0x413: {  	s31 =	sor.u32 $0x70, s6;
	v3 =	vld [tilespmem:s6+$0x3470]  }
0x414: {  	v61 =	vld [tilespmem:s31+$0x0];
	_ =	sdelay $0x3  }
0x415: {  	v62, _, _ =	vpop (xrf1);
	vm7 =	vlt.f32 v3, $2.500000000e-01  }
0x416: {  	v3 =	vperm.xlane v62, v1;
	v4 =	vnsel vm7, $0xBF800000, v61  }
0x417: {  	v63, _, _ =	vpop (xrf1);
	(xrf1) =	vsort.ascd.msk.f32 $0xffff, v4, v4  }
0x418: {  	v3 =	vmax.f32 v63, v3  }
0x419: {  	p3 =	sne.s32 s9, $0x1;
	(xrf1) =	vsort.ascd.msk.f32 $0xffff, v3, v3  }
.Ltmp27:
0x41a: {  	_ = 	snop;
	(pc) =	sbr.rel @!p3 .LBB2_31-.Ltmp27, $3  }
0x41b: {  	s14 =	sadd.s32 $0x1, s8  }
0x41c: {  	s6 =	sld [smem:s14+$0x0];
	_ =	sdelay $0x1  }
0x41d: {  	p2 =	por $0x1, $0x1;
	s25 =	sadd.s32 $0xFFFFFFFF, s9  }
.LBB2_30:
0x41e: {  	p3 =	sne.s32 s25, $0x1;
	_ =	sdelay $0x1  }
0x41f: {  	s6 =	sshll.u32 s6, $0xA  }
0x420: {  	s8 =	sadd.s32 s12, s6  }
0x421: {  	v3 =	vld [tilespmem:s8+$0x3400]  }
0x422: {  	v4 =	vld [tilespmem:s8+$0x0];
	_ =	sdelay $0x3  }
0x423: {  	vm7 =	vlt.f32 v3, $2.500000000e-01;
	v3, _, _ =	vpop (xrf1)  }
0x424: {  	v5 =	vnsel vm7, $0xBF800000, v4;
	v3 =	vperm.xlane v3, v1  }
0x425: {  	(xrf1) =	vsort.ascd.msk.f32 $0xffff, v5, v5;
	v4, _, _ =	vpop (xrf1)  }
0x426: {  	v3 =	vmax.f32 v4, v3  }
0x427: {  	(xrf1) =	vsort.ascd.msk.f32 $0xffff, v3, v3;
	_ =	sdelay $0x6  }
0x428: {  	s6 =	sor.u32 $0x10, s8;
	v3 =	vld [tilespmem:s8+$0x3410]  }
0x429: {  	v4 =	vld [tilespmem:s6+$0x0];
	_ =	sdelay $0x3  }
0x42a: {  	vm7 =	vlt.f32 v3, $2.500000000e-01;
	v3, _, _ =	vpop (xrf1)  }
0x42b: {  	v3 =	vperm.xlane v3, v1;
	v5 =	vnsel vm7, $0xBF800000, v4  }
0x42c: {  	(xrf1) =	vsort.ascd.msk.f32 $0xffff, v5, v5;
	v4, _, _ =	vpop (xrf1)  }
0x42d: {  	v3 =	vmax.f32 v4, v3  }
0x42e: {  	(xrf1) =	vsort.ascd.msk.f32 $0xffff, v3, v3;
	_ =	sdelay $0x6  }
0x42f: {  	s6 =	sor.u32 $0x20, s8;
	v3 =	vld [tilespmem:s8+$0x3420]  }
0x430: {  	v4 =	vld [tilespmem:s6+$0x0];
	_ =	sdelay $0x3  }
0x431: {  	vm7 =	vlt.f32 v3, $2.500000000e-01;
	v3, _, _ =	vpop (xrf1)  }
0x432: {  	v3 =	vperm.xlane v3, v1;
	v4 =	vnsel vm7, $0xBF800000, v4  }
0x433: {  	v5, _, _ =	vpop (xrf1);
	(xrf1) =	vsort.ascd.msk.f32 $0xffff, v4, v4  }
0x434: {  	v3 =	vmax.f32 v5, v3  }
0x435: {  	(xrf1) =	vsort.ascd.msk.f32 $0xffff, v3, v3;
	_ =	sdelay $0x6  }
0x436: {  	s6 =	sor.u32 $0x30, s8;
	v3 =	vld [tilespmem:s8+$0x3430]  }
0x437: {  	v4 =	vld [tilespmem:s6+$0x0];
	_ =	sdelay $0x3  }
0x438: {  	vm7 =	vlt.f32 v3, $2.500000000e-01;
	v3, _, _ =	vpop (xrf1)  }
0x439: {  	v3 =	vperm.xlane v3, v1;
	v4 =	vnsel vm7, $0xBF800000, v4  }
0x43a: {  	v5, _, _ =	vpop (xrf1);
	(xrf1) =	vsort.ascd.msk.f32 $0xffff, v4, v4  }
0x43b: {  	v3 =	vmax.f32 v5, v3  }
0x43c: {  	(xrf1) =	vsort.ascd.msk.f32 $0xffff, v3, v3;
	_ =	sdelay $0x6  }
0x43d: {  	s6 =	sor.u32 $0x40, s8;
	v3 =	vld [tilespmem:s8+$0x3440]  }
0x43e: {  	v4 =	vld [tilespmem:s6+$0x0];
	_ =	sdelay $0x3  }
0x43f: {  	vm7 =	vlt.f32 v3, $2.500000000e-01;
	v3, _, _ =	vpop (xrf1)  }
0x440: {  	v3 =	vperm.xlane v3, v1;
	v4 =	vnsel vm7, $0xBF800000, v4  }
0x441: {  	v5, _, _ =	vpop (xrf1);
	(xrf1) =	vsort.ascd.msk.f32 $0xffff, v4, v4  }
0x442: {  	v3 =	vmax.f32 v5, v3  }
0x443: {  	(xrf1) =	vsort.ascd.msk.f32 $0xffff, v3, v3;
	_ =	sdelay $0x6  }
0x444: {  	s6 =	sor.u32 $0x50, s8;
	v3 =	vld [tilespmem:s8+$0x3450]  }
0x445: {  	v4 =	vld [tilespmem:s6+$0x0];
	_ =	sdelay $0x3  }
0x446: {  	vm7 =	vlt.f32 v3, $2.500000000e-01;
	v3, _, _ =	vpop (xrf1)  }
0x447: {  	v3 =	vperm.xlane v3, v1;
	v4 =	vnsel vm7, $0xBF800000, v4  }
0x448: {  	v5, _, _ =	vpop (xrf1);
	(xrf1) =	vsort.ascd.msk.f32 $0xffff, v4, v4  }
0x449: {  	v3 =	vmax.f32 v5, v3  }
0x44a: {  	(xrf1) =	vsort.ascd.msk.f32 $0xffff, v3, v3;
	_ =	sdelay $0x6  }
0x44b: {  	s6 =	sor.u32 $0x60, s8;
	v3 =	vld [tilespmem:s8+$0x3460]  }
0x44c: {  	v4 =	vld [tilespmem:s6+$0x0];
	_ =	sdelay $0x3  }
0x44d: {  	vm7 =	vlt.f32 v3, $2.500000000e-01;
	v3, _, _ =	vpop (xrf1)  }
0x44e: {  	v3 =	vperm.xlane v3, v1;
	v4 =	vnsel vm7, $0xBF800000, v4  }
0x44f: {  	v5, _, _ =	vpop (xrf1);
	(xrf1) =	vsort.ascd.msk.f32 $0xffff, v4, v4  }
0x450: {  	v3 =	vmax.f32 v5, v3  }
0x451: {  	(xrf1) =	vsort.ascd.msk.f32 $0xffff, v3, v3;
	_ =	sdelay $0x6  }
0x452: {  	s6 =	sor.u32 $0x70, s8;
	v3 =	vld [tilespmem:s8+$0x3470]  }
0x453: {  	v4 =	vld [tilespmem:s6+$0x0];
	_ =	sdelay $0x3  }
0x454: {  	vm7 =	vlt.f32 v3, $2.500000000e-01;
	v3, _, _ =	vpop (xrf1)  }
0x455: {  	v3 =	vperm.xlane v3, v1;
	v4 =	vnsel vm7, $0xBF800000, v4  }
.Ltmp28:
0x456: {  	v5, _, _ =	vpop (xrf1);
	(xrf1) =	vsort.ascd.msk.f32 $0xffff, v4, v4;
	(pc) =	sbr.rel @p3 .LBB2_30-.Ltmp28, $4  }
0x457: {  	v3 =	vmax.f32 v5, v3  }
0x458: {  	(xrf1) =	vsort.ascd.msk.f32 $0xffff, v3, v3  }
0x459: {  	s14 =	sadd.s32 $0x1, s14  }
0x45a: {  	s25 =	sadd.s32 $0xFFFFFFFF, s25;
	s6 =	sld [smem:s14+$0x0]  }
.Ltmp29:
0x45b: {  	_ = 	snop;
	(pc) =	sbr.rel .LBB2_31-.Ltmp29, $1  }
0x45c: {  	_ =	sdelay $0x3  }
.LBB2_33:
.Ltmp30:
0x45d: {  	(pc) =	sbr.rel @p0 .LBB2_37-.Ltmp30, $1  }
0x45e: {  	_ =	sdelay $0x3  }
0x45f: {  	s0 =	simm.s32 $0x0;
	s6 =	rddreg [dreg:$0x7];
	s7 =	simm.s32 $0xD000  }
0x460: {  	[tilespmem:s7], [sflag:$0x3] =	stream.linear.gather [hbm4b:s6+s0], $0x800, $0x38;
	[tilespmem:$0xED00] =	vst v63  }
0x461: {  	s30 =	rddreg [dreg:$0x8];
	s31 =	simm.s32 $0xD800  }
0x462: {  	[tilespmem:s31], [sflag:$0x3] =	stream.linear.gather [hbm4b:s30+s0], $0x800, $0x38;
	[tilespmem:$0xED00] =	vst v63  }
0x463: {  	_ =	swait.ge [sflag:s26], $0x800  }
0x464: {  	[sflag:s26] =	ssyncset.done $0x0  }
0x465: {  	[sflag:s26] =	ssyncadd.s32 $0xFFFFF800  }
0x466: {  	_ =	swait.ge [sflag:s26], $0x800  }
0x467: {  	[sflag:s26] =	ssyncset.done $0x0  }
0x468: {  	s0 =	simm.s32 $0x0;
	[sflag:s26] =	ssyncadd.s32 $0xFFFFF800  }
0x469: {  	v2 =	vld [tilespmem:s0+$0xD800]  }
0x46a: {  	v3 =	vld [tilespmem:s0+$0xD000];
	_ =	sdelay $0x3  }
0x46b: {  	vm7 =	vlt.f32 v2, $2.500000000e-01  }
0x46c: {  	v2 =	vnsel vm7, $0xBF800000, v3  }
0x46d: {  	(xrf1) =	vsort.ascd.msk.f32 $0xffff, v2, v2;
	_ =	sdelay $0x8  }
0x46e: {  	v2 =	vld [tilespmem:s0+$0xD810]  }
0x46f: {  	v3 =	vld [tilespmem:s0+$0xD010];
	_ =	sdelay $0x1  }
0x470: {  	v4 =	vld [tilespmem:s0+$0xE000];
	_ =	sdelay $0x1  }
0x471: {  	vm7 =	vlt.f32 v2, $2.500000000e-01;
	v2, _, _ =	vpop (xrf1)  }
0x472: {  	v3 =	vnsel vm7, $0xBF800000, v3;
	v2 =	vperm.xlane v2, v1  }
0x473: {  	(xrf1) =	vsort.ascd.msk.f32 $0xffff, v3, v3  }
0x474: {  	v2 =	vmax.f32 v4, v2  }
0x475: {  	(xrf1) =	vsort.ascd.msk.f32 $0xffff, v2, v2;
	_ =	sdelay $0x6  }
0x476: {  	v2 =	vld [tilespmem:s0+$0xD820]  }
0x477: {  	v3 =	vld [tilespmem:s0+$0xD020];
	_ =	sdelay $0x3  }
0x478: {  	vm7 =	vlt.f32 v2, $2.500000000e-01;
	v2, _, _ =	vpop (xrf1)  }
0x479: {  	v2 =	vperm.xlane v2, v1;
	v3 =	vnsel vm7, $0xBF800000, v3  }
0x47a: {  	v57, _, _ =	vpop (xrf1);
	(xrf1) =	vsort.ascd.msk.f32 $0xffff, v3, v3  }
0x47b: {  	v2 =	vmax.f32 v57, v2  }
0x47c: {  	(xrf1) =	vsort.ascd.msk.f32 $0xffff, v2, v2;
	_ =	sdelay $0x6  }
0x47d: {  	v2 =	vld [tilespmem:s0+$0xD830]  }
0x47e: {  	v3 =	vld [tilespmem:s0+$0xD030];
	_ =	sdelay $0x3  }
0x47f: {  	vm7 =	vlt.f32 v2, $2.500000000e-01;
	v2, _, _ =	vpop (xrf1)  }
0x480: {  	v3 =	vnsel vm7, $0xBF800000, v3;
	v2 =	vperm.xlane v2, v1  }
0x481: {  	(xrf1) =	vsort.ascd.msk.f32 $0xffff, v3, v3;
	v58, _, _ =	vpop (xrf1)  }
0x482: {  	v2 =	vmax.f32 v58, v2  }
0x483: {  	(xrf1) =	vsort.ascd.msk.f32 $0xffff, v2, v2;
	_ =	sdelay $0x6  }
0x484: {  	v2 =	vld [tilespmem:s0+$0xD840]  }
0x485: {  	v3 =	vld [tilespmem:s0+$0xD040];
	_ =	sdelay $0x3  }
0x486: {  	vm7 =	vlt.f32 v2, $2.500000000e-01;
	v2, _, _ =	vpop (xrf1)  }
0x487: {  	v3 =	vnsel vm7, $0xBF800000, v3;
	v2 =	vperm.xlane v2, v1  }
0x488: {  	(xrf1) =	vsort.ascd.msk.f32 $0xffff, v3, v3;
	v59, _, _ =	vpop (xrf1)  }
0x489: {  	v2 =	vmax.f32 v59, v2  }
0x48a: {  	(xrf1) =	vsort.ascd.msk.f32 $0xffff, v2, v2;
	_ =	sdelay $0x6  }
0x48b: {  	v2 =	vld [tilespmem:s0+$0xD850]  }
0x48c: {  	v3 =	vld [tilespmem:s0+$0xD050];
	_ =	sdelay $0x3  }
0x48d: {  	vm7 =	vlt.f32 v2, $2.500000000e-01;
	v2, _, _ =	vpop (xrf1)  }
0x48e: {  	v3 =	vnsel vm7, $0xBF800000, v3;
	v2 =	vperm.xlane v2, v1  }
0x48f: {  	(xrf1) =	vsort.ascd.msk.f32 $0xffff, v3, v3;
	v60, _, _ =	vpop (xrf1)  }
0x490: {  	v2 =	vmax.f32 v60, v2  }
0x491: {  	(xrf1) =	vsort.ascd.msk.f32 $0xffff, v2, v2;
	_ =	sdelay $0x6  }
0x492: {  	v2 =	vld [tilespmem:s0+$0xD860]  }
0x493: {  	v3 =	vld [tilespmem:s0+$0xD060];
	_ =	sdelay $0x3  }
0x494: {  	vm7 =	vlt.f32 v2, $2.500000000e-01;
	v2, _, _ =	vpop (xrf1)  }
0x495: {  	v3 =	vnsel vm7, $0xBF800000, v3;
	v2 =	vperm.xlane v2, v1  }
0x496: {  	(xrf1) =	vsort.ascd.msk.f32 $0xffff, v3, v3;
	v61, _, _ =	vpop (xrf1)  }
0x497: {  	v2 =	vmax.f32 v61, v2  }
0x498: {  	(xrf1) =	vsort.ascd.msk.f32 $0xffff, v2, v2;
	_ =	sdelay $0x6  }
0x499: {  	v2 =	vld [tilespmem:s0+$0xD870]  }
0x49a: {  	v3 =	vld [tilespmem:s0+$0xD070];
	_ =	sdelay $0x3  }
0x49b: {  	vm7 =	vlt.f32 v2, $2.500000000e-01;
	v2, _, _ =	vpop (xrf1)  }
0x49c: {  	v2 =	vperm.xlane v2, v1;
	v3 =	vnsel vm7, $0xBF800000, v3  }
0x49d: {  	(xrf1) =	vsort.ascd.msk.f32 $0xffff, v3, v3;
	v62, _, _ =	vpop (xrf1)  }
0x49e: {  	v2 =	vmax.f32 v62, v2  }
0x49f: {  	(xrf1) =	vsort.ascd.msk.f32 $0xffff, v2, v2;
	_ =	sdelay $0x4  }
0x4a0: {  	v2 =	vld [tilespmem:s0+$0xDC00]  }
0x4a1: {  	v3 =	vld [tilespmem:s0+$0xD400];
	_ =	sdelay $0x3  }
0x4a2: {  	vm7 =	vlt.f32 v2, $2.500000000e-01  }
0x4a3: {  	v3 =	vnsel vm7, $0xBF800000, v3  }
0x4a4: {  	v2, _, _ =	vpop (xrf1)  }
0x4a5: {  	v2 =	vperm.xlane v2, v1  }
0x4a6: {  	(xrf1) =	vsort.ascd.msk.f32 $0xffff, v3, v3;
	v3, _, _ =	vpop (xrf1)  }
0x4a7: {  	v2 =	vmax.f32 v3, v2  }
0x4a8: {  	(xrf1) =	vsort.ascd.msk.f32 $0xffff, v2, v2;
	_ =	sdelay $0x2  }
0x4a9: {  	v63 =	vld [tilespmem:s0+$0xDC10]  }
0x4aa: {  	v5 =	vld [tilespmem:s0+$0xD410];
	_ =	sdelay $0x3  }
0x4ab: {  	vm7 =	vlt.f32 v63, $2.500000000e-01  }
0x4ac: {  	v2 =	vnsel vm7, $0xBF800000, v5;
	_ =	sdelay $0x2  }
0x4ad: {  	(xrf1) =	vsort.ascd.msk.f32 $0xffff, v2, v2;
	v2, _, _ =	vpop (xrf1)  }
0x4ae: {  	v2 =	vperm.xlane v2, v1  }
0x4af: {  	v3, _, _ =	vpop (xrf1)  }
0x4b0: {  	v2 =	vmax.f32 v3, v2  }
0x4b1: {  	(xrf1) =	vsort.ascd.msk.f32 $0xffff, v2, v2;
	_ =	sdelay $0xb  }
0x4b2: {  	s8 =	simm.s32 $0x80;
	s11 =	simm.s32 $0x400;
	v2, _, _ =	vpop (xrf1)  }
.LBB2_35:
0x4b3: {  	p2 =	sne.s32 s11, $0xE00;
	v3 =	vld [tilespmem:s8+$0xD800];
	v2 =	vperm.xlane v2, v1  }
0x4b4: {  	v4 =	vld [tilespmem:s8+$0xD000];
	v5, _, _ =	vpop (xrf1)  }
0x4b5: {  	v2 =	vmax.f32 v5, v2  }
0x4b6: {  	(xrf1) =	vsort.ascd.msk.f32 $0xffff, v2, v2;
	_ =	sdelay $0x1  }
0x4b7: {  	vm7 =	vlt.f32 v3, $2.500000000e-01  }
0x4b8: {  	v2 =	vnsel vm7, $0xBF800000, v4  }
0x4b9: {  	(xrf1) =	vsort.ascd.msk.f32 $0xffff, v2, v2;
	_ =	sdelay $0x8  }
0x4ba: {  	v2 =	vld [tilespmem:s8+$0xD810]  }
0x4bb: {  	v3 =	vld [tilespmem:s8+$0xD010];
	v4, _, _ =	vpop (xrf1)  }
0x4bc: {  	[tilespmem:s0+$0xE000] =	vst v4;
	s0 =	smov.u32 s8  }
0x4bd: {  	v4 =	vld [tilespmem:s0+$0xE000];
	_ =	sdelay $0x1  }
0x4be: {  	vm7 =	vlt.f32 v2, $2.500000000e-01;
	v2, _, _ =	vpop (xrf1)  }
0x4bf: {  	v2 =	vperm.xlane v2, v1;
	v3 =	vnsel vm7, $0xBF800000, v3  }
0x4c0: {  	(xrf1) =	vsort.ascd.msk.f32 $0xffff, v3, v3  }
0x4c1: {  	v2 =	vmax.f32 v4, v2  }
0x4c2: {  	(xrf1) =	vsort.ascd.msk.f32 $0xffff, v2, v2;
	_ =	sdelay $0x6  }
0x4c3: {  	v2 =	vld [tilespmem:s0+$0xD820]  }
0x4c4: {  	v3 =	vld [tilespmem:s0+$0xD020];
	_ =	sdelay $0x3  }
0x4c5: {  	vm7 =	vlt.f32 v2, $2.500000000e-01;
	v2, _, _ =	vpop (xrf1)  }
0x4c6: {  	v2 =	vperm.xlane v2, v1;
	v3 =	vnsel vm7, $0xBF800000, v3  }
0x4c7: {  	v4, _, _ =	vpop (xrf1);
	(xrf1) =	vsort.ascd.msk.f32 $0xffff, v3, v3  }
0x4c8: {  	v2 =	vmax.f32 v4, v2  }
0x4c9: {  	(xrf1) =	vsort.ascd.msk.f32 $0xffff, v2, v2;
	_ =	sdelay $0x6  }
0x4ca: {  	v2 =	vld [tilespmem:s0+$0xD830]  }
0x4cb: {  	v3 =	vld [tilespmem:s0+$0xD030];
	_ =	sdelay $0x3  }
0x4cc: {  	vm7 =	vlt.f32 v2, $2.500000000e-01;
	v2, _, _ =	vpop (xrf1)  }
0x4cd: {  	v2 =	vperm.xlane v2, v1;
	v3 =	vnsel vm7, $0xBF800000, v3  }
0x4ce: {  	v4, _, _ =	vpop (xrf1);
	(xrf1) =	vsort.ascd.msk.f32 $0xffff, v3, v3  }
0x4cf: {  	v2 =	vmax.f32 v4, v2  }
0x4d0: {  	(xrf1) =	vsort.ascd.msk.f32 $0xffff, v2, v2;
	_ =	sdelay $0x6  }
0x4d1: {  	v2 =	vld [tilespmem:s0+$0xD840]  }
0x4d2: {  	v3 =	vld [tilespmem:s0+$0xD040];
	_ =	sdelay $0x3  }
0x4d3: {  	vm7 =	vlt.f32 v2, $2.500000000e-01;
	v2, _, _ =	vpop (xrf1)  }
0x4d4: {  	v2 =	vperm.xlane v2, v1;
	v3 =	vnsel vm7, $0xBF800000, v3  }
0x4d5: {  	v4, _, _ =	vpop (xrf1);
	(xrf1) =	vsort.ascd.msk.f32 $0xffff, v3, v3  }
0x4d6: {  	v2 =	vmax.f32 v4, v2  }
0x4d7: {  	(xrf1) =	vsort.ascd.msk.f32 $0xffff, v2, v2;
	_ =	sdelay $0x6  }
0x4d8: {  	v2 =	vld [tilespmem:s0+$0xD850]  }
0x4d9: {  	v3 =	vld [tilespmem:s0+$0xD050];
	_ =	sdelay $0x3  }
0x4da: {  	vm7 =	vlt.f32 v2, $2.500000000e-01;
	v2, _, _ =	vpop (xrf1)  }
0x4db: {  	v2 =	vperm.xlane v2, v1;
	v3 =	vnsel vm7, $0xBF800000, v3  }
0x4dc: {  	v4, _, _ =	vpop (xrf1);
	(xrf1) =	vsort.ascd.msk.f32 $0xffff, v3, v3  }
0x4dd: {  	v2 =	vmax.f32 v4, v2  }
0x4de: {  	(xrf1) =	vsort.ascd.msk.f32 $0xffff, v2, v2;
	_ =	sdelay $0x6  }
0x4df: {  	v2 =	vld [tilespmem:s0+$0xD860]  }
0x4e0: {  	v3 =	vld [tilespmem:s0+$0xD060];
	_ =	sdelay $0x3  }
0x4e1: {  	vm7 =	vlt.f32 v2, $2.500000000e-01;
	v2, _, _ =	vpop (xrf1)  }
0x4e2: {  	v2 =	vperm.xlane v2, v1;
	v3 =	vnsel vm7, $0xBF800000, v3  }
0x4e3: {  	v4, _, _ =	vpop (xrf1);
	(xrf1) =	vsort.ascd.msk.f32 $0xffff, v3, v3  }
0x4e4: {  	v2 =	vmax.f32 v4, v2  }
0x4e5: {  	(xrf1) =	vsort.ascd.msk.f32 $0xffff, v2, v2;
	_ =	sdelay $0x6  }
0x4e6: {  	v2 =	vld [tilespmem:s0+$0xD870]  }
0x4e7: {  	v3 =	vld [tilespmem:s0+$0xD070];
	_ =	sdelay $0x3  }
0x4e8: {  	vm7 =	vlt.f32 v2, $2.500000000e-01;
	v2, _, _ =	vpop (xrf1)  }
0x4e9: {  	v2 =	vperm.xlane v2, v1;
	v3 =	vnsel vm7, $0xBF800000, v3  }
0x4ea: {  	v4, _, _ =	vpop (xrf1);
	(xrf1) =	vsort.ascd.msk.f32 $0xffff, v3, v3  }
0x4eb: {  	v2 =	vmax.f32 v4, v2  }
0x4ec: {  	(xrf1) =	vsort.ascd.msk.f32 $0xffff, v2, v2;
	_ =	sdelay $0x6  }
0x4ed: {  	v2 =	vld [tilespmem:s0+$0xDC00]  }
0x4ee: {  	v3 =	vld [tilespmem:s0+$0xD400];
	_ =	sdelay $0x3  }
0x4ef: {  	vm7 =	vlt.f32 v2, $2.500000000e-01;
	v2, _, _ =	vpop (xrf1)  }
0x4f0: {  	v2 =	vperm.xlane v2, v1;
	v3 =	vnsel vm7, $0xBF800000, v3  }
0x4f1: {  	v4, _, _ =	vpop (xrf1);
	(xrf1) =	vsort.ascd.msk.f32 $0xffff, v3, v3  }
0x4f2: {  	v2 =	vmax.f32 v4, v2  }
0x4f3: {  	(xrf1) =	vsort.ascd.msk.f32 $0xffff, v2, v2;
	_ =	sdelay $0x6  }
0x4f4: {  	v2 =	vld [tilespmem:s0+$0xDC10]  }
0x4f5: {  	v3 =	vld [tilespmem:s0+$0xD410];
	_ =	sdelay $0x3  }
0x4f6: {  	vm7 =	vlt.f32 v2, $2.500000000e-01;
	v2, _, _ =	vpop (xrf1)  }
0x4f7: {  	v2 =	vperm.xlane v2, v1;
	v3 =	vnsel vm7, $0xBF800000, v3  }
0x4f8: {  	v4, _, _ =	vpop (xrf1);
	(xrf1) =	vsort.ascd.msk.f32 $0xffff, v3, v3  }
0x4f9: {  	v2 =	vmax.f32 v4, v2  }
0x4fa: {  	(xrf1) =	vsort.ascd.msk.f32 $0xffff, v2, v2;
	_ =	sdelay $0x7  }
.Ltmp31:
0x4fb: {  	(pc) =	sbr.rel @p2 .LBB2_35-.Ltmp31, $2  }
0x4fc: {  	_ =	sdelay $0x2  }
0x4fd: {  	s8 =	sshra.s32 s11, $0x2;
	s11 =	sadd.s32 $0x200, s11;
	v2, _, _ =	vpop (xrf1)  }
0x4fe: {  	v3 =	vld [tilespmem:s8+$0xD800];
	v2 =	vperm.xlane v2, v1  }
0x4ff: {  	v4 =	vld [tilespmem:s8+$0xD000];
	v5, _, _ =	vpop (xrf1)  }
0x500: {  	v2 =	vmax.f32 v5, v2  }
0x501: {  	(xrf1) =	vsort.ascd.msk.f32 $0xffff, v2, v2;
	_ =	sdelay $0x1  }
0x502: {  	vm7 =	vlt.f32 v3, $2.500000000e-01  }
0x503: {  	v2 =	vnsel vm7, $0xBF800000, v4  }
0x504: {  	(xrf1) =	vsort.ascd.msk.f32 $0xffff, v2, v2;
	_ =	sdelay $0x8  }
0x505: {  	v2 =	vld [tilespmem:s8+$0xD810]  }
0x506: {  	v3 =	vld [tilespmem:s8+$0xD010];
	v55, _, _ =	vpop (xrf1)  }
0x507: {  	[tilespmem:s0+$0xE000] =	vst v55  }
0x508: {  	v4 =	vld [tilespmem:s8+$0xE000];
	_ =	sdelay $0x1  }
0x509: {  	vm7 =	vlt.f32 v2, $2.500000000e-01;
	v2, _, _ =	vpop (xrf1)  }
0x50a: {  	v3 =	vnsel vm7, $0xBF800000, v3;
	v2 =	vperm.xlane v2, v1  }
0x50b: {  	(xrf1) =	vsort.ascd.msk.f32 $0xffff, v3, v3  }
0x50c: {  	v2 =	vmax.f32 v4, v2  }
0x50d: {  	(xrf1) =	vsort.ascd.msk.f32 $0xffff, v2, v2;
	_ =	sdelay $0x6  }
0x50e: {  	v2 =	vld [tilespmem:s8+$0xD820]  }
0x50f: {  	v3 =	vld [tilespmem:s8+$0xD020];
	_ =	sdelay $0x3  }
0x510: {  	vm7 =	vlt.f32 v2, $2.500000000e-01;
	v2, _, _ =	vpop (xrf1)  }
0x511: {  	v3 =	vnsel vm7, $0xBF800000, v3;
	v2 =	vperm.xlane v2, v1  }
0x512: {  	(xrf1) =	vsort.ascd.msk.f32 $0xffff, v3, v3;
	v56, _, _ =	vpop (xrf1)  }
0x513: {  	v2 =	vmax.f32 v56, v2  }
0x514: {  	(xrf1) =	vsort.ascd.msk.f32 $0xffff, v2, v2;
	_ =	sdelay $0x6  }
0x515: {  	v2 =	vld [tilespmem:s8+$0xD830]  }
0x516: {  	v3 =	vld [tilespmem:s8+$0xD030];
	_ =	sdelay $0x3  }
0x517: {  	vm7 =	vlt.f32 v2, $2.500000000e-01;
	v2, _, _ =	vpop (xrf1)  }
0x518: {  	v2 =	vperm.xlane v2, v1;
	v3 =	vnsel vm7, $0xBF800000, v3  }
0x519: {  	(xrf1) =	vsort.ascd.msk.f32 $0xffff, v3, v3;
	v57, _, _ =	vpop (xrf1)  }
0x51a: {  	v2 =	vmax.f32 v57, v2  }
0x51b: {  	(xrf1) =	vsort.ascd.msk.f32 $0xffff, v2, v2;
	_ =	sdelay $0x6  }
0x51c: {  	v2 =	vld [tilespmem:s8+$0xD840]  }
0x51d: {  	v3 =	vld [tilespmem:s8+$0xD040];
	_ =	sdelay $0x3  }
0x51e: {  	vm7 =	vlt.f32 v2, $2.500000000e-01;
	v2, _, _ =	vpop (xrf1)  }
0x51f: {  	v2 =	vperm.xlane v2, v1;
	v3 =	vnsel vm7, $0xBF800000, v3  }
0x520: {  	(xrf1) =	vsort.ascd.msk.f32 $0xffff, v3, v3;
	v58, _, _ =	vpop (xrf1)  }
0x521: {  	v2 =	vmax.f32 v58, v2  }
0x522: {  	(xrf1) =	vsort.ascd.msk.f32 $0xffff, v2, v2;
	_ =	sdelay $0x6  }
0x523: {  	v2 =	vld [tilespmem:s8+$0xD850]  }
0x524: {  	v3 =	vld [tilespmem:s8+$0xD050];
	_ =	sdelay $0x3  }
0x525: {  	vm7 =	vlt.f32 v2, $2.500000000e-01;
	v2, _, _ =	vpop (xrf1)  }
0x526: {  	v2 =	vperm.xlane v2, v1;
	v3 =	vnsel vm7, $0xBF800000, v3  }
0x527: {  	(xrf1) =	vsort.ascd.msk.f32 $0xffff, v3, v3;
	v59, _, _ =	vpop (xrf1)  }
0x528: {  	v2 =	vmax.f32 v59, v2  }
0x529: {  	(xrf1) =	vsort.ascd.msk.f32 $0xffff, v2, v2;
	_ =	sdelay $0x6  }
0x52a: {  	v2 =	vld [tilespmem:s8+$0xD860]  }
0x52b: {  	v3 =	vld [tilespmem:s8+$0xD060];
	_ =	sdelay $0x3  }
0x52c: {  	vm7 =	vlt.f32 v2, $2.500000000e-01;
	v2, _, _ =	vpop (xrf1)  }
0x52d: {  	v2 =	vperm.xlane v2, v1;
	v3 =	vnsel vm7, $0xBF800000, v3  }
0x52e: {  	(xrf1) =	vsort.ascd.msk.f32 $0xffff, v3, v3;
	v60, _, _ =	vpop (xrf1)  }
0x52f: {  	v2 =	vmax.f32 v60, v2  }
0x530: {  	(xrf1) =	vsort.ascd.msk.f32 $0xffff, v2, v2;
	_ =	sdelay $0x6  }
0x531: {  	v2 =	vld [tilespmem:s8+$0xD870]  }
0x532: {  	v3 =	vld [tilespmem:s8+$0xD070];
	_ =	sdelay $0x3  }
0x533: {  	vm7 =	vlt.f32 v2, $2.500000000e-01;
	v2, _, _ =	vpop (xrf1)  }
0x534: {  	v2 =	vperm.xlane v2, v1;
	v3 =	vnsel vm7, $0xBF800000, v3  }
0x535: {  	(xrf1) =	vsort.ascd.msk.f32 $0xffff, v3, v3;
	v61, _, _ =	vpop (xrf1)  }
0x536: {  	v2 =	vmax.f32 v61, v2  }
0x537: {  	(xrf1) =	vsort.ascd.msk.f32 $0xffff, v2, v2;
	_ =	sdelay $0x6  }
0x538: {  	v2 =	vld [tilespmem:s8+$0xDC00]  }
0x539: {  	v3 =	vld [tilespmem:s8+$0xD400];
	_ =	sdelay $0x3  }
0x53a: {  	vm7 =	vlt.f32 v2, $2.500000000e-01;
	v2, _, _ =	vpop (xrf1)  }
0x53b: {  	v2 =	vperm.xlane v2, v1;
	v3 =	vnsel vm7, $0xBF800000, v3  }
0x53c: {  	(xrf1) =	vsort.ascd.msk.f32 $0xffff, v3, v3;
	v62, _, _ =	vpop (xrf1)  }
0x53d: {  	v2 =	vmax.f32 v62, v2  }
0x53e: {  	(xrf1) =	vsort.ascd.msk.f32 $0xffff, v2, v2;
	_ =	sdelay $0x6  }
0x53f: {  	v2 =	vld [tilespmem:s8+$0xDC10]  }
0x540: {  	v3 =	vld [tilespmem:s8+$0xD410];
	_ =	sdelay $0x3  }
0x541: {  	vm7 =	vlt.f32 v2, $2.500000000e-01;
	v2, _, _ =	vpop (xrf1)  }
0x542: {  	v2 =	vperm.xlane v2, v1;
	v3 =	vnsel vm7, $0xBF800000, v3  }
0x543: {  	(xrf1) =	vsort.ascd.msk.f32 $0xffff, v3, v3;
	v63, _, _ =	vpop (xrf1)  }
0x544: {  	v2 =	vmax.f32 v63, v2  }
0x545: {  	(xrf1) =	vsort.ascd.msk.f32 $0xffff, v2, v2;
	_ =	sdelay $0xb  }
0x546: {  	v2, _, _ =	vpop (xrf1)  }
0x547: {  	v2 =	vperm.xlane v2, v1  }
0x548: {  	v3, _, _ =	vpop (xrf1)  }
0x549: {  	v2 =	vmax.f32 v3, v2  }
0x54a: {  	(xrf1) =	vsort.ascd.msk.f32 $0xffff, v2, v2;
	_ =	sdelay $0xa  }
.Ltmp32:
0x54b: {  	_ = 	snop;
	(pc) =	sbr.rel .LBB2_37-.Ltmp32, $3  }
0x54c: {  	_ =	sdelay $0x1  }
0x54d: {  	v2, _, _ =	vpop (xrf1)  }
0x54e: {  	[tilespmem:s8+$0xE000] =	vst v2  }
.LBB2_40:
0x54f: {  	_ =	sfence.sel $0x180000  }
0x550: {  	[bflag:$0x0] =	sbarrier.arrive $0xFFFF  }
0x551: {  	_ =	strace $0x90000047  }
0x552: {  	s0 =	stileid.u32;
	[bflag:$0x2] =	sbarrier.arrive $0xFFFF  }
0x553: {  	p0 =	sne.s32 s0, $0x0;
	s0 =	rddreg [dreg:$0x4]  }
0x554: {  	s0 =	sadd.s32 @!p0 $0x100000, s0  }
0x555: {  	[sflag:s0] =	ssyncadd.tile.s32 @!p0 $0x1;
	_ =	shalt  }
.Lfunc_end2:
_tile_overlayer_lowered:
.L_overlay_start_2:
0x556: {  	(tag) =	ssettag $0x2  }
0x557: {  	s0 =	rddreg [dreg:$0x0];
	s2 =	stileid.u32  }
0x558: {  	s1 =	rddreg [dreg:$0x1];
	p0 =	sne.s32 s2, $0x0  }
0x559: {  	s3 =	rddreg [dreg:$0x2];
	[bflag:$0x3] =	sbarrier.arrive $0xFFFF;
	s2 =	simm.s32 @!p0 $0x1C04  }
0x55a: {  	[timem:s3], [sflag:s2] =	dma.local @!p0 [hbm:s0], s1  }
0x55b: {  	s0 =	simm.s32 @!p0 $0x4  }
0x55c: {  	_ =	swait.ge @!p0 [sflag:s0], s1  }
0x55d: {  	s1 =	ssub.s32 @!p0 $0x0, s1;
	[sflag:s0] =	ssyncset.done @!p0 $0x0  }
0x55e: {  	[sflag:s0] =	ssyncadd.s32 @!p0 s1  }
0x55f: {  	[bflag:$0x3] =	sbarrier.arrive $0xFFFF  }
0x560: {  	_ =	shalt  }

</sc_bundles>
